<compile_context>
chip_gen: v7x
topology: tpu7x:2x2x1
jax: 0.10.2.dev20260603
libtpu: 0.0.44.dev20260713+nightly
codegen_flags: <defaults>
</compile_context>

<pallas_src>
import jax
import jax.numpy as jnp
from jax import lax
from jax.experimental import pallas as pl
from jax.experimental.pallas import tpu as pltpu
from jax.experimental.pallas import tpu_sc as plsc

VOCAB_ROWS = 1000000
BATCH = 16384
FIELDS = 26
N_EMBED = 64
NUM_IDX = BATCH * FIELDS

NUM_CORES = 2
NUM_SUBCORES = 16
NUM_WORKERS = NUM_CORES * NUM_SUBCORES

K_BATCH = 8
W_ROWS = K_BATCH * FIELDS
WINDOWS_PER_WORKER = BATCH // (K_BATCH * NUM_WORKERS)


def _sc_gather(scr, idx_windows):
    mesh = plsc.VectorSubcoreMesh(core_axis_name="core", subcore_axis_name="subcore")

    @pl.kernel(
        out_type=jax.ShapeDtypeStruct((BATCH, FIELDS, N_EMBED), jnp.float32),
        mesh=mesh,
        scratch_types=[
            pltpu.VMEM((W_ROWS,), jnp.int32),
            pltpu.VMEM((W_ROWS,), jnp.int32),
            pltpu.VMEM((W_ROWS, 2 * N_EMBED), jnp.float32),
            pltpu.VMEM((W_ROWS, 2 * N_EMBED), jnp.float32),
            pltpu.VMEM((W_ROWS, N_EMBED), jnp.float32),
            pltpu.VMEM((W_ROWS, N_EMBED), jnp.float32),
            pltpu.SemaphoreType.DMA,
            pltpu.SemaphoreType.DMA,
            pltpu.SemaphoreType.DMA,
            pltpu.SemaphoreType.DMA,
        ],
    )
    def kern(scr_hbm, idx_hbm, out_hbm,
             idx_v0, idx_v1, g_v0, g_v1, o_v0, o_v1,
             gsem0, gsem1, osem0, osem1):
        wid = lax.axis_index("core") * NUM_SUBCORES + lax.axis_index("subcore")
        w_base = wid * WINDOWS_PER_WORKER

        bufs = ((idx_v0, g_v0, o_v0, gsem0, osem0),
                (idx_v1, g_v1, o_v1, gsem1, osem1))

        def start_gather(w, idx_v, g_v, gsem):
            pltpu.sync_copy(idx_hbm.at[w_base + w], idx_v)
            pltpu.async_copy(scr_hbm.at[idx_v], g_v, gsem)

        for b in range(2):
            idx_v, g_v, _, gsem, _ = bufs[b]
            start_gather(b, idx_v, g_v, gsem)

        def do_window(w, idx_v, g_v, o_v, gsem, osem):
            b0 = (w_base + w) * K_BATCH
            pltpu.make_async_copy(scr_hbm.at[idx_v], g_v, gsem).wait()
            @pl.when(w >= 2)
            def _():
                for j in range(K_BATCH):
                    pltpu.make_async_copy(
                        o_v.at[pl.ds(j * FIELDS, FIELDS)], out_hbm.at[0], osem
                    ).wait()

            o_v[...] = g_v[:, 0:N_EMBED]

            @pl.when(w + 2 < WINDOWS_PER_WORKER)
            def _():
                start_gather(w + 2, idx_v, g_v, gsem)

            for j in range(K_BATCH):
                pltpu.async_copy(
                    o_v.at[pl.ds(j * FIELDS, FIELDS)], out_hbm.at[b0 + j], osem
                )

        @pl.loop(0, WINDOWS_PER_WORKER, step=2)
        def _(w):
            for b in range(2):
                idx_v, g_v, o_v, gsem, osem = bufs[b]
                do_window(w + b, idx_v, g_v, o_v, gsem, osem)

        for b in range(2):
            _, _, o_v, _, osem = bufs[b]
            for j in range(K_BATCH):
                pltpu.make_async_copy(
                    o_v.at[pl.ds(j * FIELDS, FIELDS)], out_hbm.at[0], osem
                ).wait()

    return kern(scr, idx_windows)


def kernel(discrete, embeddings):
    idx_windows = discrete.astype(jnp.int32).reshape(NUM_IDX // W_ROWS, W_ROWS)
    scr = jnp.pad(embeddings, ((0, 0), (0, N_EMBED)))
    return _sc_gather(scr, idx_windows)

# --- scband reference (transcript-rebuilt; emitter-appended) ---
"""Pipeline reference for scband-toy-graph-embedder-40364102648351 (READ-ONLY COPY).

The authoritative reference and input builder live on the scoring server;
editing this copy changes nothing except your own understanding.
"""

import jax, jax.numpy as jnp
import numpy as np

VOCAB = 1000000
N_EMBED = 64
BATCH = 16384
FIELDS = 26
INIT_STD = 0.02

def setup_inputs(seed: int = 0) -> dict:
    key = jax.random.key(seed)
    k1, k2 = jax.random.split(key)
    discrete = jax.random.randint(k1, (BATCH, FIELDS), 0, VOCAB, dtype=jnp.int64 if jax.config.jax_enable_x64 else jnp.int32)
    embeddings = jax.random.normal(k2, (VOCAB, N_EMBED), dtype=jnp.float32) * INIT_STD
    return {"discrete": discrete, "embeddings": embeddings}

def reference(discrete, embeddings):
    # forward: self.embeddings[discrete]
    return jnp.take(embeddings, discrete, axis=0)

if __name__ == "__main__":
    import jax
    _d = setup_inputs()
    print(jax.jit(kernel)(*tuple(_d.values())))

</pallas_src>

<mosaic_0001>
#map = affine_map<(d0, d1) -> (0, 0)>
#map1 = affine_map<(d0, d1) -> (0, 0, 0)>
module attributes {stable_mosaic.version = 14 : i64} {
  func.func @kern(%arg0: i32, %arg1: i32, %arg2: memref<1000000x128xf32, #tpu.memory_space<hbm>>, %arg3: memref<2048x208xi32, #tpu.memory_space<hbm>>, %arg4: memref<16384x26x64xf32, #tpu.memory_space<hbm>>, %arg5: memref<208xi32, #tpu.memory_space<vmem>>, %arg6: memref<208xi32, #tpu.memory_space<vmem>>, %arg7: memref<208x128xf32, #tpu.memory_space<vmem>>, %arg8: memref<208x128xf32, #tpu.memory_space<vmem>>, %arg9: memref<208x64xf32, #tpu.memory_space<vmem>>, %arg10: memref<208x64xf32, #tpu.memory_space<vmem>>, %arg11: memref<!tpu.dma_semaphore, #tpu.memory_space<semaphore_mem>>, %arg12: memref<!tpu.dma_semaphore, #tpu.memory_space<semaphore_mem>>, %arg13: memref<!tpu.dma_semaphore, #tpu.memory_space<semaphore_mem>>, %arg14: memref<!tpu.dma_semaphore, #tpu.memory_space<semaphore_mem>>) attributes {dimension_semantics = [#tpu.dimension_semantics<core_parallel>, #tpu.dimension_semantics<subcore_parallel>], iteration_bounds = array<i64: 2, 16>, scalar_prefetch = 0 : i64, scratch_operands = 10 : i64, tpu.core_type = #tpu.core_type<sc_vector_subcore>, window_params = [{transform_indices = #map}, {transform_indices = #map}, {transform_indices = #map1}]} {
    %mul3A = arith.constant 16 : i32
    %mul3A_0 = arith.muli %arg0, %mul3A : i32
    %add3A = arith.addi %mul3A_0, %arg1 : i32
    %mul3A_1 = arith.constant 64 : i32
    %mul3A_2 = arith.muli %add3A, %mul3A_1 : i32
    %add3A_3 = arith.constant 0 : i32
    %add3A_4 = arith.addi %mul3A_2, %add3A_3 : i32
    "tpu.region"() ({
      %run_scoped3A = tpu.sem_alloc : memref<!tpu.dma_semaphore, #tpu.memory_space<semaphore_mem>>
      %dma_start3A_255 = arith.constant 0 : i32
      %dma_start3A_256 = tpu.memref_slice %arg3[%add3A_4, %dma_start3A_255] : memref<2048x208xi32, #tpu.memory_space<hbm>> -> memref<1x208xi32, #tpu.memory_space<hbm>>
      %dma_start3A_257 = tpu.memref_squeeze %dma_start3A_256 : memref<1x208xi32, #tpu.memory_space<hbm>> -> memref<208xi32, #tpu.memory_space<hbm>>
      %dma_start3A_258 = arith.constant 0 : i32
      %dma_start3A_259 = tpu.memref_slice %arg3[%add3A_4, %dma_start3A_258] : memref<2048x208xi32, #tpu.memory_space<hbm>> -> memref<1x208xi32, #tpu.memory_space<hbm>>
      %dma_start3A_260 = tpu.memref_squeeze %dma_start3A_259 : memref<1x208xi32, #tpu.memory_space<hbm>> -> memref<208xi32, #tpu.memory_space<hbm>>
      tpu.enqueue_dma source(%dma_start3A_260 : memref<208xi32, #tpu.memory_space<hbm>>) target(%arg5 : memref<208xi32, #tpu.memory_space<vmem>>) target_semaphore(%run_scoped3A : memref<!tpu.dma_semaphore, #tpu.memory_space<semaphore_mem>>)
      %dma_wait3A_261 = arith.constant 0 : i32
      %dma_wait3A_262 = tpu.memref_slice %arg3[%add3A_4, %dma_wait3A_261] : memref<2048x208xi32, #tpu.memory_space<hbm>> -> memref<1x208xi32, #tpu.memory_space<hbm>>
      %dma_wait3A_263 = tpu.memref_squeeze %dma_wait3A_262 : memref<1x208xi32, #tpu.memory_space<hbm>> -> memref<208xi32, #tpu.memory_space<hbm>>
      %dma_wait3A_264 = arith.constant 0 : i32
      %dma_wait3A_265 = tpu.memref_slice %arg3[%add3A_4, %dma_wait3A_264] : memref<2048x208xi32, #tpu.memory_space<hbm>> -> memref<1x208xi32, #tpu.memory_space<hbm>>
      %dma_wait3A_266 = tpu.memref_squeeze %dma_wait3A_265 : memref<1x208xi32, #tpu.memory_space<hbm>> -> memref<208xi32, #tpu.memory_space<hbm>>
      tpu.wait_dma2 semaphore(%run_scoped3A : memref<!tpu.dma_semaphore, #tpu.memory_space<semaphore_mem>>) src(%dma_wait3A_266 : memref<208xi32, #tpu.memory_space<hbm>>) dst(%arg5 : memref<208xi32, #tpu.memory_space<vmem>>)
      tpu.yield
    }) : () -> ()
    %dma_start3A = arith.constant 0 : i32
    %dma_start3A_5 = arith.constant 0 : i32
    %dma_start3A_6 = tpu.memref_slice %arg2[%dma_start3A, %dma_start3A_5] : memref<1000000x128xf32, #tpu.memory_space<hbm>> -> memref<1000000x128xf32, #tpu.memory_space<hbm>>
    tpu.enqueue_indirect_dma source(%dma_start3A_6 : memref<1000000x128xf32, #tpu.memory_space<hbm>>) target(%arg7 : memref<208x128xf32, #tpu.memory_space<vmem>>) offsets(%arg5 : memref<208xi32, #tpu.memory_space<vmem>>) semaphore(%arg11 : memref<!tpu.dma_semaphore, #tpu.memory_space<semaphore_mem>>)
    %add3A_7 = arith.constant 1 : i32
    %add3A_8 = arith.addi %mul3A_2, %add3A_7 : i32
    "tpu.region"() ({
      %run_scoped3A = tpu.sem_alloc : memref<!tpu.dma_semaphore, #tpu.memory_space<semaphore_mem>>
      %dma_start3A_255 = arith.constant 0 : i32
      %dma_start3A_256 = tpu.memref_slice %arg3[%add3A_8, %dma_start3A_255] : memref<2048x208xi32, #tpu.memory_space<hbm>> -> memref<1x208xi32, #tpu.memory_space<hbm>>
      %dma_start3A_257 = tpu.memref_squeeze %dma_start3A_256 : memref<1x208xi32, #tpu.memory_space<hbm>> -> memref<208xi32, #tpu.memory_space<hbm>>
      %dma_start3A_258 = arith.constant 0 : i32
      %dma_start3A_259 = tpu.memref_slice %arg3[%add3A_8, %dma_start3A_258] : memref<2048x208xi32, #tpu.memory_space<hbm>> -> memref<1x208xi32, #tpu.memory_space<hbm>>
      %dma_start3A_260 = tpu.memref_squeeze %dma_start3A_259 : memref<1x208xi32, #tpu.memory_space<hbm>> -> memref<208xi32, #tpu.memory_space<hbm>>
      tpu.enqueue_dma source(%dma_start3A_260 : memref<208xi32, #tpu.memory_space<hbm>>) target(%arg6 : memref<208xi32, #tpu.memory_space<vmem>>) target_semaphore(%run_scoped3A : memref<!tpu.dma_semaphore, #tpu.memory_space<semaphore_mem>>)
      %dma_wait3A_261 = arith.constant 0 : i32
      %dma_wait3A_262 = tpu.memref_slice %arg3[%add3A_8, %dma_wait3A_261] : memref<2048x208xi32, #tpu.memory_space<hbm>> -> memref<1x208xi32, #tpu.memory_space<hbm>>
      %dma_wait3A_263 = tpu.memref_squeeze %dma_wait3A_262 : memref<1x208xi32, #tpu.memory_space<hbm>> -> memref<208xi32, #tpu.memory_space<hbm>>
      %dma_wait3A_264 = arith.constant 0 : i32
      %dma_wait3A_265 = tpu.memref_slice %arg3[%add3A_8, %dma_wait3A_264] : memref<2048x208xi32, #tpu.memory_space<hbm>> -> memref<1x208xi32, #tpu.memory_space<hbm>>
      %dma_wait3A_266 = tpu.memref_squeeze %dma_wait3A_265 : memref<1x208xi32, #tpu.memory_space<hbm>> -> memref<208xi32, #tpu.memory_space<hbm>>
      tpu.wait_dma2 semaphore(%run_scoped3A : memref<!tpu.dma_semaphore, #tpu.memory_space<semaphore_mem>>) src(%dma_wait3A_266 : memref<208xi32, #tpu.memory_space<hbm>>) dst(%arg6 : memref<208xi32, #tpu.memory_space<vmem>>)
      tpu.yield
    }) : () -> ()
    %dma_start3A_9 = arith.constant 0 : i32
    %dma_start3A_10 = arith.constant 0 : i32
    %dma_start3A_11 = tpu.memref_slice %arg2[%dma_start3A_9, %dma_start3A_10] : memref<1000000x128xf32, #tpu.memory_space<hbm>> -> memref<1000000x128xf32, #tpu.memory_space<hbm>>
    tpu.enqueue_indirect_dma source(%dma_start3A_11 : memref<1000000x128xf32, #tpu.memory_space<hbm>>) target(%arg8 : memref<208x128xf32, #tpu.memory_space<vmem>>) offsets(%arg6 : memref<208xi32, #tpu.memory_space<vmem>>) semaphore(%arg12 : memref<!tpu.dma_semaphore, #tpu.memory_space<semaphore_mem>>)
    %scan3A = arith.constant 0 : i32
    %scan3A_12 = arith.constant 32 : i32
    %scan3A_13 = arith.addi %scan3A, %scan3A_12 : i32
    %scan3A_14 = arith.constant 1 : i32
    scf.for %scan3A_255 = %scan3A to %scan3A_13 step %scan3A_14  : i32 {
      %mul3A_256 = arith.constant 2 : i32
      %mul3A_257 = arith.muli %scan3A_255, %mul3A_256 : i32
      %add3A_258 = arith.constant 0 : i32
      %add3A_259 = arith.addi %add3A_258, %mul3A_257 : i32
      %add3A_260 = arith.constant 0 : i32
      %add3A_261 = arith.addi %add3A_259, %add3A_260 : i32
      %add3A_262 = arith.addi %mul3A_2, %add3A_261 : i32
      %mul3A_263 = arith.constant 8 : i32
      %mul3A_264 = arith.muli %add3A_262, %mul3A_263 : i32
      %dma_wait3A_265 = arith.constant 0 : i32
      %dma_wait3A_266 = arith.constant 0 : i32
      %dma_wait3A_267 = tpu.memref_slice %arg2[%dma_wait3A_265, %dma_wait3A_266] : memref<1000000x128xf32, #tpu.memory_space<hbm>> -> memref<1000000x128xf32, #tpu.memory_space<hbm>>
      tpu.wait_indirect_dma semaphore(%arg11 : memref<!tpu.dma_semaphore, #tpu.memory_space<semaphore_mem>>) src(%dma_wait3A_267 : memref<1000000x128xf32, #tpu.memory_space<hbm>>) dst(%arg7 : memref<208x128xf32, #tpu.memory_space<vmem>>)
      %ge3A = arith.constant 2 : i32
      %ge3A_268 = arith.cmpi sge, %add3A_261, %ge3A : i32
      %convert_element_type3A = arith.extui %ge3A_268 : i1 to i32
      %cond3A = arith.constant 0 : i32
      %cond3A_269 = arith.cmpi ne, %convert_element_type3A, %cond3A : i32
      scf.if %cond3A_269 {
        %dma_wait3A_568 = arith.constant 0 : i32
        %dma_wait3A_569 = arith.constant 0 : i32
        %dma_wait3A_570 = arith.constant 0 : i32
        %dma_wait3A_571 = tpu.memref_slice %arg9[%dma_wait3A_569, %dma_wait3A_570] : memref<208x64xf32, #tpu.memory_space<vmem>> -> memref<26x64xf32, #tpu.memory_space<vmem>>
        %dma_wait3A_572 = arith.constant 0 : i32
        %dma_wait3A_573 = arith.constant 0 : i32
        %dma_wait3A_574 = tpu.memref_slice %arg4[%dma_wait3A_568, %dma_wait3A_572, %dma_wait3A_573] : memref<16384x26x64xf32, #tpu.memory_space<hbm>> -> memref<1x26x64xf32, #tpu.memory_space<hbm>>
        %dma_wait3A_575 = tpu.memref_squeeze %dma_wait3A_574 : memref<1x26x64xf32, #tpu.memory_space<hbm>> -> memref<26x64xf32, #tpu.memory_space<hbm>>
        %dma_wait3A_576 = arith.constant 0 : i32
        %dma_wait3A_577 = arith.constant 0 : i32
        %dma_wait3A_578 = tpu.memref_slice %arg4[%dma_wait3A_568, %dma_wait3A_576, %dma_wait3A_577] : memref<16384x26x64xf32, #tpu.memory_space<hbm>> -> memref<1x26x64xf32, #tpu.memory_space<hbm>>
        %dma_wait3A_579 = tpu.memref_squeeze %dma_wait3A_578 : memref<1x26x64xf32, #tpu.memory_space<hbm>> -> memref<26x64xf32, #tpu.memory_space<hbm>>
        %dma_wait3A_580 = arith.constant 0 : i32
        %dma_wait3A_581 = arith.constant 0 : i32
        %dma_wait3A_582 = tpu.memref_slice %arg9[%dma_wait3A_580, %dma_wait3A_581] : memref<208x64xf32, #tpu.memory_space<vmem>> -> memref<26x64xf32, #tpu.memory_space<vmem>>
        tpu.wait_dma2 semaphore(%arg13 : memref<!tpu.dma_semaphore, #tpu.memory_space<semaphore_mem>>) src(%dma_wait3A_582 : memref<26x64xf32, #tpu.memory_space<vmem>>) dst(%dma_wait3A_579 : memref<26x64xf32, #tpu.memory_space<hbm>>)
        %dma_wait3A_583 = arith.constant 0 : i32
        %dma_wait3A_584 = arith.constant 26 : i32
        %dma_wait3A_585 = arith.constant 0 : i32
        %dma_wait3A_586 = tpu.memref_slice %arg9[%dma_wait3A_584, %dma_wait3A_585] : memref<208x64xf32, #tpu.memory_space<vmem>> -> memref<26x64xf32, #tpu.memory_space<vmem>>
        %dma_wait3A_587 = arith.constant 0 : i32
        %dma_wait3A_588 = arith.constant 0 : i32
        %dma_wait3A_589 = tpu.memref_slice %arg4[%dma_wait3A_583, %dma_wait3A_587, %dma_wait3A_588] : memref<16384x26x64xf32, #tpu.memory_space<hbm>> -> memref<1x26x64xf32, #tpu.memory_space<hbm>>
        %dma_wait3A_590 = tpu.memref_squeeze %dma_wait3A_589 : memref<1x26x64xf32, #tpu.memory_space<hbm>> -> memref<26x64xf32, #tpu.memory_space<hbm>>
        %dma_wait3A_591 = arith.constant 0 : i32
        %dma_wait3A_592 = arith.constant 0 : i32
        %dma_wait3A_593 = tpu.memref_slice %arg4[%dma_wait3A_583, %dma_wait3A_591, %dma_wait3A_592] : memref<16384x26x64xf32, #tpu.memory_space<hbm>> -> memref<1x26x64xf32, #tpu.memory_space<hbm>>
        %dma_wait3A_594 = tpu.memref_squeeze %dma_wait3A_593 : memref<1x26x64xf32, #tpu.memory_space<hbm>> -> memref<26x64xf32, #tpu.memory_space<hbm>>
        %dma_wait3A_595 = arith.constant 26 : i32
        %dma_wait3A_596 = arith.constant 0 : i32
        %dma_wait3A_597 = tpu.memref_slice %arg9[%dma_wait3A_595, %dma_wait3A_596] : memref<208x64xf32, #tpu.memory_space<vmem>> -> memref<26x64xf32, #tpu.memory_space<vmem>>
        tpu.wait_dma2 semaphore(%arg13 : memref<!tpu.dma_semaphore, #tpu.memory_space<semaphore_mem>>) src(%dma_wait3A_597 : memref<26x64xf32, #tpu.memory_space<vmem>>) dst(%dma_wait3A_594 : memref<26x64xf32, #tpu.memory_space<hbm>>)
        %dma_wait3A_598 = arith.constant 0 : i32
        %dma_wait3A_599 = arith.constant 52 : i32
        %dma_wait3A_600 = arith.constant 0 : i32
        %dma_wait3A_601 = tpu.memref_slice %arg9[%dma_wait3A_599, %dma_wait3A_600] : memref<208x64xf32, #tpu.memory_space<vmem>> -> memref<26x64xf32, #tpu.memory_space<vmem>>
        %dma_wait3A_602 = arith.constant 0 : i32
        %dma_wait3A_603 = arith.constant 0 : i32
        %dma_wait3A_604 = tpu.memref_slice %arg4[%dma_wait3A_598, %dma_wait3A_602, %dma_wait3A_603] : memref<16384x26x64xf32, #tpu.memory_space<hbm>> -> memref<1x26x64xf32, #tpu.memory_space<hbm>>
        %dma_wait3A_605 = tpu.memref_squeeze %dma_wait3A_604 : memref<1x26x64xf32, #tpu.memory_space<hbm>> -> memref<26x64xf32, #tpu.memory_space<hbm>>
        %dma_wait3A_606 = arith.constant 0 : i32
        %dma_wait3A_607 = arith.constant 0 : i32
        %dma_wait3A_608 = tpu.memref_slice %arg4[%dma_wait3A_598, %dma_wait3A_606, %dma_wait3A_607] : memref<16384x26x64xf32, #tpu.memory_space<hbm>> -> memref<1x26x64xf32, #tpu.memory_space<hbm>>
        %dma_wait3A_609 = tpu.memref_squeeze %dma_wait3A_608 : memref<1x26x64xf32, #tpu.memory_space<hbm>> -> memref<26x64xf32, #tpu.memory_space<hbm>>
        %dma_wait3A_610 = arith.constant 52 : i32
        %dma_wait3A_611 = arith.constant 0 : i32
        %dma_wait3A_612 = tpu.memref_slice %arg9[%dma_wait3A_610, %dma_wait3A_611] : memref<208x64xf32, #tpu.memory_space<vmem>> -> memref<26x64xf32, #tpu.memory_space<vmem>>
        tpu.wait_dma2 semaphore(%arg13 : memref<!tpu.dma_semaphore, #tpu.memory_space<semaphore_mem>>) src(%dma_wait3A_612 : memref<26x64xf32, #tpu.memory_space<vmem>>) dst(%dma_wait3A_609 : memref<26x64xf32, #tpu.memory_space<hbm>>)
        %dma_wait3A_613 = arith.constant 0 : i32
        %dma_wait3A_614 = arith.constant 78 : i32
        %dma_wait3A_615 = arith.constant 0 : i32
        %dma_wait3A_616 = tpu.memref_slice %arg9[%dma_wait3A_614, %dma_wait3A_615] : memref<208x64xf32, #tpu.memory_space<vmem>> -> memref<26x64xf32, #tpu.memory_space<vmem>>
        %dma_wait3A_617 = arith.constant 0 : i32
        %dma_wait3A_618 = arith.constant 0 : i32
        %dma_wait3A_619 = tpu.memref_slice %arg4[%dma_wait3A_613, %dma_wait3A_617, %dma_wait3A_618] : memref<16384x26x64xf32, #tpu.memory_space<hbm>> -> memref<1x26x64xf32, #tpu.memory_space<hbm>>
        %dma_wait3A_620 = tpu.memref_squeeze %dma_wait3A_619 : memref<1x26x64xf32, #tpu.memory_space<hbm>> -> memref<26x64xf32, #tpu.memory_space<hbm>>
        %dma_wait3A_621 = arith.constant 0 : i32
        %dma_wait3A_622 = arith.constant 0 : i32
        %dma_wait3A_623 = tpu.memref_slice %arg4[%dma_wait3A_613, %dma_wait3A_621, %dma_wait3A_622] : memref<16384x26x64xf32, #tpu.memory_space<hbm>> -> memref<1x26x64xf32, #tpu.memory_space<hbm>>
        %dma_wait3A_624 = tpu.memref_squeeze %dma_wait3A_623 : memref<1x26x64xf32, #tpu.memory_space<hbm>> -> memref<26x64xf32, #tpu.memory_space<hbm>>
        %dma_wait3A_625 = arith.constant 78 : i32
        %dma_wait3A_626 = arith.constant 0 : i32
        %dma_wait3A_627 = tpu.memref_slice %arg9[%dma_wait3A_625, %dma_wait3A_626] : memref<208x64xf32, #tpu.memory_space<vmem>> -> memref<26x64xf32, #tpu.memory_space<vmem>>
        tpu.wait_dma2 semaphore(%arg13 : memref<!tpu.dma_semaphore, #tpu.memory_space<semaphore_mem>>) src(%dma_wait3A_627 : memref<26x64xf32, #tpu.memory_space<vmem>>) dst(%dma_wait3A_624 : memref<26x64xf32, #tpu.memory_space<hbm>>)
        %dma_wait3A_628 = arith.constant 0 : i32
        %dma_wait3A_629 = arith.constant 104 : i32
        %dma_wait3A_630 = arith.constant 0 : i32
        %dma_wait3A_631 = tpu.memref_slice %arg9[%dma_wait3A_629, %dma_wait3A_630] : memref<208x64xf32, #tpu.memory_space<vmem>> -> memref<26x64xf32, #tpu.memory_space<vmem>>
        %dma_wait3A_632 = arith.constant 0 : i32
        %dma_wait3A_633 = arith.constant 0 : i32
        %dma_wait3A_634 = tpu.memref_slice %arg4[%dma_wait3A_628, %dma_wait3A_632, %dma_wait3A_633] : memref<16384x26x64xf32, #tpu.memory_space<hbm>> -> memref<1x26x64xf32, #tpu.memory_space<hbm>>
        %dma_wait3A_635 = tpu.memref_squeeze %dma_wait3A_634 : memref<1x26x64xf32, #tpu.memory_space<hbm>> -> memref<26x64xf32, #tpu.memory_space<hbm>>
        %dma_wait3A_636 = arith.constant 0 : i32
        %dma_wait3A_637 = arith.constant 0 : i32
        %dma_wait3A_638 = tpu.memref_slice %arg4[%dma_wait3A_628, %dma_wait3A_636, %dma_wait3A_637] : memref<16384x26x64xf32, #tpu.memory_space<hbm>> -> memref<1x26x64xf32, #tpu.memory_space<hbm>>
        %dma_wait3A_639 = tpu.memref_squeeze %dma_wait3A_638 : memref<1x26x64xf32, #tpu.memory_space<hbm>> -> memref<26x64xf32, #tpu.memory_space<hbm>>
        %dma_wait3A_640 = arith.constant 104 : i32
        %dma_wait3A_641 = arith.constant 0 : i32
        %dma_wait3A_642 = tpu.memref_slice %arg9[%dma_wait3A_640, %dma_wait3A_641] : memref<208x64xf32, #tpu.memory_space<vmem>> -> memref<26x64xf32, #tpu.memory_space<vmem>>
        tpu.wait_dma2 semaphore(%arg13 : memref<!tpu.dma_semaphore, #tpu.memory_space<semaphore_mem>>) src(%dma_wait3A_642 : memref<26x64xf32, #tpu.memory_space<vmem>>) dst(%dma_wait3A_639 : memref<26x64xf32, #tpu.memory_space<hbm>>)
        %dma_wait3A_643 = arith.constant 0 : i32
        %dma_wait3A_644 = arith.constant 130 : i32
        %dma_wait3A_645 = arith.constant 0 : i32
        %dma_wait3A_646 = tpu.memref_slice %arg9[%dma_wait3A_644, %dma_wait3A_645] : memref<208x64xf32, #tpu.memory_space<vmem>> -> memref<26x64xf32, #tpu.memory_space<vmem>>
        %dma_wait3A_647 = arith.constant 0 : i32
        %dma_wait3A_648 = arith.constant 0 : i32
        %dma_wait3A_649 = tpu.memref_slice %arg4[%dma_wait3A_643, %dma_wait3A_647, %dma_wait3A_648] : memref<16384x26x64xf32, #tpu.memory_space<hbm>> -> memref<1x26x64xf32, #tpu.memory_space<hbm>>
        %dma_wait3A_650 = tpu.memref_squeeze %dma_wait3A_649 : memref<1x26x64xf32, #tpu.memory_space<hbm>> -> memref<26x64xf32, #tpu.memory_space<hbm>>
        %dma_wait3A_651 = arith.constant 0 : i32
        %dma_wait3A_652 = arith.constant 0 : i32
        %dma_wait3A_653 = tpu.memref_slice %arg4[%dma_wait3A_643, %dma_wait3A_651, %dma_wait3A_652] : memref<16384x26x64xf32, #tpu.memory_space<hbm>> -> memref<1x26x64xf32, #tpu.memory_space<hbm>>
        %dma_wait3A_654 = tpu.memref_squeeze %dma_wait3A_653 : memref<1x26x64xf32, #tpu.memory_space<hbm>> -> memref<26x64xf32, #tpu.memory_space<hbm>>
        %dma_wait3A_655 = arith.constant 130 : i32
        %dma_wait3A_656 = arith.constant 0 : i32
        %dma_wait3A_657 = tpu.memref_slice %arg9[%dma_wait3A_655, %dma_wait3A_656] : memref<208x64xf32, #tpu.memory_space<vmem>> -> memref<26x64xf32, #tpu.memory_space<vmem>>
        tpu.wait_dma2 semaphore(%arg13 : memref<!tpu.dma_semaphore, #tpu.memory_space<semaphore_mem>>) src(%dma_wait3A_657 : memref<26x64xf32, #tpu.memory_space<vmem>>) dst(%dma_wait3A_654 : memref<26x64xf32, #tpu.memory_space<hbm>>)
        %dma_wait3A_658 = arith.constant 0 : i32
        %dma_wait3A_659 = arith.constant 156 : i32
        %dma_wait3A_660 = arith.constant 0 : i32
        %dma_wait3A_661 = tpu.memref_slice %arg9[%dma_wait3A_659, %dma_wait3A_660] : memref<208x64xf32, #tpu.memory_space<vmem>> -> memref<26x64xf32, #tpu.memory_space<vmem>>
        %dma_wait3A_662 = arith.constant 0 : i32
        %dma_wait3A_663 = arith.constant 0 : i32
        %dma_wait3A_664 = tpu.memref_slice %arg4[%dma_wait3A_658, %dma_wait3A_662, %dma_wait3A_663] : memref<16384x26x64xf32, #tpu.memory_space<hbm>> -> memref<1x26x64xf32, #tpu.memory_space<hbm>>
        %dma_wait3A_665 = tpu.memref_squeeze %dma_wait3A_664 : memref<1x26x64xf32, #tpu.memory_space<hbm>> -> memref<26x64xf32, #tpu.memory_space<hbm>>
        %dma_wait3A_666 = arith.constant 0 : i32
        %dma_wait3A_667 = arith.constant 0 : i32
        %dma_wait3A_668 = tpu.memref_slice %arg4[%dma_wait3A_658, %dma_wait3A_666, %dma_wait3A_667] : memref<16384x26x64xf32, #tpu.memory_space<hbm>> -> memref<1x26x64xf32, #tpu.memory_space<hbm>>
        %dma_wait3A_669 = tpu.memref_squeeze %dma_wait3A_668 : memref<1x26x64xf32, #tpu.memory_space<hbm>> -> memref<26x64xf32, #tpu.memory_space<hbm>>
        %dma_wait3A_670 = arith.constant 156 : i32
        %dma_wait3A_671 = arith.constant 0 : i32
        %dma_wait3A_672 = tpu.memref_slice %arg9[%dma_wait3A_670, %dma_wait3A_671] : memref<208x64xf32, #tpu.memory_space<vmem>> -> memref<26x64xf32, #tpu.memory_space<vmem>>
        tpu.wait_dma2 semaphore(%arg13 : memref<!tpu.dma_semaphore, #tpu.memory_space<semaphore_mem>>) src(%dma_wait3A_672 : memref<26x64xf32, #tpu.memory_space<vmem>>) dst(%dma_wait3A_669 : memref<26x64xf32, #tpu.memory_space<hbm>>)
        %dma_wait3A_673 = arith.constant 0 : i32
        %dma_wait3A_674 = arith.constant 182 : i32
        %dma_wait3A_675 = arith.constant 0 : i32
        %dma_wait3A_676 = tpu.memref_slice %arg9[%dma_wait3A_674, %dma_wait3A_675] : memref<208x64xf32, #tpu.memory_space<vmem>> -> memref<26x64xf32, #tpu.memory_space<vmem>>
        %dma_wait3A_677 = arith.constant 0 : i32
        %dma_wait3A_678 = arith.constant 0 : i32
        %dma_wait3A_679 = tpu.memref_slice %arg4[%dma_wait3A_673, %dma_wait3A_677, %dma_wait3A_678] : memref<16384x26x64xf32, #tpu.memory_space<hbm>> -> memref<1x26x64xf32, #tpu.memory_space<hbm>>
        %dma_wait3A_680 = tpu.memref_squeeze %dma_wait3A_679 : memref<1x26x64xf32, #tpu.memory_space<hbm>> -> memref<26x64xf32, #tpu.memory_space<hbm>>
        %dma_wait3A_681 = arith.constant 0 : i32
        %dma_wait3A_682 = arith.constant 0 : i32
        %dma_wait3A_683 = tpu.memref_slice %arg4[%dma_wait3A_673, %dma_wait3A_681, %dma_wait3A_682] : memref<16384x26x64xf32, #tpu.memory_space<hbm>> -> memref<1x26x64xf32, #tpu.memory_space<hbm>>
        %dma_wait3A_684 = tpu.memref_squeeze %dma_wait3A_683 : memref<1x26x64xf32, #tpu.memory_space<hbm>> -> memref<26x64xf32, #tpu.memory_space<hbm>>
        %dma_wait3A_685 = arith.constant 182 : i32
        %dma_wait3A_686 = arith.constant 0 : i32
        %dma_wait3A_687 = tpu.memref_slice %arg9[%dma_wait3A_685, %dma_wait3A_686] : memref<208x64xf32, #tpu.memory_space<vmem>> -> memref<26x64xf32, #tpu.memory_space<vmem>>
        tpu.wait_dma2 semaphore(%arg13 : memref<!tpu.dma_semaphore, #tpu.memory_space<semaphore_mem>>) src(%dma_wait3A_687 : memref<26x64xf32, #tpu.memory_space<vmem>>) dst(%dma_wait3A_684 : memref<26x64xf32, #tpu.memory_space<hbm>>)
      } else {
      }
      %get3A = arith.constant 0 : index
      %get3A_270 = arith.constant 0 : index
      %get3A_271 = tpu.vector_load %arg7[%get3A, %get3A_270] {strides = array<i32>} : memref<208x128xf32, #tpu.memory_space<vmem>>, vector<208x64xf32>,
      %get3A_272 = vector.shape_cast %get3A_271 : vector<208x64xf32> to vector<208x64xf32>
      %swap3A = arith.constant 0 : index
      %swap3A_273 = arith.constant 0 : index
      %swap3A_274 = tpu.vector_load %arg9[%swap3A, %swap3A_273] {strides = array<i32>} : memref<208x64xf32, #tpu.memory_space<vmem>>, vector<208x64xf32>,
      %swap3A_275 = vector.shape_cast %swap3A_274 : vector<208x64xf32> to vector<208x64xf32>
      %swap3A_276 = vector.shape_cast %get3A_272 : vector<208x64xf32> to vector<208x64xf32>
      tpu.vector_store %arg9[%swap3A, %swap3A_273], %swap3A_276 {strides = array<i32>} : memref<208x64xf32, #tpu.memory_space<vmem>>, vector<208x64xf32>,
      %add3A_277 = arith.constant 2 : i32
      %add3A_278 = arith.addi %add3A_261, %add3A_277 : i32
      %lt3A = arith.constant 64 : i32
      %lt3A_279 = arith.cmpi slt, %add3A_278, %lt3A : i32
      %convert_element_type3A_280 = arith.extui %lt3A_279 : i1 to i32
      %cond3A_281 = arith.constant 0 : i32
      %cond3A_282 = arith.cmpi ne, %convert_element_type3A_280, %cond3A_281 : i32
      scf.if %cond3A_282 {
        %add3A_568 = arith.constant 2 : i32
        %add3A_569 = arith.addi %add3A_261, %add3A_568 : i32
        %add3A_570 = arith.addi %mul3A_2, %add3A_569 : i32
        "tpu.region"() ({
          %run_scoped3A = tpu.sem_alloc : memref<!tpu.dma_semaphore, #tpu.memory_space<semaphore_mem>>
          %dma_start3A_574 = arith.constant 0 : i32
          %dma_start3A_575 = tpu.memref_slice %arg3[%add3A_570, %dma_start3A_574] : memref<2048x208xi32, #tpu.memory_space<hbm>> -> memref<1x208xi32, #tpu.memory_space<hbm>>
          %dma_start3A_576 = tpu.memref_squeeze %dma_start3A_575 : memref<1x208xi32, #tpu.memory_space<hbm>> -> memref<208xi32, #tpu.memory_space<hbm>>
          %dma_start3A_577 = arith.constant 0 : i32
          %dma_start3A_578 = tpu.memref_slice %arg3[%add3A_570, %dma_start3A_577] : memref<2048x208xi32, #tpu.memory_space<hbm>> -> memref<1x208xi32, #tpu.memory_space<hbm>>
          %dma_start3A_579 = tpu.memref_squeeze %dma_start3A_578 : memref<1x208xi32, #tpu.memory_space<hbm>> -> memref<208xi32, #tpu.memory_space<hbm>>
          tpu.enqueue_dma source(%dma_start3A_579 : memref<208xi32, #tpu.memory_space<hbm>>) target(%arg5 : memref<208xi32, #tpu.memory_space<vmem>>) target_semaphore(%run_scoped3A : memref<!tpu.dma_semaphore, #tpu.memory_space<semaphore_mem>>)
          %dma_wait3A_580 = arith.constant 0 : i32
          %dma_wait3A_581 = tpu.memref_slice %arg3[%add3A_570, %dma_wait3A_580] : memref<2048x208xi32, #tpu.memory_space<hbm>> -> memref<1x208xi32, #tpu.memory_space<hbm>>
          %dma_wait3A_582 = tpu.memref_squeeze %dma_wait3A_581 : memref<1x208xi32, #tpu.memory_space<hbm>> -> memref<208xi32, #tpu.memory_space<hbm>>
          %dma_wait3A_583 = arith.constant 0 : i32
          %dma_wait3A_584 = tpu.memref_slice %arg3[%add3A_570, %dma_wait3A_583] : memref<2048x208xi32, #tpu.memory_space<hbm>> -> memref<1x208xi32, #tpu.memory_space<hbm>>
          %dma_wait3A_585 = tpu.memref_squeeze %dma_wait3A_584 : memref<1x208xi32, #tpu.memory_space<hbm>> -> memref<208xi32, #tpu.memory_space<hbm>>
          tpu.wait_dma2 semaphore(%run_scoped3A : memref<!tpu.dma_semaphore, #tpu.memory_space<semaphore_mem>>) src(%dma_wait3A_585 : memref<208xi32, #tpu.memory_space<hbm>>) dst(%arg5 : memref<208xi32, #tpu.memory_space<vmem>>)
          tpu.yield
        }) : () -> ()
        %dma_start3A_571 = arith.constant 0 : i32
        %dma_start3A_572 = arith.constant 0 : i32
        %dma_start3A_573 = tpu.memref_slice %arg2[%dma_start3A_571, %dma_start3A_572] : memref<1000000x128xf32, #tpu.memory_space<hbm>> -> memref<1000000x128xf32, #tpu.memory_space<hbm>>
        tpu.enqueue_indirect_dma source(%dma_start3A_573 : memref<1000000x128xf32, #tpu.memory_space<hbm>>) target(%arg7 : memref<208x128xf32, #tpu.memory_space<vmem>>) offsets(%arg5 : memref<208xi32, #tpu.memory_space<vmem>>) semaphore(%arg11 : memref<!tpu.dma_semaphore, #tpu.memory_space<semaphore_mem>>)
      } else {
      }
      %add3A_283 = arith.constant 0 : i32
      %add3A_284 = arith.addi %mul3A_264, %add3A_283 : i32
      %dma_start3A_285 = arith.constant 0 : i32
      %dma_start3A_286 = arith.constant 0 : i32
      %dma_start3A_287 = tpu.memref_slice %arg9[%dma_start3A_285, %dma_start3A_286] : memref<208x64xf32, #tpu.memory_space<vmem>> -> memref<26x64xf32, #tpu.memory_space<vmem>>
      %dma_start3A_288 = arith.constant 0 : i32
      %dma_start3A_289 = arith.constant 0 : i32
      %dma_start3A_290 = tpu.memref_slice %arg4[%add3A_284, %dma_start3A_288, %dma_start3A_289] : memref<16384x26x64xf32, #tpu.memory_space<hbm>> -> memref<1x26x64xf32, #tpu.memory_space<hbm>>
      %dma_start3A_291 = tpu.memref_squeeze %dma_start3A_290 : memref<1x26x64xf32, #tpu.memory_space<hbm>> -> memref<26x64xf32, #tpu.memory_space<hbm>>
      %dma_start3A_292 = arith.constant 0 : i32
      %dma_start3A_293 = arith.constant 0 : i32
      %dma_start3A_294 = tpu.memref_slice %arg4[%add3A_284, %dma_start3A_292, %dma_start3A_293] : memref<16384x26x64xf32, #tpu.memory_space<hbm>> -> memref<1x26x64xf32, #tpu.memory_space<hbm>>
      %dma_start3A_295 = tpu.memref_squeeze %dma_start3A_294 : memref<1x26x64xf32, #tpu.memory_space<hbm>> -> memref<26x64xf32, #tpu.memory_space<hbm>>
      %dma_start3A_296 = arith.constant 0 : i32
      %dma_start3A_297 = arith.constant 0 : i32
      %dma_start3A_298 = tpu.memref_slice %arg9[%dma_start3A_296, %dma_start3A_297] : memref<208x64xf32, #tpu.memory_space<vmem>> -> memref<26x64xf32, #tpu.memory_space<vmem>>
      tpu.enqueue_dma source(%dma_start3A_298 : memref<26x64xf32, #tpu.memory_space<vmem>>) target(%dma_start3A_295 : memref<26x64xf32, #tpu.memory_space<hbm>>) target_semaphore(%arg13 : memref<!tpu.dma_semaphore, #tpu.memory_space<semaphore_mem>>)
      %add3A_299 = arith.constant 1 : i32
      %add3A_300 = arith.addi %mul3A_264, %add3A_299 : i32
      %dma_start3A_301 = arith.constant 26 : i32
      %dma_start3A_302 = arith.constant 0 : i32
      %dma_start3A_303 = tpu.memref_slice %arg9[%dma_start3A_301, %dma_start3A_302] : memref<208x64xf32, #tpu.memory_space<vmem>> -> memref<26x64xf32, #tpu.memory_space<vmem>>
      %dma_start3A_304 = arith.constant 0 : i32
      %dma_start3A_305 = arith.constant 0 : i32
      %dma_start3A_306 = tpu.memref_slice %arg4[%add3A_300, %dma_start3A_304, %dma_start3A_305] : memref<16384x26x64xf32, #tpu.memory_space<hbm>> -> memref<1x26x64xf32, #tpu.memory_space<hbm>>
      %dma_start3A_307 = tpu.memref_squeeze %dma_start3A_306 : memref<1x26x64xf32, #tpu.memory_space<hbm>> -> memref<26x64xf32, #tpu.memory_space<hbm>>
      %dma_start3A_308 = arith.constant 0 : i32
      %dma_start3A_309 = arith.constant 0 : i32
      %dma_start3A_310 = tpu.memref_slice %arg4[%add3A_300, %dma_start3A_308, %dma_start3A_309] : memref<16384x26x64xf32, #tpu.memory_space<hbm>> -> memref<1x26x64xf32, #tpu.memory_space<hbm>>
      %dma_start3A_311 = tpu.memref_squeeze %dma_start3A_310 : memref<1x26x64xf32, #tpu.memory_space<hbm>> -> memref<26x64xf32, #tpu.memory_space<hbm>>
      %dma_start3A_312 = arith.constant 26 : i32
      %dma_start3A_313 = arith.constant 0 : i32
      %dma_start3A_314 = tpu.memref_slice %arg9[%dma_start3A_312, %dma_start3A_313] : memref<208x64xf32, #tpu.memory_space<vmem>> -> memref<26x64xf32, #tpu.memory_space<vmem>>
      tpu.enqueue_dma source(%dma_start3A_314 : memref<26x64xf32, #tpu.memory_space<vmem>>) target(%dma_start3A_311 : memref<26x64xf32, #tpu.memory_space<hbm>>) target_semaphore(%arg13 : memref<!tpu.dma_semaphore, #tpu.memory_space<semaphore_mem>>)
      %add3A_315 = arith.constant 2 : i32
      %add3A_316 = arith.addi %mul3A_264, %add3A_315 : i32
      %dma_start3A_317 = arith.constant 52 : i32
      %dma_start3A_318 = arith.constant 0 : i32
      %dma_start3A_319 = tpu.memref_slice %arg9[%dma_start3A_317, %dma_start3A_318] : memref<208x64xf32, #tpu.memory_space<vmem>> -> memref<26x64xf32, #tpu.memory_space<vmem>>
      %dma_start3A_320 = arith.constant 0 : i32
      %dma_start3A_321 = arith.constant 0 : i32
      %dma_start3A_322 = tpu.memref_slice %arg4[%add3A_316, %dma_start3A_320, %dma_start3A_321] : memref<16384x26x64xf32, #tpu.memory_space<hbm>> -> memref<1x26x64xf32, #tpu.memory_space<hbm>>
      %dma_start3A_323 = tpu.memref_squeeze %dma_start3A_322 : memref<1x26x64xf32, #tpu.memory_space<hbm>> -> memref<26x64xf32, #tpu.memory_space<hbm>>
      %dma_start3A_324 = arith.constant 0 : i32
      %dma_start3A_325 = arith.constant 0 : i32
      %dma_start3A_326 = tpu.memref_slice %arg4[%add3A_316, %dma_start3A_324, %dma_start3A_325] : memref<16384x26x64xf32, #tpu.memory_space<hbm>> -> memref<1x26x64xf32, #tpu.memory_space<hbm>>
      %dma_start3A_327 = tpu.memref_squeeze %dma_start3A_326 : memref<1x26x64xf32, #tpu.memory_space<hbm>> -> memref<26x64xf32, #tpu.memory_space<hbm>>
      %dma_start3A_328 = arith.constant 52 : i32
      %dma_start3A_329 = arith.constant 0 : i32
      %dma_start3A_330 = tpu.memref_slice %arg9[%dma_start3A_328, %dma_start3A_329] : memref<208x64xf32, #tpu.memory_space<vmem>> -> memref<26x64xf32, #tpu.memory_space<vmem>>
      tpu.enqueue_dma source(%dma_start3A_330 : memref<26x64xf32, #tpu.memory_space<vmem>>) target(%dma_start3A_327 : memref<26x64xf32, #tpu.memory_space<hbm>>) target_semaphore(%arg13 : memref<!tpu.dma_semaphore, #tpu.memory_space<semaphore_mem>>)
      %add3A_331 = arith.constant 3 : i32
      %add3A_332 = arith.addi %mul3A_264, %add3A_331 : i32
      %dma_start3A_333 = arith.constant 78 : i32
      %dma_start3A_334 = arith.constant 0 : i32
      %dma_start3A_335 = tpu.memref_slice %arg9[%dma_start3A_333, %dma_start3A_334] : memref<208x64xf32, #tpu.memory_space<vmem>> -> memref<26x64xf32, #tpu.memory_space<vmem>>
      %dma_start3A_336 = arith.constant 0 : i32
      %dma_start3A_337 = arith.constant 0 : i32
      %dma_start3A_338 = tpu.memref_slice %arg4[%add3A_332, %dma_start3A_336, %dma_start3A_337] : memref<16384x26x64xf32, #tpu.memory_space<hbm>> -> memref<1x26x64xf32, #tpu.memory_space<hbm>>
      %dma_start3A_339 = tpu.memref_squeeze %dma_start3A_338 : memref<1x26x64xf32, #tpu.memory_space<hbm>> -> memref<26x64xf32, #tpu.memory_space<hbm>>
      %dma_start3A_340 = arith.constant 0 : i32
      %dma_start3A_341 = arith.constant 0 : i32
      %dma_start3A_342 = tpu.memref_slice %arg4[%add3A_332, %dma_start3A_340, %dma_start3A_341] : memref<16384x26x64xf32, #tpu.memory_space<hbm>> -> memref<1x26x64xf32, #tpu.memory_space<hbm>>
      %dma_start3A_343 = tpu.memref_squeeze %dma_start3A_342 : memref<1x26x64xf32, #tpu.memory_space<hbm>> -> memref<26x64xf32, #tpu.memory_space<hbm>>
      %dma_start3A_344 = arith.constant 78 : i32
      %dma_start3A_345 = arith.constant 0 : i32
      %dma_start3A_346 = tpu.memref_slice %arg9[%dma_start3A_344, %dma_start3A_345] : memref<208x64xf32, #tpu.memory_space<vmem>> -> memref<26x64xf32, #tpu.memory_space<vmem>>
      tpu.enqueue_dma source(%dma_start3A_346 : memref<26x64xf32, #tpu.memory_space<vmem>>) target(%dma_start3A_343 : memref<26x64xf32, #tpu.memory_space<hbm>>) target_semaphore(%arg13 : memref<!tpu.dma_semaphore, #tpu.memory_space<semaphore_mem>>)
      %add3A_347 = arith.constant 4 : i32
      %add3A_348 = arith.addi %mul3A_264, %add3A_347 : i32
      %dma_start3A_349 = arith.constant 104 : i32
      %dma_start3A_350 = arith.constant 0 : i32
      %dma_start3A_351 = tpu.memref_slice %arg9[%dma_start3A_349, %dma_start3A_350] : memref<208x64xf32, #tpu.memory_space<vmem>> -> memref<26x64xf32, #tpu.memory_space<vmem>>
      %dma_start3A_352 = arith.constant 0 : i32
      %dma_start3A_353 = arith.constant 0 : i32
      %dma_start3A_354 = tpu.memref_slice %arg4[%add3A_348, %dma_start3A_352, %dma_start3A_353] : memref<16384x26x64xf32, #tpu.memory_space<hbm>> -> memref<1x26x64xf32, #tpu.memory_space<hbm>>
      %dma_start3A_355 = tpu.memref_squeeze %dma_start3A_354 : memref<1x26x64xf32, #tpu.memory_space<hbm>> -> memref<26x64xf32, #tpu.memory_space<hbm>>
      %dma_start3A_356 = arith.constant 0 : i32
      %dma_start3A_357 = arith.constant 0 : i32
      %dma_start3A_358 = tpu.memref_slice %arg4[%add3A_348, %dma_start3A_356, %dma_start3A_357] : memref<16384x26x64xf32, #tpu.memory_space<hbm>> -> memref<1x26x64xf32, #tpu.memory_space<hbm>>
      %dma_start3A_359 = tpu.memref_squeeze %dma_start3A_358 : memref<1x26x64xf32, #tpu.memory_space<hbm>> -> memref<26x64xf32, #tpu.memory_space<hbm>>
      %dma_start3A_360 = arith.constant 104 : i32
      %dma_start3A_361 = arith.constant 0 : i32
      %dma_start3A_362 = tpu.memref_slice %arg9[%dma_start3A_360, %dma_start3A_361] : memref<208x64xf32, #tpu.memory_space<vmem>> -> memref<26x64xf32, #tpu.memory_space<vmem>>
      tpu.enqueue_dma source(%dma_start3A_362 : memref<26x64xf32, #tpu.memory_space<vmem>>) target(%dma_start3A_359 : memref<26x64xf32, #tpu.memory_space<hbm>>) target_semaphore(%arg13 : memref<!tpu.dma_semaphore, #tpu.memory_space<semaphore_mem>>)
      %add3A_363 = arith.constant 5 : i32
      %add3A_364 = arith.addi %mul3A_264, %add3A_363 : i32
      %dma_start3A_365 = arith.constant 130 : i32
      %dma_start3A_366 = arith.constant 0 : i32
      %dma_start3A_367 = tpu.memref_slice %arg9[%dma_start3A_365, %dma_start3A_366] : memref<208x64xf32, #tpu.memory_space<vmem>> -> memref<26x64xf32, #tpu.memory_space<vmem>>
      %dma_start3A_368 = arith.constant 0 : i32
      %dma_start3A_369 = arith.constant 0 : i32
      %dma_start3A_370 = tpu.memref_slice %arg4[%add3A_364, %dma_start3A_368, %dma_start3A_369] : memref<16384x26x64xf32, #tpu.memory_space<hbm>> -> memref<1x26x64xf32, #tpu.memory_space<hbm>>
      %dma_start3A_371 = tpu.memref_squeeze %dma_start3A_370 : memref<1x26x64xf32, #tpu.memory_space<hbm>> -> memref<26x64xf32, #tpu.memory_space<hbm>>
      %dma_start3A_372 = arith.constant 0 : i32
      %dma_start3A_373 = arith.constant 0 : i32
      %dma_start3A_374 = tpu.memref_slice %arg4[%add3A_364, %dma_start3A_372, %dma_start3A_373] : memref<16384x26x64xf32, #tpu.memory_space<hbm>> -> memref<1x26x64xf32, #tpu.memory_space<hbm>>
      %dma_start3A_375 = tpu.memref_squeeze %dma_start3A_374 : memref<1x26x64xf32, #tpu.memory_space<hbm>> -> memref<26x64xf32, #tpu.memory_space<hbm>>
      %dma_start3A_376 = arith.constant 130 : i32
      %dma_start3A_377 = arith.constant 0 : i32
      %dma_start3A_378 = tpu.memref_slice %arg9[%dma_start3A_376, %dma_start3A_377] : memref<208x64xf32, #tpu.memory_space<vmem>> -> memref<26x64xf32, #tpu.memory_space<vmem>>
      tpu.enqueue_dma source(%dma_start3A_378 : memref<26x64xf32, #tpu.memory_space<vmem>>) target(%dma_start3A_375 : memref<26x64xf32, #tpu.memory_space<hbm>>) target_semaphore(%arg13 : memref<!tpu.dma_semaphore, #tpu.memory_space<semaphore_mem>>)
      %add3A_379 = arith.constant 6 : i32
      %add3A_380 = arith.addi %mul3A_264, %add3A_379 : i32
      %dma_start3A_381 = arith.constant 156 : i32
      %dma_start3A_382 = arith.constant 0 : i32
      %dma_start3A_383 = tpu.memref_slice %arg9[%dma_start3A_381, %dma_start3A_382] : memref<208x64xf32, #tpu.memory_space<vmem>> -> memref<26x64xf32, #tpu.memory_space<vmem>>
      %dma_start3A_384 = arith.constant 0 : i32
      %dma_start3A_385 = arith.constant 0 : i32
      %dma_start3A_386 = tpu.memref_slice %arg4[%add3A_380, %dma_start3A_384, %dma_start3A_385] : memref<16384x26x64xf32, #tpu.memory_space<hbm>> -> memref<1x26x64xf32, #tpu.memory_space<hbm>>
      %dma_start3A_387 = tpu.memref_squeeze %dma_start3A_386 : memref<1x26x64xf32, #tpu.memory_space<hbm>> -> memref<26x64xf32, #tpu.memory_space<hbm>>
      %dma_start3A_388 = arith.constant 0 : i32
      %dma_start3A_389 = arith.constant 0 : i32
      %dma_start3A_390 = tpu.memref_slice %arg4[%add3A_380, %dma_start3A_388, %dma_start3A_389] : memref<16384x26x64xf32, #tpu.memory_space<hbm>> -> memref<1x26x64xf32, #tpu.memory_space<hbm>>
      %dma_start3A_391 = tpu.memref_squeeze %dma_start3A_390 : memref<1x26x64xf32, #tpu.memory_space<hbm>> -> memref<26x64xf32, #tpu.memory_space<hbm>>
      %dma_start3A_392 = arith.constant 156 : i32
      %dma_start3A_393 = arith.constant 0 : i32
      %dma_start3A_394 = tpu.memref_slice %arg9[%dma_start3A_392, %dma_start3A_393] : memref<208x64xf32, #tpu.memory_space<vmem>> -> memref<26x64xf32, #tpu.memory_space<vmem>>
      tpu.enqueue_dma source(%dma_start3A_394 : memref<26x64xf32, #tpu.memory_space<vmem>>) target(%dma_start3A_391 : memref<26x64xf32, #tpu.memory_space<hbm>>) target_semaphore(%arg13 : memref<!tpu.dma_semaphore, #tpu.memory_space<semaphore_mem>>)
      %add3A_395 = arith.constant 7 : i32
      %add3A_396 = arith.addi %mul3A_264, %add3A_395 : i32
      %dma_start3A_397 = arith.constant 182 : i32
      %dma_start3A_398 = arith.constant 0 : i32
      %dma_start3A_399 = tpu.memref_slice %arg9[%dma_start3A_397, %dma_start3A_398] : memref<208x64xf32, #tpu.memory_space<vmem>> -> memref<26x64xf32, #tpu.memory_space<vmem>>
      %dma_start3A_400 = arith.constant 0 : i32
      %dma_start3A_401 = arith.constant 0 : i32
      %dma_start3A_402 = tpu.memref_slice %arg4[%add3A_396, %dma_start3A_400, %dma_start3A_401] : memref<16384x26x64xf32, #tpu.memory_space<hbm>> -> memref<1x26x64xf32, #tpu.memory_space<hbm>>
      %dma_start3A_403 = tpu.memref_squeeze %dma_start3A_402 : memref<1x26x64xf32, #tpu.memory_space<hbm>> -> memref<26x64xf32, #tpu.memory_space<hbm>>
      %dma_start3A_404 = arith.constant 0 : i32
      %dma_start3A_405 = arith.constant 0 : i32
      %dma_start3A_406 = tpu.memref_slice %arg4[%add3A_396, %dma_start3A_404, %dma_start3A_405] : memref<16384x26x64xf32, #tpu.memory_space<hbm>> -> memref<1x26x64xf32, #tpu.memory_space<hbm>>
      %dma_start3A_407 = tpu.memref_squeeze %dma_start3A_406 : memref<1x26x64xf32, #tpu.memory_space<hbm>> -> memref<26x64xf32, #tpu.memory_space<hbm>>
      %dma_start3A_408 = arith.constant 182 : i32
      %dma_start3A_409 = arith.constant 0 : i32
      %dma_start3A_410 = tpu.memref_slice %arg9[%dma_start3A_408, %dma_start3A_409] : memref<208x64xf32, #tpu.memory_space<vmem>> -> memref<26x64xf32, #tpu.memory_space<vmem>>
      tpu.enqueue_dma source(%dma_start3A_410 : memref<26x64xf32, #tpu.memory_space<vmem>>) target(%dma_start3A_407 : memref<26x64xf32, #tpu.memory_space<hbm>>) target_semaphore(%arg13 : memref<!tpu.dma_semaphore, #tpu.memory_space<semaphore_mem>>)
      %add3A_411 = arith.constant 1 : i32
      %add3A_412 = arith.addi %add3A_259, %add3A_411 : i32
      %add3A_413 = arith.addi %mul3A_2, %add3A_412 : i32
      %mul3A_414 = arith.constant 8 : i32
      %mul3A_415 = arith.muli %add3A_413, %mul3A_414 : i32
      %dma_wait3A_416 = arith.constant 0 : i32
      %dma_wait3A_417 = arith.constant 0 : i32
      %dma_wait3A_418 = tpu.memref_slice %arg2[%dma_wait3A_416, %dma_wait3A_417] : memref<1000000x128xf32, #tpu.memory_space<hbm>> -> memref<1000000x128xf32, #tpu.memory_space<hbm>>
      tpu.wait_indirect_dma semaphore(%arg12 : memref<!tpu.dma_semaphore, #tpu.memory_space<semaphore_mem>>) src(%dma_wait3A_418 : memref<1000000x128xf32, #tpu.memory_space<hbm>>) dst(%arg8 : memref<208x128xf32, #tpu.memory_space<vmem>>)
      %ge3A_419 = arith.constant 2 : i32
      %ge3A_420 = arith.cmpi sge, %add3A_412, %ge3A_419 : i32
      %convert_element_type3A_421 = arith.extui %ge3A_420 : i1 to i32
      %cond3A_422 = arith.constant 0 : i32
      %cond3A_423 = arith.cmpi ne, %convert_element_type3A_421, %cond3A_422 : i32
      scf.if %cond3A_423 {
        %dma_wait3A_568 = arith.constant 0 : i32
        %dma_wait3A_569 = arith.constant 0 : i32
        %dma_wait3A_570 = arith.constant 0 : i32
        %dma_wait3A_571 = tpu.memref_slice %arg10[%dma_wait3A_569, %dma_wait3A_570] : memref<208x64xf32, #tpu.memory_space<vmem>> -> memref<26x64xf32, #tpu.memory_space<vmem>>
        %dma_wait3A_572 = arith.constant 0 : i32
        %dma_wait3A_573 = arith.constant 0 : i32
        %dma_wait3A_574 = tpu.memref_slice %arg4[%dma_wait3A_568, %dma_wait3A_572, %dma_wait3A_573] : memref<16384x26x64xf32, #tpu.memory_space<hbm>> -> memref<1x26x64xf32, #tpu.memory_space<hbm>>
        %dma_wait3A_575 = tpu.memref_squeeze %dma_wait3A_574 : memref<1x26x64xf32, #tpu.memory_space<hbm>> -> memref<26x64xf32, #tpu.memory_space<hbm>>
        %dma_wait3A_576 = arith.constant 0 : i32
        %dma_wait3A_577 = arith.constant 0 : i32
        %dma_wait3A_578 = tpu.memref_slice %arg4[%dma_wait3A_568, %dma_wait3A_576, %dma_wait3A_577] : memref<16384x26x64xf32, #tpu.memory_space<hbm>> -> memref<1x26x64xf32, #tpu.memory_space<hbm>>
        %dma_wait3A_579 = tpu.memref_squeeze %dma_wait3A_578 : memref<1x26x64xf32, #tpu.memory_space<hbm>> -> memref<26x64xf32, #tpu.memory_space<hbm>>
        %dma_wait3A_580 = arith.constant 0 : i32
        %dma_wait3A_581 = arith.constant 0 : i32
        %dma_wait3A_582 = tpu.memref_slice %arg10[%dma_wait3A_580, %dma_wait3A_581] : memref<208x64xf32, #tpu.memory_space<vmem>> -> memref<26x64xf32, #tpu.memory_space<vmem>>
        tpu.wait_dma2 semaphore(%arg14 : memref<!tpu.dma_semaphore, #tpu.memory_space<semaphore_mem>>) src(%dma_wait3A_582 : memref<26x64xf32, #tpu.memory_space<vmem>>) dst(%dma_wait3A_579 : memref<26x64xf32, #tpu.memory_space<hbm>>)
        %dma_wait3A_583 = arith.constant 0 : i32
        %dma_wait3A_584 = arith.constant 26 : i32
        %dma_wait3A_585 = arith.constant 0 : i32
        %dma_wait3A_586 = tpu.memref_slice %arg10[%dma_wait3A_584, %dma_wait3A_585] : memref<208x64xf32, #tpu.memory_space<vmem>> -> memref<26x64xf32, #tpu.memory_space<vmem>>
        %dma_wait3A_587 = arith.constant 0 : i32
        %dma_wait3A_588 = arith.constant 0 : i32
        %dma_wait3A_589 = tpu.memref_slice %arg4[%dma_wait3A_583, %dma_wait3A_587, %dma_wait3A_588] : memref<16384x26x64xf32, #tpu.memory_space<hbm>> -> memref<1x26x64xf32, #tpu.memory_space<hbm>>
        %dma_wait3A_590 = tpu.memref_squeeze %dma_wait3A_589 : memref<1x26x64xf32, #tpu.memory_space<hbm>> -> memref<26x64xf32, #tpu.memory_space<hbm>>
        %dma_wait3A_591 = arith.constant 0 : i32
        %dma_wait3A_592 = arith.constant 0 : i32
        %dma_wait3A_593 = tpu.memref_slice %arg4[%dma_wait3A_583, %dma_wait3A_591, %dma_wait3A_592] : memref<16384x26x64xf32, #tpu.memory_space<hbm>> -> memref<1x26x64xf32, #tpu.memory_space<hbm>>
        %dma_wait3A_594 = tpu.memref_squeeze %dma_wait3A_593 : memref<1x26x64xf32, #tpu.memory_space<hbm>> -> memref<26x64xf32, #tpu.memory_space<hbm>>
        %dma_wait3A_595 = arith.constant 26 : i32
        %dma_wait3A_596 = arith.constant 0 : i32
        %dma_wait3A_597 = tpu.memref_slice %arg10[%dma_wait3A_595, %dma_wait3A_596] : memref<208x64xf32, #tpu.memory_space<vmem>> -> memref<26x64xf32, #tpu.memory_space<vmem>>
        tpu.wait_dma2 semaphore(%arg14 : memref<!tpu.dma_semaphore, #tpu.memory_space<semaphore_mem>>) src(%dma_wait3A_597 : memref<26x64xf32, #tpu.memory_space<vmem>>) dst(%dma_wait3A_594 : memref<26x64xf32, #tpu.memory_space<hbm>>)
        %dma_wait3A_598 = arith.constant 0 : i32
        %dma_wait3A_599 = arith.constant 52 : i32
        %dma_wait3A_600 = arith.constant 0 : i32
        %dma_wait3A_601 = tpu.memref_slice %arg10[%dma_wait3A_599, %dma_wait3A_600] : memref<208x64xf32, #tpu.memory_space<vmem>> -> memref<26x64xf32, #tpu.memory_space<vmem>>
        %dma_wait3A_602 = arith.constant 0 : i32
        %dma_wait3A_603 = arith.constant 0 : i32
        %dma_wait3A_604 = tpu.memref_slice %arg4[%dma_wait3A_598, %dma_wait3A_602, %dma_wait3A_603] : memref<16384x26x64xf32, #tpu.memory_space<hbm>> -> memref<1x26x64xf32, #tpu.memory_space<hbm>>
        %dma_wait3A_605 = tpu.memref_squeeze %dma_wait3A_604 : memref<1x26x64xf32, #tpu.memory_space<hbm>> -> memref<26x64xf32, #tpu.memory_space<hbm>>
        %dma_wait3A_606 = arith.constant 0 : i32
        %dma_wait3A_607 = arith.constant 0 : i32
        %dma_wait3A_608 = tpu.memref_slice %arg4[%dma_wait3A_598, %dma_wait3A_606, %dma_wait3A_607] : memref<16384x26x64xf32, #tpu.memory_space<hbm>> -> memref<1x26x64xf32, #tpu.memory_space<hbm>>
        %dma_wait3A_609 = tpu.memref_squeeze %dma_wait3A_608 : memref<1x26x64xf32, #tpu.memory_space<hbm>> -> memref<26x64xf32, #tpu.memory_space<hbm>>
        %dma_wait3A_610 = arith.constant 52 : i32
        %dma_wait3A_611 = arith.constant 0 : i32
        %dma_wait3A_612 = tpu.memref_slice %arg10[%dma_wait3A_610, %dma_wait3A_611] : memref<208x64xf32, #tpu.memory_space<vmem>> -> memref<26x64xf32, #tpu.memory_space<vmem>>
        tpu.wait_dma2 semaphore(%arg14 : memref<!tpu.dma_semaphore, #tpu.memory_space<semaphore_mem>>) src(%dma_wait3A_612 : memref<26x64xf32, #tpu.memory_space<vmem>>) dst(%dma_wait3A_609 : memref<26x64xf32, #tpu.memory_space<hbm>>)
        %dma_wait3A_613 = arith.constant 0 : i32
        %dma_wait3A_614 = arith.constant 78 : i32
        %dma_wait3A_615 = arith.constant 0 : i32
        %dma_wait3A_616 = tpu.memref_slice %arg10[%dma_wait3A_614, %dma_wait3A_615] : memref<208x64xf32, #tpu.memory_space<vmem>> -> memref<26x64xf32, #tpu.memory_space<vmem>>
        %dma_wait3A_617 = arith.constant 0 : i32
        %dma_wait3A_618 = arith.constant 0 : i32
        %dma_wait3A_619 = tpu.memref_slice %arg4[%dma_wait3A_613, %dma_wait3A_617, %dma_wait3A_618] : memref<16384x26x64xf32, #tpu.memory_space<hbm>> -> memref<1x26x64xf32, #tpu.memory_space<hbm>>
        %dma_wait3A_620 = tpu.memref_squeeze %dma_wait3A_619 : memref<1x26x64xf32, #tpu.memory_space<hbm>> -> memref<26x64xf32, #tpu.memory_space<hbm>>
        %dma_wait3A_621 = arith.constant 0 : i32
        %dma_wait3A_622 = arith.constant 0 : i32
        %dma_wait3A_623 = tpu.memref_slice %arg4[%dma_wait3A_613, %dma_wait3A_621, %dma_wait3A_622] : memref<16384x26x64xf32, #tpu.memory_space<hbm>> -> memref<1x26x64xf32, #tpu.memory_space<hbm>>
        %dma_wait3A_624 = tpu.memref_squeeze %dma_wait3A_623 : memref<1x26x64xf32, #tpu.memory_space<hbm>> -> memref<26x64xf32, #tpu.memory_space<hbm>>
        %dma_wait3A_625 = arith.constant 78 : i32
        %dma_wait3A_626 = arith.constant 0 : i32
        %dma_wait3A_627 = tpu.memref_slice %arg10[%dma_wait3A_625, %dma_wait3A_626] : memref<208x64xf32, #tpu.memory_space<vmem>> -> memref<26x64xf32, #tpu.memory_space<vmem>>
        tpu.wait_dma2 semaphore(%arg14 : memref<!tpu.dma_semaphore, #tpu.memory_space<semaphore_mem>>) src(%dma_wait3A_627 : memref<26x64xf32, #tpu.memory_space<vmem>>) dst(%dma_wait3A_624 : memref<26x64xf32, #tpu.memory_space<hbm>>)
        %dma_wait3A_628 = arith.constant 0 : i32
        %dma_wait3A_629 = arith.constant 104 : i32
        %dma_wait3A_630 = arith.constant 0 : i32
        %dma_wait3A_631 = tpu.memref_slice %arg10[%dma_wait3A_629, %dma_wait3A_630] : memref<208x64xf32, #tpu.memory_space<vmem>> -> memref<26x64xf32, #tpu.memory_space<vmem>>
        %dma_wait3A_632 = arith.constant 0 : i32
        %dma_wait3A_633 = arith.constant 0 : i32
        %dma_wait3A_634 = tpu.memref_slice %arg4[%dma_wait3A_628, %dma_wait3A_632, %dma_wait3A_633] : memref<16384x26x64xf32, #tpu.memory_space<hbm>> -> memref<1x26x64xf32, #tpu.memory_space<hbm>>
        %dma_wait3A_635 = tpu.memref_squeeze %dma_wait3A_634 : memref<1x26x64xf32, #tpu.memory_space<hbm>> -> memref<26x64xf32, #tpu.memory_space<hbm>>
        %dma_wait3A_636 = arith.constant 0 : i32
        %dma_wait3A_637 = arith.constant 0 : i32
        %dma_wait3A_638 = tpu.memref_slice %arg4[%dma_wait3A_628, %dma_wait3A_636, %dma_wait3A_637] : memref<16384x26x64xf32, #tpu.memory_space<hbm>> -> memref<1x26x64xf32, #tpu.memory_space<hbm>>
        %dma_wait3A_639 = tpu.memref_squeeze %dma_wait3A_638 : memref<1x26x64xf32, #tpu.memory_space<hbm>> -> memref<26x64xf32, #tpu.memory_space<hbm>>
        %dma_wait3A_640 = arith.constant 104 : i32
        %dma_wait3A_641 = arith.constant 0 : i32
        %dma_wait3A_642 = tpu.memref_slice %arg10[%dma_wait3A_640, %dma_wait3A_641] : memref<208x64xf32, #tpu.memory_space<vmem>> -> memref<26x64xf32, #tpu.memory_space<vmem>>
        tpu.wait_dma2 semaphore(%arg14 : memref<!tpu.dma_semaphore, #tpu.memory_space<semaphore_mem>>) src(%dma_wait3A_642 : memref<26x64xf32, #tpu.memory_space<vmem>>) dst(%dma_wait3A_639 : memref<26x64xf32, #tpu.memory_space<hbm>>)
        %dma_wait3A_643 = arith.constant 0 : i32
        %dma_wait3A_644 = arith.constant 130 : i32
        %dma_wait3A_645 = arith.constant 0 : i32
        %dma_wait3A_646 = tpu.memref_slice %arg10[%dma_wait3A_644, %dma_wait3A_645] : memref<208x64xf32, #tpu.memory_space<vmem>> -> memref<26x64xf32, #tpu.memory_space<vmem>>
        %dma_wait3A_647 = arith.constant 0 : i32
        %dma_wait3A_648 = arith.constant 0 : i32
        %dma_wait3A_649 = tpu.memref_slice %arg4[%dma_wait3A_643, %dma_wait3A_647, %dma_wait3A_648] : memref<16384x26x64xf32, #tpu.memory_space<hbm>> -> memref<1x26x64xf32, #tpu.memory_space<hbm>>
        %dma_wait3A_650 = tpu.memref_squeeze %dma_wait3A_649 : memref<1x26x64xf32, #tpu.memory_space<hbm>> -> memref<26x64xf32, #tpu.memory_space<hbm>>
        %dma_wait3A_651 = arith.constant 0 : i32
        %dma_wait3A_652 = arith.constant 0 : i32
        %dma_wait3A_653 = tpu.memref_slice %arg4[%dma_wait3A_643, %dma_wait3A_651, %dma_wait3A_652] : memref<16384x26x64xf32, #tpu.memory_space<hbm>> -> memref<1x26x64xf32, #tpu.memory_space<hbm>>
        %dma_wait3A_654 = tpu.memref_squeeze %dma_wait3A_653 : memref<1x26x64xf32, #tpu.memory_space<hbm>> -> memref<26x64xf32, #tpu.memory_space<hbm>>
        %dma_wait3A_655 = arith.constant 130 : i32
        %dma_wait3A_656 = arith.constant 0 : i32
        %dma_wait3A_657 = tpu.memref_slice %arg10[%dma_wait3A_655, %dma_wait3A_656] : memref<208x64xf32, #tpu.memory_space<vmem>> -> memref<26x64xf32, #tpu.memory_space<vmem>>
        tpu.wait_dma2 semaphore(%arg14 : memref<!tpu.dma_semaphore, #tpu.memory_space<semaphore_mem>>) src(%dma_wait3A_657 : memref<26x64xf32, #tpu.memory_space<vmem>>) dst(%dma_wait3A_654 : memref<26x64xf32, #tpu.memory_space<hbm>>)
        %dma_wait3A_658 = arith.constant 0 : i32
        %dma_wait3A_659 = arith.constant 156 : i32
        %dma_wait3A_660 = arith.constant 0 : i32
        %dma_wait3A_661 = tpu.memref_slice %arg10[%dma_wait3A_659, %dma_wait3A_660] : memref<208x64xf32, #tpu.memory_space<vmem>> -> memref<26x64xf32, #tpu.memory_space<vmem>>
        %dma_wait3A_662 = arith.constant 0 : i32
        %dma_wait3A_663 = arith.constant 0 : i32
        %dma_wait3A_664 = tpu.memref_slice %arg4[%dma_wait3A_658, %dma_wait3A_662, %dma_wait3A_663] : memref<16384x26x64xf32, #tpu.memory_space<hbm>> -> memref<1x26x64xf32, #tpu.memory_space<hbm>>
        %dma_wait3A_665 = tpu.memref_squeeze %dma_wait3A_664 : memref<1x26x64xf32, #tpu.memory_space<hbm>> -> memref<26x64xf32, #tpu.memory_space<hbm>>
        %dma_wait3A_666 = arith.constant 0 : i32
        %dma_wait3A_667 = arith.constant 0 : i32
        %dma_wait3A_668 = tpu.memref_slice %arg4[%dma_wait3A_658, %dma_wait3A_666, %dma_wait3A_667] : memref<16384x26x64xf32, #tpu.memory_space<hbm>> -> memref<1x26x64xf32, #tpu.memory_space<hbm>>
        %dma_wait3A_669 = tpu.memref_squeeze %dma_wait3A_668 : memref<1x26x64xf32, #tpu.memory_space<hbm>> -> memref<26x64xf32, #tpu.memory_space<hbm>>
        %dma_wait3A_670 = arith.constant 156 : i32
        %dma_wait3A_671 = arith.constant 0 : i32
        %dma_wait3A_672 = tpu.memref_slice %arg10[%dma_wait3A_670, %dma_wait3A_671] : memref<208x64xf32, #tpu.memory_space<vmem>> -> memref<26x64xf32, #tpu.memory_space<vmem>>
        tpu.wait_dma2 semaphore(%arg14 : memref<!tpu.dma_semaphore, #tpu.memory_space<semaphore_mem>>) src(%dma_wait3A_672 : memref<26x64xf32, #tpu.memory_space<vmem>>) dst(%dma_wait3A_669 : memref<26x64xf32, #tpu.memory_space<hbm>>)
        %dma_wait3A_673 = arith.constant 0 : i32
        %dma_wait3A_674 = arith.constant 182 : i32
        %dma_wait3A_675 = arith.constant 0 : i32
        %dma_wait3A_676 = tpu.memref_slice %arg10[%dma_wait3A_674, %dma_wait3A_675] : memref<208x64xf32, #tpu.memory_space<vmem>> -> memref<26x64xf32, #tpu.memory_space<vmem>>
        %dma_wait3A_677 = arith.constant 0 : i32
        %dma_wait3A_678 = arith.constant 0 : i32
        %dma_wait3A_679 = tpu.memref_slice %arg4[%dma_wait3A_673, %dma_wait3A_677, %dma_wait3A_678] : memref<16384x26x64xf32, #tpu.memory_space<hbm>> -> memref<1x26x64xf32, #tpu.memory_space<hbm>>
        %dma_wait3A_680 = tpu.memref_squeeze %dma_wait3A_679 : memref<1x26x64xf32, #tpu.memory_space<hbm>> -> memref<26x64xf32, #tpu.memory_space<hbm>>
        %dma_wait3A_681 = arith.constant 0 : i32
        %dma_wait3A_682 = arith.constant 0 : i32
        %dma_wait3A_683 = tpu.memref_slice %arg4[%dma_wait3A_673, %dma_wait3A_681, %dma_wait3A_682] : memref<16384x26x64xf32, #tpu.memory_space<hbm>> -> memref<1x26x64xf32, #tpu.memory_space<hbm>>
        %dma_wait3A_684 = tpu.memref_squeeze %dma_wait3A_683 : memref<1x26x64xf32, #tpu.memory_space<hbm>> -> memref<26x64xf32, #tpu.memory_space<hbm>>
        %dma_wait3A_685 = arith.constant 182 : i32
        %dma_wait3A_686 = arith.constant 0 : i32
        %dma_wait3A_687 = tpu.memref_slice %arg10[%dma_wait3A_685, %dma_wait3A_686] : memref<208x64xf32, #tpu.memory_space<vmem>> -> memref<26x64xf32, #tpu.memory_space<vmem>>
        tpu.wait_dma2 semaphore(%arg14 : memref<!tpu.dma_semaphore, #tpu.memory_space<semaphore_mem>>) src(%dma_wait3A_687 : memref<26x64xf32, #tpu.memory_space<vmem>>) dst(%dma_wait3A_684 : memref<26x64xf32, #tpu.memory_space<hbm>>)
      } else {
      }
      %get3A_424 = arith.constant 0 : index
      %get3A_425 = arith.constant 0 : index
      %get3A_426 = tpu.vector_load %arg8[%get3A_424, %get3A_425] {strides = array<i32>} : memref<208x128xf32, #tpu.memory_space<vmem>>, vector<208x64xf32>,
      %get3A_427 = vector.shape_cast %get3A_426 : vector<208x64xf32> to vector<208x64xf32>
      %swap3A_428 = arith.constant 0 : index
      %swap3A_429 = arith.constant 0 : index
      %swap3A_430 = tpu.vector_load %arg10[%swap3A_428, %swap3A_429] {strides = array<i32>} : memref<208x64xf32, #tpu.memory_space<vmem>>, vector<208x64xf32>,
      %swap3A_431 = vector.shape_cast %swap3A_430 : vector<208x64xf32> to vector<208x64xf32>
      %swap3A_432 = vector.shape_cast %get3A_427 : vector<208x64xf32> to vector<208x64xf32>
      tpu.vector_store %arg10[%swap3A_428, %swap3A_429], %swap3A_432 {strides = array<i32>} : memref<208x64xf32, #tpu.memory_space<vmem>>, vector<208x64xf32>,
      %add3A_433 = arith.constant 2 : i32
      %add3A_434 = arith.addi %add3A_412, %add3A_433 : i32
      %lt3A_435 = arith.constant 64 : i32
      %lt3A_436 = arith.cmpi slt, %add3A_434, %lt3A_435 : i32
      %convert_element_type3A_437 = arith.extui %lt3A_436 : i1 to i32
      %cond3A_438 = arith.constant 0 : i32
      %cond3A_439 = arith.cmpi ne, %convert_element_type3A_437, %cond3A_438 : i32
      scf.if %cond3A_439 {
        %add3A_568 = arith.constant 2 : i32
        %add3A_569 = arith.addi %add3A_412, %add3A_568 : i32
        %add3A_570 = arith.addi %mul3A_2, %add3A_569 : i32
        "tpu.region"() ({
          %run_scoped3A = tpu.sem_alloc : memref<!tpu.dma_semaphore, #tpu.memory_space<semaphore_mem>>
          %dma_start3A_574 = arith.constant 0 : i32
          %dma_start3A_575 = tpu.memref_slice %arg3[%add3A_570, %dma_start3A_574] : memref<2048x208xi32, #tpu.memory_space<hbm>> -> memref<1x208xi32, #tpu.memory_space<hbm>>
          %dma_start3A_576 = tpu.memref_squeeze %dma_start3A_575 : memref<1x208xi32, #tpu.memory_space<hbm>> -> memref<208xi32, #tpu.memory_space<hbm>>
          %dma_start3A_577 = arith.constant 0 : i32
          %dma_start3A_578 = tpu.memref_slice %arg3[%add3A_570, %dma_start3A_577] : memref<2048x208xi32, #tpu.memory_space<hbm>> -> memref<1x208xi32, #tpu.memory_space<hbm>>
          %dma_start3A_579 = tpu.memref_squeeze %dma_start3A_578 : memref<1x208xi32, #tpu.memory_space<hbm>> -> memref<208xi32, #tpu.memory_space<hbm>>
          tpu.enqueue_dma source(%dma_start3A_579 : memref<208xi32, #tpu.memory_space<hbm>>) target(%arg6 : memref<208xi32, #tpu.memory_space<vmem>>) target_semaphore(%run_scoped3A : memref<!tpu.dma_semaphore, #tpu.memory_space<semaphore_mem>>)
          %dma_wait3A_580 = arith.constant 0 : i32
          %dma_wait3A_581 = tpu.memref_slice %arg3[%add3A_570, %dma_wait3A_580] : memref<2048x208xi32, #tpu.memory_space<hbm>> -> memref<1x208xi32, #tpu.memory_space<hbm>>
          %dma_wait3A_582 = tpu.memref_squeeze %dma_wait3A_581 : memref<1x208xi32, #tpu.memory_space<hbm>> -> memref<208xi32, #tpu.memory_space<hbm>>
          %dma_wait3A_583 = arith.constant 0 : i32
          %dma_wait3A_584 = tpu.memref_slice %arg3[%add3A_570, %dma_wait3A_583] : memref<2048x208xi32, #tpu.memory_space<hbm>> -> memref<1x208xi32, #tpu.memory_space<hbm>>
          %dma_wait3A_585 = tpu.memref_squeeze %dma_wait3A_584 : memref<1x208xi32, #tpu.memory_space<hbm>> -> memref<208xi32, #tpu.memory_space<hbm>>
          tpu.wait_dma2 semaphore(%run_scoped3A : memref<!tpu.dma_semaphore, #tpu.memory_space<semaphore_mem>>) src(%dma_wait3A_585 : memref<208xi32, #tpu.memory_space<hbm>>) dst(%arg6 : memref<208xi32, #tpu.memory_space<vmem>>)
          tpu.yield
        }) : () -> ()
        %dma_start3A_571 = arith.constant 0 : i32
        %dma_start3A_572 = arith.constant 0 : i32
        %dma_start3A_573 = tpu.memref_slice %arg2[%dma_start3A_571, %dma_start3A_572] : memref<1000000x128xf32, #tpu.memory_space<hbm>> -> memref<1000000x128xf32, #tpu.memory_space<hbm>>
        tpu.enqueue_indirect_dma source(%dma_start3A_573 : memref<1000000x128xf32, #tpu.memory_space<hbm>>) target(%arg8 : memref<208x128xf32, #tpu.memory_space<vmem>>) offsets(%arg6 : memref<208xi32, #tpu.memory_space<vmem>>) semaphore(%arg12 : memref<!tpu.dma_semaphore, #tpu.memory_space<semaphore_mem>>)
      } else {
      }
      %add3A_440 = arith.constant 0 : i32
      %add3A_441 = arith.addi %mul3A_415, %add3A_440 : i32
      %dma_start3A_442 = arith.constant 0 : i32
      %dma_start3A_443 = arith.constant 0 : i32
      %dma_start3A_444 = tpu.memref_slice %arg10[%dma_start3A_442, %dma_start3A_443] : memref<208x64xf32, #tpu.memory_space<vmem>> -> memref<26x64xf32, #tpu.memory_space<vmem>>
      %dma_start3A_445 = arith.constant 0 : i32
      %dma_start3A_446 = arith.constant 0 : i32
      %dma_start3A_447 = tpu.memref_slice %arg4[%add3A_441, %dma_start3A_445, %dma_start3A_446] : memref<16384x26x64xf32, #tpu.memory_space<hbm>> -> memref<1x26x64xf32, #tpu.memory_space<hbm>>
      %dma_start3A_448 = tpu.memref_squeeze %dma_start3A_447 : memref<1x26x64xf32, #tpu.memory_space<hbm>> -> memref<26x64xf32, #tpu.memory_space<hbm>>
      %dma_start3A_449 = arith.constant 0 : i32
      %dma_start3A_450 = arith.constant 0 : i32
      %dma_start3A_451 = tpu.memref_slice %arg4[%add3A_441, %dma_start3A_449, %dma_start3A_450] : memref<16384x26x64xf32, #tpu.memory_space<hbm>> -> memref<1x26x64xf32, #tpu.memory_space<hbm>>
      %dma_start3A_452 = tpu.memref_squeeze %dma_start3A_451 : memref<1x26x64xf32, #tpu.memory_space<hbm>> -> memref<26x64xf32, #tpu.memory_space<hbm>>
      %dma_start3A_453 = arith.constant 0 : i32
      %dma_start3A_454 = arith.constant 0 : i32
      %dma_start3A_455 = tpu.memref_slice %arg10[%dma_start3A_453, %dma_start3A_454] : memref<208x64xf32, #tpu.memory_space<vmem>> -> memref<26x64xf32, #tpu.memory_space<vmem>>
      tpu.enqueue_dma source(%dma_start3A_455 : memref<26x64xf32, #tpu.memory_space<vmem>>) target(%dma_start3A_452 : memref<26x64xf32, #tpu.memory_space<hbm>>) target_semaphore(%arg14 : memref<!tpu.dma_semaphore, #tpu.memory_space<semaphore_mem>>)
      %add3A_456 = arith.constant 1 : i32
      %add3A_457 = arith.addi %mul3A_415, %add3A_456 : i32
      %dma_start3A_458 = arith.constant 26 : i32
      %dma_start3A_459 = arith.constant 0 : i32
      %dma_start3A_460 = tpu.memref_slice %arg10[%dma_start3A_458, %dma_start3A_459] : memref<208x64xf32, #tpu.memory_space<vmem>> -> memref<26x64xf32, #tpu.memory_space<vmem>>
      %dma_start3A_461 = arith.constant 0 : i32
      %dma_start3A_462 = arith.constant 0 : i32
      %dma_start3A_463 = tpu.memref_slice %arg4[%add3A_457, %dma_start3A_461, %dma_start3A_462] : memref<16384x26x64xf32, #tpu.memory_space<hbm>> -> memref<1x26x64xf32, #tpu.memory_space<hbm>>
      %dma_start3A_464 = tpu.memref_squeeze %dma_start3A_463 : memref<1x26x64xf32, #tpu.memory_space<hbm>> -> memref<26x64xf32, #tpu.memory_space<hbm>>
      %dma_start3A_465 = arith.constant 0 : i32
      %dma_start3A_466 = arith.constant 0 : i32
      %dma_start3A_467 = tpu.memref_slice %arg4[%add3A_457, %dma_start3A_465, %dma_start3A_466] : memref<16384x26x64xf32, #tpu.memory_space<hbm>> -> memref<1x26x64xf32, #tpu.memory_space<hbm>>
      %dma_start3A_468 = tpu.memref_squeeze %dma_start3A_467 : memref<1x26x64xf32, #tpu.memory_space<hbm>> -> memref<26x64xf32, #tpu.memory_space<hbm>>
      %dma_start3A_469 = arith.constant 26 : i32
      %dma_start3A_470 = arith.constant 0 : i32
      %dma_start3A_471 = tpu.memref_slice %arg10[%dma_start3A_469, %dma_start3A_470] : memref<208x64xf32, #tpu.memory_space<vmem>> -> memref<26x64xf32, #tpu.memory_space<vmem>>
      tpu.enqueue_dma source(%dma_start3A_471 : memref<26x64xf32, #tpu.memory_space<vmem>>) target(%dma_start3A_468 : memref<26x64xf32, #tpu.memory_space<hbm>>) target_semaphore(%arg14 : memref<!tpu.dma_semaphore, #tpu.memory_space<semaphore_mem>>)
      %add3A_472 = arith.constant 2 : i32
      %add3A_473 = arith.addi %mul3A_415, %add3A_472 : i32
      %dma_start3A_474 = arith.constant 52 : i32
      %dma_start3A_475 = arith.constant 0 : i32
      %dma_start3A_476 = tpu.memref_slice %arg10[%dma_start3A_474, %dma_start3A_475] : memref<208x64xf32, #tpu.memory_space<vmem>> -> memref<26x64xf32, #tpu.memory_space<vmem>>
      %dma_start3A_477 = arith.constant 0 : i32
      %dma_start3A_478 = arith.constant 0 : i32
      %dma_start3A_479 = tpu.memref_slice %arg4[%add3A_473, %dma_start3A_477, %dma_start3A_478] : memref<16384x26x64xf32, #tpu.memory_space<hbm>> -> memref<1x26x64xf32, #tpu.memory_space<hbm>>
      %dma_start3A_480 = tpu.memref_squeeze %dma_start3A_479 : memref<1x26x64xf32, #tpu.memory_space<hbm>> -> memref<26x64xf32, #tpu.memory_space<hbm>>
      %dma_start3A_481 = arith.constant 0 : i32
      %dma_start3A_482 = arith.constant 0 : i32
      %dma_start3A_483 = tpu.memref_slice %arg4[%add3A_473, %dma_start3A_481, %dma_start3A_482] : memref<16384x26x64xf32, #tpu.memory_space<hbm>> -> memref<1x26x64xf32, #tpu.memory_space<hbm>>
      %dma_start3A_484 = tpu.memref_squeeze %dma_start3A_483 : memref<1x26x64xf32, #tpu.memory_space<hbm>> -> memref<26x64xf32, #tpu.memory_space<hbm>>
      %dma_start3A_485 = arith.constant 52 : i32
      %dma_start3A_486 = arith.constant 0 : i32
      %dma_start3A_487 = tpu.memref_slice %arg10[%dma_start3A_485, %dma_start3A_486] : memref<208x64xf32, #tpu.memory_space<vmem>> -> memref<26x64xf32, #tpu.memory_space<vmem>>
      tpu.enqueue_dma source(%dma_start3A_487 : memref<26x64xf32, #tpu.memory_space<vmem>>) target(%dma_start3A_484 : memref<26x64xf32, #tpu.memory_space<hbm>>) target_semaphore(%arg14 : memref<!tpu.dma_semaphore, #tpu.memory_space<semaphore_mem>>)
      %add3A_488 = arith.constant 3 : i32
      %add3A_489 = arith.addi %mul3A_415, %add3A_488 : i32
      %dma_start3A_490 = arith.constant 78 : i32
      %dma_start3A_491 = arith.constant 0 : i32
      %dma_start3A_492 = tpu.memref_slice %arg10[%dma_start3A_490, %dma_start3A_491] : memref<208x64xf32, #tpu.memory_space<vmem>> -> memref<26x64xf32, #tpu.memory_space<vmem>>
      %dma_start3A_493 = arith.constant 0 : i32
      %dma_start3A_494 = arith.constant 0 : i32
      %dma_start3A_495 = tpu.memref_slice %arg4[%add3A_489, %dma_start3A_493, %dma_start3A_494] : memref<16384x26x64xf32, #tpu.memory_space<hbm>> -> memref<1x26x64xf32, #tpu.memory_space<hbm>>
      %dma_start3A_496 = tpu.memref_squeeze %dma_start3A_495 : memref<1x26x64xf32, #tpu.memory_space<hbm>> -> memref<26x64xf32, #tpu.memory_space<hbm>>
      %dma_start3A_497 = arith.constant 0 : i32
      %dma_start3A_498 = arith.constant 0 : i32
      %dma_start3A_499 = tpu.memref_slice %arg4[%add3A_489, %dma_start3A_497, %dma_start3A_498] : memref<16384x26x64xf32, #tpu.memory_space<hbm>> -> memref<1x26x64xf32, #tpu.memory_space<hbm>>
      %dma_start3A_500 = tpu.memref_squeeze %dma_start3A_499 : memref<1x26x64xf32, #tpu.memory_space<hbm>> -> memref<26x64xf32, #tpu.memory_space<hbm>>
      %dma_start3A_501 = arith.constant 78 : i32
      %dma_start3A_502 = arith.constant 0 : i32
      %dma_start3A_503 = tpu.memref_slice %arg10[%dma_start3A_501, %dma_start3A_502] : memref<208x64xf32, #tpu.memory_space<vmem>> -> memref<26x64xf32, #tpu.memory_space<vmem>>
      tpu.enqueue_dma source(%dma_start3A_503 : memref<26x64xf32, #tpu.memory_space<vmem>>) target(%dma_start3A_500 : memref<26x64xf32, #tpu.memory_space<hbm>>) target_semaphore(%arg14 : memref<!tpu.dma_semaphore, #tpu.memory_space<semaphore_mem>>)
      %add3A_504 = arith.constant 4 : i32
      %add3A_505 = arith.addi %mul3A_415, %add3A_504 : i32
      %dma_start3A_506 = arith.constant 104 : i32
      %dma_start3A_507 = arith.constant 0 : i32
      %dma_start3A_508 = tpu.memref_slice %arg10[%dma_start3A_506, %dma_start3A_507] : memref<208x64xf32, #tpu.memory_space<vmem>> -> memref<26x64xf32, #tpu.memory_space<vmem>>
      %dma_start3A_509 = arith.constant 0 : i32
      %dma_start3A_510 = arith.constant 0 : i32
      %dma_start3A_511 = tpu.memref_slice %arg4[%add3A_505, %dma_start3A_509, %dma_start3A_510] : memref<16384x26x64xf32, #tpu.memory_space<hbm>> -> memref<1x26x64xf32, #tpu.memory_space<hbm>>
      %dma_start3A_512 = tpu.memref_squeeze %dma_start3A_511 : memref<1x26x64xf32, #tpu.memory_space<hbm>> -> memref<26x64xf32, #tpu.memory_space<hbm>>
      %dma_start3A_513 = arith.constant 0 : i32
      %dma_start3A_514 = arith.constant 0 : i32
      %dma_start3A_515 = tpu.memref_slice %arg4[%add3A_505, %dma_start3A_513, %dma_start3A_514] : memref<16384x26x64xf32, #tpu.memory_space<hbm>> -> memref<1x26x64xf32, #tpu.memory_space<hbm>>
      %dma_start3A_516 = tpu.memref_squeeze %dma_start3A_515 : memref<1x26x64xf32, #tpu.memory_space<hbm>> -> memref<26x64xf32, #tpu.memory_space<hbm>>
      %dma_start3A_517 = arith.constant 104 : i32
      %dma_start3A_518 = arith.constant 0 : i32
      %dma_start3A_519 = tpu.memref_slice %arg10[%dma_start3A_517, %dma_start3A_518] : memref<208x64xf32, #tpu.memory_space<vmem>> -> memref<26x64xf32, #tpu.memory_space<vmem>>
      tpu.enqueue_dma source(%dma_start3A_519 : memref<26x64xf32, #tpu.memory_space<vmem>>) target(%dma_start3A_516 : memref<26x64xf32, #tpu.memory_space<hbm>>) target_semaphore(%arg14 : memref<!tpu.dma_semaphore, #tpu.memory_space<semaphore_mem>>)
      %add3A_520 = arith.constant 5 : i32
      %add3A_521 = arith.addi %mul3A_415, %add3A_520 : i32
      %dma_start3A_522 = arith.constant 130 : i32
      %dma_start3A_523 = arith.constant 0 : i32
      %dma_start3A_524 = tpu.memref_slice %arg10[%dma_start3A_522, %dma_start3A_523] : memref<208x64xf32, #tpu.memory_space<vmem>> -> memref<26x64xf32, #tpu.memory_space<vmem>>
      %dma_start3A_525 = arith.constant 0 : i32
      %dma_start3A_526 = arith.constant 0 : i32
      %dma_start3A_527 = tpu.memref_slice %arg4[%add3A_521, %dma_start3A_525, %dma_start3A_526] : memref<16384x26x64xf32, #tpu.memory_space<hbm>> -> memref<1x26x64xf32, #tpu.memory_space<hbm>>
      %dma_start3A_528 = tpu.memref_squeeze %dma_start3A_527 : memref<1x26x64xf32, #tpu.memory_space<hbm>> -> memref<26x64xf32, #tpu.memory_space<hbm>>
      %dma_start3A_529 = arith.constant 0 : i32
      %dma_start3A_530 = arith.constant 0 : i32
      %dma_start3A_531 = tpu.memref_slice %arg4[%add3A_521, %dma_start3A_529, %dma_start3A_530] : memref<16384x26x64xf32, #tpu.memory_space<hbm>> -> memref<1x26x64xf32, #tpu.memory_space<hbm>>
      %dma_start3A_532 = tpu.memref_squeeze %dma_start3A_531 : memref<1x26x64xf32, #tpu.memory_space<hbm>> -> memref<26x64xf32, #tpu.memory_space<hbm>>
      %dma_start3A_533 = arith.constant 130 : i32
      %dma_start3A_534 = arith.constant 0 : i32
      %dma_start3A_535 = tpu.memref_slice %arg10[%dma_start3A_533, %dma_start3A_534] : memref<208x64xf32, #tpu.memory_space<vmem>> -> memref<26x64xf32, #tpu.memory_space<vmem>>
      tpu.enqueue_dma source(%dma_start3A_535 : memref<26x64xf32, #tpu.memory_space<vmem>>) target(%dma_start3A_532 : memref<26x64xf32, #tpu.memory_space<hbm>>) target_semaphore(%arg14 : memref<!tpu.dma_semaphore, #tpu.memory_space<semaphore_mem>>)
      %add3A_536 = arith.constant 6 : i32
      %add3A_537 = arith.addi %mul3A_415, %add3A_536 : i32
      %dma_start3A_538 = arith.constant 156 : i32
      %dma_start3A_539 = arith.constant 0 : i32
      %dma_start3A_540 = tpu.memref_slice %arg10[%dma_start3A_538, %dma_start3A_539] : memref<208x64xf32, #tpu.memory_space<vmem>> -> memref<26x64xf32, #tpu.memory_space<vmem>>
      %dma_start3A_541 = arith.constant 0 : i32
      %dma_start3A_542 = arith.constant 0 : i32
      %dma_start3A_543 = tpu.memref_slice %arg4[%add3A_537, %dma_start3A_541, %dma_start3A_542] : memref<16384x26x64xf32, #tpu.memory_space<hbm>> -> memref<1x26x64xf32, #tpu.memory_space<hbm>>
      %dma_start3A_544 = tpu.memref_squeeze %dma_start3A_543 : memref<1x26x64xf32, #tpu.memory_space<hbm>> -> memref<26x64xf32, #tpu.memory_space<hbm>>
      %dma_start3A_545 = arith.constant 0 : i32
      %dma_start3A_546 = arith.constant 0 : i32
      %dma_start3A_547 = tpu.memref_slice %arg4[%add3A_537, %dma_start3A_545, %dma_start3A_546] : memref<16384x26x64xf32, #tpu.memory_space<hbm>> -> memref<1x26x64xf32, #tpu.memory_space<hbm>>
      %dma_start3A_548 = tpu.memref_squeeze %dma_start3A_547 : memref<1x26x64xf32, #tpu.memory_space<hbm>> -> memref<26x64xf32, #tpu.memory_space<hbm>>
      %dma_start3A_549 = arith.constant 156 : i32
      %dma_start3A_550 = arith.constant 0 : i32
      %dma_start3A_551 = tpu.memref_slice %arg10[%dma_start3A_549, %dma_start3A_550] : memref<208x64xf32, #tpu.memory_space<vmem>> -> memref<26x64xf32, #tpu.memory_space<vmem>>
      tpu.enqueue_dma source(%dma_start3A_551 : memref<26x64xf32, #tpu.memory_space<vmem>>) target(%dma_start3A_548 : memref<26x64xf32, #tpu.memory_space<hbm>>) target_semaphore(%arg14 : memref<!tpu.dma_semaphore, #tpu.memory_space<semaphore_mem>>)
      %add3A_552 = arith.constant 7 : i32
      %add3A_553 = arith.addi %mul3A_415, %add3A_552 : i32
      %dma_start3A_554 = arith.constant 182 : i32
      %dma_start3A_555 = arith.constant 0 : i32
      %dma_start3A_556 = tpu.memref_slice %arg10[%dma_start3A_554, %dma_start3A_555] : memref<208x64xf32, #tpu.memory_space<vmem>> -> memref<26x64xf32, #tpu.memory_space<vmem>>
      %dma_start3A_557 = arith.constant 0 : i32
      %dma_start3A_558 = arith.constant 0 : i32
      %dma_start3A_559 = tpu.memref_slice %arg4[%add3A_553, %dma_start3A_557, %dma_start3A_558] : memref<16384x26x64xf32, #tpu.memory_space<hbm>> -> memref<1x26x64xf32, #tpu.memory_space<hbm>>
      %dma_start3A_560 = tpu.memref_squeeze %dma_start3A_559 : memref<1x26x64xf32, #tpu.memory_space<hbm>> -> memref<26x64xf32, #tpu.memory_space<hbm>>
      %dma_start3A_561 = arith.constant 0 : i32
      %dma_start3A_562 = arith.constant 0 : i32
      %dma_start3A_563 = tpu.memref_slice %arg4[%add3A_553, %dma_start3A_561, %dma_start3A_562] : memref<16384x26x64xf32, #tpu.memory_space<hbm>> -> memref<1x26x64xf32, #tpu.memory_space<hbm>>
      %dma_start3A_564 = tpu.memref_squeeze %dma_start3A_563 : memref<1x26x64xf32, #tpu.memory_space<hbm>> -> memref<26x64xf32, #tpu.memory_space<hbm>>
      %dma_start3A_565 = arith.constant 182 : i32
      %dma_start3A_566 = arith.constant 0 : i32
      %dma_start3A_567 = tpu.memref_slice %arg10[%dma_start3A_565, %dma_start3A_566] : memref<208x64xf32, #tpu.memory_space<vmem>> -> memref<26x64xf32, #tpu.memory_space<vmem>>
      tpu.enqueue_dma source(%dma_start3A_567 : memref<26x64xf32, #tpu.memory_space<vmem>>) target(%dma_start3A_564 : memref<26x64xf32, #tpu.memory_space<hbm>>) target_semaphore(%arg14 : memref<!tpu.dma_semaphore, #tpu.memory_space<semaphore_mem>>)
    }
    %scan3A_15 = arith.constant 32 : i32
    %dma_wait3A = arith.constant 0 : i32
    %dma_wait3A_16 = arith.constant 0 : i32
    %dma_wait3A_17 = arith.constant 0 : i32
    %dma_wait3A_18 = tpu.memref_slice %arg9[%dma_wait3A_16, %dma_wait3A_17] : memref<208x64xf32, #tpu.memory_space<vmem>> -> memref<26x64xf32, #tpu.memory_space<vmem>>
    %dma_wait3A_19 = arith.constant 0 : i32
    %dma_wait3A_20 = arith.constant 0 : i32
    %dma_wait3A_21 = tpu.memref_slice %arg4[%dma_wait3A, %dma_wait3A_19, %dma_wait3A_20] : memref<16384x26x64xf32, #tpu.memory_space<hbm>> -> memref<1x26x64xf32, #tpu.memory_space<hbm>>
    %dma_wait3A_22 = tpu.memref_squeeze %dma_wait3A_21 : memref<1x26x64xf32, #tpu.memory_space<hbm>> -> memref<26x64xf32, #tpu.memory_space<hbm>>
    %dma_wait3A_23 = arith.constant 0 : i32
    %dma_wait3A_24 = arith.constant 0 : i32
    %dma_wait3A_25 = tpu.memref_slice %arg4[%dma_wait3A, %dma_wait3A_23, %dma_wait3A_24] : memref<16384x26x64xf32, #tpu.memory_space<hbm>> -> memref<1x26x64xf32, #tpu.memory_space<hbm>>
    %dma_wait3A_26 = tpu.memref_squeeze %dma_wait3A_25 : memref<1x26x64xf32, #tpu.memory_space<hbm>> -> memref<26x64xf32, #tpu.memory_space<hbm>>
    %dma_wait3A_27 = arith.constant 0 : i32
    %dma_wait3A_28 = arith.constant 0 : i32
    %dma_wait3A_29 = tpu.memref_slice %arg9[%dma_wait3A_27, %dma_wait3A_28] : memref<208x64xf32, #tpu.memory_space<vmem>> -> memref<26x64xf32, #tpu.memory_space<vmem>>
    tpu.wait_dma2 semaphore(%arg13 : memref<!tpu.dma_semaphore, #tpu.memory_space<semaphore_mem>>) src(%dma_wait3A_29 : memref<26x64xf32, #tpu.memory_space<vmem>>) dst(%dma_wait3A_26 : memref<26x64xf32, #tpu.memory_space<hbm>>)
    %dma_wait3A_30 = arith.constant 0 : i32
    %dma_wait3A_31 = arith.constant 26 : i32
    %dma_wait3A_32 = arith.constant 0 : i32
    %dma_wait3A_33 = tpu.memref_slice %arg9[%dma_wait3A_31, %dma_wait3A_32] : memref<208x64xf32, #tpu.memory_space<vmem>> -> memref<26x64xf32, #tpu.memory_space<vmem>>
    %dma_wait3A_34 = arith.constant 0 : i32
    %dma_wait3A_35 = arith.constant 0 : i32
    %dma_wait3A_36 = tpu.memref_slice %arg4[%dma_wait3A_30, %dma_wait3A_34, %dma_wait3A_35] : memref<16384x26x64xf32, #tpu.memory_space<hbm>> -> memref<1x26x64xf32, #tpu.memory_space<hbm>>
    %dma_wait3A_37 = tpu.memref_squeeze %dma_wait3A_36 : memref<1x26x64xf32, #tpu.memory_space<hbm>> -> memref<26x64xf32, #tpu.memory_space<hbm>>
    %dma_wait3A_38 = arith.constant 0 : i32
    %dma_wait3A_39 = arith.constant 0 : i32
    %dma_wait3A_40 = tpu.memref_slice %arg4[%dma_wait3A_30, %dma_wait3A_38, %dma_wait3A_39] : memref<16384x26x64xf32, #tpu.memory_space<hbm>> -> memref<1x26x64xf32, #tpu.memory_space<hbm>>
    %dma_wait3A_41 = tpu.memref_squeeze %dma_wait3A_40 : memref<1x26x64xf32, #tpu.memory_space<hbm>> -> memref<26x64xf32, #tpu.memory_space<hbm>>
    %dma_wait3A_42 = arith.constant 26 : i32
    %dma_wait3A_43 = arith.constant 0 : i32
    %dma_wait3A_44 = tpu.memref_slice %arg9[%dma_wait3A_42, %dma_wait3A_43] : memref<208x64xf32, #tpu.memory_space<vmem>> -> memref<26x64xf32, #tpu.memory_space<vmem>>
    tpu.wait_dma2 semaphore(%arg13 : memref<!tpu.dma_semaphore, #tpu.memory_space<semaphore_mem>>) src(%dma_wait3A_44 : memref<26x64xf32, #tpu.memory_space<vmem>>) dst(%dma_wait3A_41 : memref<26x64xf32, #tpu.memory_space<hbm>>)
    %dma_wait3A_45 = arith.constant 0 : i32
    %dma_wait3A_46 = arith.constant 52 : i32
    %dma_wait3A_47 = arith.constant 0 : i32
    %dma_wait3A_48 = tpu.memref_slice %arg9[%dma_wait3A_46, %dma_wait3A_47] : memref<208x64xf32, #tpu.memory_space<vmem>> -> memref<26x64xf32, #tpu.memory_space<vmem>>
    %dma_wait3A_49 = arith.constant 0 : i32
    %dma_wait3A_50 = arith.constant 0 : i32
    %dma_wait3A_51 = tpu.memref_slice %arg4[%dma_wait3A_45, %dma_wait3A_49, %dma_wait3A_50] : memref<16384x26x64xf32, #tpu.memory_space<hbm>> -> memref<1x26x64xf32, #tpu.memory_space<hbm>>
    %dma_wait3A_52 = tpu.memref_squeeze %dma_wait3A_51 : memref<1x26x64xf32, #tpu.memory_space<hbm>> -> memref<26x64xf32, #tpu.memory_space<hbm>>
    %dma_wait3A_53 = arith.constant 0 : i32
    %dma_wait3A_54 = arith.constant 0 : i32
    %dma_wait3A_55 = tpu.memref_slice %arg4[%dma_wait3A_45, %dma_wait3A_53, %dma_wait3A_54] : memref<16384x26x64xf32, #tpu.memory_space<hbm>> -> memref<1x26x64xf32, #tpu.memory_space<hbm>>
    %dma_wait3A_56 = tpu.memref_squeeze %dma_wait3A_55 : memref<1x26x64xf32, #tpu.memory_space<hbm>> -> memref<26x64xf32, #tpu.memory_space<hbm>>
    %dma_wait3A_57 = arith.constant 52 : i32
    %dma_wait3A_58 = arith.constant 0 : i32
    %dma_wait3A_59 = tpu.memref_slice %arg9[%dma_wait3A_57, %dma_wait3A_58] : memref<208x64xf32, #tpu.memory_space<vmem>> -> memref<26x64xf32, #tpu.memory_space<vmem>>
    tpu.wait_dma2 semaphore(%arg13 : memref<!tpu.dma_semaphore, #tpu.memory_space<semaphore_mem>>) src(%dma_wait3A_59 : memref<26x64xf32, #tpu.memory_space<vmem>>) dst(%dma_wait3A_56 : memref<26x64xf32, #tpu.memory_space<hbm>>)
    %dma_wait3A_60 = arith.constant 0 : i32
    %dma_wait3A_61 = arith.constant 78 : i32
    %dma_wait3A_62 = arith.constant 0 : i32
    %dma_wait3A_63 = tpu.memref_slice %arg9[%dma_wait3A_61, %dma_wait3A_62] : memref<208x64xf32, #tpu.memory_space<vmem>> -> memref<26x64xf32, #tpu.memory_space<vmem>>
    %dma_wait3A_64 = arith.constant 0 : i32
    %dma_wait3A_65 = arith.constant 0 : i32
    %dma_wait3A_66 = tpu.memref_slice %arg4[%dma_wait3A_60, %dma_wait3A_64, %dma_wait3A_65] : memref<16384x26x64xf32, #tpu.memory_space<hbm>> -> memref<1x26x64xf32, #tpu.memory_space<hbm>>
    %dma_wait3A_67 = tpu.memref_squeeze %dma_wait3A_66 : memref<1x26x64xf32, #tpu.memory_space<hbm>> -> memref<26x64xf32, #tpu.memory_space<hbm>>
    %dma_wait3A_68 = arith.constant 0 : i32
    %dma_wait3A_69 = arith.constant 0 : i32
    %dma_wait3A_70 = tpu.memref_slice %arg4[%dma_wait3A_60, %dma_wait3A_68, %dma_wait3A_69] : memref<16384x26x64xf32, #tpu.memory_space<hbm>> -> memref<1x26x64xf32, #tpu.memory_space<hbm>>
    %dma_wait3A_71 = tpu.memref_squeeze %dma_wait3A_70 : memref<1x26x64xf32, #tpu.memory_space<hbm>> -> memref<26x64xf32, #tpu.memory_space<hbm>>
    %dma_wait3A_72 = arith.constant 78 : i32
    %dma_wait3A_73 = arith.constant 0 : i32
    %dma_wait3A_74 = tpu.memref_slice %arg9[%dma_wait3A_72, %dma_wait3A_73] : memref<208x64xf32, #tpu.memory_space<vmem>> -> memref<26x64xf32, #tpu.memory_space<vmem>>
    tpu.wait_dma2 semaphore(%arg13 : memref<!tpu.dma_semaphore, #tpu.memory_space<semaphore_mem>>) src(%dma_wait3A_74 : memref<26x64xf32, #tpu.memory_space<vmem>>) dst(%dma_wait3A_71 : memref<26x64xf32, #tpu.memory_space<hbm>>)
    %dma_wait3A_75 = arith.constant 0 : i32
    %dma_wait3A_76 = arith.constant 104 : i32
    %dma_wait3A_77 = arith.constant 0 : i32
    %dma_wait3A_78 = tpu.memref_slice %arg9[%dma_wait3A_76, %dma_wait3A_77] : memref<208x64xf32, #tpu.memory_space<vmem>> -> memref<26x64xf32, #tpu.memory_space<vmem>>
    %dma_wait3A_79 = arith.constant 0 : i32
    %dma_wait3A_80 = arith.constant 0 : i32
    %dma_wait3A_81 = tpu.memref_slice %arg4[%dma_wait3A_75, %dma_wait3A_79, %dma_wait3A_80] : memref<16384x26x64xf32, #tpu.memory_space<hbm>> -> memref<1x26x64xf32, #tpu.memory_space<hbm>>
    %dma_wait3A_82 = tpu.memref_squeeze %dma_wait3A_81 : memref<1x26x64xf32, #tpu.memory_space<hbm>> -> memref<26x64xf32, #tpu.memory_space<hbm>>
    %dma_wait3A_83 = arith.constant 0 : i32
    %dma_wait3A_84 = arith.constant 0 : i32
    %dma_wait3A_85 = tpu.memref_slice %arg4[%dma_wait3A_75, %dma_wait3A_83, %dma_wait3A_84] : memref<16384x26x64xf32, #tpu.memory_space<hbm>> -> memref<1x26x64xf32, #tpu.memory_space<hbm>>
    %dma_wait3A_86 = tpu.memref_squeeze %dma_wait3A_85 : memref<1x26x64xf32, #tpu.memory_space<hbm>> -> memref<26x64xf32, #tpu.memory_space<hbm>>
    %dma_wait3A_87 = arith.constant 104 : i32
    %dma_wait3A_88 = arith.constant 0 : i32
    %dma_wait3A_89 = tpu.memref_slice %arg9[%dma_wait3A_87, %dma_wait3A_88] : memref<208x64xf32, #tpu.memory_space<vmem>> -> memref<26x64xf32, #tpu.memory_space<vmem>>
    tpu.wait_dma2 semaphore(%arg13 : memref<!tpu.dma_semaphore, #tpu.memory_space<semaphore_mem>>) src(%dma_wait3A_89 : memref<26x64xf32, #tpu.memory_space<vmem>>) dst(%dma_wait3A_86 : memref<26x64xf32, #tpu.memory_space<hbm>>)
    %dma_wait3A_90 = arith.constant 0 : i32
    %dma_wait3A_91 = arith.constant 130 : i32
    %dma_wait3A_92 = arith.constant 0 : i32
    %dma_wait3A_93 = tpu.memref_slice %arg9[%dma_wait3A_91, %dma_wait3A_92] : memref<208x64xf32, #tpu.memory_space<vmem>> -> memref<26x64xf32, #tpu.memory_space<vmem>>
    %dma_wait3A_94 = arith.constant 0 : i32
    %dma_wait3A_95 = arith.constant 0 : i32
    %dma_wait3A_96 = tpu.memref_slice %arg4[%dma_wait3A_90, %dma_wait3A_94, %dma_wait3A_95] : memref<16384x26x64xf32, #tpu.memory_space<hbm>> -> memref<1x26x64xf32, #tpu.memory_space<hbm>>
    %dma_wait3A_97 = tpu.memref_squeeze %dma_wait3A_96 : memref<1x26x64xf32, #tpu.memory_space<hbm>> -> memref<26x64xf32, #tpu.memory_space<hbm>>
    %dma_wait3A_98 = arith.constant 0 : i32
    %dma_wait3A_99 = arith.constant 0 : i32
    %dma_wait3A_100 = tpu.memref_slice %arg4[%dma_wait3A_90, %dma_wait3A_98, %dma_wait3A_99] : memref<16384x26x64xf32, #tpu.memory_space<hbm>> -> memref<1x26x64xf32, #tpu.memory_space<hbm>>
    %dma_wait3A_101 = tpu.memref_squeeze %dma_wait3A_100 : memref<1x26x64xf32, #tpu.memory_space<hbm>> -> memref<26x64xf32, #tpu.memory_space<hbm>>
    %dma_wait3A_102 = arith.constant 130 : i32
    %dma_wait3A_103 = arith.constant 0 : i32
    %dma_wait3A_104 = tpu.memref_slice %arg9[%dma_wait3A_102, %dma_wait3A_103] : memref<208x64xf32, #tpu.memory_space<vmem>> -> memref<26x64xf32, #tpu.memory_space<vmem>>
    tpu.wait_dma2 semaphore(%arg13 : memref<!tpu.dma_semaphore, #tpu.memory_space<semaphore_mem>>) src(%dma_wait3A_104 : memref<26x64xf32, #tpu.memory_space<vmem>>) dst(%dma_wait3A_101 : memref<26x64xf32, #tpu.memory_space<hbm>>)
    %dma_wait3A_105 = arith.constant 0 : i32
    %dma_wait3A_106 = arith.constant 156 : i32
    %dma_wait3A_107 = arith.constant 0 : i32
    %dma_wait3A_108 = tpu.memref_slice %arg9[%dma_wait3A_106, %dma_wait3A_107] : memref<208x64xf32, #tpu.memory_space<vmem>> -> memref<26x64xf32, #tpu.memory_space<vmem>>
    %dma_wait3A_109 = arith.constant 0 : i32
    %dma_wait3A_110 = arith.constant 0 : i32
    %dma_wait3A_111 = tpu.memref_slice %arg4[%dma_wait3A_105, %dma_wait3A_109, %dma_wait3A_110] : memref<16384x26x64xf32, #tpu.memory_space<hbm>> -> memref<1x26x64xf32, #tpu.memory_space<hbm>>
    %dma_wait3A_112 = tpu.memref_squeeze %dma_wait3A_111 : memref<1x26x64xf32, #tpu.memory_space<hbm>> -> memref<26x64xf32, #tpu.memory_space<hbm>>
    %dma_wait3A_113 = arith.constant 0 : i32
    %dma_wait3A_114 = arith.constant 0 : i32
    %dma_wait3A_115 = tpu.memref_slice %arg4[%dma_wait3A_105, %dma_wait3A_113, %dma_wait3A_114] : memref<16384x26x64xf32, #tpu.memory_space<hbm>> -> memref<1x26x64xf32, #tpu.memory_space<hbm>>
    %dma_wait3A_116 = tpu.memref_squeeze %dma_wait3A_115 : memref<1x26x64xf32, #tpu.memory_space<hbm>> -> memref<26x64xf32, #tpu.memory_space<hbm>>
    %dma_wait3A_117 = arith.constant 156 : i32
    %dma_wait3A_118 = arith.constant 0 : i32
    %dma_wait3A_119 = tpu.memref_slice %arg9[%dma_wait3A_117, %dma_wait3A_118] : memref<208x64xf32, #tpu.memory_space<vmem>> -> memref<26x64xf32, #tpu.memory_space<vmem>>
    tpu.wait_dma2 semaphore(%arg13 : memref<!tpu.dma_semaphore, #tpu.memory_space<semaphore_mem>>) src(%dma_wait3A_119 : memref<26x64xf32, #tpu.memory_space<vmem>>) dst(%dma_wait3A_116 : memref<26x64xf32, #tpu.memory_space<hbm>>)
    %dma_wait3A_120 = arith.constant 0 : i32
    %dma_wait3A_121 = arith.constant 182 : i32
    %dma_wait3A_122 = arith.constant 0 : i32
    %dma_wait3A_123 = tpu.memref_slice %arg9[%dma_wait3A_121, %dma_wait3A_122] : memref<208x64xf32, #tpu.memory_space<vmem>> -> memref<26x64xf32, #tpu.memory_space<vmem>>
    %dma_wait3A_124 = arith.constant 0 : i32
    %dma_wait3A_125 = arith.constant 0 : i32
    %dma_wait3A_126 = tpu.memref_slice %arg4[%dma_wait3A_120, %dma_wait3A_124, %dma_wait3A_125] : memref<16384x26x64xf32, #tpu.memory_space<hbm>> -> memref<1x26x64xf32, #tpu.memory_space<hbm>>
    %dma_wait3A_127 = tpu.memref_squeeze %dma_wait3A_126 : memref<1x26x64xf32, #tpu.memory_space<hbm>> -> memref<26x64xf32, #tpu.memory_space<hbm>>
    %dma_wait3A_128 = arith.constant 0 : i32
    %dma_wait3A_129 = arith.constant 0 : i32
    %dma_wait3A_130 = tpu.memref_slice %arg4[%dma_wait3A_120, %dma_wait3A_128, %dma_wait3A_129] : memref<16384x26x64xf32, #tpu.memory_space<hbm>> -> memref<1x26x64xf32, #tpu.memory_space<hbm>>
    %dma_wait3A_131 = tpu.memref_squeeze %dma_wait3A_130 : memref<1x26x64xf32, #tpu.memory_space<hbm>> -> memref<26x64xf32, #tpu.memory_space<hbm>>
    %dma_wait3A_132 = arith.constant 182 : i32
    %dma_wait3A_133 = arith.constant 0 : i32
    %dma_wait3A_134 = tpu.memref_slice %arg9[%dma_wait3A_132, %dma_wait3A_133] : memref<208x64xf32, #tpu.memory_space<vmem>> -> memref<26x64xf32, #tpu.memory_space<vmem>>
    tpu.wait_dma2 semaphore(%arg13 : memref<!tpu.dma_semaphore, #tpu.memory_space<semaphore_mem>>) src(%dma_wait3A_134 : memref<26x64xf32, #tpu.memory_space<vmem>>) dst(%dma_wait3A_131 : memref<26x64xf32, #tpu.memory_space<hbm>>)
    %dma_wait3A_135 = arith.constant 0 : i32
    %dma_wait3A_136 = arith.constant 0 : i32
    %dma_wait3A_137 = arith.constant 0 : i32
    %dma_wait3A_138 = tpu.memref_slice %arg10[%dma_wait3A_136, %dma_wait3A_137] : memref<208x64xf32, #tpu.memory_space<vmem>> -> memref<26x64xf32, #tpu.memory_space<vmem>>
    %dma_wait3A_139 = arith.constant 0 : i32
    %dma_wait3A_140 = arith.constant 0 : i32
    %dma_wait3A_141 = tpu.memref_slice %arg4[%dma_wait3A_135, %dma_wait3A_139, %dma_wait3A_140] : memref<16384x26x64xf32, #tpu.memory_space<hbm>> -> memref<1x26x64xf32, #tpu.memory_space<hbm>>
    %dma_wait3A_142 = tpu.memref_squeeze %dma_wait3A_141 : memref<1x26x64xf32, #tpu.memory_space<hbm>> -> memref<26x64xf32, #tpu.memory_space<hbm>>
    %dma_wait3A_143 = arith.constant 0 : i32
    %dma_wait3A_144 = arith.constant 0 : i32
    %dma_wait3A_145 = tpu.memref_slice %arg4[%dma_wait3A_135, %dma_wait3A_143, %dma_wait3A_144] : memref<16384x26x64xf32, #tpu.memory_space<hbm>> -> memref<1x26x64xf32, #tpu.memory_space<hbm>>
    %dma_wait3A_146 = tpu.memref_squeeze %dma_wait3A_145 : memref<1x26x64xf32, #tpu.memory_space<hbm>> -> memref<26x64xf32, #tpu.memory_space<hbm>>
    %dma_wait3A_147 = arith.constant 0 : i32
    %dma_wait3A_148 = arith.constant 0 : i32
    %dma_wait3A_149 = tpu.memref_slice %arg10[%dma_wait3A_147, %dma_wait3A_148] : memref<208x64xf32, #tpu.memory_space<vmem>> -> memref<26x64xf32, #tpu.memory_space<vmem>>
    tpu.wait_dma2 semaphore(%arg14 : memref<!tpu.dma_semaphore, #tpu.memory_space<semaphore_mem>>) src(%dma_wait3A_149 : memref<26x64xf32, #tpu.memory_space<vmem>>) dst(%dma_wait3A_146 : memref<26x64xf32, #tpu.memory_space<hbm>>)
    %dma_wait3A_150 = arith.constant 0 : i32
    %dma_wait3A_151 = arith.constant 26 : i32
    %dma_wait3A_152 = arith.constant 0 : i32
    %dma_wait3A_153 = tpu.memref_slice %arg10[%dma_wait3A_151, %dma_wait3A_152] : memref<208x64xf32, #tpu.memory_space<vmem>> -> memref<26x64xf32, #tpu.memory_space<vmem>>
    %dma_wait3A_154 = arith.constant 0 : i32
    %dma_wait3A_155 = arith.constant 0 : i32
    %dma_wait3A_156 = tpu.memref_slice %arg4[%dma_wait3A_150, %dma_wait3A_154, %dma_wait3A_155] : memref<16384x26x64xf32, #tpu.memory_space<hbm>> -> memref<1x26x64xf32, #tpu.memory_space<hbm>>
    %dma_wait3A_157 = tpu.memref_squeeze %dma_wait3A_156 : memref<1x26x64xf32, #tpu.memory_space<hbm>> -> memref<26x64xf32, #tpu.memory_space<hbm>>
    %dma_wait3A_158 = arith.constant 0 : i32
    %dma_wait3A_159 = arith.constant 0 : i32
    %dma_wait3A_160 = tpu.memref_slice %arg4[%dma_wait3A_150, %dma_wait3A_158, %dma_wait3A_159] : memref<16384x26x64xf32, #tpu.memory_space<hbm>> -> memref<1x26x64xf32, #tpu.memory_space<hbm>>
    %dma_wait3A_161 = tpu.memref_squeeze %dma_wait3A_160 : memref<1x26x64xf32, #tpu.memory_space<hbm>> -> memref<26x64xf32, #tpu.memory_space<hbm>>
    %dma_wait3A_162 = arith.constant 26 : i32
    %dma_wait3A_163 = arith.constant 0 : i32
    %dma_wait3A_164 = tpu.memref_slice %arg10[%dma_wait3A_162, %dma_wait3A_163] : memref<208x64xf32, #tpu.memory_space<vmem>> -> memref<26x64xf32, #tpu.memory_space<vmem>>
    tpu.wait_dma2 semaphore(%arg14 : memref<!tpu.dma_semaphore, #tpu.memory_space<semaphore_mem>>) src(%dma_wait3A_164 : memref<26x64xf32, #tpu.memory_space<vmem>>) dst(%dma_wait3A_161 : memref<26x64xf32, #tpu.memory_space<hbm>>)
    %dma_wait3A_165 = arith.constant 0 : i32
    %dma_wait3A_166 = arith.constant 52 : i32
    %dma_wait3A_167 = arith.constant 0 : i32
    %dma_wait3A_168 = tpu.memref_slice %arg10[%dma_wait3A_166, %dma_wait3A_167] : memref<208x64xf32, #tpu.memory_space<vmem>> -> memref<26x64xf32, #tpu.memory_space<vmem>>
    %dma_wait3A_169 = arith.constant 0 : i32
    %dma_wait3A_170 = arith.constant 0 : i32
    %dma_wait3A_171 = tpu.memref_slice %arg4[%dma_wait3A_165, %dma_wait3A_169, %dma_wait3A_170] : memref<16384x26x64xf32, #tpu.memory_space<hbm>> -> memref<1x26x64xf32, #tpu.memory_space<hbm>>
    %dma_wait3A_172 = tpu.memref_squeeze %dma_wait3A_171 : memref<1x26x64xf32, #tpu.memory_space<hbm>> -> memref<26x64xf32, #tpu.memory_space<hbm>>
    %dma_wait3A_173 = arith.constant 0 : i32
    %dma_wait3A_174 = arith.constant 0 : i32
    %dma_wait3A_175 = tpu.memref_slice %arg4[%dma_wait3A_165, %dma_wait3A_173, %dma_wait3A_174] : memref<16384x26x64xf32, #tpu.memory_space<hbm>> -> memref<1x26x64xf32, #tpu.memory_space<hbm>>
    %dma_wait3A_176 = tpu.memref_squeeze %dma_wait3A_175 : memref<1x26x64xf32, #tpu.memory_space<hbm>> -> memref<26x64xf32, #tpu.memory_space<hbm>>
    %dma_wait3A_177 = arith.constant 52 : i32
    %dma_wait3A_178 = arith.constant 0 : i32
    %dma_wait3A_179 = tpu.memref_slice %arg10[%dma_wait3A_177, %dma_wait3A_178] : memref<208x64xf32, #tpu.memory_space<vmem>> -> memref<26x64xf32, #tpu.memory_space<vmem>>
    tpu.wait_dma2 semaphore(%arg14 : memref<!tpu.dma_semaphore, #tpu.memory_space<semaphore_mem>>) src(%dma_wait3A_179 : memref<26x64xf32, #tpu.memory_space<vmem>>) dst(%dma_wait3A_176 : memref<26x64xf32, #tpu.memory_space<hbm>>)
    %dma_wait3A_180 = arith.constant 0 : i32
    %dma_wait3A_181 = arith.constant 78 : i32
    %dma_wait3A_182 = arith.constant 0 : i32
    %dma_wait3A_183 = tpu.memref_slice %arg10[%dma_wait3A_181, %dma_wait3A_182] : memref<208x64xf32, #tpu.memory_space<vmem>> -> memref<26x64xf32, #tpu.memory_space<vmem>>
    %dma_wait3A_184 = arith.constant 0 : i32
    %dma_wait3A_185 = arith.constant 0 : i32
    %dma_wait3A_186 = tpu.memref_slice %arg4[%dma_wait3A_180, %dma_wait3A_184, %dma_wait3A_185] : memref<16384x26x64xf32, #tpu.memory_space<hbm>> -> memref<1x26x64xf32, #tpu.memory_space<hbm>>
    %dma_wait3A_187 = tpu.memref_squeeze %dma_wait3A_186 : memref<1x26x64xf32, #tpu.memory_space<hbm>> -> memref<26x64xf32, #tpu.memory_space<hbm>>
    %dma_wait3A_188 = arith.constant 0 : i32
    %dma_wait3A_189 = arith.constant 0 : i32
    %dma_wait3A_190 = tpu.memref_slice %arg4[%dma_wait3A_180, %dma_wait3A_188, %dma_wait3A_189] : memref<16384x26x64xf32, #tpu.memory_space<hbm>> -> memref<1x26x64xf32, #tpu.memory_space<hbm>>
    %dma_wait3A_191 = tpu.memref_squeeze %dma_wait3A_190 : memref<1x26x64xf32, #tpu.memory_space<hbm>> -> memref<26x64xf32, #tpu.memory_space<hbm>>
    %dma_wait3A_192 = arith.constant 78 : i32
    %dma_wait3A_193 = arith.constant 0 : i32
    %dma_wait3A_194 = tpu.memref_slice %arg10[%dma_wait3A_192, %dma_wait3A_193] : memref<208x64xf32, #tpu.memory_space<vmem>> -> memref<26x64xf32, #tpu.memory_space<vmem>>
    tpu.wait_dma2 semaphore(%arg14 : memref<!tpu.dma_semaphore, #tpu.memory_space<semaphore_mem>>) src(%dma_wait3A_194 : memref<26x64xf32, #tpu.memory_space<vmem>>) dst(%dma_wait3A_191 : memref<26x64xf32, #tpu.memory_space<hbm>>)
    %dma_wait3A_195 = arith.constant 0 : i32
    %dma_wait3A_196 = arith.constant 104 : i32
    %dma_wait3A_197 = arith.constant 0 : i32
    %dma_wait3A_198 = tpu.memref_slice %arg10[%dma_wait3A_196, %dma_wait3A_197] : memref<208x64xf32, #tpu.memory_space<vmem>> -> memref<26x64xf32, #tpu.memory_space<vmem>>
    %dma_wait3A_199 = arith.constant 0 : i32
    %dma_wait3A_200 = arith.constant 0 : i32
    %dma_wait3A_201 = tpu.memref_slice %arg4[%dma_wait3A_195, %dma_wait3A_199, %dma_wait3A_200] : memref<16384x26x64xf32, #tpu.memory_space<hbm>> -> memref<1x26x64xf32, #tpu.memory_space<hbm>>
    %dma_wait3A_202 = tpu.memref_squeeze %dma_wait3A_201 : memref<1x26x64xf32, #tpu.memory_space<hbm>> -> memref<26x64xf32, #tpu.memory_space<hbm>>
    %dma_wait3A_203 = arith.constant 0 : i32
    %dma_wait3A_204 = arith.constant 0 : i32
    %dma_wait3A_205 = tpu.memref_slice %arg4[%dma_wait3A_195, %dma_wait3A_203, %dma_wait3A_204] : memref<16384x26x64xf32, #tpu.memory_space<hbm>> -> memref<1x26x64xf32, #tpu.memory_space<hbm>>
    %dma_wait3A_206 = tpu.memref_squeeze %dma_wait3A_205 : memref<1x26x64xf32, #tpu.memory_space<hbm>> -> memref<26x64xf32, #tpu.memory_space<hbm>>
    %dma_wait3A_207 = arith.constant 104 : i32
    %dma_wait3A_208 = arith.constant 0 : i32
    %dma_wait3A_209 = tpu.memref_slice %arg10[%dma_wait3A_207, %dma_wait3A_208] : memref<208x64xf32, #tpu.memory_space<vmem>> -> memref<26x64xf32, #tpu.memory_space<vmem>>
    tpu.wait_dma2 semaphore(%arg14 : memref<!tpu.dma_semaphore, #tpu.memory_space<semaphore_mem>>) src(%dma_wait3A_209 : memref<26x64xf32, #tpu.memory_space<vmem>>) dst(%dma_wait3A_206 : memref<26x64xf32, #tpu.memory_space<hbm>>)
    %dma_wait3A_210 = arith.constant 0 : i32
    %dma_wait3A_211 = arith.constant 130 : i32
    %dma_wait3A_212 = arith.constant 0 : i32
    %dma_wait3A_213 = tpu.memref_slice %arg10[%dma_wait3A_211, %dma_wait3A_212] : memref<208x64xf32, #tpu.memory_space<vmem>> -> memref<26x64xf32, #tpu.memory_space<vmem>>
    %dma_wait3A_214 = arith.constant 0 : i32
    %dma_wait3A_215 = arith.constant 0 : i32
    %dma_wait3A_216 = tpu.memref_slice %arg4[%dma_wait3A_210, %dma_wait3A_214, %dma_wait3A_215] : memref<16384x26x64xf32, #tpu.memory_space<hbm>> -> memref<1x26x64xf32, #tpu.memory_space<hbm>>
    %dma_wait3A_217 = tpu.memref_squeeze %dma_wait3A_216 : memref<1x26x64xf32, #tpu.memory_space<hbm>> -> memref<26x64xf32, #tpu.memory_space<hbm>>
    %dma_wait3A_218 = arith.constant 0 : i32
    %dma_wait3A_219 = arith.constant 0 : i32
    %dma_wait3A_220 = tpu.memref_slice %arg4[%dma_wait3A_210, %dma_wait3A_218, %dma_wait3A_219] : memref<16384x26x64xf32, #tpu.memory_space<hbm>> -> memref<1x26x64xf32, #tpu.memory_space<hbm>>
    %dma_wait3A_221 = tpu.memref_squeeze %dma_wait3A_220 : memref<1x26x64xf32, #tpu.memory_space<hbm>> -> memref<26x64xf32, #tpu.memory_space<hbm>>
    %dma_wait3A_222 = arith.constant 130 : i32
    %dma_wait3A_223 = arith.constant 0 : i32
    %dma_wait3A_224 = tpu.memref_slice %arg10[%dma_wait3A_222, %dma_wait3A_223] : memref<208x64xf32, #tpu.memory_space<vmem>> -> memref<26x64xf32, #tpu.memory_space<vmem>>
    tpu.wait_dma2 semaphore(%arg14 : memref<!tpu.dma_semaphore, #tpu.memory_space<semaphore_mem>>) src(%dma_wait3A_224 : memref<26x64xf32, #tpu.memory_space<vmem>>) dst(%dma_wait3A_221 : memref<26x64xf32, #tpu.memory_space<hbm>>)
    %dma_wait3A_225 = arith.constant 0 : i32
    %dma_wait3A_226 = arith.constant 156 : i32
    %dma_wait3A_227 = arith.constant 0 : i32
    %dma_wait3A_228 = tpu.memref_slice %arg10[%dma_wait3A_226, %dma_wait3A_227] : memref<208x64xf32, #tpu.memory_space<vmem>> -> memref<26x64xf32, #tpu.memory_space<vmem>>
    %dma_wait3A_229 = arith.constant 0 : i32
    %dma_wait3A_230 = arith.constant 0 : i32
    %dma_wait3A_231 = tpu.memref_slice %arg4[%dma_wait3A_225, %dma_wait3A_229, %dma_wait3A_230] : memref<16384x26x64xf32, #tpu.memory_space<hbm>> -> memref<1x26x64xf32, #tpu.memory_space<hbm>>
    %dma_wait3A_232 = tpu.memref_squeeze %dma_wait3A_231 : memref<1x26x64xf32, #tpu.memory_space<hbm>> -> memref<26x64xf32, #tpu.memory_space<hbm>>
    %dma_wait3A_233 = arith.constant 0 : i32
    %dma_wait3A_234 = arith.constant 0 : i32
    %dma_wait3A_235 = tpu.memref_slice %arg4[%dma_wait3A_225, %dma_wait3A_233, %dma_wait3A_234] : memref<16384x26x64xf32, #tpu.memory_space<hbm>> -> memref<1x26x64xf32, #tpu.memory_space<hbm>>
    %dma_wait3A_236 = tpu.memref_squeeze %dma_wait3A_235 : memref<1x26x64xf32, #tpu.memory_space<hbm>> -> memref<26x64xf32, #tpu.memory_space<hbm>>
    %dma_wait3A_237 = arith.constant 156 : i32
    %dma_wait3A_238 = arith.constant 0 : i32
    %dma_wait3A_239 = tpu.memref_slice %arg10[%dma_wait3A_237, %dma_wait3A_238] : memref<208x64xf32, #tpu.memory_space<vmem>> -> memref<26x64xf32, #tpu.memory_space<vmem>>
    tpu.wait_dma2 semaphore(%arg14 : memref<!tpu.dma_semaphore, #tpu.memory_space<semaphore_mem>>) src(%dma_wait3A_239 : memref<26x64xf32, #tpu.memory_space<vmem>>) dst(%dma_wait3A_236 : memref<26x64xf32, #tpu.memory_space<hbm>>)
    %dma_wait3A_240 = arith.constant 0 : i32
    %dma_wait3A_241 = arith.constant 182 : i32
    %dma_wait3A_242 = arith.constant 0 : i32
    %dma_wait3A_243 = tpu.memref_slice %arg10[%dma_wait3A_241, %dma_wait3A_242] : memref<208x64xf32, #tpu.memory_space<vmem>> -> memref<26x64xf32, #tpu.memory_space<vmem>>
    %dma_wait3A_244 = arith.constant 0 : i32
    %dma_wait3A_245 = arith.constant 0 : i32
    %dma_wait3A_246 = tpu.memref_slice %arg4[%dma_wait3A_240, %dma_wait3A_244, %dma_wait3A_245] : memref<16384x26x64xf32, #tpu.memory_space<hbm>> -> memref<1x26x64xf32, #tpu.memory_space<hbm>>
    %dma_wait3A_247 = tpu.memref_squeeze %dma_wait3A_246 : memref<1x26x64xf32, #tpu.memory_space<hbm>> -> memref<26x64xf32, #tpu.memory_space<hbm>>
    %dma_wait3A_248 = arith.constant 0 : i32
    %dma_wait3A_249 = arith.constant 0 : i32
    %dma_wait3A_250 = tpu.memref_slice %arg4[%dma_wait3A_240, %dma_wait3A_248, %dma_wait3A_249] : memref<16384x26x64xf32, #tpu.memory_space<hbm>> -> memref<1x26x64xf32, #tpu.memory_space<hbm>>
    %dma_wait3A_251 = tpu.memref_squeeze %dma_wait3A_250 : memref<1x26x64xf32, #tpu.memory_space<hbm>> -> memref<26x64xf32, #tpu.memory_space<hbm>>
    %dma_wait3A_252 = arith.constant 182 : i32
    %dma_wait3A_253 = arith.constant 0 : i32
    %dma_wait3A_254 = tpu.memref_slice %arg10[%dma_wait3A_252, %dma_wait3A_253] : memref<208x64xf32, #tpu.memory_space<vmem>> -> memref<26x64xf32, #tpu.memory_space<vmem>>
    tpu.wait_dma2 semaphore(%arg14 : memref<!tpu.dma_semaphore, #tpu.memory_space<semaphore_mem>>) src(%dma_wait3A_254 : memref<26x64xf32, #tpu.memory_space<vmem>>) dst(%dma_wait3A_251 : memref<26x64xf32, #tpu.memory_space<hbm>>)
    return
  }
}

</mosaic_0001>

<sc_bundles>
// kernel: kernel.3.cloned.1.call-start
scs
__scs_entry_jumppad:
0x0: {  	(pc) =	sbr.rel $0x88, $3  }
0x1: {  	(tag) =	ssettag $0x0;
	lr =	simm.s32 $0x1  }
0x2: {  	[smem:$0x3F9F] =	sst lr;
	_ =	strace $0xD0000000  }
0x3: {  	_ = 	snop  }
0x4: {  	_ = 	snop  }
0x5: {  	_ = 	snop  }
0x6: {  	_ = 	snop  }
0x7: {  	_ = 	snop  }
__scs_overlays_trampoline_lowered:
0x8: {  	[smem:$0x3FAE] =	sst s0  }
0x9: {  	[smem:$0x3FAF] =	sst s1  }
0xa: {  	[smem:$0x3FB0] =	sst s2  }
0xb: {  	[smem:$0x3FB1] =	sst s3  }
0xc: {  	[smem:$0x3FB2] =	sst s4  }
0xd: {  	[smem:$0x3FB3] =	sst s5  }
0xe: {  	[smem:$0x3FB4] =	sst s6  }
0xf: {  	[smem:$0x3FB5] =	sst s7  }
0x10: {  	[smem:$0x3FB6] =	sst s8  }
0x11: {  	[smem:$0x3FB7] =	sst s9;
	s0 =	simm.s32 @!p0 $0x0  }
0x12: {  	s1 =	sld [smem:$0x3F9D];
	s0 =	simm.s32 @p0 $0x1  }
0x13: {  	[smem:$0x3FB8] =	sst s0;
	s0 =	simm.s32 @!p1 $0x0  }
0x14: {  	s2 =	sld [smem:$0x3F9C];
	s0 =	simm.s32 @p1 $0x1  }
0x15: {  	[smem:$0x3FB9] =	sst s0;
	s0 =	simm.s32 @!p2 $0x0  }
0x16: {  	s3 =	sld [smem:$0x3FDB];
	s0 =	simm.s32 @p2 $0x1  }
0x17: {  	s4 =	simm.s32 $0x1BF5;
	[smem:$0x3FBB] =	sst s0  }
0x18: {  	s0 =	sld [smem:$0x3F9E];
	_ =	swait.ge [sflag:s4], $0x0  }
0x19: {  	s7 =	sld [smem:$0x3F9F]  }
0x1a: {  	s8 =	sadd.s32 $0xFFFFE003, lr  }
0x1b: {  	s9 =	sadd.s32 $0xFFFFFEF7, lr;
	s5 =	simm.s32 $0xFFFFFFFF;
	p2 =	slt.u32 s8, $0xFFFFF086  }
0x1c: {  	p1 =	slt.u32 s9, $0xF7A;
	s5 =	simm.s32 @!p2 $0x0  }
0x1d: {  	s5 =	simm.s32 @p1 $0x1;
	p0 =	seq.s32 s7, s2  }
0x1e: {  	s7 =	smul.u32 @!p0 $0xF7A, s2;
	p2 =	seq.s32 @!p0 s5, $0x0  }
0x1f: {  	s9 =	smul.u32 $0xF7A, s1;
	s8 =	simm.s32 @!p0 $0x1BF5;
	p2 =	por !p2, p0  }
0x20: {  	[sflag:s8] =	ssyncset.s32 @!p0 $0xFFFFF086;
	s6 =	sadd.s32 @!p0 s3, s7;
	s7 =	simm.s32 @!p0 $0x108  }
0x21: {  	s3 =	sadd.s32 s3, s9;
	s6 =	sadd.s32 @!p0 $0x88, s6;
	s7 =	simm.s32 @p2 $0x1082  }
0x22: {  	[simem:s7], [sflag:s8] =	dma.local @!p0 [hbm:s6], $0xF7A  }
0x23: {  	s9 =	sor.u32 $0xD0000000, s2;
	s6 =	simm.s32 $0x108;
	_ =	swait.ge @!p0 [sflag:s8], $0x0  }
0x24: {  	s3 =	sadd.s32 $0x88, s3;
	s6 =	simm.s32 @!p1 $0x1082;
	[sflag:s4] =	ssyncset.s32 $0xFFFFF086  }
0x25: {  	[simem:s6], [sflag:s4] =	dma.local [hbm:s3], $0xF7A  }
0x26: {  	[smem:$0x3F9F] =	sst s1;
	(tag) =	ssettag s2;
	_ =	strace s9  }
0x27: {  	s1 =	sld [smem:$0x3FAF]  }
0x28: {  	s2 =	sld [smem:$0x3FB0]  }
0x29: {  	s4 =	sld [smem:$0x3FB2]  }
0x2a: {  	p0 =	seq.s32 s5, $0x0;
	s5 =	sld [smem:$0x3FB3]  }
0x2b: {  	s6 =	sld [smem:$0x3FB4]  }
0x2c: {  	s7 =	sld [smem:$0x3FB5]  }
0x2d: {  	s3 =	simm.s32 $0x108;
	s8 =	sld [smem:$0x3FB6]  }
0x2e: {  	s3 =	simm.s32 @!p0 $0x1082;
	s9 =	sld [smem:$0x3FB7]  }
0x2f: {  	lr =	sadd.s32 s0, s3;
	s0 =	sld [smem:$0x3FAE]  }
0x30: {  	s3 =	sld [smem:$0x3FB1]  }
0x31: {  	[smem:$0x3FBA] =	sst s10  }
0x32: {  	s10 =	sld [smem:$0x3FB8];
	_ =	sdelay $0x3  }
0x33: {  	p0 =	seq.s32 s10, $0x1;
	s10 =	sld [smem:$0x3FBA];
	_ =	sdelay $0x3  }
0x34: {  	[smem:$0x3FBA] =	sst s10  }
0x35: {  	s10 =	sld [smem:$0x3FB9];
	_ =	sdelay $0x3  }
0x36: {  	p1 =	seq.s32 s10, $0x1;
	s10 =	sld [smem:$0x3FBA];
	_ =	sdelay $0x3  }
0x37: {  	[smem:$0x3FBA] =	sst s10  }
0x38: {  	s10 =	sld [smem:$0x3FBB]  }
0x39: {  	_ = 	snop;
	(pc) =	sbr.ind lr, $3  }
0x3a: {  	_ = 	snop  }
0x3b: {  	_ = 	snop  }
0x3c: {  	p2 =	seq.s32 s10, $0x1;
	s10 =	sld [smem:$0x3FBA]  }
0x3d: {  	_ =	shalt  }
0x3e: {  	_ =	shalt  }
0x3f: {  	_ =	shalt  }
0x40: {  	_ =	shalt  }
0x41: {  	_ =	shalt  }
0x42: {  	_ =	shalt  }
0x43: {  	_ =	shalt  }
0x44: {  	_ =	shalt  }
0x45: {  	_ =	shalt  }
0x46: {  	_ =	shalt  }
0x47: {  	_ =	shalt  }
0x48: {  	_ =	shalt  }
0x49: {  	_ =	shalt  }
0x4a: {  	_ =	shalt  }
0x4b: {  	_ =	shalt  }
0x4c: {  	_ =	shalt  }
0x4d: {  	_ =	shalt  }
0x4e: {  	_ =	shalt  }
0x4f: {  	_ =	shalt  }
0x50: {  	_ =	shalt  }
0x51: {  	_ =	shalt  }
0x52: {  	_ =	shalt  }
0x53: {  	_ =	shalt  }
0x54: {  	_ =	shalt  }
0x55: {  	_ =	shalt  }
0x56: {  	_ =	shalt  }
0x57: {  	_ =	shalt  }
0x58: {  	_ =	shalt  }
0x59: {  	_ =	shalt  }
0x5a: {  	_ =	shalt  }
0x5b: {  	_ =	shalt  }
0x5c: {  	_ =	shalt  }
0x5d: {  	_ =	shalt  }
0x5e: {  	_ =	shalt  }
0x5f: {  	_ =	shalt  }
0x60: {  	_ =	shalt  }
0x61: {  	_ =	shalt  }
0x62: {  	_ =	shalt  }
0x63: {  	_ =	shalt  }
0x64: {  	_ =	shalt  }
0x65: {  	_ =	shalt  }
0x66: {  	_ =	shalt  }
0x67: {  	_ =	shalt  }
0x68: {  	_ =	shalt  }
0x69: {  	_ =	shalt  }
0x6a: {  	_ =	shalt  }
0x6b: {  	_ =	shalt  }
0x6c: {  	_ =	shalt  }
0x6d: {  	_ =	shalt  }
0x6e: {  	_ =	shalt  }
0x6f: {  	_ =	shalt  }
0x70: {  	_ =	shalt  }
0x71: {  	_ =	shalt  }
0x72: {  	_ =	shalt  }
0x73: {  	_ =	shalt  }
0x74: {  	_ =	shalt  }
0x75: {  	_ =	shalt  }
0x76: {  	_ =	shalt  }
0x77: {  	_ =	shalt  }
0x78: {  	_ =	shalt  }
0x79: {  	_ =	shalt  }
0x7a: {  	_ =	shalt  }
0x7b: {  	_ =	shalt  }
0x7c: {  	_ =	shalt  }
0x7d: {  	_ =	shalt  }
0x7e: {  	_ =	shalt  }
0x7f: {  	_ =	shalt  }
0x80: {  	_ =	shalt  }
0x81: {  	_ =	shalt  }
0x82: {  	_ =	shalt  }
0x83: {  	_ =	shalt  }
0x84: {  	_ =	shalt  }
0x85: {  	_ =	shalt  }
0x86: {  	_ =	shalt  }
0x87: {  	_ =	shalt  }
.Lfunc_end0:
.L_simem_size_0:
called_computation_lowered:
.L_overlay_start_0:
0x88: {  	s2 =	sld [smem:$0x3FD9]  }
0x89: {  	s3 =	sld [smem:$0x3FFE];
	_ =	sdelay $0x1  }
0x8a: {  	s1 =	srdreg.scid  }
0x8b: {  	s0 =	sand.u32 $0x1, s1  }
0x8c: {  	s17 =	sshll.u32 s0, $0xA;
	s2 =	sadd.s32 s3, s2  }
0x8d: {  	s2 =	sadd.s32 s2, s17  }
0x8e: {  	[smem:$0x3FC6] =	sst s2  }
0x8f: {  	_ = 	snop  }
0x90: {  	s2 =	sld [smem:$0x3FD0];
	(tm) =	ssettm $0x1  }
0x91: {  	s18 =	sld [smem:$0x3FFB];
	_ =	sdelay $0x3  }
0x92: {  	_ =	strace s18  }
0x93: {  	s3 =	sld [smem:$0x3FFC];
	_ =	sdelay $0x3  }
0x94: {  	_ =	strace s3  }
0x95: {  	s3 =	sld [smem:$0x3FFD];
	_ =	sdelay $0x3  }
0x96: {  	_ =	strace s3  }
0x97: {  	_ =	strace $0x8FFFFFFF  }
0x98: {  	s19 =	sld [smem:$0x3FDB];
	_ =	sdelay $0x1  }
0x99: {  	s4 =	simm.s32 $_scs_section_size  }
0x9a: {  	s5 =	simm.s32 $_size__tile_overlayer_lowered;
	s6 =	simm.s32 $_tile_overlayer_lowered  }
0x9b: {  	s22 =	simm.s32 $0x1BFF;
	s21 =	sshll.u32 s6, $0x1;
	s3 =	sadd.s32 s4, s19  }
0x9c: {  	s7 =	simm.s32 $0x0;
	s20 =	sshll.u32 s5, $0x1;
	s5 =	sadd.s32 s21, s3  }
0x9d: {  	[timem:s7], [sflag:s22] =	dma.local [hbm:s5], s20  }
0x9e: {  	_ =	swait.ge [sflag:s22], s20  }
0x9f: {  	s4 =	ssub.s32 $0x0, s20;
	[sflag:s22] =	ssyncset.done $0x0  }
0xa0: {  	[sflag:s22] =	ssyncadd.s32 s4;
	_ =	sdelay $0x1  }
0xa1: {  	s23 =	simm.s32 $0x1B8B  }
0xa2: {  	_ =	swait.ge [sflag:s23], $0x1  }
0xa3: {  	[sflag:s23] =	ssyncset.done $0x0  }
0xa4: {  	s25 =	simm.s32 $0x1B8E;
	s24 =	sld [smem:$0x3FFE];
	[sflag:s23] =	ssyncadd.s32 $0xFFFFFFFF  }
0xa5: {  	s26 =	simm.s32 $execute0_lowered;
	[smem:$0x3FD2] =	sst s25  }
0xa6: {  	s5 =	sshll.u32 s26, $0x1;
	_ =	strace $0x80000046;
	[dreg:$0x1] =	wrdreg $0xFFFFFFFF  }
0xa7: {  	s28 =	simm.s32 $_size_execute0_lowered;
	s3 =	sadd.s32 s3, s5;
	[dreg:$0x0] =	wrdreg $0x0  }
0xa8: {  	s5 =	sshll.u32 s28, $0x1;
	[dreg:$0x2] =	wrdreg s3  }
0xa9: {  	[dreg:$0x3] =	wrdreg s5  }
0xaa: {  	[dreg:$0x4] =	wrdreg $0xC0  }
0xab: {  	_ =	task [dreg:s7], $0x5FFFF  }
0xac: {  	[dreg:$0x1] =	wrdreg $0xFFFFFFFF  }
0xad: {  	[dreg:$0x0] =	wrdreg $0x60  }
0xae: {  	[dreg:$0x2] =	wrdreg s24  }
0xaf: {  	[dreg:$0x3] =	wrdreg s2  }
0xb0: {  	[dreg:$0x4] =	wrdreg $0x9  }
0xb1: {  	_ =	task.clear_ibuf [dreg:s7], $0x5FFFF;
	_ =	strace $0x90000046  }
0xb2: {  	s29 =	simm.s32 $0x9;
	_ =	strace $0x80000048  }
0xb3: {  	_ =	swait.ge [sflag:s29], $0x1  }
0xb4: {  	[sflag:s29] =	ssyncadd.s32 $0xFFFFFFFF  }
0xb5: {  	_ =	strace $0x90000048  }
0xb6: {  	_ =	sfence  }
0xb7: {  	s30 =	sld [smem:$0x0];
	_ =	sdelay $0x2  }
0xb8: {  	s31 =	sshll.u32 s1, $0xD;
	s1 =	sshrl.u32 s1, $0x2  }
0xb9: {  	s3 =	sand.u32 $0x4000, s31;
	s1 =	sadd.s32 s1, s30  }
0xba: {  	s0 =	sor.u32 s3, s0;
	s1 =	sshll.u32 s1, $0x11  }
0xbb: {  	s0 =	sor.u32 s1, s0  }
0xbc: {  	s0 =	sadd.s32 $0x8F2B, s0  }
0xbd: {  	[sflag:s0] =	ssyncadd.remote.s32 $0x1  }
0xbe: {  	_ =	sfence.sel $0xFFFF  }
0xbf: {  	[dreg:$0x0] =	wrdreg $0xFFFFFFFF;
	(pc) =	sbr.abs _section_cstart, $3  }
0xc0: {  	[dreg:$0x1] =	wrdreg $0xFFFFFFFF  }
0xc1: {  	_ =	task.clear_ibuf [dreg:s7], $0x2FFFF;
	_ =	strace $0x9FFFFFFF  }
0xc2: {  	(tm) =	ssettm $0x7FFFFFFF  }
0xc3: {  	_ =	shalt  }
tec
execute0_lowered:
.L_overlay_start_1:
0x0: {  	(tag) =	ssettag $0x1  }
0x1: {  	s4 =	rddreg [dreg:$0x0]  }
0x2: {  	s1 =	rddreg [dreg:$0x1]  }
0x3: {  	s2 =	srdreg.scid;
	s3 =	simm.s32 $0x0;
	s23 =	simm.s32 $0xD200  }
0x4: {  	s24 =	simm.s32 $0xDF00;
	s25 =	simm.s32 $0xEC00;
	s26 =	simm.s32 $0xF900  }
0x5: {  	s29 =	simm.s32 $0x10600;
	s30 =	simm.s32 $0x11300;
	[smem:$0x7FF] =	sst s3  }
0x6: {  	s9 =	simm.s32 $0x12000;
	_ =	strace $0x80000047;
	[dreg:$0x4] =	wrdreg s23  }
0x7: {  	s31 =	simm.s32 $0x12D00;
	s10 =	simm.s32 $0x13A00;
	[dreg:$0x5] =	wrdreg s24  }
0x8: {  	s11 =	simm.s32 $0x14700;
	s12 =	simm.s32 $0x15400;
	[dreg:$0x6] =	wrdreg s25  }
0x9: {  	s13 =	simm.s32 $0x16100;
	s14 =	simm.s32 $0x16E00;
	[dreg:$0x7] =	wrdreg s26  }
0xa: {  	s15 =	simm.s32 $0x17B00;
	s16 =	simm.s32 $0x18800;
	[dreg:$0x8] =	wrdreg s29  }
0xb: {  	s18 =	simm.s32 $0x19500;
	s17 =	simm.s32 $0x2;
	[dreg:$0x9] =	wrdreg s30  }
0xc: {  	s19 =	simm.s32 $0x4;
	s20 =	simm.s32 $0x0;
	[dreg:$0xa] =	wrdreg s9  }
0xd: {  	s5 =	sand.u32 $0x1, s2;
	s2 =	stileid.u32;
	[dreg:$0xb] =	wrdreg s31  }
0xe: {  	s6 =	sshll.u32 s5, $0x16;
	s7 =	sshll.u32 s2, $0x12;
	[dreg:$0xc] =	wrdreg s10  }
0xf: {  	s22 =	ssub.s32 $0x2, s5;
	s5 =	sshll.u32 s5, $0xF;
	[dreg:$0xd] =	wrdreg s11  }
0x10: {  	s28 =	sshll.u32 s2, $0xB;
	s9 =	simm.s32 $0x80;
	[dreg:$0xe] =	wrdreg s12  }
0x11: {  	s10 =	simm.s32 $0x400;
	s11 =	simm.s32 $0x5;
	[dreg:$0xf] =	wrdreg s13  }
0x12: {  	s12 =	simm.s32 $0xD0;
	s13 =	simm.s32 $0x200;
	[dreg:$0x10] =	wrdreg s14  }
0x13: {  	s14 =	simm.s32 $0x100;
	[dreg:$0x11] =	wrdreg s15;
	s15 =	simm.s32 $0x6A00  }
0x14: {  	[dreg:$0x12] =	wrdreg s16;
	s16 =	simm.s32 $0x1;
	s6 =	sadd.s32 s6, s4  }
0x15: {  	[dreg:$0x13] =	wrdreg s18;
	s18 =	simm.s32 $0x3;
	s6 =	sadd.s32 s7, s6  }
0x16: {  	s8 =	sshrl.u32 s22, $0x1;
	s5 =	sor.u32 s28, s5;
	s6 =	sadd.s32 $0x600, s6  }
0x17: {  	s8 =	ssub.s32 s22, s8;
	[dreg:$0x3] =	wrdreg s6;
	s6 =	sadd.s32 s1, s5  }
0x18: {  	s4 =	sadd.s32 $0xF42A00, s4;
	s8 =	smax.u32 s8, $0x1;
	s7 =	sadd.s32 $0x10, s6  }
.LBB2_1:
0x19: {  	[tilespmem:s3], [sflag:$0x5] =	stream.strided.gather [hbm4b:s6+s9], $0x100, s10, s9, $0x38;
	[tilespmem:$0x1A200] =	vst v63  }
0x1a: {  	_ =	swait.ge [sflag:s11], $0x100  }
0x1b: {  	[sflag:s11] =	ssyncset.done $0x0  }
0x1c: {  	[sflag:s11] =	ssyncadd.s32 $0xFFFFFF00  }
0x1d: {  	[tilespmem:s13], [sflag:$0x1] =	stream.indirect.gather [hbm4b:s4+s12], $0x80, s3, s12, $0xb8;
	[tilespmem:$0x1A200] =	vst v63  }
0x1e: {  	_ = 	snop  }
0x1f: {  	[tilespmem:s14], [sflag:$0x5] =	stream.strided.gather [hbm4b:s7+s9], $0x100, s10, s9, $0x38;
	[tilespmem:$0x1A200] =	vst v63  }
0x20: {  	_ =	swait.ge [sflag:s11], $0x100  }
0x21: {  	s21 =	simm.s32 $0x30;
	[sflag:s11] =	ssyncset.done $0x0  }
0x22: {  	s22 =	smov.u32 s5;
	s23 =	simm.s32 $0x0;
	[sflag:s11] =	ssyncadd.s32 $0xFFFFFF00  }
0x23: {  	[tilespmem:s15], [sflag:$0x2] =	stream.indirect.gather [hbm4b:s4+s12], $0x80, s14, s12, $0xb8;
	[tilespmem:$0x1A200] =	vst v63  }
.LBB2_2:
0x24: {  	_ =	swait.ge [sflag:s16], $0x6800  }
0x25: {  	p0 =	seq.s32 s23, $0x0;
	[sflag:s16] =	ssyncset.done $0x0  }
0x26: {  	s24 =	simm.s32 @!p0 $0x3;
	[sflag:s16] =	ssyncadd.s32 $0xFFFF9800  }
0x27: {  	_ =	swait.ge @!p0 [sflag:s24], $0xD00  }
0x28: {  	[sflag:s24] =	ssyncset.done @!p0 $0x0  }
0x29: {  	[sflag:s24] =	ssyncadd.s32 @!p0 $0xFFFFF300  }
0x2a: {  	_ =	swait.ge @!p0 [sflag:s24], $0xD00  }
0x2b: {  	[sflag:s24] =	ssyncset.done @!p0 $0x0  }
0x2c: {  	[sflag:s24] =	ssyncadd.s32 @!p0 $0xFFFFF300  }
0x2d: {  	_ =	swait.ge @!p0 [sflag:s24], $0xD00  }
0x2e: {  	[sflag:s24] =	ssyncset.done @!p0 $0x0  }
0x2f: {  	[sflag:s24] =	ssyncadd.s32 @!p0 $0xFFFFF300  }
0x30: {  	_ =	swait.ge @!p0 [sflag:s24], $0xD00  }
0x31: {  	[sflag:s24] =	ssyncset.done @!p0 $0x0  }
0x32: {  	[sflag:s24] =	ssyncadd.s32 @!p0 $0xFFFFF300  }
0x33: {  	_ =	swait.ge @!p0 [sflag:s24], $0xD00  }
0x34: {  	[sflag:s24] =	ssyncset.done @!p0 $0x0  }
0x35: {  	[sflag:s24] =	ssyncadd.s32 @!p0 $0xFFFFF300  }
0x36: {  	_ =	swait.ge @!p0 [sflag:s24], $0xD00  }
0x37: {  	[sflag:s24] =	ssyncset.done @!p0 $0x0  }
0x38: {  	[sflag:s24] =	ssyncadd.s32 @!p0 $0xFFFFF300  }
0x39: {  	_ =	swait.ge @!p0 [sflag:s24], $0xD00  }
0x3a: {  	[sflag:s24] =	ssyncset.done @!p0 $0x0  }
0x3b: {  	[sflag:s24] =	ssyncadd.s32 @!p0 $0xFFFFF300  }
0x3c: {  	_ =	swait.ge @!p0 [sflag:s24], $0xD00  }
0x3d: {  	[sflag:s24] =	ssyncset.done @!p0 $0x0  }
0x3e: {  	[sflag:s24] =	ssyncadd.s32 @!p0 $0xFFFFF300  }
0x3f: {  	v20 =	vld [tilespmem:$0x200]  }
0x40: {  	v11 =	vld [tilespmem:$0x210]  }
0x41: {  	v29 =	vld [tilespmem:$0x220]  }
0x42: {  	v26 =	vld [tilespmem:$0x230]  }
0x43: {  	v32 =	vld [tilespmem:$0x280]  }
0x44: {  	v17 =	vld [tilespmem:$0x290]  }
0x45: {  	v0 =	vld [tilespmem:$0x2A0]  }
0x46: {  	v14 =	vld [tilespmem:$0x2B0]  }
0x47: {  	v8 =	vld [tilespmem:$0x300]  }
0x48: {  	v23 =	vld [tilespmem:$0x310]  }
0x49: {  	v5 =	vld [tilespmem:$0x320]  }
0x4a: {  	v2 =	vld [tilespmem:$0x330]  }
0x4b: {  	v1 =	vld [tilespmem:$0x380]  }
0x4c: {  	v34 =	vld [tilespmem:$0x390]  }
0x4d: {  	v35 =	vld [tilespmem:$0x3A0]  }
0x4e: {  	v36 =	vld [tilespmem:$0x3B0]  }
0x4f: {  	v37 =	vld [tilespmem:$0x400]  }
0x50: {  	v38 =	vld [tilespmem:$0x410]  }
0x51: {  	v39 =	vld [tilespmem:$0x420]  }
0x52: {  	v40 =	vld [tilespmem:$0x430]  }
0x53: {  	v41 =	vld [tilespmem:$0x480]  }
0x54: {  	v42 =	vld [tilespmem:$0x490]  }
0x55: {  	v43 =	vld [tilespmem:$0x4A0];
	[tilespmem:$0x1A530] =	vst v1  }
0x56: {  	v44 =	vld [tilespmem:$0x4B0];
	[tilespmem:$0x1A540] =	vst v34  }
0x57: {  	v45 =	vld [tilespmem:$0x500];
	[tilespmem:$0x1A550] =	vst v35  }
0x58: {  	v46 =	vld [tilespmem:$0x510];
	[tilespmem:$0x1A560] =	vst v36  }
0x59: {  	v47 =	vld [tilespmem:$0x520];
	[tilespmem:$0x1A570] =	vst v37  }
0x5a: {  	v48 =	vld [tilespmem:$0x530];
	[tilespmem:$0x1A580] =	vst v38  }
0x5b: {  	v49 =	vld [tilespmem:$0x580];
	[tilespmem:$0x1A590] =	vst v39  }
0x5c: {  	v50 =	vld [tilespmem:$0x590];
	[tilespmem:$0x1A5A0] =	vst v40  }
0x5d: {  	v51 =	vld [tilespmem:$0x5A0];
	[tilespmem:$0x1A5B0] =	vst v41  }
0x5e: {  	v52 =	vld [tilespmem:$0x5B0];
	[tilespmem:$0x1A5C0] =	vst v42  }
0x5f: {  	v53 =	vld [tilespmem:$0x600];
	[tilespmem:$0x1A5D0] =	vst v43  }
0x60: {  	v62 =	vld [tilespmem:$0x610];
	[tilespmem:$0x1A5E0] =	vst v44  }
0x61: {  	v59 =	vld [tilespmem:$0x620];
	[tilespmem:$0x1A5F0] =	vst v45  }
0x62: {  	v56 =	vld [tilespmem:$0x630];
	[tilespmem:$0x1A600] =	vst v46  }
0x63: {  	v54 =	vld [tilespmem:$0x720];
	[tilespmem:$0x1A610] =	vst v47  }
0x64: {  	v55 =	vld [tilespmem:$0x730];
	[tilespmem:$0x1A620] =	vst v48  }
0x65: {  	v57 =	vld [tilespmem:$0x780];
	[tilespmem:$0x1A630] =	vst v49  }
0x66: {  	v58 =	vld [tilespmem:$0x790];
	[tilespmem:$0x1A640] =	vst v50  }
0x67: {  	v60 =	vld [tilespmem:$0x7A0];
	[tilespmem:$0x1A650] =	vst v51  }
0x68: {  	v61 =	vld [tilespmem:$0x7B0];
	[tilespmem:$0x1A660] =	vst v52  }
0x69: {  	v63 =	vld [tilespmem:$0x800];
	[tilespmem:$0x1A670] =	vst v53  }
0x6a: {  	v4 =	vld [tilespmem:$0x810];
	[tilespmem:$0x1A680] =	vst v54  }
0x6b: {  	v6 =	vld [tilespmem:$0x820];
	[tilespmem:$0x1A690] =	vst v55  }
0x6c: {  	v7 =	vld [tilespmem:$0x830];
	[tilespmem:$0x1A6A0] =	vst v57  }
0x6d: {  	v9 =	vld [tilespmem:$0x880];
	[tilespmem:$0x1A6B0] =	vst v58  }
0x6e: {  	v10 =	vld [tilespmem:$0x890];
	[tilespmem:$0x1A6C0] =	vst v60  }
0x6f: {  	v12 =	vld [tilespmem:$0x8B0];
	[tilespmem:$0x1A6D0] =	vst v61  }
0x70: {  	v13 =	vld [tilespmem:$0x900];
	[tilespmem:$0x1A6E0] =	vst v63  }
0x71: {  	v15 =	vld [tilespmem:$0x910];
	[tilespmem:$0x1A6F0] =	vst v4  }
0x72: {  	v16 =	vld [tilespmem:$0x920];
	[tilespmem:$0x1A700] =	vst v6  }
0x73: {  	v18 =	vld [tilespmem:$0x930];
	[tilespmem:$0x1A710] =	vst v7  }
0x74: {  	v19 =	vld [tilespmem:$0x980];
	[tilespmem:$0x1A720] =	vst v9  }
0x75: {  	v21 =	vld [tilespmem:$0x990];
	[tilespmem:$0x1A730] =	vst v10  }
0x76: {  	v22 =	vld [tilespmem:$0x9A0];
	[tilespmem:$0x1A740] =	vst v12  }
0x77: {  	v24 =	vld [tilespmem:$0x9B0];
	[tilespmem:$0x1A750] =	vst v13  }
0x78: {  	v25 =	vld [tilespmem:$0xA00];
	[tilespmem:$0x1A760] =	vst v15  }
0x79: {  	v27 =	vld [tilespmem:$0xA10];
	[tilespmem:$0x1A770] =	vst v16  }
0x7a: {  	v28 =	vld [tilespmem:$0xA20];
	[tilespmem:$0x1A780] =	vst v18  }
0x7b: {  	v30 =	vld [tilespmem:$0xA30];
	[tilespmem:$0x1A790] =	vst v19  }
0x7c: {  	v31 =	vld [tilespmem:$0xA80];
	[tilespmem:$0x1A7A0] =	vst v21  }
0x7d: {  	v33 =	vld [tilespmem:$0xA90];
	[tilespmem:$0x1A7B0] =	vst v22  }
0x7e: {  	v53 =	vld [tilespmem:$0x680];
	[tilespmem:$0x1A7C0] =	vst v24  }
0x7f: {  	v50 =	vld [tilespmem:$0x690];
	[tilespmem:$0x1A7D0] =	vst v25  }
0x80: {  	[tilespmem:$0x1A7E0] =	vst v27;
	v34 =	vld [tilespmem:$0xAA0]  }
0x81: {  	[tilespmem:$0x1A7F0] =	vst v28;
	v35 =	vld [tilespmem:$0xAB0]  }
0x82: {  	[tilespmem:$0x1A800] =	vst v30;
	v36 =	vld [tilespmem:$0xB00]  }
0x83: {  	[tilespmem:$0x1A810] =	vst v31;
	v37 =	vld [tilespmem:$0xB10]  }
0x84: {  	[tilespmem:$0x1A820] =	vst v33;
	v39 =	vld [tilespmem:$0xB20]  }
0x85: {  	v40 =	vld [tilespmem:$0xB30];
	[tilespmem:$0x1A830] =	vst v34  }
0x86: {  	v42 =	vld [tilespmem:$0xB80];
	[tilespmem:$0x1A840] =	vst v35  }
0x87: {  	v43 =	vld [tilespmem:$0xB90];
	[tilespmem:$0x1A850] =	vst v36  }
0x88: {  	v45 =	vld [tilespmem:$0xBA0];
	[tilespmem:$0x1A860] =	vst v37  }
0x89: {  	v46 =	vld [tilespmem:$0xBB0];
	[tilespmem:$0x1A870] =	vst v39  }
0x8a: {  	v48 =	vld [tilespmem:$0xC00];
	[tilespmem:$0x1A880] =	vst v40  }
0x8b: {  	v49 =	vld [tilespmem:$0xC10];
	[tilespmem:$0x1A890] =	vst v42  }
0x8c: {  	v51 =	vld [tilespmem:$0xC20];
	[tilespmem:$0x1A8A0] =	vst v43  }
0x8d: {  	v52 =	vld [tilespmem:$0xC30];
	[tilespmem:$0x1A8B0] =	vst v45  }
0x8e: {  	v54 =	vld [tilespmem:$0xC80];
	[tilespmem:$0x1A8C0] =	vst v46  }
0x8f: {  	v55 =	vld [tilespmem:$0xC90];
	[tilespmem:$0x1A8D0] =	vst v48  }
0x90: {  	v57 =	vld [tilespmem:$0xCA0];
	[tilespmem:$0x1A8E0] =	vst v49  }
0x91: {  	v58 =	vld [tilespmem:$0xCB0];
	[tilespmem:$0x1A8F0] =	vst v51  }
0x92: {  	v60 =	vld [tilespmem:$0xD00];
	[tilespmem:$0x1A900] =	vst v52  }
0x93: {  	v61 =	vld [tilespmem:$0xD10];
	[tilespmem:$0x1A910] =	vst v54  }
0x94: {  	v4 =	vld [tilespmem:$0xD20];
	[tilespmem:$0x1A920] =	vst v55  }
0x95: {  	v6 =	vld [tilespmem:$0xD30];
	[tilespmem:$0x1A930] =	vst v57  }
0x96: {  	v7 =	vld [tilespmem:$0xD80];
	[tilespmem:$0x1A940] =	vst v58  }
0x97: {  	v9 =	vld [tilespmem:$0xD90];
	[tilespmem:$0x1A950] =	vst v60  }
0x98: {  	v10 =	vld [tilespmem:$0xDA0];
	[tilespmem:$0x1A960] =	vst v61  }
0x99: {  	v12 =	vld [tilespmem:$0xDB0];
	[tilespmem:$0x1A970] =	vst v4  }
0x9a: {  	v13 =	vld [tilespmem:$0xE00];
	[tilespmem:$0x1A980] =	vst v6  }
0x9b: {  	v15 =	vld [tilespmem:$0xE10];
	[tilespmem:$0x1A990] =	vst v7  }
0x9c: {  	v16 =	vld [tilespmem:$0xE20];
	[tilespmem:$0x1A9A0] =	vst v9  }
0x9d: {  	v18 =	vld [tilespmem:$0xE30];
	[tilespmem:$0x1A9B0] =	vst v10  }
0x9e: {  	v19 =	vld [tilespmem:$0xE80];
	[tilespmem:$0x1A9C0] =	vst v12  }
0x9f: {  	v21 =	vld [tilespmem:$0xE90];
	[tilespmem:$0x1A9D0] =	vst v13  }
0xa0: {  	v22 =	vld [tilespmem:$0xEA0];
	[tilespmem:$0x1A9E0] =	vst v15  }
0xa1: {  	v24 =	vld [tilespmem:$0xEB0];
	[tilespmem:$0x1A9F0] =	vst v16  }
0xa2: {  	v25 =	vld [tilespmem:$0xF00];
	[tilespmem:$0x1AA00] =	vst v18  }
0xa3: {  	v27 =	vld [tilespmem:$0xF10];
	[tilespmem:$0x1AA10] =	vst v19  }
0xa4: {  	v28 =	vld [tilespmem:$0xF20];
	[tilespmem:$0x1AA20] =	vst v21  }
0xa5: {  	v30 =	vld [tilespmem:$0xF30];
	[tilespmem:$0x1AA30] =	vst v22  }
0xa6: {  	v31 =	vld [tilespmem:$0xF80];
	[tilespmem:$0x1AA40] =	vst v24  }
0xa7: {  	v33 =	vld [tilespmem:$0xF90];
	[tilespmem:$0x1AA50] =	vst v25  }
0xa8: {  	[tilespmem:$0x1AA60] =	vst v27;
	v34 =	vld [tilespmem:$0xFA0]  }
0xa9: {  	[tilespmem:$0x1AA70] =	vst v28;
	v35 =	vld [tilespmem:$0xFB0]  }
0xaa: {  	[tilespmem:$0x1AA80] =	vst v30;
	v36 =	vld [tilespmem:$0x1000]  }
0xab: {  	[tilespmem:$0x1AA90] =	vst v31;
	v37 =	vld [tilespmem:$0x1010]  }
0xac: {  	[tilespmem:$0x1AAA0] =	vst v33;
	v39 =	vld [tilespmem:$0x1020]  }
0xad: {  	v40 =	vld [tilespmem:$0x1030];
	[tilespmem:$0x1AAB0] =	vst v34  }
0xae: {  	v42 =	vld [tilespmem:$0x1080];
	[tilespmem:$0x1AAC0] =	vst v35  }
0xaf: {  	v43 =	vld [tilespmem:$0x1090];
	[tilespmem:$0x1AAD0] =	vst v36  }
0xb0: {  	v45 =	vld [tilespmem:$0x10A0];
	[tilespmem:$0x1AAE0] =	vst v37  }
0xb1: {  	v46 =	vld [tilespmem:$0x10B0];
	[tilespmem:$0x1AAF0] =	vst v39  }
0xb2: {  	v48 =	vld [tilespmem:$0x1100];
	[tilespmem:$0x1AB00] =	vst v40  }
0xb3: {  	v49 =	vld [tilespmem:$0x1110];
	[tilespmem:$0x1AB10] =	vst v42  }
0xb4: {  	v51 =	vld [tilespmem:$0x1120];
	[tilespmem:$0x1AB20] =	vst v43  }
0xb5: {  	v52 =	vld [tilespmem:$0x1130];
	[tilespmem:$0x1AB30] =	vst v45  }
0xb6: {  	v54 =	vld [tilespmem:$0x1180];
	[tilespmem:$0x1AB40] =	vst v46  }
0xb7: {  	v55 =	vld [tilespmem:$0x1190];
	[tilespmem:$0x1AB50] =	vst v48  }
0xb8: {  	v57 =	vld [tilespmem:$0x11A0];
	[tilespmem:$0x1AB60] =	vst v49  }
0xb9: {  	v58 =	vld [tilespmem:$0x11B0];
	[tilespmem:$0x1AB70] =	vst v51  }
0xba: {  	v60 =	vld [tilespmem:$0x1200];
	[tilespmem:$0x1AB80] =	vst v52  }
0xbb: {  	v61 =	vld [tilespmem:$0x1210];
	[tilespmem:$0x1AB90] =	vst v54  }
0xbc: {  	v4 =	vld [tilespmem:$0x1220];
	[tilespmem:$0x1ABA0] =	vst v55  }
0xbd: {  	v6 =	vld [tilespmem:$0x1230];
	[tilespmem:$0x1ABB0] =	vst v57  }
0xbe: {  	v7 =	vld [tilespmem:$0x1280];
	[tilespmem:$0x1ABC0] =	vst v58  }
0xbf: {  	v9 =	vld [tilespmem:$0x1290];
	[tilespmem:$0x1ABD0] =	vst v60  }
0xc0: {  	v10 =	vld [tilespmem:$0x12A0];
	[tilespmem:$0x1ABE0] =	vst v61  }
0xc1: {  	v12 =	vld [tilespmem:$0x12B0];
	[tilespmem:$0x1ABF0] =	vst v4  }
0xc2: {  	v13 =	vld [tilespmem:$0x1300];
	[tilespmem:$0x1AC00] =	vst v6  }
0xc3: {  	v15 =	vld [tilespmem:$0x1310];
	[tilespmem:$0x1AC10] =	vst v7  }
0xc4: {  	v16 =	vld [tilespmem:$0x1320];
	[tilespmem:$0x1AC20] =	vst v9  }
0xc5: {  	v18 =	vld [tilespmem:$0x1330];
	[tilespmem:$0x1AC30] =	vst v10  }
0xc6: {  	v19 =	vld [tilespmem:$0x1380];
	[tilespmem:$0x1AC40] =	vst v12  }
0xc7: {  	v21 =	vld [tilespmem:$0x1390];
	[tilespmem:$0x1AC50] =	vst v13  }
0xc8: {  	v22 =	vld [tilespmem:$0x13A0];
	[tilespmem:$0x1AC60] =	vst v15  }
0xc9: {  	v24 =	vld [tilespmem:$0x13B0];
	[tilespmem:$0x1AC70] =	vst v16  }
0xca: {  	v25 =	vld [tilespmem:$0x1400];
	[tilespmem:$0x1AC80] =	vst v18  }
0xcb: {  	v27 =	vld [tilespmem:$0x1410];
	[tilespmem:$0x1AC90] =	vst v19  }
0xcc: {  	v28 =	vld [tilespmem:$0x1420];
	[tilespmem:$0x1ACA0] =	vst v21  }
0xcd: {  	v30 =	vld [tilespmem:$0x1430];
	[tilespmem:$0x1ACB0] =	vst v22  }
0xce: {  	v31 =	vld [tilespmem:$0x1480];
	[tilespmem:$0x1ACC0] =	vst v24  }
0xcf: {  	v33 =	vld [tilespmem:$0x1490];
	[tilespmem:$0x1ACD0] =	vst v25  }
0xd0: {  	[tilespmem:$0x1ACE0] =	vst v27;
	v34 =	vld [tilespmem:$0x14A0]  }
0xd1: {  	[tilespmem:$0x1ACF0] =	vst v28;
	v35 =	vld [tilespmem:$0x14B0]  }
0xd2: {  	[tilespmem:$0x1AD00] =	vst v30;
	v36 =	vld [tilespmem:$0x1500]  }
0xd3: {  	[tilespmem:$0x1AD10] =	vst v31;
	v37 =	vld [tilespmem:$0x1510]  }
0xd4: {  	[tilespmem:$0x1AD20] =	vst v33;
	v39 =	vld [tilespmem:$0x1520]  }
0xd5: {  	v40 =	vld [tilespmem:$0x1530];
	[tilespmem:$0x1AD30] =	vst v34  }
0xd6: {  	v42 =	vld [tilespmem:$0x1580];
	[tilespmem:$0x1AD40] =	vst v35  }
0xd7: {  	v43 =	vld [tilespmem:$0x1590];
	[tilespmem:$0x1AD50] =	vst v36  }
0xd8: {  	v47 =	vld [tilespmem:$0x6A0];
	[tilespmem:$0x1AD60] =	vst v37  }
0xd9: {  	v44 =	vld [tilespmem:$0x6B0];
	[tilespmem:$0x1AD70] =	vst v39  }
0xda: {  	v41 =	vld [tilespmem:$0x700];
	[tilespmem:$0x1AD80] =	vst v40  }
0xdb: {  	v38 =	vld [tilespmem:$0x710];
	[tilespmem:$0x1AD90] =	vst v42  }
0xdc: {  	v63 =	vld [tilespmem:$0x8A0];
	[tilespmem:$0x1ADA0] =	vst v43  }
0xdd: {  	v1 =	vld [tilespmem:$0x15A0]  }
0xde: {  	v45 =	vld [tilespmem:$0x15B0]  }
0xdf: {  	v46 =	vld [tilespmem:$0x1600]  }
0xe0: {  	v48 =	vld [tilespmem:$0x1610]  }
0xe1: {  	v49 =	vld [tilespmem:$0x1620]  }
0xe2: {  	v51 =	vld [tilespmem:$0x1630];
	[tilespmem:$0x1ADB0] =	vst v1  }
0xe3: {  	v52 =	vld [tilespmem:$0x1680];
	[tilespmem:$0x1ADC0] =	vst v45  }
0xe4: {  	v54 =	vld [tilespmem:$0x1690];
	[tilespmem:$0x1ADD0] =	vst v46  }
0xe5: {  	v55 =	vld [tilespmem:$0x16A0];
	[tilespmem:$0x1ADE0] =	vst v48  }
0xe6: {  	v57 =	vld [tilespmem:$0x16B0];
	[tilespmem:$0x1ADF0] =	vst v49  }
0xe7: {  	v58 =	vld [tilespmem:$0x1700];
	[tilespmem:$0x1AE00] =	vst v51  }
0xe8: {  	v60 =	vld [tilespmem:$0x1710];
	[tilespmem:$0x1AE10] =	vst v52  }
0xe9: {  	v61 =	vld [tilespmem:$0x1720];
	[tilespmem:$0x1AE20] =	vst v54  }
0xea: {  	v4 =	vld [tilespmem:$0x1730];
	[tilespmem:$0x1AE30] =	vst v55  }
0xeb: {  	v6 =	vld [tilespmem:$0x1780];
	[tilespmem:$0x1AE40] =	vst v57  }
0xec: {  	v7 =	vld [tilespmem:$0x1790];
	[tilespmem:$0x1AE50] =	vst v58  }
0xed: {  	v9 =	vld [tilespmem:$0x17A0];
	[tilespmem:$0x1AE60] =	vst v60  }
0xee: {  	v10 =	vld [tilespmem:$0x17B0];
	[tilespmem:$0x1AE70] =	vst v61  }
0xef: {  	v12 =	vld [tilespmem:$0x1800];
	[tilespmem:$0x1AE80] =	vst v4  }
0xf0: {  	v13 =	vld [tilespmem:$0x1810];
	[tilespmem:$0x1AE90] =	vst v6  }
0xf1: {  	v15 =	vld [tilespmem:$0x1820];
	[tilespmem:$0x1AEA0] =	vst v7  }
0xf2: {  	v16 =	vld [tilespmem:$0x1830];
	[tilespmem:$0x1AEB0] =	vst v9  }
0xf3: {  	v18 =	vld [tilespmem:$0x1880];
	[tilespmem:$0x1AEC0] =	vst v10  }
0xf4: {  	v19 =	vld [tilespmem:$0x1890];
	[tilespmem:$0x1AED0] =	vst v12  }
0xf5: {  	v21 =	vld [tilespmem:$0x18A0];
	[tilespmem:$0x1AEE0] =	vst v13  }
0xf6: {  	v22 =	vld [tilespmem:$0x18B0];
	[tilespmem:$0x1AEF0] =	vst v15  }
0xf7: {  	v24 =	vld [tilespmem:$0x1900];
	[tilespmem:$0x1AF00] =	vst v16  }
0xf8: {  	v25 =	vld [tilespmem:$0x1910];
	[tilespmem:$0x1AF10] =	vst v18  }
0xf9: {  	v27 =	vld [tilespmem:$0x1920];
	[tilespmem:$0x1AF20] =	vst v19  }
0xfa: {  	v28 =	vld [tilespmem:$0x1930];
	[tilespmem:$0x1AF30] =	vst v21  }
0xfb: {  	v30 =	vld [tilespmem:$0x1980];
	[tilespmem:$0x1AF40] =	vst v22  }
0xfc: {  	v31 =	vld [tilespmem:$0x1990];
	[tilespmem:$0x1AF50] =	vst v24  }
0xfd: {  	v33 =	vld [tilespmem:$0x19A0];
	[tilespmem:$0x1AF60] =	vst v25  }
0xfe: {  	v34 =	vld [tilespmem:$0x19B0];
	[tilespmem:$0x1AF70] =	vst v27  }
0xff: {  	v35 =	vld [tilespmem:$0x1A00];
	[tilespmem:$0x1AF80] =	vst v28  }
0x100: {  	v36 =	vld [tilespmem:$0x1A10];
	[tilespmem:$0x1AF90] =	vst v30  }
0x101: {  	v37 =	vld [tilespmem:$0x1A20];
	[tilespmem:$0x1AFA0] =	vst v31  }
0x102: {  	v39 =	vld [tilespmem:$0x1A30];
	[tilespmem:$0x1AFB0] =	vst v33  }
0x103: {  	v40 =	vld [tilespmem:$0x1A80];
	[tilespmem:$0x1AFC0] =	vst v34  }
0x104: {  	v42 =	vld [tilespmem:$0x1A90];
	[tilespmem:$0x1AFD0] =	vst v35  }
0x105: {  	v43 =	vld [tilespmem:$0x1AA0];
	[tilespmem:$0x1AFE0] =	vst v36  }
0x106: {  	[tilespmem:$0x1AFF0] =	vst v37;
	v45 =	vld [tilespmem:$0x1AB0]  }
0x107: {  	[tilespmem:$0x1B000] =	vst v39;
	v46 =	vld [tilespmem:$0x1B00]  }
0x108: {  	[tilespmem:$0x1B010] =	vst v40;
	v48 =	vld [tilespmem:$0x1B10]  }
0x109: {  	[tilespmem:$0x1B020] =	vst v42;
	v49 =	vld [tilespmem:$0x1B20]  }
0x10a: {  	[tilespmem:$0x1B030] =	vst v43;
	v51 =	vld [tilespmem:$0x1B30]  }
0x10b: {  	v52 =	vld [tilespmem:$0x1B80];
	[tilespmem:$0x1B040] =	vst v45  }
0x10c: {  	v54 =	vld [tilespmem:$0x1B90];
	[tilespmem:$0x1B050] =	vst v46  }
0x10d: {  	v55 =	vld [tilespmem:$0x1BA0];
	[tilespmem:$0x1B060] =	vst v48  }
0x10e: {  	v57 =	vld [tilespmem:$0x1BB0];
	[tilespmem:$0x1B070] =	vst v49  }
0x10f: {  	v58 =	vld [tilespmem:$0x1C00];
	[tilespmem:$0x1B080] =	vst v51  }
0x110: {  	v60 =	vld [tilespmem:$0x1C10];
	[tilespmem:$0x1B090] =	vst v52  }
0x111: {  	v61 =	vld [tilespmem:$0x1C20];
	[tilespmem:$0x1B0A0] =	vst v54  }
0x112: {  	v4 =	vld [tilespmem:$0x1C30];
	[tilespmem:$0x1B0B0] =	vst v55  }
0x113: {  	v6 =	vld [tilespmem:$0x1C80];
	[tilespmem:$0x1B0C0] =	vst v57  }
0x114: {  	v7 =	vld [tilespmem:$0x1C90];
	[tilespmem:$0x1B0D0] =	vst v58  }
0x115: {  	v9 =	vld [tilespmem:$0x1CA0];
	[tilespmem:$0x1B0E0] =	vst v60  }
0x116: {  	v10 =	vld [tilespmem:$0x1CB0];
	[tilespmem:$0x1B0F0] =	vst v61  }
0x117: {  	v12 =	vld [tilespmem:$0x1D00];
	[tilespmem:$0x1B100] =	vst v4  }
0x118: {  	v13 =	vld [tilespmem:$0x1D10];
	[tilespmem:$0x1B110] =	vst v6  }
0x119: {  	v15 =	vld [tilespmem:$0x1D20];
	[tilespmem:$0x1B120] =	vst v7  }
0x11a: {  	v16 =	vld [tilespmem:$0x1D30];
	[tilespmem:$0x1B130] =	vst v9  }
0x11b: {  	v18 =	vld [tilespmem:$0x1D80];
	[tilespmem:$0x1B140] =	vst v10  }
0x11c: {  	v19 =	vld [tilespmem:$0x1D90];
	[tilespmem:$0x1B150] =	vst v12  }
0x11d: {  	v21 =	vld [tilespmem:$0x1DA0];
	[tilespmem:$0x1B160] =	vst v13  }
0x11e: {  	v22 =	vld [tilespmem:$0x1DB0];
	[tilespmem:$0x1B170] =	vst v15  }
0x11f: {  	v24 =	vld [tilespmem:$0x1E00];
	[tilespmem:$0x1B180] =	vst v16  }
0x120: {  	v25 =	vld [tilespmem:$0x1E10];
	[tilespmem:$0x1B190] =	vst v18  }
0x121: {  	v27 =	vld [tilespmem:$0x1E20];
	[tilespmem:$0x1B1A0] =	vst v19  }
0x122: {  	v28 =	vld [tilespmem:$0x1E30];
	[tilespmem:$0x1B1B0] =	vst v21  }
0x123: {  	v30 =	vld [tilespmem:$0x1E80];
	[tilespmem:$0x1B1C0] =	vst v22  }
0x124: {  	v31 =	vld [tilespmem:$0x1E90];
	[tilespmem:$0x1B1D0] =	vst v24  }
0x125: {  	v33 =	vld [tilespmem:$0x1EA0];
	[tilespmem:$0x1B1E0] =	vst v25  }
0x126: {  	v34 =	vld [tilespmem:$0x1EB0];
	[tilespmem:$0x1B1F0] =	vst v27  }
0x127: {  	v35 =	vld [tilespmem:$0x1F00];
	[tilespmem:$0x1B200] =	vst v28  }
0x128: {  	v36 =	vld [tilespmem:$0x1F10];
	[tilespmem:$0x1B210] =	vst v30  }
0x129: {  	v37 =	vld [tilespmem:$0x1F20];
	[tilespmem:$0x1B220] =	vst v31  }
0x12a: {  	v39 =	vld [tilespmem:$0x1F30];
	[tilespmem:$0x1B230] =	vst v33  }
0x12b: {  	v40 =	vld [tilespmem:$0x1F80];
	[tilespmem:$0x1B240] =	vst v34  }
0x12c: {  	v42 =	vld [tilespmem:$0x1F90];
	[tilespmem:$0x1B250] =	vst v35  }
0x12d: {  	v43 =	vld [tilespmem:$0x1FA0];
	[tilespmem:$0x1B260] =	vst v36  }
0x12e: {  	[tilespmem:$0x1B270] =	vst v37;
	v45 =	vld [tilespmem:$0x1FB0]  }
0x12f: {  	[tilespmem:$0x1B280] =	vst v39;
	v46 =	vld [tilespmem:$0x2000]  }
0x130: {  	[tilespmem:$0x1B290] =	vst v40;
	v48 =	vld [tilespmem:$0x2010]  }
0x131: {  	[tilespmem:$0x1B2A0] =	vst v42;
	v49 =	vld [tilespmem:$0x2020]  }
0x132: {  	[tilespmem:$0x1B2B0] =	vst v43;
	v51 =	vld [tilespmem:$0x2030]  }
0x133: {  	v52 =	vld [tilespmem:$0x2080];
	[tilespmem:$0x1B2C0] =	vst v45  }
0x134: {  	v54 =	vld [tilespmem:$0x2090];
	[tilespmem:$0x1B2D0] =	vst v46  }
0x135: {  	v55 =	vld [tilespmem:$0x20A0];
	[tilespmem:$0x1B2E0] =	vst v48  }
0x136: {  	v57 =	vld [tilespmem:$0x20B0];
	[tilespmem:$0x1B2F0] =	vst v49  }
0x137: {  	v58 =	vld [tilespmem:$0x2100];
	[tilespmem:$0x1B300] =	vst v51  }
0x138: {  	v60 =	vld [tilespmem:$0x2110];
	[tilespmem:$0x1B310] =	vst v52  }
0x139: {  	v61 =	vld [tilespmem:$0x2120];
	[tilespmem:$0x1B320] =	vst v54  }
0x13a: {  	v4 =	vld [tilespmem:$0x2130];
	[tilespmem:$0x1B330] =	vst v55  }
0x13b: {  	v6 =	vld [tilespmem:$0x2180];
	[tilespmem:$0x1B340] =	vst v57  }
0x13c: {  	v7 =	vld [tilespmem:$0x2190];
	[tilespmem:$0x1B350] =	vst v58  }
0x13d: {  	v9 =	vld [tilespmem:$0x21A0];
	[tilespmem:$0x1B360] =	vst v60  }
0x13e: {  	v10 =	vld [tilespmem:$0x3210];
	[tilespmem:$0x1B370] =	vst v61  }
0x13f: {  	v12 =	vld [tilespmem:$0x3200];
	[tilespmem:$0x1B380] =	vst v4  }
0x140: {  	v13 =	vld [tilespmem:$0x31B0];
	[tilespmem:$0x1B390] =	vst v6  }
0x141: {  	v15 =	vld [tilespmem:$0x31A0];
	[tilespmem:$0x1B3A0] =	vst v7  }
0x142: {  	v16 =	vld [tilespmem:$0x3190];
	[tilespmem:$0x1B3B0] =	vst v9  }
0x143: {  	v18 =	vld [tilespmem:$0x3180];
	[tilespmem:$0x1BF30] =	vst v10  }
0x144: {  	v19 =	vld [tilespmem:$0x3130];
	[tilespmem:$0x1BF40] =	vst v12  }
0x145: {  	v21 =	vld [tilespmem:$0x3120];
	[tilespmem:$0x1BF50] =	vst v13  }
0x146: {  	v22 =	vld [tilespmem:$0x3110];
	[tilespmem:$0x1BF60] =	vst v15  }
0x147: {  	v24 =	vld [tilespmem:$0x3100];
	[tilespmem:$0x1BF70] =	vst v16  }
0x148: {  	v25 =	vld [tilespmem:$0x30B0];
	[tilespmem:$0x1BF80] =	vst v18  }
0x149: {  	v27 =	vld [tilespmem:$0x30A0];
	[tilespmem:$0x1BF90] =	vst v19  }
0x14a: {  	v28 =	vld [tilespmem:$0x3090];
	[tilespmem:$0x1BFA0] =	vst v21  }
0x14b: {  	v30 =	vld [tilespmem:$0x3080];
	[tilespmem:$0x1BFB0] =	vst v22  }
0x14c: {  	v31 =	vld [tilespmem:$0x3030];
	[tilespmem:$0x1BFC0] =	vst v24  }
0x14d: {  	v33 =	vld [tilespmem:$0x3020];
	[tilespmem:$0x1BFD0] =	vst v25  }
0x14e: {  	v34 =	vld [tilespmem:$0x3010];
	[tilespmem:$0x1BFE0] =	vst v27  }
0x14f: {  	v35 =	vld [tilespmem:$0x3000];
	[tilespmem:$0x1BFF0] =	vst v28  }
0x150: {  	v36 =	vld [tilespmem:$0x2FB0];
	[tilespmem:$0x1C000] =	vst v30  }
0x151: {  	v37 =	vld [tilespmem:$0x2FA0];
	[tilespmem:$0x1C010] =	vst v31  }
0x152: {  	v39 =	vld [tilespmem:$0x2F90];
	[tilespmem:$0x1C020] =	vst v33  }
0x153: {  	v40 =	vld [tilespmem:$0x2F80];
	[tilespmem:$0x1C030] =	vst v34  }
0x154: {  	v42 =	vld [tilespmem:$0x2F30];
	[tilespmem:$0x1C040] =	vst v35  }
0x155: {  	v43 =	vld [tilespmem:$0x2F20];
	[tilespmem:$0x1C050] =	vst v36  }
0x156: {  	[tilespmem:$0x1C060] =	vst v37;
	v45 =	vld [tilespmem:$0x2F10]  }
0x157: {  	[tilespmem:$0x1C070] =	vst v39;
	v46 =	vld [tilespmem:$0x2F00]  }
0x158: {  	[tilespmem:$0x1C080] =	vst v40;
	v48 =	vld [tilespmem:$0x2EB0]  }
0x159: {  	[tilespmem:$0x1C090] =	vst v42;
	v49 =	vld [tilespmem:$0x2EA0]  }
0x15a: {  	[tilespmem:$0x1C0A0] =	vst v43;
	v51 =	vld [tilespmem:$0x2E90]  }
0x15b: {  	v52 =	vld [tilespmem:$0x2E80];
	[tilespmem:$0x1C0B0] =	vst v45  }
0x15c: {  	v54 =	vld [tilespmem:$0x2E30];
	[tilespmem:$0x1C0C0] =	vst v46  }
0x15d: {  	v55 =	vld [tilespmem:$0x2E20];
	[tilespmem:$0x1C0D0] =	vst v48  }
0x15e: {  	v57 =	vld [tilespmem:$0x2E10];
	[tilespmem:$0x1C0E0] =	vst v49  }
0x15f: {  	v58 =	vld [tilespmem:$0x2E00];
	[tilespmem:$0x1C0F0] =	vst v51  }
0x160: {  	v60 =	vld [tilespmem:$0x2DB0];
	[tilespmem:$0x1C100] =	vst v52  }
0x161: {  	v61 =	vld [tilespmem:$0x2DA0];
	[tilespmem:$0x1C110] =	vst v54  }
0x162: {  	v4 =	vld [tilespmem:$0x2D90];
	[tilespmem:$0x1C120] =	vst v55  }
0x163: {  	v6 =	vld [tilespmem:$0x2D80];
	[tilespmem:$0x1C130] =	vst v57  }
0x164: {  	v7 =	vld [tilespmem:$0x2D30];
	[tilespmem:$0x1C140] =	vst v58  }
0x165: {  	v9 =	vld [tilespmem:$0x2D20];
	[tilespmem:$0x1C150] =	vst v60  }
0x166: {  	v10 =	vld [tilespmem:$0x2D10];
	[tilespmem:$0x1C160] =	vst v61  }
0x167: {  	v12 =	vld [tilespmem:$0x2D00];
	[tilespmem:$0x1C170] =	vst v4  }
0x168: {  	v13 =	vld [tilespmem:$0x2CB0];
	[tilespmem:$0x1C180] =	vst v6  }
0x169: {  	v15 =	vld [tilespmem:$0x2CA0];
	[tilespmem:$0x1C190] =	vst v7  }
0x16a: {  	v16 =	vld [tilespmem:$0x2C90];
	[tilespmem:$0x1C1A0] =	vst v9  }
0x16b: {  	v18 =	vld [tilespmem:$0x2C80];
	[tilespmem:$0x1C1B0] =	vst v10  }
0x16c: {  	v19 =	vld [tilespmem:$0x2C30];
	[tilespmem:$0x1C1C0] =	vst v12  }
0x16d: {  	v21 =	vld [tilespmem:$0x2C20];
	[tilespmem:$0x1C1D0] =	vst v13  }
0x16e: {  	v22 =	vld [tilespmem:$0x2C10];
	[tilespmem:$0x1C1E0] =	vst v15  }
0x16f: {  	v24 =	vld [tilespmem:$0x2C00];
	[tilespmem:$0x1C1F0] =	vst v16  }
0x170: {  	v25 =	vld [tilespmem:$0x2BB0];
	[tilespmem:$0x1C200] =	vst v18  }
0x171: {  	v27 =	vld [tilespmem:$0x2BA0];
	[tilespmem:$0x1C210] =	vst v19  }
0x172: {  	v28 =	vld [tilespmem:$0x2B90];
	[tilespmem:$0x1C220] =	vst v21  }
0x173: {  	v30 =	vld [tilespmem:$0x2B80];
	[tilespmem:$0x1C230] =	vst v22  }
0x174: {  	v31 =	vld [tilespmem:$0x2B30];
	[tilespmem:$0x1C240] =	vst v24  }
0x175: {  	v33 =	vld [tilespmem:$0x2B20];
	[tilespmem:$0x1C250] =	vst v25  }
0x176: {  	v34 =	vld [tilespmem:$0x2B10];
	[tilespmem:$0x1C260] =	vst v27  }
0x177: {  	v35 =	vld [tilespmem:$0x2B00];
	[tilespmem:$0x1C270] =	vst v28  }
0x178: {  	v36 =	vld [tilespmem:$0x2AB0];
	[tilespmem:$0x1C280] =	vst v30  }
0x179: {  	v37 =	vld [tilespmem:$0x2AA0];
	[tilespmem:$0x1C290] =	vst v31  }
0x17a: {  	v39 =	vld [tilespmem:$0x2A90];
	[tilespmem:$0x1C2A0] =	vst v33  }
0x17b: {  	v40 =	vld [tilespmem:$0x2A80];
	[tilespmem:$0x1C2B0] =	vst v34  }
0x17c: {  	v42 =	vld [tilespmem:$0x2A30];
	[tilespmem:$0x1C2C0] =	vst v35  }
0x17d: {  	v43 =	vld [tilespmem:$0x2A20];
	[tilespmem:$0x1C2D0] =	vst v36  }
0x17e: {  	[tilespmem:$0x1C2E0] =	vst v37;
	v45 =	vld [tilespmem:$0x2A10]  }
0x17f: {  	[tilespmem:$0x1C2F0] =	vst v39;
	v46 =	vld [tilespmem:$0x2A00]  }
0x180: {  	[tilespmem:$0x1C300] =	vst v40;
	v48 =	vld [tilespmem:$0x29B0]  }
0x181: {  	[tilespmem:$0x1C310] =	vst v42;
	v49 =	vld [tilespmem:$0x29A0]  }
0x182: {  	[tilespmem:$0x1C320] =	vst v43;
	v51 =	vld [tilespmem:$0x2990]  }
0x183: {  	v52 =	vld [tilespmem:$0x2980];
	[tilespmem:$0x1C330] =	vst v45  }
0x184: {  	v54 =	vld [tilespmem:$0x2930];
	[tilespmem:$0x1C340] =	vst v46  }
0x185: {  	v55 =	vld [tilespmem:$0x2920];
	[tilespmem:$0x1C350] =	vst v48  }
0x186: {  	v57 =	vld [tilespmem:$0x2910];
	[tilespmem:$0x1C360] =	vst v49  }
0x187: {  	v58 =	vld [tilespmem:$0x2900];
	[tilespmem:$0x1C370] =	vst v51  }
0x188: {  	v60 =	vld [tilespmem:$0x28B0];
	[tilespmem:$0x1C380] =	vst v52  }
0x189: {  	v61 =	vld [tilespmem:$0x28A0];
	[tilespmem:$0x1C390] =	vst v54  }
0x18a: {  	v4 =	vld [tilespmem:$0x2890];
	[tilespmem:$0x1C3A0] =	vst v55  }
0x18b: {  	v6 =	vld [tilespmem:$0x2880];
	[tilespmem:$0x1C3B0] =	vst v57  }
0x18c: {  	v7 =	vld [tilespmem:$0x2830];
	[tilespmem:$0x1C3C0] =	vst v58  }
0x18d: {  	v9 =	vld [tilespmem:$0x2820];
	[tilespmem:$0x1C3D0] =	vst v60  }
0x18e: {  	v10 =	vld [tilespmem:$0x2810];
	[tilespmem:$0x1B730] =	vst v61  }
0x18f: {  	v12 =	vld [tilespmem:$0x2800];
	[tilespmem:$0x1B720] =	vst v4  }
0x190: {  	v13 =	vld [tilespmem:$0x27B0];
	[tilespmem:$0x1B710] =	vst v6  }
0x191: {  	v15 =	vld [tilespmem:$0x27A0];
	[tilespmem:$0x1B700] =	vst v7  }
0x192: {  	v16 =	vld [tilespmem:$0x2790];
	[tilespmem:$0x1B6F0] =	vst v9  }
0x193: {  	v18 =	vld [tilespmem:$0x2780];
	[tilespmem:$0x1B6E0] =	vst v10  }
0x194: {  	v19 =	vld [tilespmem:$0x2730];
	[tilespmem:$0x1B6D0] =	vst v12  }
0x195: {  	v21 =	vld [tilespmem:$0x2720];
	[tilespmem:$0x1B6C0] =	vst v13  }
0x196: {  	v22 =	vld [tilespmem:$0x2710];
	[tilespmem:$0x1B6B0] =	vst v15  }
0x197: {  	v24 =	vld [tilespmem:$0x2700];
	[tilespmem:$0x1B6A0] =	vst v16  }
0x198: {  	v25 =	vld [tilespmem:$0x26B0];
	[tilespmem:$0x1B690] =	vst v18  }
0x199: {  	v27 =	vld [tilespmem:$0x26A0];
	[tilespmem:$0x1B680] =	vst v19  }
0x19a: {  	v28 =	vld [tilespmem:$0x2690];
	[tilespmem:$0x1B670] =	vst v21  }
0x19b: {  	v30 =	vld [tilespmem:$0x2680];
	[tilespmem:$0x1B660] =	vst v22  }
0x19c: {  	v31 =	vld [tilespmem:$0x2630];
	[tilespmem:$0x1B650] =	vst v24  }
0x19d: {  	v33 =	vld [tilespmem:$0x2620];
	[tilespmem:$0x1B640] =	vst v25  }
0x19e: {  	v34 =	vld [tilespmem:$0x2610];
	[tilespmem:$0x1B630] =	vst v27  }
0x19f: {  	v35 =	vld [tilespmem:$0x2600];
	[tilespmem:$0x1B620] =	vst v28  }
0x1a0: {  	v36 =	vld [tilespmem:$0x25B0];
	[tilespmem:$0x1B610] =	vst v30  }
0x1a1: {  	v37 =	vld [tilespmem:$0x25A0];
	[tilespmem:$0x1B600] =	vst v31  }
0x1a2: {  	v39 =	vld [tilespmem:$0x2590];
	[tilespmem:$0x1B5F0] =	vst v33  }
0x1a3: {  	v40 =	vld [tilespmem:$0x2580];
	[tilespmem:$0x1B5E0] =	vst v34  }
0x1a4: {  	v42 =	vld [tilespmem:$0x2530];
	[tilespmem:$0x1B5D0] =	vst v35  }
0x1a5: {  	v43 =	vld [tilespmem:$0x2520];
	[tilespmem:$0x1B5C0] =	vst v36  }
0x1a6: {  	[tilespmem:$0x1B5B0] =	vst v37;
	v45 =	vld [tilespmem:$0x2510]  }
0x1a7: {  	[tilespmem:$0x1B5A0] =	vst v39;
	v46 =	vld [tilespmem:$0x2500]  }
0x1a8: {  	[tilespmem:$0x1B590] =	vst v40;
	v48 =	vld [tilespmem:$0x24B0]  }
0x1a9: {  	[tilespmem:$0x1B580] =	vst v42;
	v49 =	vld [tilespmem:$0x24A0]  }
0x1aa: {  	[tilespmem:$0x1B570] =	vst v43;
	v51 =	vld [tilespmem:$0x2490]  }
0x1ab: {  	v52 =	vld [tilespmem:$0x2480];
	[tilespmem:$0x1B560] =	vst v45  }
0x1ac: {  	v54 =	vld [tilespmem:$0x2430];
	[tilespmem:$0x1B550] =	vst v46  }
0x1ad: {  	v55 =	vld [tilespmem:$0x2420];
	[tilespmem:$0x1B540] =	vst v48  }
0x1ae: {  	v57 =	vld [tilespmem:$0x2410];
	[tilespmem:$0x1B530] =	vst v49  }
0x1af: {  	v58 =	vld [tilespmem:$0x2400];
	[tilespmem:$0x1B520] =	vst v51  }
0x1b0: {  	v60 =	vld [tilespmem:$0x23B0];
	[tilespmem:$0x1B510] =	vst v52  }
0x1b1: {  	v61 =	vld [tilespmem:$0x23A0];
	[tilespmem:$0x1B500] =	vst v54  }
0x1b2: {  	v4 =	vld [tilespmem:$0x2390];
	[tilespmem:$0x1B4F0] =	vst v55  }
0x1b3: {  	v6 =	vld [tilespmem:$0x2380];
	[tilespmem:$0x1B4E0] =	vst v57  }
0x1b4: {  	v7 =	vld [tilespmem:$0x2330];
	[tilespmem:$0x1B4D0] =	vst v58  }
0x1b5: {  	v9 =	vld [tilespmem:$0x2320];
	[tilespmem:$0x1B4C0] =	vst v60  }
0x1b6: {  	v10 =	vld [tilespmem:$0x2310];
	[tilespmem:$0x1B4B0] =	vst v61  }
0x1b7: {  	v12 =	vld [tilespmem:$0x2300];
	[tilespmem:$0x1B4A0] =	vst v4  }
0x1b8: {  	v13 =	vld [tilespmem:$0x22B0];
	[tilespmem:$0x1B490] =	vst v6  }
0x1b9: {  	v15 =	vld [tilespmem:$0x22A0];
	[tilespmem:$0x1B480] =	vst v7  }
0x1ba: {  	v16 =	vld [tilespmem:$0x2290];
	[tilespmem:$0x1B470] =	vst v9  }
0x1bb: {  	v18 =	vld [tilespmem:$0x2280];
	[tilespmem:$0x1B460] =	vst v10  }
0x1bc: {  	v19 =	vld [tilespmem:$0x2230];
	[tilespmem:$0x1B450] =	vst v12  }
0x1bd: {  	v21 =	vld [tilespmem:$0x2220];
	[tilespmem:$0x1B440] =	vst v13  }
0x1be: {  	v22 =	vld [tilespmem:$0x2210];
	[tilespmem:$0x1B430] =	vst v15  }
0x1bf: {  	v24 =	vld [tilespmem:$0x2200];
	[tilespmem:$0x1B420] =	vst v16  }
0x1c0: {  	v25 =	vld [tilespmem:$0x21B0];
	[tilespmem:$0x1B410] =	vst v18  }
0x1c1: {  	v27 =	vld [tilespmem:$0x3220];
	[tilespmem:$0x1B400] =	vst v19  }
0x1c2: {  	v28 =	vld [tilespmem:$0x3230];
	[tilespmem:$0x1B3F0] =	vst v21  }
0x1c3: {  	v30 =	vld [tilespmem:$0x3280];
	[tilespmem:$0x1B3E0] =	vst v22  }
0x1c4: {  	v31 =	vld [tilespmem:$0x3290];
	[tilespmem:$0x1B3D0] =	vst v24  }
0x1c5: {  	v33 =	vld [tilespmem:$0x32A0];
	[tilespmem:$0x1B3C0] =	vst v25  }
0x1c6: {  	v34 =	vld [tilespmem:$0x32B0];
	[tilespmem:$0x1BF20] =	vst v27  }
0x1c7: {  	v35 =	vld [tilespmem:$0x3300];
	[tilespmem:$0x1BF10] =	vst v28  }
0x1c8: {  	v36 =	vld [tilespmem:$0x3310];
	[tilespmem:$0x1BF00] =	vst v30  }
0x1c9: {  	v37 =	vld [tilespmem:$0x3320];
	[tilespmem:$0x1BEF0] =	vst v31  }
0x1ca: {  	v39 =	vld [tilespmem:$0x3330];
	[tilespmem:$0x1BEE0] =	vst v33  }
0x1cb: {  	v40 =	vld [tilespmem:$0x3380];
	[tilespmem:$0x1BED0] =	vst v34  }
0x1cc: {  	v42 =	vld [tilespmem:$0x3390];
	[tilespmem:$0x1BEC0] =	vst v35  }
0x1cd: {  	v43 =	vld [tilespmem:$0x33A0];
	[tilespmem:$0x1BEB0] =	vst v36  }
0x1ce: {  	[tilespmem:$0x1BEA0] =	vst v37;
	v45 =	vld [tilespmem:$0x33B0]  }
0x1cf: {  	[tilespmem:$0x1BE90] =	vst v39;
	v46 =	vld [tilespmem:$0x3400]  }
0x1d0: {  	[tilespmem:$0x1BE80] =	vst v40;
	v48 =	vld [tilespmem:$0x3410]  }
0x1d1: {  	[tilespmem:$0x1BE70] =	vst v42;
	v49 =	vld [tilespmem:$0x3420]  }
0x1d2: {  	[tilespmem:$0x1BE60] =	vst v43;
	v51 =	vld [tilespmem:$0x3430]  }
0x1d3: {  	v52 =	vld [tilespmem:$0x3480];
	[tilespmem:$0x1BE50] =	vst v45  }
0x1d4: {  	v54 =	vld [tilespmem:$0x3490];
	[tilespmem:$0x1BE40] =	vst v46  }
0x1d5: {  	v55 =	vld [tilespmem:$0x34A0];
	[tilespmem:$0x1BE30] =	vst v48  }
0x1d6: {  	v57 =	vld [tilespmem:$0x34B0];
	[tilespmem:$0x1BE20] =	vst v49  }
0x1d7: {  	[tilespmem:$0x1BE10] =	vst v51  }
0x1d8: {  	[tilespmem:$0x1BE00] =	vst v52  }
0x1d9: {  	[tilespmem:$0x1BDF0] =	vst v54  }
0x1da: {  	[tilespmem:$0x1BDE0] =	vst v55  }
0x1db: {  	[tilespmem:$0x1BDD0] =	vst v57  }
0x1dc: {  	v35 =	vld [tilespmem:$0x3810];
	_ =	sdelay $0x4  }
0x1dd: {  	[tilespmem:$0x1BC30] =	vst v35;
	v35 =	vld [tilespmem:$0x3D10];
	_ =	sdelay $0x4  }
0x1de: {  	[tilespmem:$0x1B9B0] =	vst v35;
	v35 =	vld [tilespmem:$0x4720];
	_ =	sdelay $0x4  }
0x1df: {  	[tilespmem:$0x1C3E0] =	vst v35;
	v35 =	vld [tilespmem:$0x4730];
	_ =	sdelay $0x4  }
0x1e0: {  	[tilespmem:$0x1C3F0] =	vst v35;
	v35 =	vld [tilespmem:$0x4780];
	_ =	sdelay $0x4  }
0x1e1: {  	[tilespmem:$0x1C400] =	vst v35;
	v35 =	vld [tilespmem:$0x4790];
	_ =	sdelay $0x4  }
0x1e2: {  	[tilespmem:$0x1C410] =	vst v35;
	v35 =	vld [tilespmem:$0x47A0];
	_ =	sdelay $0x4  }
0x1e3: {  	[tilespmem:$0x1C420] =	vst v35;
	v35 =	vld [tilespmem:$0x47B0];
	_ =	sdelay $0x4  }
0x1e4: {  	[tilespmem:$0x1C430] =	vst v35;
	v35 =	vld [tilespmem:$0x4800];
	_ =	sdelay $0x4  }
0x1e5: {  	[tilespmem:$0x1C440] =	vst v35;
	v35 =	vld [tilespmem:$0x4810];
	_ =	sdelay $0x4  }
0x1e6: {  	[tilespmem:$0x1C450] =	vst v35;
	v35 =	vld [tilespmem:$0x4820];
	_ =	sdelay $0x4  }
0x1e7: {  	[tilespmem:$0x1C460] =	vst v35;
	v35 =	vld [tilespmem:$0x4830];
	_ =	sdelay $0x4  }
0x1e8: {  	[tilespmem:$0x1C470] =	vst v35;
	v35 =	vld [tilespmem:$0x4880];
	_ =	sdelay $0x4  }
0x1e9: {  	[tilespmem:$0x1C480] =	vst v35;
	v35 =	vld [tilespmem:$0x4890];
	_ =	sdelay $0x4  }
0x1ea: {  	[tilespmem:$0x1C490] =	vst v35;
	v35 =	vld [tilespmem:$0x48A0];
	_ =	sdelay $0x4  }
0x1eb: {  	[tilespmem:$0x1C4A0] =	vst v35;
	v35 =	vld [tilespmem:$0x48B0];
	_ =	sdelay $0x4  }
0x1ec: {  	[tilespmem:$0x1C4B0] =	vst v35;
	v35 =	vld [tilespmem:$0x4900];
	_ =	sdelay $0x4  }
0x1ed: {  	[tilespmem:$0x1C4C0] =	vst v35;
	v35 =	vld [tilespmem:$0x4910];
	_ =	sdelay $0x4  }
0x1ee: {  	[tilespmem:$0x1C4D0] =	vst v35;
	v35 =	vld [tilespmem:$0x4920];
	_ =	sdelay $0x4  }
0x1ef: {  	[tilespmem:$0x1C4E0] =	vst v35;
	v35 =	vld [tilespmem:$0x4930];
	_ =	sdelay $0x4  }
0x1f0: {  	[tilespmem:$0x1C4F0] =	vst v35;
	v35 =	vld [tilespmem:$0x4980];
	_ =	sdelay $0x4  }
0x1f1: {  	[tilespmem:$0x1C500] =	vst v35;
	v35 =	vld [tilespmem:$0x4990];
	_ =	sdelay $0x4  }
0x1f2: {  	[tilespmem:$0x1C510] =	vst v35;
	v35 =	vld [tilespmem:$0x49A0];
	_ =	sdelay $0x4  }
0x1f3: {  	[tilespmem:$0x1C520] =	vst v35;
	v35 =	vld [tilespmem:$0x49B0];
	_ =	sdelay $0x4  }
0x1f4: {  	[tilespmem:$0x1C530] =	vst v35;
	v35 =	vld [tilespmem:$0x4A00];
	_ =	sdelay $0x4  }
0x1f5: {  	[tilespmem:$0x1C540] =	vst v35;
	v35 =	vld [tilespmem:$0x4A10];
	_ =	sdelay $0x4  }
0x1f6: {  	[tilespmem:$0x1C550] =	vst v35;
	v35 =	vld [tilespmem:$0x4A20];
	_ =	sdelay $0x4  }
0x1f7: {  	[tilespmem:$0x1C560] =	vst v35;
	v35 =	vld [tilespmem:$0x4A30];
	_ =	sdelay $0x4  }
0x1f8: {  	[tilespmem:$0x1C570] =	vst v35;
	v35 =	vld [tilespmem:$0x4A80];
	_ =	sdelay $0x4  }
0x1f9: {  	[tilespmem:$0x1C580] =	vst v35;
	v35 =	vld [tilespmem:$0x4A90];
	_ =	sdelay $0x4  }
0x1fa: {  	[tilespmem:$0x1C590] =	vst v35;
	v35 =	vld [tilespmem:$0x4AA0];
	_ =	sdelay $0x4  }
0x1fb: {  	[tilespmem:$0x1C5A0] =	vst v35;
	v35 =	vld [tilespmem:$0x4AB0];
	_ =	sdelay $0x4  }
0x1fc: {  	[tilespmem:$0x1C5B0] =	vst v35;
	v35 =	vld [tilespmem:$0x4B00];
	_ =	sdelay $0x4  }
0x1fd: {  	[tilespmem:$0x1C5C0] =	vst v35;
	v35 =	vld [tilespmem:$0x4B10];
	_ =	sdelay $0x4  }
0x1fe: {  	[tilespmem:$0x1C5D0] =	vst v35;
	v35 =	vld [tilespmem:$0x4B20];
	_ =	sdelay $0x4  }
0x1ff: {  	[tilespmem:$0x1C5E0] =	vst v35;
	v35 =	vld [tilespmem:$0x4B30];
	_ =	sdelay $0x4  }
0x200: {  	[tilespmem:$0x1C5F0] =	vst v35;
	v35 =	vld [tilespmem:$0x4B80];
	_ =	sdelay $0x4  }
0x201: {  	[tilespmem:$0x1C600] =	vst v35;
	v35 =	vld [tilespmem:$0x4B90];
	_ =	sdelay $0x4  }
0x202: {  	[tilespmem:$0x1C610] =	vst v35;
	v35 =	vld [tilespmem:$0x4BA0];
	_ =	sdelay $0x4  }
0x203: {  	[tilespmem:$0x1C620] =	vst v35;
	v35 =	vld [tilespmem:$0x4BB0];
	_ =	sdelay $0x4  }
0x204: {  	[tilespmem:$0x1C630] =	vst v35;
	v35 =	vld [tilespmem:$0x4C00];
	_ =	sdelay $0x4  }
0x205: {  	[tilespmem:$0x1C640] =	vst v35;
	v35 =	vld [tilespmem:$0x4C10];
	_ =	sdelay $0x4  }
0x206: {  	[tilespmem:$0x1C650] =	vst v35;
	v35 =	vld [tilespmem:$0x4C20];
	_ =	sdelay $0x4  }
0x207: {  	[tilespmem:$0x1C660] =	vst v35;
	v35 =	vld [tilespmem:$0x4C30];
	_ =	sdelay $0x4  }
0x208: {  	[tilespmem:$0x1C670] =	vst v35;
	v35 =	vld [tilespmem:$0x4C80];
	_ =	sdelay $0x4  }
0x209: {  	[tilespmem:$0x1C680] =	vst v35;
	v35 =	vld [tilespmem:$0x4C90];
	_ =	sdelay $0x4  }
0x20a: {  	[tilespmem:$0x1C690] =	vst v35;
	v35 =	vld [tilespmem:$0x4CA0];
	_ =	sdelay $0x4  }
0x20b: {  	[tilespmem:$0x1C6A0] =	vst v35;
	v35 =	vld [tilespmem:$0x4CB0];
	_ =	sdelay $0x4  }
0x20c: {  	[tilespmem:$0x1C6B0] =	vst v35;
	v35 =	vld [tilespmem:$0x4D00];
	_ =	sdelay $0x4  }
0x20d: {  	[tilespmem:$0x1C6C0] =	vst v35;
	v35 =	vld [tilespmem:$0x4D10];
	_ =	sdelay $0x4  }
0x20e: {  	[tilespmem:$0x1C6D0] =	vst v35;
	v35 =	vld [tilespmem:$0x4D20];
	_ =	sdelay $0x4  }
0x20f: {  	[tilespmem:$0x1C6E0] =	vst v35;
	v35 =	vld [tilespmem:$0x4D30];
	_ =	sdelay $0x4  }
0x210: {  	[tilespmem:$0x1C6F0] =	vst v35;
	v35 =	vld [tilespmem:$0x4D80];
	_ =	sdelay $0x4  }
0x211: {  	[tilespmem:$0x1C700] =	vst v35;
	v35 =	vld [tilespmem:$0x4D90];
	_ =	sdelay $0x4  }
0x212: {  	[tilespmem:$0x1C710] =	vst v35;
	v35 =	vld [tilespmem:$0x4DA0];
	_ =	sdelay $0x4  }
0x213: {  	[tilespmem:$0x1C720] =	vst v35;
	v35 =	vld [tilespmem:$0x4DB0];
	_ =	sdelay $0x4  }
0x214: {  	[tilespmem:$0x1C730] =	vst v35;
	v35 =	vld [tilespmem:$0x4E00];
	_ =	sdelay $0x4  }
0x215: {  	[tilespmem:$0x1C740] =	vst v35;
	v35 =	vld [tilespmem:$0x4E10];
	_ =	sdelay $0x4  }
0x216: {  	[tilespmem:$0x1C750] =	vst v35;
	v35 =	vld [tilespmem:$0x4E20];
	_ =	sdelay $0x4  }
0x217: {  	[tilespmem:$0x1C760] =	vst v35;
	v35 =	vld [tilespmem:$0x4E30];
	_ =	sdelay $0x4  }
0x218: {  	[tilespmem:$0x1C770] =	vst v35;
	v35 =	vld [tilespmem:$0x4E80];
	_ =	sdelay $0x4  }
0x219: {  	[tilespmem:$0x1C780] =	vst v35;
	v35 =	vld [tilespmem:$0x4E90];
	_ =	sdelay $0x4  }
0x21a: {  	[tilespmem:$0x1C790] =	vst v35;
	v35 =	vld [tilespmem:$0x4EA0];
	_ =	sdelay $0x4  }
0x21b: {  	[tilespmem:$0x1C7A0] =	vst v35;
	v35 =	vld [tilespmem:$0x4EB0];
	_ =	sdelay $0x4  }
0x21c: {  	[tilespmem:$0x1C7B0] =	vst v35;
	v35 =	vld [tilespmem:$0x4F00];
	_ =	sdelay $0x4  }
0x21d: {  	[tilespmem:$0x1C7C0] =	vst v35;
	v35 =	vld [tilespmem:$0x4F10];
	_ =	sdelay $0x4  }
0x21e: {  	[tilespmem:$0x1C7D0] =	vst v35;
	v35 =	vld [tilespmem:$0x4F20];
	_ =	sdelay $0x4  }
0x21f: {  	[tilespmem:$0x1C7E0] =	vst v35;
	v35 =	vld [tilespmem:$0x4F30];
	_ =	sdelay $0x4  }
0x220: {  	[tilespmem:$0x1C7F0] =	vst v35;
	v35 =	vld [tilespmem:$0x4F80];
	_ =	sdelay $0x4  }
0x221: {  	[tilespmem:$0x1C800] =	vst v35;
	v35 =	vld [tilespmem:$0x4F90];
	_ =	sdelay $0x4  }
0x222: {  	[tilespmem:$0x1C810] =	vst v35;
	v35 =	vld [tilespmem:$0x4FA0];
	_ =	sdelay $0x4  }
0x223: {  	[tilespmem:$0x1C820] =	vst v35;
	v35 =	vld [tilespmem:$0x4FB0];
	_ =	sdelay $0x4  }
0x224: {  	[tilespmem:$0x1C830] =	vst v35;
	v35 =	vld [tilespmem:$0x5000];
	_ =	sdelay $0x4  }
0x225: {  	[tilespmem:$0x1C840] =	vst v35;
	v35 =	vld [tilespmem:$0x5010];
	_ =	sdelay $0x4  }
0x226: {  	[tilespmem:$0x1C850] =	vst v35;
	v35 =	vld [tilespmem:$0x5020];
	_ =	sdelay $0x4  }
0x227: {  	[tilespmem:$0x1C860] =	vst v35;
	v35 =	vld [tilespmem:$0x5030];
	_ =	sdelay $0x4  }
0x228: {  	[tilespmem:$0x1C870] =	vst v35;
	v35 =	vld [tilespmem:$0x5080];
	_ =	sdelay $0x4  }
0x229: {  	[tilespmem:$0x1C880] =	vst v35;
	v35 =	vld [tilespmem:$0x5090];
	_ =	sdelay $0x4  }
0x22a: {  	[tilespmem:$0x1C890] =	vst v35;
	v35 =	vld [tilespmem:$0x50A0];
	_ =	sdelay $0x4  }
0x22b: {  	[tilespmem:$0x1C8A0] =	vst v35;
	v35 =	vld [tilespmem:$0x50B0];
	_ =	sdelay $0x4  }
0x22c: {  	[tilespmem:$0x1C8B0] =	vst v35;
	v35 =	vld [tilespmem:$0x5100];
	_ =	sdelay $0x4  }
0x22d: {  	[tilespmem:$0x1C8C0] =	vst v35;
	v35 =	vld [tilespmem:$0x5110];
	_ =	sdelay $0x4  }
0x22e: {  	[tilespmem:$0x1C8D0] =	vst v35;
	v35 =	vld [tilespmem:$0x5120];
	_ =	sdelay $0x4  }
0x22f: {  	[tilespmem:$0x1C8E0] =	vst v35;
	v35 =	vld [tilespmem:$0x5130];
	_ =	sdelay $0x4  }
0x230: {  	[tilespmem:$0x1C8F0] =	vst v35;
	v35 =	vld [tilespmem:$0x5180];
	_ =	sdelay $0x4  }
0x231: {  	[tilespmem:$0x1C900] =	vst v35;
	v35 =	vld [tilespmem:$0x5190];
	_ =	sdelay $0x4  }
0x232: {  	[tilespmem:$0x1C910] =	vst v35;
	v35 =	vld [tilespmem:$0x51A0];
	_ =	sdelay $0x4  }
0x233: {  	[tilespmem:$0x1C920] =	vst v35;
	v35 =	vld [tilespmem:$0x51B0];
	_ =	sdelay $0x4  }
0x234: {  	[tilespmem:$0x1C930] =	vst v35;
	v35 =	vld [tilespmem:$0x5200];
	_ =	sdelay $0x4  }
0x235: {  	[tilespmem:$0x1C940] =	vst v35;
	v35 =	vld [tilespmem:$0x5210];
	_ =	sdelay $0x4  }
0x236: {  	[tilespmem:$0x1C950] =	vst v35;
	v35 =	vld [tilespmem:$0x5280];
	_ =	sdelay $0x1  }
0x237: {  	v1 =	vld [tilespmem:$0x3500]  }
0x238: {  	v58 =	vld [tilespmem:$0x3510]  }
0x239: {  	v60 =	vld [tilespmem:$0x3520]  }
0x23a: {  	[tilespmem:$0x1C960] =	vst v35;
	v35 =	vld [tilespmem:$0x52A0]  }
0x23b: {  	v61 =	vld [tilespmem:$0x3530]  }
0x23c: {  	v4 =	vld [tilespmem:$0x3580]  }
0x23d: {  	v6 =	vld [tilespmem:$0x3590]  }
0x23e: {  	v7 =	vld [tilespmem:$0x35A0]  }
0x23f: {  	[tilespmem:$0x1C970] =	vst v35;
	v35 =	vld [tilespmem:$0x5300]  }
0x240: {  	v9 =	vld [tilespmem:$0x35B0]  }
0x241: {  	v10 =	vld [tilespmem:$0x3600]  }
0x242: {  	v12 =	vld [tilespmem:$0x3610]  }
0x243: {  	v13 =	vld [tilespmem:$0x3620]  }
0x244: {  	[tilespmem:$0x1C980] =	vst v35;
	v35 =	vld [tilespmem:$0x5320]  }
0x245: {  	v15 =	vld [tilespmem:$0x3630]  }
0x246: {  	v16 =	vld [tilespmem:$0x3680]  }
0x247: {  	v18 =	vld [tilespmem:$0x3690]  }
0x248: {  	v19 =	vld [tilespmem:$0x36A0]  }
0x249: {  	[tilespmem:$0x1C990] =	vst v35;
	v35 =	vld [tilespmem:$0x5380]  }
0x24a: {  	v21 =	vld [tilespmem:$0x36B0]  }
0x24b: {  	v22 =	vld [tilespmem:$0x3700]  }
0x24c: {  	v24 =	vld [tilespmem:$0x3710]  }
0x24d: {  	v25 =	vld [tilespmem:$0x3720]  }
0x24e: {  	[tilespmem:$0x1C9A0] =	vst v35;
	v35 =	vld [tilespmem:$0x53A0]  }
0x24f: {  	v27 =	vld [tilespmem:$0x3730]  }
0x250: {  	v28 =	vld [tilespmem:$0x3780]  }
0x251: {  	v30 =	vld [tilespmem:$0x3790]  }
0x252: {  	v31 =	vld [tilespmem:$0x37A0]  }
0x253: {  	[tilespmem:$0x1C9B0] =	vst v35;
	v35 =	vld [tilespmem:$0x5400]  }
0x254: {  	v33 =	vld [tilespmem:$0x37B0]  }
0x255: {  	v34 =	vld [tilespmem:$0x3800]  }
0x256: {  	v36 =	vld [tilespmem:$0x3820]  }
0x257: {  	v37 =	vld [tilespmem:$0x3830]  }
0x258: {  	[tilespmem:$0x1C9C0] =	vst v35;
	v35 =	vld [tilespmem:$0x5420]  }
0x259: {  	v39 =	vld [tilespmem:$0x3880]  }
0x25a: {  	v40 =	vld [tilespmem:$0x3890]  }
0x25b: {  	v42 =	vld [tilespmem:$0x38A0]  }
0x25c: {  	v43 =	vld [tilespmem:$0x38B0]  }
0x25d: {  	[tilespmem:$0x1C9D0] =	vst v35;
	v35 =	vld [tilespmem:$0x5480]  }
0x25e: {  	v45 =	vld [tilespmem:$0x3900]  }
0x25f: {  	v46 =	vld [tilespmem:$0x3910]  }
0x260: {  	v48 =	vld [tilespmem:$0x3920]  }
0x261: {  	v49 =	vld [tilespmem:$0x3930]  }
0x262: {  	[tilespmem:$0x1C9E0] =	vst v35;
	v35 =	vld [tilespmem:$0x54A0]  }
0x263: {  	v51 =	vld [tilespmem:$0x3980]  }
0x264: {  	v52 =	vld [tilespmem:$0x3990]  }
0x265: {  	v54 =	vld [tilespmem:$0x39A0]  }
0x266: {  	v55 =	vld [tilespmem:$0x39B0]  }
0x267: {  	[tilespmem:$0x1C9F0] =	vst v35;
	v35 =	vld [tilespmem:$0x5500]  }
0x268: {  	v57 =	vld [tilespmem:$0x3A00]  }
0x269: {  	v3 =	vld [tilespmem:$0x4700];
	[tilespmem:$0x1BDC0] =	vst v1  }
0x26a: {  	[tilespmem:$0x1BDB0] =	vst v58;
	v58 =	vld [tilespmem:$0x3A10]  }
0x26b: {  	[tilespmem:$0x1BDA0] =	vst v60;
	v60 =	vld [tilespmem:$0x3A20]  }
0x26c: {  	[tilespmem:$0x1CA00] =	vst v35;
	v35 =	vld [tilespmem:$0x5520]  }
0x26d: {  	[tilespmem:$0x1BD90] =	vst v61;
	v61 =	vld [tilespmem:$0x3A30]  }
0x26e: {  	[tilespmem:$0x1BD80] =	vst v4;
	v4 =	vld [tilespmem:$0x3A80]  }
0x26f: {  	[tilespmem:$0x1BD70] =	vst v6;
	v6 =	vld [tilespmem:$0x3A90]  }
0x270: {  	[tilespmem:$0x1BD60] =	vst v7;
	v7 =	vld [tilespmem:$0x3AA0]  }
0x271: {  	[tilespmem:$0x1CA10] =	vst v35;
	v35 =	vld [tilespmem:$0x5580]  }
0x272: {  	[tilespmem:$0x1BD50] =	vst v9;
	v9 =	vld [tilespmem:$0x3AB0]  }
0x273: {  	[tilespmem:$0x1BD40] =	vst v10;
	v10 =	vld [tilespmem:$0x3B00]  }
0x274: {  	[tilespmem:$0x1BD30] =	vst v12;
	v12 =	vld [tilespmem:$0x3B10]  }
0x275: {  	[tilespmem:$0x1BD20] =	vst v13;
	v13 =	vld [tilespmem:$0x3B20]  }
0x276: {  	[tilespmem:$0x1CA20] =	vst v35;
	v35 =	vld [tilespmem:$0x55A0]  }
0x277: {  	[tilespmem:$0x1BD10] =	vst v15;
	v15 =	vld [tilespmem:$0x3B30]  }
0x278: {  	[tilespmem:$0x1BD00] =	vst v16;
	v16 =	vld [tilespmem:$0x3B80]  }
0x279: {  	[tilespmem:$0x1BCF0] =	vst v18;
	v18 =	vld [tilespmem:$0x3B90]  }
0x27a: {  	[tilespmem:$0x1BCE0] =	vst v19;
	v19 =	vld [tilespmem:$0x3BA0]  }
0x27b: {  	[tilespmem:$0x1CA30] =	vst v35;
	v35 =	vld [tilespmem:$0x5600]  }
0x27c: {  	[tilespmem:$0x1BCD0] =	vst v21;
	v21 =	vld [tilespmem:$0x3BB0]  }
0x27d: {  	[tilespmem:$0x1BCC0] =	vst v22;
	v22 =	vld [tilespmem:$0x3C00]  }
0x27e: {  	[tilespmem:$0x1BCB0] =	vst v24;
	v24 =	vld [tilespmem:$0x3C10]  }
0x27f: {  	[tilespmem:$0x1BCA0] =	vst v25;
	v25 =	vld [tilespmem:$0x3C20]  }
0x280: {  	[tilespmem:$0x1CA40] =	vst v35;
	v35 =	vld [tilespmem:$0x5620]  }
0x281: {  	[tilespmem:$0x1BC90] =	vst v27;
	v27 =	vld [tilespmem:$0x3C30]  }
0x282: {  	[tilespmem:$0x1BC80] =	vst v28;
	v28 =	vld [tilespmem:$0x3C80]  }
0x283: {  	[tilespmem:$0x1BC70] =	vst v30;
	v30 =	vld [tilespmem:$0x3C90]  }
0x284: {  	[tilespmem:$0x1BC60] =	vst v31;
	v31 =	vld [tilespmem:$0x3CA0]  }
0x285: {  	[tilespmem:$0x1CA50] =	vst v35;
	v35 =	vld [tilespmem:$0x5680]  }
0x286: {  	[tilespmem:$0x1BC50] =	vst v33;
	v33 =	vld [tilespmem:$0x3CB0]  }
0x287: {  	[tilespmem:$0x1BC40] =	vst v34;
	v34 =	vld [tilespmem:$0x3D00]  }
0x288: {  	[tilespmem:$0x1BC20] =	vst v36;
	v36 =	vld [tilespmem:$0x3D20]  }
0x289: {  	[tilespmem:$0x1BC10] =	vst v37;
	v37 =	vld [tilespmem:$0x3D30]  }
0x28a: {  	[tilespmem:$0x1CA60] =	vst v35;
	v35 =	vld [tilespmem:$0x56A0]  }
0x28b: {  	[tilespmem:$0x1BC00] =	vst v39;
	v39 =	vld [tilespmem:$0x3D80]  }
0x28c: {  	[tilespmem:$0x1BBF0] =	vst v40;
	v40 =	vld [tilespmem:$0x3D90]  }
0x28d: {  	[tilespmem:$0x1BBE0] =	vst v42;
	v42 =	vld [tilespmem:$0x3DA0]  }
0x28e: {  	[tilespmem:$0x1BBD0] =	vst v43;
	v43 =	vld [tilespmem:$0x3DB0]  }
0x28f: {  	[tilespmem:$0x1CA70] =	vst v35;
	v35 =	vld [tilespmem:$0x5700]  }
0x290: {  	[tilespmem:$0x1BBC0] =	vst v45;
	v45 =	vld [tilespmem:$0x3E00]  }
0x291: {  	[tilespmem:$0x1BBB0] =	vst v46;
	v46 =	vld [tilespmem:$0x3E10]  }
0x292: {  	[tilespmem:$0x1BBA0] =	vst v48;
	v48 =	vld [tilespmem:$0x3E20]  }
0x293: {  	[tilespmem:$0x1BB90] =	vst v49;
	v49 =	vld [tilespmem:$0x3E30]  }
0x294: {  	[tilespmem:$0x1CA80] =	vst v35;
	v35 =	vld [tilespmem:$0x5720]  }
0x295: {  	[tilespmem:$0x1BB80] =	vst v51;
	v51 =	vld [tilespmem:$0x3E80]  }
0x296: {  	[tilespmem:$0x1BB70] =	vst v52;
	v52 =	vld [tilespmem:$0x3E90]  }
0x297: {  	[tilespmem:$0x1BB60] =	vst v54;
	v54 =	vld [tilespmem:$0x3EA0]  }
0x298: {  	[tilespmem:$0x1BB50] =	vst v55;
	v55 =	vld [tilespmem:$0x3EB0]  }
0x299: {  	[tilespmem:$0x1CA90] =	vst v35;
	v35 =	vld [tilespmem:$0x5780]  }
0x29a: {  	[tilespmem:$0x1BB40] =	vst v57;
	v57 =	vld [tilespmem:$0x3F00]  }
0x29b: {  	v1 =	vld [tilespmem:$0x4710];
	[tilespmem:$0x1BB30] =	vst v58  }
0x29c: {  	[tilespmem:$0x1BB20] =	vst v60;
	v58 =	vld [tilespmem:$0x3F10]  }
0x29d: {  	[tilespmem:$0x1BB10] =	vst v61;
	v60 =	vld [tilespmem:$0x3F20]  }
0x29e: {  	[tilespmem:$0x1CAA0] =	vst v35;
	v35 =	vld [tilespmem:$0x57A0]  }
0x29f: {  	[tilespmem:$0x1BB00] =	vst v4;
	v61 =	vld [tilespmem:$0x3F30]  }
0x2a0: {  	[tilespmem:$0x1BAF0] =	vst v6;
	v4 =	vld [tilespmem:$0x3F80]  }
0x2a1: {  	[tilespmem:$0x1BAE0] =	vst v7;
	v6 =	vld [tilespmem:$0x3F90]  }
0x2a2: {  	[tilespmem:$0x1BAD0] =	vst v9;
	v7 =	vld [tilespmem:$0x3FA0]  }
0x2a3: {  	[tilespmem:$0x1CAC0] =	vst v35;
	v35 =	vld [tilespmem:$0x5800]  }
0x2a4: {  	[tilespmem:$0x1BAC0] =	vst v10;
	v9 =	vld [tilespmem:$0x3FB0]  }
0x2a5: {  	[tilespmem:$0x1BAB0] =	vst v12;
	v10 =	vld [tilespmem:$0x4000]  }
0x2a6: {  	[tilespmem:$0x1BAA0] =	vst v13;
	v12 =	vld [tilespmem:$0x4010]  }
0x2a7: {  	[tilespmem:$0x1BA90] =	vst v15;
	v13 =	vld [tilespmem:$0x4020]  }
0x2a8: {  	[tilespmem:$0x1CAE0] =	vst v35;
	v35 =	vld [tilespmem:$0x5820]  }
0x2a9: {  	[tilespmem:$0x1BA80] =	vst v16;
	v15 =	vld [tilespmem:$0x4030]  }
0x2aa: {  	[tilespmem:$0x1BA70] =	vst v18;
	v16 =	vld [tilespmem:$0x4080]  }
0x2ab: {  	[tilespmem:$0x1BA60] =	vst v19;
	v18 =	vld [tilespmem:$0x4090]  }
0x2ac: {  	[tilespmem:$0x1BA50] =	vst v21;
	v19 =	vld [tilespmem:$0x40A0]  }
0x2ad: {  	[tilespmem:$0x1CB00] =	vst v35;
	v35 =	vld [tilespmem:$0x5880]  }
0x2ae: {  	[tilespmem:$0x1BA40] =	vst v22;
	v21 =	vld [tilespmem:$0x40B0]  }
0x2af: {  	[tilespmem:$0x1BA30] =	vst v24;
	v22 =	vld [tilespmem:$0x4100]  }
0x2b0: {  	[tilespmem:$0x1BA20] =	vst v25;
	v24 =	vld [tilespmem:$0x4110]  }
0x2b1: {  	[tilespmem:$0x1BA10] =	vst v27;
	v25 =	vld [tilespmem:$0x4120]  }
0x2b2: {  	[tilespmem:$0x1CB20] =	vst v35;
	v35 =	vld [tilespmem:$0x58A0]  }
0x2b3: {  	[tilespmem:$0x1BA00] =	vst v28;
	v27 =	vld [tilespmem:$0x4130]  }
0x2b4: {  	[tilespmem:$0x1B9F0] =	vst v30;
	v28 =	vld [tilespmem:$0x4180]  }
0x2b5: {  	[tilespmem:$0x1B9E0] =	vst v31;
	v30 =	vld [tilespmem:$0x4190]  }
0x2b6: {  	[tilespmem:$0x1B9D0] =	vst v33;
	v31 =	vld [tilespmem:$0x41A0]  }
0x2b7: {  	[tilespmem:$0x1CB40] =	vst v35;
	v35 =	vld [tilespmem:$0x5900]  }
0x2b8: {  	[tilespmem:$0x1B9C0] =	vst v34;
	v33 =	vld [tilespmem:$0x41B0]  }
0x2b9: {  	[tilespmem:$0x1B9A0] =	vst v36;
	v34 =	vld [tilespmem:$0x4200]  }
0x2ba: {  	[tilespmem:$0x1B8C0] =	vst v57;
	v57 =	vld [tilespmem:$0x4280]  }
0x2bb: {  	[tilespmem:$0x1B8D0] =	vst v55;
	v55 =	vld [tilespmem:$0x4290]  }
0x2bc: {  	[tilespmem:$0x1CB60] =	vst v35;
	v35 =	vld [tilespmem:$0x5920]  }
0x2bd: {  	[tilespmem:$0x1B8E0] =	vst v54;
	v54 =	vld [tilespmem:$0x42A0]  }
0x2be: {  	[tilespmem:$0x1B8F0] =	vst v52;
	v52 =	vld [tilespmem:$0x42B0]  }
0x2bf: {  	[tilespmem:$0x1B900] =	vst v51;
	v51 =	vld [tilespmem:$0x4300]  }
0x2c0: {  	[tilespmem:$0x1B910] =	vst v49;
	v49 =	vld [tilespmem:$0x4310]  }
0x2c1: {  	[tilespmem:$0x1CB80] =	vst v35;
	v35 =	vld [tilespmem:$0x5980]  }
0x2c2: {  	[tilespmem:$0x1B920] =	vst v48;
	v48 =	vld [tilespmem:$0x4320]  }
0x2c3: {  	[tilespmem:$0x1B930] =	vst v46;
	v46 =	vld [tilespmem:$0x4330]  }
0x2c4: {  	[tilespmem:$0x1B940] =	vst v45;
	v45 =	vld [tilespmem:$0x4380]  }
0x2c5: {  	[tilespmem:$0x1B950] =	vst v43;
	v43 =	vld [tilespmem:$0x4390]  }
0x2c6: {  	[tilespmem:$0x1CBA0] =	vst v35;
	v35 =	vld [tilespmem:$0x59A0]  }
0x2c7: {  	[tilespmem:$0x1B960] =	vst v42;
	v42 =	vld [tilespmem:$0x43A0]  }
0x2c8: {  	[tilespmem:$0x1B970] =	vst v40;
	v40 =	vld [tilespmem:$0x43B0]  }
0x2c9: {  	[tilespmem:$0x1B980] =	vst v39;
	v39 =	vld [tilespmem:$0x4400]  }
0x2ca: {  	[tilespmem:$0x1B990] =	vst v37;
	v37 =	vld [tilespmem:$0x4410]  }
0x2cb: {  	[tilespmem:$0x1CBC0] =	vst v35;
	v35 =	vld [tilespmem:$0x5A00]  }
0x2cc: {  	v36 =	vld [tilespmem:$0x4420];
	[tilespmem:$0x1B8B0] =	vst v58  }
0x2cd: {  	[tilespmem:$0x1B890] =	vst v61;
	v61 =	vld [tilespmem:$0x4210]  }
0x2ce: {  	[tilespmem:$0x1B8A0] =	vst v60;
	v60 =	vld [tilespmem:$0x4220]  }
0x2cf: {  	[tilespmem:$0x1B880] =	vst v4;
	v58 =	vld [tilespmem:$0x4230]  }
0x2d0: {  	[tilespmem:$0x1CBE0] =	vst v35;
	v35 =	vld [tilespmem:$0x5A20]  }
0x2d1: {  	[tilespmem:$0x1B740] =	vst v34;
	v34 =	vld [tilespmem:$0x4430]  }
0x2d2: {  	[tilespmem:$0x1B750] =	vst v33;
	v33 =	vld [tilespmem:$0x4480]  }
0x2d3: {  	[tilespmem:$0x1B760] =	vst v31;
	v31 =	vld [tilespmem:$0x4490]  }
0x2d4: {  	[tilespmem:$0x1B770] =	vst v30;
	v30 =	vld [tilespmem:$0x44A0]  }
0x2d5: {  	[tilespmem:$0x1CC00] =	vst v35;
	v35 =	vld [tilespmem:$0x5A80]  }
0x2d6: {  	[tilespmem:$0x1B780] =	vst v28;
	v28 =	vld [tilespmem:$0x44B0]  }
0x2d7: {  	[tilespmem:$0x1B790] =	vst v27;
	v27 =	vld [tilespmem:$0x4500]  }
0x2d8: {  	[tilespmem:$0x1B7A0] =	vst v25;
	v25 =	vld [tilespmem:$0x4510]  }
0x2d9: {  	[tilespmem:$0x1B7B0] =	vst v24;
	v24 =	vld [tilespmem:$0x4520]  }
0x2da: {  	[tilespmem:$0x1CC20] =	vst v35;
	v35 =	vld [tilespmem:$0x5AA0]  }
0x2db: {  	[tilespmem:$0x1B7C0] =	vst v22;
	v22 =	vld [tilespmem:$0x4530]  }
0x2dc: {  	[tilespmem:$0x1B7D0] =	vst v21;
	v21 =	vld [tilespmem:$0x4580]  }
0x2dd: {  	[tilespmem:$0x1B7E0] =	vst v19;
	v19 =	vld [tilespmem:$0x4590]  }
0x2de: {  	[tilespmem:$0x1B7F0] =	vst v18;
	v18 =	vld [tilespmem:$0x45A0]  }
0x2df: {  	[tilespmem:$0x1CC40] =	vst v35;
	v35 =	vld [tilespmem:$0x5B00]  }
0x2e0: {  	[tilespmem:$0x1B800] =	vst v16;
	v16 =	vld [tilespmem:$0x45B0]  }
0x2e1: {  	[tilespmem:$0x1B810] =	vst v15;
	v15 =	vld [tilespmem:$0x4600]  }
0x2e2: {  	[tilespmem:$0x1B820] =	vst v13;
	v13 =	vld [tilespmem:$0x4610]  }
0x2e3: {  	[tilespmem:$0x1B830] =	vst v12;
	v12 =	vld [tilespmem:$0x4620]  }
0x2e4: {  	[tilespmem:$0x1CC60] =	vst v35;
	v35 =	vld [tilespmem:$0x5B20]  }
0x2e5: {  	[tilespmem:$0x1B840] =	vst v10;
	v10 =	vld [tilespmem:$0x4630]  }
0x2e6: {  	[tilespmem:$0x1B850] =	vst v9;
	v9 =	vld [tilespmem:$0x4680]  }
0x2e7: {  	[tilespmem:$0x1B860] =	vst v7;
	v7 =	vld [tilespmem:$0x4690]  }
0x2e8: {  	[tilespmem:$0x1B870] =	vst v6;
	v6 =	vld [tilespmem:$0x46A0]  }
0x2e9: {  	v4 =	vld [tilespmem:$0x46B0];
	[tilespmem:$0x1CC80] =	vst v35  }
0x2ea: {  	v35 =	vld [tilespmem:$0x5B80];
	_ =	sdelay $0x4  }
0x2eb: {  	[tilespmem:$0x1CCA0] =	vst v35;
	v35 =	vld [tilespmem:$0x5BA0];
	_ =	sdelay $0x4  }
0x2ec: {  	[tilespmem:$0x1CCC0] =	vst v35;
	v35 =	vld [tilespmem:$0x5C00];
	_ =	sdelay $0x4  }
0x2ed: {  	[tilespmem:$0x1CCE0] =	vst v35;
	v35 =	vld [tilespmem:$0x5C20];
	_ =	sdelay $0x4  }
0x2ee: {  	[tilespmem:$0x1CD00] =	vst v35;
	v35 =	vld [tilespmem:$0x5C80];
	_ =	sdelay $0x4  }
0x2ef: {  	[tilespmem:$0x1CD20] =	vst v35;
	v35 =	vld [tilespmem:$0x5CA0];
	_ =	sdelay $0x4  }
0x2f0: {  	[tilespmem:$0x1CD40] =	vst v35;
	v35 =	vld [tilespmem:$0x5D00];
	_ =	sdelay $0x4  }
0x2f1: {  	[tilespmem:$0x1CD60] =	vst v35;
	v35 =	vld [tilespmem:$0x5D20];
	_ =	sdelay $0x4  }
0x2f2: {  	[tilespmem:$0x1CD80] =	vst v35;
	v35 =	vld [tilespmem:$0x5D80];
	_ =	sdelay $0x4  }
0x2f3: {  	[tilespmem:$0x1CDA0] =	vst v35;
	v35 =	vld [tilespmem:$0x5DA0];
	_ =	sdelay $0x4  }
0x2f4: {  	[tilespmem:$0x1CDC0] =	vst v35;
	v35 =	vld [tilespmem:$0x5E00];
	_ =	sdelay $0x4  }
0x2f5: {  	[tilespmem:$0x1CDE0] =	vst v35;
	v35 =	vld [tilespmem:$0x5E20];
	_ =	sdelay $0x4  }
0x2f6: {  	[tilespmem:$0x1CE00] =	vst v35;
	v35 =	vld [tilespmem:$0x5E80];
	_ =	sdelay $0x4  }
0x2f7: {  	[tilespmem:$0x1CE20] =	vst v35;
	v35 =	vld [tilespmem:$0x5EA0];
	_ =	sdelay $0x4  }
0x2f8: {  	[tilespmem:$0x1CE40] =	vst v35;
	v35 =	vld [tilespmem:$0x5F00];
	_ =	sdelay $0x4  }
0x2f9: {  	[tilespmem:$0x1CE60] =	vst v35;
	v35 =	vld [tilespmem:$0x5F20];
	_ =	sdelay $0x4  }
0x2fa: {  	[tilespmem:$0x1CE80] =	vst v35;
	v35 =	vld [tilespmem:$0x5F80];
	_ =	sdelay $0x4  }
0x2fb: {  	[tilespmem:$0x1CEA0] =	vst v35;
	v35 =	vld [tilespmem:$0x5FA0];
	_ =	sdelay $0x4  }
0x2fc: {  	[tilespmem:$0x1CEC0] =	vst v35;
	v35 =	vld [tilespmem:$0x5FB0];
	_ =	sdelay $0x4  }
0x2fd: {  	[tilespmem:$0x1CED0] =	vst v35;
	v35 =	vld [tilespmem:$0x69B0];
	_ =	sdelay $0x4  }
0x2fe: {  	[tilespmem:$0x1D2C0] =	vst v35;
	v35 =	vld [tilespmem:$0x69A0];
	_ =	sdelay $0x4  }
0x2ff: {  	[tilespmem:$0x1D2D0] =	vst v35;
	v35 =	vld [tilespmem:$0x6990];
	_ =	sdelay $0x4  }
0x300: {  	[tilespmem:$0x1D2E0] =	vst v35;
	v35 =	vld [tilespmem:$0x6980];
	_ =	sdelay $0x4  }
0x301: {  	[tilespmem:$0x1D2F0] =	vst v35;
	v35 =	vld [tilespmem:$0x6930];
	_ =	sdelay $0x4  }
0x302: {  	[tilespmem:$0x1D300] =	vst v35;
	v35 =	vld [tilespmem:$0x6920];
	_ =	sdelay $0x4  }
0x303: {  	[tilespmem:$0x1D310] =	vst v35;
	v35 =	vld [tilespmem:$0x6910];
	_ =	sdelay $0x4  }
0x304: {  	[tilespmem:$0x1D320] =	vst v35;
	v35 =	vld [tilespmem:$0x6900];
	_ =	sdelay $0x4  }
0x305: {  	[tilespmem:$0x1D330] =	vst v35;
	v35 =	vld [tilespmem:$0x68B0];
	_ =	sdelay $0x4  }
0x306: {  	[tilespmem:$0x1D340] =	vst v35;
	v35 =	vld [tilespmem:$0x68A0];
	_ =	sdelay $0x4  }
0x307: {  	[tilespmem:$0x1D350] =	vst v35;
	v35 =	vld [tilespmem:$0x6890];
	_ =	sdelay $0x4  }
0x308: {  	[tilespmem:$0x1D360] =	vst v35;
	v35 =	vld [tilespmem:$0x6880];
	_ =	sdelay $0x4  }
0x309: {  	[tilespmem:$0x1D370] =	vst v35;
	v35 =	vld [tilespmem:$0x6830];
	_ =	sdelay $0x4  }
0x30a: {  	[tilespmem:$0x1D380] =	vst v35;
	v35 =	vld [tilespmem:$0x6820];
	_ =	sdelay $0x4  }
0x30b: {  	[tilespmem:$0x1D390] =	vst v35;
	v35 =	vld [tilespmem:$0x6810];
	_ =	sdelay $0x4  }
0x30c: {  	[tilespmem:$0x1D3A0] =	vst v35;
	v35 =	vld [tilespmem:$0x6800];
	_ =	sdelay $0x4  }
0x30d: {  	[tilespmem:$0x1D290] =	vst v35;
	v35 =	vld [tilespmem:$0x67B0];
	_ =	sdelay $0x4  }
0x30e: {  	[tilespmem:$0x1D3B0] =	vst v35;
	v35 =	vld [tilespmem:$0x67A0];
	_ =	sdelay $0x4  }
0x30f: {  	[tilespmem:$0x1D3C0] =	vst v35;
	v35 =	vld [tilespmem:$0x6790];
	_ =	sdelay $0x4  }
0x310: {  	[tilespmem:$0x1D2B0] =	vst v35;
	v35 =	vld [tilespmem:$0x6780];
	_ =	sdelay $0x4  }
0x311: {  	[tilespmem:$0x1D2A0] =	vst v35;
	v35 =	vld [tilespmem:$0x6730];
	_ =	sdelay $0x4  }
0x312: {  	[tilespmem:$0x1D3D0] =	vst v35;
	v35 =	vld [tilespmem:$0x6720];
	_ =	sdelay $0x4  }
0x313: {  	[tilespmem:$0x1D280] =	vst v35;
	v35 =	vld [tilespmem:$0x6710];
	_ =	sdelay $0x4  }
0x314: {  	[tilespmem:$0x1D270] =	vst v35;
	v35 =	vld [tilespmem:$0x6700];
	_ =	sdelay $0x3  }
0x315: {  	[tilespmem:$0xD8A0] =	vst v63;
	v63 =	vld [tilespmem:$0x1A740]  }
0x316: {  	[tilespmem:$0x1D260] =	vst v35;
	v35 =	vld [tilespmem:$0x66B0];
	_ =	sdelay $0x3  }
0x317: {  	[tilespmem:$0xD8B0] =	vst v63;
	v63 =	vld [tilespmem:$0x1A750]  }
0x318: {  	[tilespmem:$0x1D250] =	vst v35;
	v35 =	vld [tilespmem:$0x66A0];
	_ =	sdelay $0x3  }
0x319: {  	[tilespmem:$0xD900] =	vst v63;
	v63 =	vld [tilespmem:$0x1A760]  }
0x31a: {  	[tilespmem:$0x1D240] =	vst v35;
	v35 =	vld [tilespmem:$0x6690];
	_ =	sdelay $0x3  }
0x31b: {  	[tilespmem:$0xD910] =	vst v63;
	v63 =	vld [tilespmem:$0x1A770]  }
0x31c: {  	[tilespmem:$0x1D230] =	vst v35;
	v35 =	vld [tilespmem:$0x6680];
	_ =	sdelay $0x3  }
0x31d: {  	[tilespmem:$0xD920] =	vst v63;
	v63 =	vld [tilespmem:$0x1A780]  }
0x31e: {  	[tilespmem:$0x1D220] =	vst v35;
	v35 =	vld [tilespmem:$0x6630];
	_ =	sdelay $0x3  }
0x31f: {  	[tilespmem:$0xD930] =	vst v63;
	v63 =	vld [tilespmem:$0x1A790]  }
0x320: {  	[tilespmem:$0x1D210] =	vst v35;
	v35 =	vld [tilespmem:$0x6620];
	_ =	sdelay $0x3  }
0x321: {  	[tilespmem:$0xD980] =	vst v63;
	v63 =	vld [tilespmem:$0x1A7A0]  }
0x322: {  	[tilespmem:$0x1D200] =	vst v35;
	v35 =	vld [tilespmem:$0x6610];
	_ =	sdelay $0x3  }
0x323: {  	[tilespmem:$0xD990] =	vst v63;
	v63 =	vld [tilespmem:$0x1A7B0]  }
0x324: {  	[tilespmem:$0x1D1F0] =	vst v35;
	v35 =	vld [tilespmem:$0x6600];
	_ =	sdelay $0x3  }
0x325: {  	[tilespmem:$0xD9A0] =	vst v63;
	v63 =	vld [tilespmem:$0x1A7C0]  }
0x326: {  	[tilespmem:$0x1D1E0] =	vst v35;
	v35 =	vld [tilespmem:$0x65B0];
	_ =	sdelay $0x3  }
0x327: {  	[tilespmem:$0xD9B0] =	vst v63;
	v63 =	vld [tilespmem:$0x1A7D0]  }
0x328: {  	[tilespmem:$0x1D1D0] =	vst v35;
	v35 =	vld [tilespmem:$0x65A0];
	_ =	sdelay $0x3  }
0x329: {  	[tilespmem:$0xDA00] =	vst v63;
	v63 =	vld [tilespmem:$0x1A7E0]  }
0x32a: {  	[tilespmem:$0x1D1C0] =	vst v35;
	v35 =	vld [tilespmem:$0x6590];
	_ =	sdelay $0x3  }
0x32b: {  	[tilespmem:$0xDA10] =	vst v63;
	v63 =	vld [tilespmem:$0x1A7F0]  }
0x32c: {  	[tilespmem:$0x1D1B0] =	vst v35;
	v35 =	vld [tilespmem:$0x6580];
	_ =	sdelay $0x3  }
0x32d: {  	[tilespmem:$0xDA20] =	vst v63;
	v63 =	vld [tilespmem:$0x1A800]  }
0x32e: {  	[tilespmem:$0x1D1A0] =	vst v35;
	v35 =	vld [tilespmem:$0x6530];
	_ =	sdelay $0x3  }
0x32f: {  	[tilespmem:$0xDA30] =	vst v63;
	v63 =	vld [tilespmem:$0x1A810]  }
0x330: {  	[tilespmem:$0x1D190] =	vst v35;
	v35 =	vld [tilespmem:$0x6520];
	_ =	sdelay $0x3  }
0x331: {  	[tilespmem:$0xDA80] =	vst v63;
	v63 =	vld [tilespmem:$0x1A820]  }
0x332: {  	[tilespmem:$0x1D180] =	vst v35;
	v35 =	vld [tilespmem:$0x6510];
	_ =	sdelay $0x3  }
0x333: {  	[tilespmem:$0xDA90] =	vst v63;
	v63 =	vld [tilespmem:$0x1A830]  }
0x334: {  	[tilespmem:$0x1D170] =	vst v35;
	v35 =	vld [tilespmem:$0x6500];
	_ =	sdelay $0x3  }
0x335: {  	[tilespmem:$0xDAA0] =	vst v63;
	v63 =	vld [tilespmem:$0x1A840]  }
0x336: {  	[tilespmem:$0x1D160] =	vst v35;
	v35 =	vld [tilespmem:$0x64B0];
	_ =	sdelay $0x3  }
0x337: {  	[tilespmem:$0xDAB0] =	vst v63;
	v63 =	vld [tilespmem:$0x1A850]  }
0x338: {  	[tilespmem:$0x1D150] =	vst v35;
	v35 =	vld [tilespmem:$0x64A0];
	_ =	sdelay $0x3  }
0x339: {  	[tilespmem:$0xDB00] =	vst v63;
	v63 =	vld [tilespmem:$0x1A860]  }
0x33a: {  	[tilespmem:$0x1D140] =	vst v35;
	v35 =	vld [tilespmem:$0x6490];
	_ =	sdelay $0x3  }
0x33b: {  	[tilespmem:$0xDB10] =	vst v63;
	v63 =	vld [tilespmem:$0x1A870]  }
0x33c: {  	[tilespmem:$0x1D130] =	vst v35;
	v35 =	vld [tilespmem:$0x6480];
	_ =	sdelay $0x3  }
0x33d: {  	[tilespmem:$0xDB20] =	vst v63;
	v63 =	vld [tilespmem:$0x1A880]  }
0x33e: {  	[tilespmem:$0x1D120] =	vst v35;
	v35 =	vld [tilespmem:$0x6430];
	_ =	sdelay $0x3  }
0x33f: {  	[tilespmem:$0xDB30] =	vst v63;
	v63 =	vld [tilespmem:$0x1A890]  }
0x340: {  	[tilespmem:$0x1D110] =	vst v35;
	v35 =	vld [tilespmem:$0x6420];
	_ =	sdelay $0x3  }
0x341: {  	[tilespmem:$0xDB80] =	vst v63;
	v63 =	vld [tilespmem:$0x1A8A0]  }
0x342: {  	[tilespmem:$0x1D100] =	vst v35;
	v35 =	vld [tilespmem:$0x6410];
	_ =	sdelay $0x3  }
0x343: {  	[tilespmem:$0xDB90] =	vst v63;
	v63 =	vld [tilespmem:$0x1A8B0]  }
0x344: {  	[tilespmem:$0x1D0F0] =	vst v35;
	v35 =	vld [tilespmem:$0x6400];
	_ =	sdelay $0x3  }
0x345: {  	[tilespmem:$0xDBA0] =	vst v63;
	v63 =	vld [tilespmem:$0x1A8C0]  }
0x346: {  	[tilespmem:$0x1D0E0] =	vst v35;
	v35 =	vld [tilespmem:$0x63B0];
	_ =	sdelay $0x3  }
0x347: {  	[tilespmem:$0xDBB0] =	vst v63;
	v63 =	vld [tilespmem:$0x1A8D0]  }
0x348: {  	[tilespmem:$0x1D0D0] =	vst v35;
	v35 =	vld [tilespmem:$0x63A0];
	_ =	sdelay $0x3  }
0x349: {  	[tilespmem:$0xDC00] =	vst v63;
	v63 =	vld [tilespmem:$0x1A8E0]  }
0x34a: {  	[tilespmem:$0x1D0C0] =	vst v35;
	v35 =	vld [tilespmem:$0x6390];
	_ =	sdelay $0x3  }
0x34b: {  	[tilespmem:$0xDC10] =	vst v63;
	v63 =	vld [tilespmem:$0x1A8F0]  }
0x34c: {  	[tilespmem:$0x1D0B0] =	vst v35;
	v35 =	vld [tilespmem:$0x6380];
	_ =	sdelay $0x3  }
0x34d: {  	[tilespmem:$0xDC20] =	vst v63;
	v63 =	vld [tilespmem:$0x1A900]  }
0x34e: {  	[tilespmem:$0x1D0A0] =	vst v35;
	v35 =	vld [tilespmem:$0x6330];
	_ =	sdelay $0x3  }
0x34f: {  	[tilespmem:$0xDC30] =	vst v63;
	v63 =	vld [tilespmem:$0x1A910]  }
0x350: {  	[tilespmem:$0x1D090] =	vst v35;
	v35 =	vld [tilespmem:$0x6320];
	_ =	sdelay $0x3  }
0x351: {  	[tilespmem:$0xDC80] =	vst v63;
	v63 =	vld [tilespmem:$0x1A920]  }
0x352: {  	[tilespmem:$0x1D080] =	vst v35;
	v35 =	vld [tilespmem:$0x6310];
	_ =	sdelay $0x3  }
0x353: {  	[tilespmem:$0xDC90] =	vst v63;
	v63 =	vld [tilespmem:$0x1A930]  }
0x354: {  	[tilespmem:$0x1D070] =	vst v35;
	v35 =	vld [tilespmem:$0x6300];
	_ =	sdelay $0x3  }
0x355: {  	[tilespmem:$0xDCA0] =	vst v63;
	v63 =	vld [tilespmem:$0x1A940]  }
0x356: {  	[tilespmem:$0x1D060] =	vst v35;
	v35 =	vld [tilespmem:$0x62B0];
	_ =	sdelay $0x3  }
0x357: {  	[tilespmem:$0xDCB0] =	vst v63;
	v63 =	vld [tilespmem:$0x1A950]  }
0x358: {  	[tilespmem:$0x1D050] =	vst v35;
	v35 =	vld [tilespmem:$0x62A0];
	_ =	sdelay $0x3  }
0x359: {  	[tilespmem:$0xDD00] =	vst v63;
	v63 =	vld [tilespmem:$0x1A960]  }
0x35a: {  	[tilespmem:$0x1D040] =	vst v35;
	v35 =	vld [tilespmem:$0x6290];
	_ =	sdelay $0x3  }
0x35b: {  	[tilespmem:$0xDD10] =	vst v63;
	v63 =	vld [tilespmem:$0x1A970]  }
0x35c: {  	[tilespmem:$0x1D030] =	vst v35;
	v35 =	vld [tilespmem:$0x6280];
	_ =	sdelay $0x3  }
0x35d: {  	[tilespmem:$0xDD20] =	vst v63;
	v63 =	vld [tilespmem:$0x1A980]  }
0x35e: {  	[tilespmem:$0x1D020] =	vst v35;
	v35 =	vld [tilespmem:$0x6230];
	_ =	sdelay $0x1  }
0x35f: {  	[tilespmem:$0xD200] =	vst v20  }
0x360: {  	[tilespmem:$0xD210] =	vst v11;
	v20 =	vld [tilespmem:$0x5F30]  }
0x361: {  	[tilespmem:$0xDD30] =	vst v63;
	v63 =	vld [tilespmem:$0x1A990]  }
0x362: {  	[tilespmem:$0x1D010] =	vst v35;
	v35 =	vld [tilespmem:$0x6220]  }
0x363: {  	[tilespmem:$0xD230] =	vst v26;
	v26 =	vld [tilespmem:$0x5E90]  }
0x364: {  	[tilespmem:$0xD220] =	vst v29;
	v29 =	vld [tilespmem:$0x5E30]  }
0x365: {  	[tilespmem:$0xD280] =	vst v32;
	v32 =	vld [tilespmem:$0x5E10]  }
0x366: {  	[tilespmem:$0xDD80] =	vst v63;
	v63 =	vld [tilespmem:$0x1A9A0]  }
0x367: {  	[tilespmem:$0x1D000] =	vst v35;
	v35 =	vld [tilespmem:$0x6210]  }
0x368: {  	[tilespmem:$0xD290] =	vst v17;
	v11 =	vld [tilespmem:$0x5D90]  }
0x369: {  	[tilespmem:$0xD2B0] =	vst v14;
	v14 =	vld [tilespmem:$0x5D30]  }
0x36a: {  	[tilespmem:$0xD2A0] =	vst v0;
	v17 =	vld [tilespmem:$0x5D10]  }
0x36b: {  	[tilespmem:$0xDD90] =	vst v63;
	v63 =	vld [tilespmem:$0x1A9B0]  }
0x36c: {  	[tilespmem:$0x1CFF0] =	vst v35;
	v35 =	vld [tilespmem:$0x6200]  }
0x36d: {  	[tilespmem:$0xD310] =	vst v23;
	v23 =	vld [tilespmem:$0x1A530]  }
0x36e: {  	[tilespmem:$0xD320] =	vst v5;
	v5 =	vld [tilespmem:$0x5C10]  }
0x36f: {  	[tilespmem:$0xD300] =	vst v8;
	v8 =	vld [tilespmem:$0x1A560]  }
0x370: {  	[tilespmem:$0xDDA0] =	vst v63;
	v63 =	vld [tilespmem:$0x1A9C0]  }
0x371: {  	[tilespmem:$0x1CFE0] =	vst v35;
	v35 =	vld [tilespmem:$0x61B0]  }
0x372: {  	[tilespmem:$0xD610] =	vst v62;
	v62 =	vld [tilespmem:$0x5730]  }
0x373: {  	[tilespmem:$0xD620] =	vst v59;
	v59 =	vld [tilespmem:$0x5710]  }
0x374: {  	[tilespmem:$0xD630] =	vst v56;
	v56 =	vld [tilespmem:$0x56B0]  }
0x375: {  	[tilespmem:$0xDDB0] =	vst v63;
	v63 =	vld [tilespmem:$0x1A9D0]  }
0x376: {  	[tilespmem:$0x1CFD0] =	vst v35;
	v35 =	vld [tilespmem:$0x61A0]  }
0x377: {  	[tilespmem:$0xD680] =	vst v53;
	v53 =	vld [tilespmem:$0x5690]  }
0x378: {  	[tilespmem:$0xD690] =	vst v50;
	v50 =	vld [tilespmem:$0x5630]  }
0x379: {  	[tilespmem:$0xD6A0] =	vst v47;
	v47 =	vld [tilespmem:$0x5610]  }
0x37a: {  	[tilespmem:$0xDE00] =	vst v63;
	v63 =	vld [tilespmem:$0x1A9E0]  }
0x37b: {  	[tilespmem:$0x1CFC0] =	vst v35;
	v35 =	vld [tilespmem:$0x6190]  }
0x37c: {  	[tilespmem:$0xD6B0] =	vst v44;
	v44 =	vld [tilespmem:$0x55B0]  }
0x37d: {  	[tilespmem:$0xD700] =	vst v41;
	v41 =	vld [tilespmem:$0x5590]  }
0x37e: {  	[tilespmem:$0xD710] =	vst v38;
	v38 =	vld [tilespmem:$0x5530]  }
0x37f: {  	[tilespmem:$0xDE10] =	vst v63;
	v63 =	vld [tilespmem:$0x1A9F0]  }
0x380: {  	[tilespmem:$0x1CFB0] =	vst v35;
	v35 =	vld [tilespmem:$0x6180]  }
0x381: {  	[tilespmem:$0xD330] =	vst v2;
	v0 =	vld [tilespmem:$0x1A730]  }
0x382: {  	v2 =	vld [tilespmem:$0x5230];
	[tilespmem:$0x1CE90] =	vst v20  }
0x383: {  	v20 =	vld [tilespmem:$0x5EB0];
	[tilespmem:$0x1CE30] =	vst v26  }
0x384: {  	[tilespmem:$0xDE20] =	vst v63;
	v63 =	vld [tilespmem:$0x1AA00]  }
0x385: {  	[tilespmem:$0x1CFA0] =	vst v35;
	v35 =	vld [tilespmem:$0x6130]  }
0x386: {  	[tilespmem:$0x1CE10] =	vst v29;
	v26 =	vld [tilespmem:$0x5C90]  }
0x387: {  	[tilespmem:$0x1CDF0] =	vst v32;
	v29 =	vld [tilespmem:$0x1A540]  }
0x388: {  	[tilespmem:$0x1CDB0] =	vst v11;
	v32 =	vld [tilespmem:$0x5C30]  }
0x389: {  	[tilespmem:$0xDE30] =	vst v63;
	v63 =	vld [tilespmem:$0x1AA10]  }
0x38a: {  	[tilespmem:$0x1CF90] =	vst v35;
	v35 =	vld [tilespmem:$0x6120]  }
0x38b: {  	[tilespmem:$0x1CD90] =	vst v14;
	v11 =	vld [tilespmem:$0x5BB0]  }
0x38c: {  	[tilespmem:$0x1CD70] =	vst v17;
	v14 =	vld [tilespmem:$0x1A570]  }
0x38d: {  	[tilespmem:$0xD380] =	vst v23;
	v17 =	vld [tilespmem:$0x5B90]  }
0x38e: {  	[tilespmem:$0xDE80] =	vst v63;
	v63 =	vld [tilespmem:$0x1AA20]  }
0x38f: {  	[tilespmem:$0x1CF80] =	vst v35;
	v35 =	vld [tilespmem:$0x6110]  }
0x390: {  	[tilespmem:$0x1CCF0] =	vst v5;
	v23 =	vld [tilespmem:$0x5B30]  }
0x391: {  	[tilespmem:$0xD3B0] =	vst v8;
	v5 =	vld [tilespmem:$0x1A5B0]  }
0x392: {  	v8 =	vld [tilespmem:$0x5A90];
	[tilespmem:$0xD890] =	vst v0  }
0x393: {  	[tilespmem:$0xDE90] =	vst v63;
	v63 =	vld [tilespmem:$0x1AA30]  }
0x394: {  	[tilespmem:$0x1CF70] =	vst v35;
	v35 =	vld [tilespmem:$0x6100]  }
0x395: {  	v0 =	vld [tilespmem:$0x5220];
	[tilespmem:$0x1CE50] =	vst v20  }
0x396: {  	v20 =	vld [tilespmem:$0x5CB0];
	[tilespmem:$0x1CD30] =	vst v26  }
0x397: {  	[tilespmem:$0xD390] =	vst v29;
	v26 =	vld [tilespmem:$0x1A590]  }
0x398: {  	[tilespmem:$0xDEA0] =	vst v63;
	v63 =	vld [tilespmem:$0x1AA40]  }
0x399: {  	[tilespmem:$0x1CF60] =	vst v35;
	v35 =	vld [tilespmem:$0x60B0]  }
0x39a: {  	[tilespmem:$0x1CD10] =	vst v32;
	v29 =	vld [tilespmem:$0x5B10]  }
0x39b: {  	[tilespmem:$0x1CCD0] =	vst v11;
	v32 =	vld [tilespmem:$0x1A5A0]  }
0x39c: {  	[tilespmem:$0xD400] =	vst v14;
	v11 =	vld [tilespmem:$0x1A5C0]  }
0x39d: {  	[tilespmem:$0xDEB0] =	vst v63;
	v63 =	vld [tilespmem:$0x1AA50]  }
0x39e: {  	[tilespmem:$0x1CF50] =	vst v35;
	v35 =	vld [tilespmem:$0x60A0]  }
0x39f: {  	[tilespmem:$0x1CCB0] =	vst v17;
	v14 =	vld [tilespmem:$0x5A30]  }
0x3a0: {  	[tilespmem:$0x1CC90] =	vst v23;
	v17 =	vld [tilespmem:$0x1A5D0]  }
0x3a1: {  	[tilespmem:$0xD480] =	vst v5;
	v23 =	vld [tilespmem:$0x1A5E0]  }
0x3a2: {  	[tilespmem:$0xDF00] =	vst v63;
	v63 =	vld [tilespmem:$0x1AA60]  }
0x3a3: {  	[tilespmem:$0x1CF40] =	vst v35;
	v35 =	vld [tilespmem:$0x6090]  }
0x3a4: {  	[tilespmem:$0x1CC30] =	vst v8;
	v5 =	vld [tilespmem:$0x5930]  }
0x3a5: {  	v8 =	vld [tilespmem:$0x1A610];
	[tilespmem:$0x1CD50] =	vst v20  }
0x3a6: {  	v20 =	vld [tilespmem:$0x1A580];
	[tilespmem:$0xD420] =	vst v26  }
0x3a7: {  	[tilespmem:$0xDF10] =	vst v63;
	v63 =	vld [tilespmem:$0x1AA70]  }
0x3a8: {  	[tilespmem:$0x1CF30] =	vst v35;
	v35 =	vld [tilespmem:$0x6080]  }
0x3a9: {  	[tilespmem:$0x1CC70] =	vst v29;
	v26 =	vld [tilespmem:$0x59B0]  }
0x3aa: {  	[tilespmem:$0xD430] =	vst v32;
	v29 =	vld [tilespmem:$0x1A5F0]  }
0x3ab: {  	[tilespmem:$0xD490] =	vst v11;
	v32 =	vld [tilespmem:$0x5990]  }
0x3ac: {  	[tilespmem:$0xDF20] =	vst v63;
	v63 =	vld [tilespmem:$0x1AA80]  }
0x3ad: {  	[tilespmem:$0x1CF20] =	vst v35;
	v35 =	vld [tilespmem:$0x6030]  }
0x3ae: {  	[tilespmem:$0x1CC10] =	vst v14;
	v11 =	vld [tilespmem:$0x5910]  }
0x3af: {  	[tilespmem:$0xD4A0] =	vst v17;
	v14 =	vld [tilespmem:$0x1A620]  }
0x3b0: {  	[tilespmem:$0xD4B0] =	vst v23;
	v17 =	vld [tilespmem:$0x58B0]  }
0x3b1: {  	[tilespmem:$0xDF30] =	vst v63;
	v63 =	vld [tilespmem:$0x1AA90]  }
0x3b2: {  	[tilespmem:$0x1CF10] =	vst v35;
	v35 =	vld [tilespmem:$0x6020]  }
0x3b3: {  	[tilespmem:$0x1CB90] =	vst v5;
	v23 =	vld [tilespmem:$0x5890]  }
0x3b4: {  	[tilespmem:$0xD520] =	vst v8;
	v5 =	vld [tilespmem:$0x1A660]  }
0x3b5: {  	v8 =	vld [tilespmem:$0x57B0];
	[tilespmem:$0xD410] =	vst v20  }
0x3b6: {  	[tilespmem:$0xDF80] =	vst v63;
	v63 =	vld [tilespmem:$0x1AAA0]  }
0x3b7: {  	[tilespmem:$0x1CF00] =	vst v35;
	v35 =	vld [tilespmem:$0x6010]  }
0x3b8: {  	v20 =	vld [tilespmem:$0x5A10];
	[tilespmem:$0x1CBD0] =	vst v26  }
0x3b9: {  	[tilespmem:$0xD500] =	vst v29;
	v26 =	vld [tilespmem:$0x1A640]  }
0x3ba: {  	[tilespmem:$0x1CBB0] =	vst v32;
	v29 =	vld [tilespmem:$0x5830]  }
0x3bb: {  	[tilespmem:$0xDF90] =	vst v63;
	v63 =	vld [tilespmem:$0x1AAB0]  }
0x3bc: {  	[tilespmem:$0x1CEF0] =	vst v35;
	v35 =	vld [tilespmem:$0x6000]  }
0x3bd: {  	[tilespmem:$0x1CB70] =	vst v11;
	v32 =	vld [tilespmem:$0x1A650]  }
0x3be: {  	[tilespmem:$0xD530] =	vst v14;
	v11 =	vld [tilespmem:$0x1A670]  }
0x3bf: {  	[tilespmem:$0x1CB50] =	vst v17;
	v14 =	vld [tilespmem:$0x5790]  }
0x3c0: {  	[tilespmem:$0xDFA0] =	vst v63;
	v63 =	vld [tilespmem:$0x1AAC0]  }
0x3c1: {  	[tilespmem:$0x1CEE0] =	vst v35;
	v35 =	vld [tilespmem:$0x5F90]  }
0x3c2: {  	[tilespmem:$0x1CB30] =	vst v23;
	v17 =	vld [tilespmem:$0x1A680]  }
0x3c3: {  	[tilespmem:$0xD5B0] =	vst v5;
	v23 =	vld [tilespmem:$0x1A6A0]  }
0x3c4: {  	[tilespmem:$0x1CAD0] =	vst v8;
	v5 =	vld [tilespmem:$0x1A6C0]  }
0x3c5: {  	[tilespmem:$0xDFB0] =	vst v63;
	v63 =	vld [tilespmem:$0x1AAD0]  }
0x3c6: {  	[tilespmem:$0x1CEB0] =	vst v35;
	v35 =	vld [tilespmem:$0x5F10]  }
0x3c7: {  	v8 =	vld [tilespmem:$0x1A6D0];
	[tilespmem:$0x1CBF0] =	vst v20  }
0x3c8: {  	v20 =	vld [tilespmem:$0x1A630];
	[tilespmem:$0xD590] =	vst v26  }
0x3c9: {  	[tilespmem:$0xD5A0] =	vst v32;
	v32 =	vld [tilespmem:$0x54B0]  }
0x3ca: {  	[tilespmem:$0xE000] =	vst v63;
	v63 =	vld [tilespmem:$0x1AAE0]  }
0x3cb: {  	[tilespmem:$0x1CE70] =	vst v35;
	v35 =	vld [tilespmem:$0x5DB0]  }
0x3cc: {  	[tilespmem:$0x1CB10] =	vst v29;
	v29 =	vld [tilespmem:$0x5490]  }
0x3cd: {  	[tilespmem:$0xD600] =	vst v11;
	v26 =	vld [tilespmem:$0x1A6B0]  }
0x3ce: {  	[tilespmem:$0xD780] =	vst v23;
	v23 =	vld [tilespmem:$0x5410]  }
0x3cf: {  	[tilespmem:$0xE010] =	vst v63;
	v63 =	vld [tilespmem:$0x1AAF0]  }
0x3d0: {  	[tilespmem:$0x1CDD0] =	vst v35;
	v35 =	vld [tilespmem:$0x1A550]  }
0x3d1: {  	[tilespmem:$0x1CAB0] =	vst v14;
	v11 =	vld [tilespmem:$0x1A6E0]  }
0x3d2: {  	[tilespmem:$0xD720] =	vst v17;
	v17 =	vld [tilespmem:$0x5390]  }
0x3d3: {  	[tilespmem:$0xD7A0] =	vst v5;
	v14 =	vld [tilespmem:$0x1A6F0]  }
0x3d4: {  	[tilespmem:$0xE020] =	vst v63;
	v63 =	vld [tilespmem:$0x1AB00]  }
0x3d5: {  	[tilespmem:$0xD3A0] =	vst v35;
	v35 =	vld [tilespmem:$0x5AB0]  }
0x3d6: {  	[tilespmem:$0xD7B0] =	vst v8;
	v5 =	vld [tilespmem:$0x1A700]  }
0x3d7: {  	v8 =	vld [tilespmem:$0x1A710];
	[tilespmem:$0xD580] =	vst v20  }
0x3d8: {  	v20 =	vld [tilespmem:$0x1A690];
	[tilespmem:$0xD790] =	vst v26  }
0x3d9: {  	[tilespmem:$0xE030] =	vst v63;
	v63 =	vld [tilespmem:$0x1AB10]  }
0x3da: {  	[tilespmem:$0x1CC50] =	vst v35;
	v35 =	vld [tilespmem:$0x1A600]  }
0x3db: {  	v26 =	vld [tilespmem:$0x5430];
	[tilespmem:$0xD800] =	vst v11  }
0x3dc: {  	[tilespmem:$0xD810] =	vst v14;
	v14 =	vld [tilespmem:$0x5330]  }
0x3dd: {  	[tilespmem:$0xD820] =	vst v5;
	v5 =	vld [tilespmem:$0x1A720]  }
0x3de: {  	[tilespmem:$0xE080] =	vst v63;
	v63 =	vld [tilespmem:$0x1AB20]  }
0x3df: {  	[tilespmem:$0xD510] =	vst v35;
	v35 =	vld [tilespmem:$0x5810]  }
0x3e0: {  	v11 =	vld [tilespmem:$0x5310];
	[tilespmem:$0xD830] =	vst v8  }
0x3e1: {  	v8 =	vld [tilespmem:$0x52B0];
	[tilespmem:$0xD730] =	vst v20  }
0x3e2: {  	v20 =	vld [tilespmem:$0x53B0];
	[tilespmem:$0xD880] =	vst v5  }
0x3e3: {  	v5 =	vld [tilespmem:$0x5290];
	[tilespmem:$0xE090] =	vst v63  }
0x3e4: {  	[tilespmem:$0x1CAF0] =	vst v35;
	v35 =	vld [tilespmem:$0x5510]  }
0x3e5: {  	v63 =	vld [tilespmem:$0x1AB30];
	_ =	sdelay $0x4  }
0x3e6: {  	[tilespmem:$0xE0A0] =	vst v63;
	v63 =	vld [tilespmem:$0x1AB40];
	_ =	sdelay $0x4  }
0x3e7: {  	[tilespmem:$0xE0B0] =	vst v63;
	v63 =	vld [tilespmem:$0x1AB50];
	_ =	sdelay $0x4  }
0x3e8: {  	[tilespmem:$0xE100] =	vst v63;
	v63 =	vld [tilespmem:$0x1AB60];
	_ =	sdelay $0x4  }
0x3e9: {  	[tilespmem:$0xE110] =	vst v63;
	v63 =	vld [tilespmem:$0x1AB70];
	_ =	sdelay $0x4  }
0x3ea: {  	[tilespmem:$0xE120] =	vst v63;
	v63 =	vld [tilespmem:$0x1AB80];
	_ =	sdelay $0x4  }
0x3eb: {  	[tilespmem:$0xE130] =	vst v63;
	v63 =	vld [tilespmem:$0x1AB90];
	_ =	sdelay $0x4  }
0x3ec: {  	[tilespmem:$0xE180] =	vst v63;
	v63 =	vld [tilespmem:$0x1ABA0];
	_ =	sdelay $0x4  }
0x3ed: {  	[tilespmem:$0xE190] =	vst v63;
	v63 =	vld [tilespmem:$0x1ABB0];
	_ =	sdelay $0x4  }
0x3ee: {  	[tilespmem:$0xE1A0] =	vst v63;
	v63 =	vld [tilespmem:$0x1ABC0];
	_ =	sdelay $0x4  }
0x3ef: {  	[tilespmem:$0xE1B0] =	vst v63;
	v63 =	vld [tilespmem:$0x1ABD0];
	_ =	sdelay $0x4  }
0x3f0: {  	[tilespmem:$0xE200] =	vst v63;
	v63 =	vld [tilespmem:$0x1ABE0];
	_ =	sdelay $0x4  }
0x3f1: {  	[tilespmem:$0xE210] =	vst v63;
	v63 =	vld [tilespmem:$0x1ABF0];
	_ =	sdelay $0x4  }
0x3f2: {  	[tilespmem:$0xE220] =	vst v63;
	v63 =	vld [tilespmem:$0x1AC00];
	_ =	sdelay $0x4  }
0x3f3: {  	[tilespmem:$0xE230] =	vst v63;
	v63 =	vld [tilespmem:$0x1AC10];
	_ =	sdelay $0x4  }
0x3f4: {  	[tilespmem:$0xE280] =	vst v63;
	v63 =	vld [tilespmem:$0x1AC20];
	_ =	sdelay $0x4  }
0x3f5: {  	[tilespmem:$0xE290] =	vst v63;
	v63 =	vld [tilespmem:$0x1AC30];
	_ =	sdelay $0x4  }
0x3f6: {  	[tilespmem:$0xE2A0] =	vst v63;
	v63 =	vld [tilespmem:$0x1AC40];
	_ =	sdelay $0x4  }
0x3f7: {  	[tilespmem:$0xE2B0] =	vst v63;
	v63 =	vld [tilespmem:$0x1AC50];
	_ =	sdelay $0x4  }
0x3f8: {  	[tilespmem:$0xE300] =	vst v63;
	v63 =	vld [tilespmem:$0x1AC60];
	_ =	sdelay $0x4  }
0x3f9: {  	[tilespmem:$0xE310] =	vst v63;
	v63 =	vld [tilespmem:$0x1AC70];
	_ =	sdelay $0x4  }
0x3fa: {  	[tilespmem:$0xE320] =	vst v63;
	v63 =	vld [tilespmem:$0x1AC80];
	_ =	sdelay $0x4  }
0x3fb: {  	[tilespmem:$0xE330] =	vst v63;
	v63 =	vld [tilespmem:$0x1AC90];
	_ =	sdelay $0x4  }
0x3fc: {  	[tilespmem:$0xE380] =	vst v63;
	v63 =	vld [tilespmem:$0x1ACA0];
	_ =	sdelay $0x4  }
0x3fd: {  	[tilespmem:$0xE390] =	vst v63;
	v63 =	vld [tilespmem:$0x1ACB0];
	_ =	sdelay $0x4  }
0x3fe: {  	[tilespmem:$0xE3A0] =	vst v63;
	v63 =	vld [tilespmem:$0x1ACC0];
	_ =	sdelay $0x4  }
0x3ff: {  	[tilespmem:$0xE3B0] =	vst v63;
	v63 =	vld [tilespmem:$0x1ACD0];
	_ =	sdelay $0x4  }
0x400: {  	[tilespmem:$0xE400] =	vst v63;
	v63 =	vld [tilespmem:$0x1ACE0];
	_ =	sdelay $0x4  }
0x401: {  	[tilespmem:$0xE410] =	vst v63;
	v63 =	vld [tilespmem:$0x1ACF0];
	_ =	sdelay $0x4  }
0x402: {  	[tilespmem:$0xE420] =	vst v63;
	v63 =	vld [tilespmem:$0x1AD00];
	_ =	sdelay $0x4  }
0x403: {  	[tilespmem:$0xE430] =	vst v63;
	v63 =	vld [tilespmem:$0x1AD10];
	_ =	sdelay $0x4  }
0x404: {  	[tilespmem:$0xE480] =	vst v63;
	v63 =	vld [tilespmem:$0x1AD20];
	_ =	sdelay $0x4  }
0x405: {  	[tilespmem:$0xE490] =	vst v63;
	v63 =	vld [tilespmem:$0x1AD30];
	_ =	sdelay $0x4  }
0x406: {  	[tilespmem:$0xE4A0] =	vst v63;
	v63 =	vld [tilespmem:$0x1AD40];
	_ =	sdelay $0x4  }
0x407: {  	[tilespmem:$0xE4B0] =	vst v63;
	v63 =	vld [tilespmem:$0x1AD50];
	_ =	sdelay $0x4  }
0x408: {  	[tilespmem:$0xE500] =	vst v63;
	v63 =	vld [tilespmem:$0x1AD60];
	_ =	sdelay $0x4  }
0x409: {  	[tilespmem:$0xE510] =	vst v63;
	v63 =	vld [tilespmem:$0x1AD70];
	_ =	sdelay $0x4  }
0x40a: {  	[tilespmem:$0xE520] =	vst v63;
	v63 =	vld [tilespmem:$0x1AD80];
	_ =	sdelay $0x4  }
0x40b: {  	[tilespmem:$0xE530] =	vst v63;
	v63 =	vld [tilespmem:$0x1AD90];
	_ =	sdelay $0x4  }
0x40c: {  	[tilespmem:$0xE580] =	vst v63;
	v63 =	vld [tilespmem:$0x1ADA0];
	_ =	sdelay $0x4  }
0x40d: {  	[tilespmem:$0xE590] =	vst v63;
	v63 =	vld [tilespmem:$0x1ADB0];
	_ =	sdelay $0x4  }
0x40e: {  	[tilespmem:$0xE5A0] =	vst v63;
	v63 =	vld [tilespmem:$0x1ADC0];
	_ =	sdelay $0x4  }
0x40f: {  	[tilespmem:$0xE5B0] =	vst v63;
	v63 =	vld [tilespmem:$0x1ADD0];
	_ =	sdelay $0x4  }
0x410: {  	[tilespmem:$0xE600] =	vst v63;
	v63 =	vld [tilespmem:$0x1ADE0];
	_ =	sdelay $0x4  }
0x411: {  	[tilespmem:$0xE610] =	vst v63;
	v63 =	vld [tilespmem:$0x1ADF0];
	_ =	sdelay $0x4  }
0x412: {  	[tilespmem:$0xE620] =	vst v63;
	v63 =	vld [tilespmem:$0x1AE00];
	_ =	sdelay $0x4  }
0x413: {  	[tilespmem:$0xE630] =	vst v63;
	v63 =	vld [tilespmem:$0x1AE10];
	_ =	sdelay $0x4  }
0x414: {  	[tilespmem:$0xE680] =	vst v63;
	v63 =	vld [tilespmem:$0x1AE20];
	_ =	sdelay $0x4  }
0x415: {  	[tilespmem:$0xE690] =	vst v63;
	v63 =	vld [tilespmem:$0x1AE30];
	_ =	sdelay $0x4  }
0x416: {  	[tilespmem:$0xE6A0] =	vst v63;
	v63 =	vld [tilespmem:$0x1AE40];
	_ =	sdelay $0x4  }
0x417: {  	[tilespmem:$0xE6B0] =	vst v63;
	v63 =	vld [tilespmem:$0x1AE50];
	_ =	sdelay $0x4  }
0x418: {  	[tilespmem:$0xE700] =	vst v63;
	v63 =	vld [tilespmem:$0x1AE60];
	_ =	sdelay $0x4  }
0x419: {  	[tilespmem:$0xE710] =	vst v63;
	v63 =	vld [tilespmem:$0x1AE70];
	_ =	sdelay $0x4  }
0x41a: {  	[tilespmem:$0xE720] =	vst v63;
	v63 =	vld [tilespmem:$0x1AE80];
	_ =	sdelay $0x4  }
0x41b: {  	[tilespmem:$0xE730] =	vst v63;
	v63 =	vld [tilespmem:$0x1AE90];
	_ =	sdelay $0x4  }
0x41c: {  	[tilespmem:$0xE780] =	vst v63;
	v63 =	vld [tilespmem:$0x1AEA0];
	_ =	sdelay $0x4  }
0x41d: {  	[tilespmem:$0xE790] =	vst v63;
	v63 =	vld [tilespmem:$0x1AEB0];
	_ =	sdelay $0x4  }
0x41e: {  	[tilespmem:$0xE7A0] =	vst v63;
	v63 =	vld [tilespmem:$0x1AEC0];
	_ =	sdelay $0x4  }
0x41f: {  	[tilespmem:$0xE7B0] =	vst v63;
	v63 =	vld [tilespmem:$0x1AED0];
	_ =	sdelay $0x4  }
0x420: {  	[tilespmem:$0xE800] =	vst v63;
	v63 =	vld [tilespmem:$0x1AEE0];
	_ =	sdelay $0x4  }
0x421: {  	[tilespmem:$0xE810] =	vst v63;
	v63 =	vld [tilespmem:$0x1AEF0];
	_ =	sdelay $0x4  }
0x422: {  	[tilespmem:$0xE820] =	vst v63;
	v63 =	vld [tilespmem:$0x1AF00];
	_ =	sdelay $0x4  }
0x423: {  	[tilespmem:$0xE830] =	vst v63;
	v63 =	vld [tilespmem:$0x1AF10];
	_ =	sdelay $0x4  }
0x424: {  	[tilespmem:$0xE880] =	vst v63;
	v63 =	vld [tilespmem:$0x1AF20];
	_ =	sdelay $0x4  }
0x425: {  	[tilespmem:$0xE890] =	vst v63;
	v63 =	vld [tilespmem:$0x1AF30];
	_ =	sdelay $0x4  }
0x426: {  	[tilespmem:$0xE8A0] =	vst v63;
	v63 =	vld [tilespmem:$0x1AF40];
	_ =	sdelay $0x4  }
0x427: {  	[tilespmem:$0xE8B0] =	vst v63;
	v63 =	vld [tilespmem:$0x1AF50];
	_ =	sdelay $0x4  }
0x428: {  	[tilespmem:$0xE900] =	vst v63;
	v63 =	vld [tilespmem:$0x1AF60];
	_ =	sdelay $0x4  }
0x429: {  	[tilespmem:$0xE910] =	vst v63;
	v63 =	vld [tilespmem:$0x1AF70];
	_ =	sdelay $0x4  }
0x42a: {  	[tilespmem:$0xE920] =	vst v63;
	v63 =	vld [tilespmem:$0x1AF80];
	_ =	sdelay $0x4  }
0x42b: {  	[tilespmem:$0xE930] =	vst v63;
	v63 =	vld [tilespmem:$0x1AF90];
	_ =	sdelay $0x4  }
0x42c: {  	[tilespmem:$0xE980] =	vst v63;
	v63 =	vld [tilespmem:$0x1AFA0];
	_ =	sdelay $0x4  }
0x42d: {  	[tilespmem:$0xE990] =	vst v63;
	v63 =	vld [tilespmem:$0x1AFB0];
	_ =	sdelay $0x4  }
0x42e: {  	[tilespmem:$0xE9A0] =	vst v63;
	v63 =	vld [tilespmem:$0x1AFC0];
	_ =	sdelay $0x4  }
0x42f: {  	[tilespmem:$0xE9B0] =	vst v63;
	v63 =	vld [tilespmem:$0x1AFD0];
	_ =	sdelay $0x4  }
0x430: {  	[tilespmem:$0xEA00] =	vst v63;
	v63 =	vld [tilespmem:$0x1AFE0];
	_ =	sdelay $0x4  }
0x431: {  	[tilespmem:$0xEA10] =	vst v63;
	v63 =	vld [tilespmem:$0x1AFF0];
	_ =	sdelay $0x4  }
0x432: {  	[tilespmem:$0xEA20] =	vst v63;
	v63 =	vld [tilespmem:$0x1B000];
	_ =	sdelay $0x4  }
0x433: {  	[tilespmem:$0xEA30] =	vst v63;
	v63 =	vld [tilespmem:$0x1B010];
	_ =	sdelay $0x4  }
0x434: {  	[tilespmem:$0xEA80] =	vst v63;
	v63 =	vld [tilespmem:$0x1B020];
	_ =	sdelay $0x4  }
0x435: {  	[tilespmem:$0xEA90] =	vst v63;
	v63 =	vld [tilespmem:$0x1B030];
	_ =	sdelay $0x4  }
0x436: {  	[tilespmem:$0xEAA0] =	vst v63;
	v63 =	vld [tilespmem:$0x1B040];
	_ =	sdelay $0x4  }
0x437: {  	[tilespmem:$0xEAB0] =	vst v63;
	v63 =	vld [tilespmem:$0x1B050];
	_ =	sdelay $0x4  }
0x438: {  	[tilespmem:$0xEB00] =	vst v63;
	v63 =	vld [tilespmem:$0x1B060];
	_ =	sdelay $0x4  }
0x439: {  	[tilespmem:$0xEB10] =	vst v63;
	v63 =	vld [tilespmem:$0x1B070];
	_ =	sdelay $0x4  }
0x43a: {  	[tilespmem:$0xEB20] =	vst v63;
	v63 =	vld [tilespmem:$0x1B080];
	_ =	sdelay $0x4  }
0x43b: {  	[tilespmem:$0xEB30] =	vst v63;
	v63 =	vld [tilespmem:$0x1B090];
	_ =	sdelay $0x4  }
0x43c: {  	[tilespmem:$0xEB80] =	vst v63;
	v63 =	vld [tilespmem:$0x1B0A0];
	_ =	sdelay $0x4  }
0x43d: {  	[tilespmem:$0xEB90] =	vst v63;
	v63 =	vld [tilespmem:$0x1B0B0];
	_ =	sdelay $0x4  }
0x43e: {  	[tilespmem:$0xEBA0] =	vst v63;
	v63 =	vld [tilespmem:$0x1B0C0];
	_ =	sdelay $0x4  }
0x43f: {  	[tilespmem:$0xEBB0] =	vst v63;
	v63 =	vld [tilespmem:$0x1B0D0];
	_ =	sdelay $0x4  }
0x440: {  	[tilespmem:$0xEC00] =	vst v63;
	v63 =	vld [tilespmem:$0x1B0E0];
	_ =	sdelay $0x4  }
0x441: {  	[tilespmem:$0xEC10] =	vst v63;
	v63 =	vld [tilespmem:$0x1B0F0];
	_ =	sdelay $0x4  }
0x442: {  	[tilespmem:$0xEC20] =	vst v63;
	v63 =	vld [tilespmem:$0x1B100];
	_ =	sdelay $0x4  }
0x443: {  	[tilespmem:$0xEC30] =	vst v63;
	v63 =	vld [tilespmem:$0x1B110];
	_ =	sdelay $0x4  }
0x444: {  	[tilespmem:$0xEC80] =	vst v63;
	v63 =	vld [tilespmem:$0x1B120];
	_ =	sdelay $0x4  }
0x445: {  	[tilespmem:$0xEC90] =	vst v63;
	v63 =	vld [tilespmem:$0x1B130];
	_ =	sdelay $0x4  }
0x446: {  	[tilespmem:$0xECA0] =	vst v63;
	v63 =	vld [tilespmem:$0x1B140];
	_ =	sdelay $0x4  }
0x447: {  	[tilespmem:$0xECB0] =	vst v63;
	v63 =	vld [tilespmem:$0x1B150];
	_ =	sdelay $0x4  }
0x448: {  	[tilespmem:$0xED00] =	vst v63;
	v63 =	vld [tilespmem:$0x1B160];
	_ =	sdelay $0x4  }
0x449: {  	[tilespmem:$0xED10] =	vst v63;
	v63 =	vld [tilespmem:$0x1B170];
	_ =	sdelay $0x4  }
0x44a: {  	[tilespmem:$0xED20] =	vst v63;
	v63 =	vld [tilespmem:$0x1B180];
	_ =	sdelay $0x4  }
0x44b: {  	[tilespmem:$0xED30] =	vst v63;
	v63 =	vld [tilespmem:$0x1B190];
	_ =	sdelay $0x4  }
0x44c: {  	[tilespmem:$0xED80] =	vst v63;
	v63 =	vld [tilespmem:$0x1B1A0];
	_ =	sdelay $0x4  }
0x44d: {  	[tilespmem:$0xED90] =	vst v63;
	v63 =	vld [tilespmem:$0x1B1B0];
	_ =	sdelay $0x4  }
0x44e: {  	[tilespmem:$0xEDA0] =	vst v63;
	v63 =	vld [tilespmem:$0x1B1C0];
	_ =	sdelay $0x4  }
0x44f: {  	[tilespmem:$0xEDB0] =	vst v63;
	v63 =	vld [tilespmem:$0x1B1D0];
	_ =	sdelay $0x4  }
0x450: {  	[tilespmem:$0xEE00] =	vst v63;
	v63 =	vld [tilespmem:$0x1B1E0];
	_ =	sdelay $0x4  }
0x451: {  	[tilespmem:$0xEE10] =	vst v63;
	v63 =	vld [tilespmem:$0x1B1F0];
	_ =	sdelay $0x4  }
0x452: {  	[tilespmem:$0xEE20] =	vst v63;
	v63 =	vld [tilespmem:$0x1B200];
	_ =	sdelay $0x4  }
0x453: {  	[tilespmem:$0xEE30] =	vst v63;
	v63 =	vld [tilespmem:$0x1B210];
	_ =	sdelay $0x4  }
0x454: {  	[tilespmem:$0xEE80] =	vst v63;
	v63 =	vld [tilespmem:$0x1B220];
	_ =	sdelay $0x4  }
0x455: {  	[tilespmem:$0xEE90] =	vst v63;
	v63 =	vld [tilespmem:$0x1B230];
	_ =	sdelay $0x4  }
0x456: {  	[tilespmem:$0xEEA0] =	vst v63;
	v63 =	vld [tilespmem:$0x1B240];
	_ =	sdelay $0x4  }
0x457: {  	[tilespmem:$0xEEB0] =	vst v63;
	v63 =	vld [tilespmem:$0x1B250];
	_ =	sdelay $0x4  }
0x458: {  	[tilespmem:$0xEF00] =	vst v63;
	v63 =	vld [tilespmem:$0x1B260];
	_ =	sdelay $0x4  }
0x459: {  	[tilespmem:$0xEF10] =	vst v63;
	v63 =	vld [tilespmem:$0x1B270];
	_ =	sdelay $0x4  }
0x45a: {  	[tilespmem:$0xEF20] =	vst v63;
	v63 =	vld [tilespmem:$0x1B280];
	_ =	sdelay $0x4  }
0x45b: {  	[tilespmem:$0xEF30] =	vst v63;
	v63 =	vld [tilespmem:$0x1B290];
	_ =	sdelay $0x4  }
0x45c: {  	[tilespmem:$0xEF80] =	vst v63;
	v63 =	vld [tilespmem:$0x1B2A0];
	_ =	sdelay $0x4  }
0x45d: {  	[tilespmem:$0xEF90] =	vst v63;
	v63 =	vld [tilespmem:$0x1B2B0];
	_ =	sdelay $0x4  }
0x45e: {  	[tilespmem:$0xEFA0] =	vst v63;
	v63 =	vld [tilespmem:$0x1B2C0];
	_ =	sdelay $0x4  }
0x45f: {  	[tilespmem:$0xEFB0] =	vst v63;
	v63 =	vld [tilespmem:$0x1B2D0];
	_ =	sdelay $0x4  }
0x460: {  	[tilespmem:$0xF000] =	vst v63;
	v63 =	vld [tilespmem:$0x1B2E0];
	_ =	sdelay $0x4  }
0x461: {  	[tilespmem:$0xF010] =	vst v63;
	v63 =	vld [tilespmem:$0x1B2F0];
	_ =	sdelay $0x4  }
0x462: {  	[tilespmem:$0xF020] =	vst v63;
	v63 =	vld [tilespmem:$0x1B300];
	_ =	sdelay $0x4  }
0x463: {  	[tilespmem:$0xF030] =	vst v63;
	v63 =	vld [tilespmem:$0x1B310];
	_ =	sdelay $0x4  }
0x464: {  	[tilespmem:$0xF080] =	vst v63;
	v63 =	vld [tilespmem:$0x1B320];
	_ =	sdelay $0x4  }
0x465: {  	[tilespmem:$0xF090] =	vst v63;
	v63 =	vld [tilespmem:$0x1B330];
	_ =	sdelay $0x4  }
0x466: {  	[tilespmem:$0xF0A0] =	vst v63;
	v63 =	vld [tilespmem:$0x1B340];
	_ =	sdelay $0x4  }
0x467: {  	[tilespmem:$0xF0B0] =	vst v63;
	v63 =	vld [tilespmem:$0x1B350];
	_ =	sdelay $0x4  }
0x468: {  	[tilespmem:$0xF100] =	vst v63;
	v63 =	vld [tilespmem:$0x1B360];
	_ =	sdelay $0x4  }
0x469: {  	[tilespmem:$0xF110] =	vst v63;
	v63 =	vld [tilespmem:$0x1B370];
	_ =	sdelay $0x4  }
0x46a: {  	[tilespmem:$0xF120] =	vst v63;
	v63 =	vld [tilespmem:$0x1B380];
	_ =	sdelay $0x4  }
0x46b: {  	[tilespmem:$0xF130] =	vst v63;
	v63 =	vld [tilespmem:$0x1B390];
	_ =	sdelay $0x4  }
0x46c: {  	[tilespmem:$0xF180] =	vst v63;
	v63 =	vld [tilespmem:$0x1B3A0];
	_ =	sdelay $0x4  }
0x46d: {  	[tilespmem:$0xF190] =	vst v63;
	v63 =	vld [tilespmem:$0x1B3B0];
	_ =	sdelay $0x4  }
0x46e: {  	[tilespmem:$0xF1A0] =	vst v63;
	v63 =	vld [tilespmem:$0x1B3C0];
	_ =	sdelay $0x4  }
0x46f: {  	[tilespmem:$0xF1B0] =	vst v63;
	v63 =	vld [tilespmem:$0x1B3D0];
	_ =	sdelay $0x4  }
0x470: {  	[tilespmem:$0xF200] =	vst v63;
	v63 =	vld [tilespmem:$0x1B3E0];
	_ =	sdelay $0x4  }
0x471: {  	[tilespmem:$0xF210] =	vst v63;
	v63 =	vld [tilespmem:$0x1B3F0];
	_ =	sdelay $0x4  }
0x472: {  	[tilespmem:$0xF220] =	vst v63;
	v63 =	vld [tilespmem:$0x1B400];
	_ =	sdelay $0x4  }
0x473: {  	[tilespmem:$0xF230] =	vst v63;
	v63 =	vld [tilespmem:$0x1B410];
	_ =	sdelay $0x4  }
0x474: {  	[tilespmem:$0xF280] =	vst v63;
	v63 =	vld [tilespmem:$0x1B420];
	_ =	sdelay $0x4  }
0x475: {  	[tilespmem:$0xF290] =	vst v63;
	v63 =	vld [tilespmem:$0x1B430];
	_ =	sdelay $0x4  }
0x476: {  	[tilespmem:$0xF2A0] =	vst v63;
	v63 =	vld [tilespmem:$0x1B440];
	_ =	sdelay $0x4  }
0x477: {  	[tilespmem:$0xF2B0] =	vst v63;
	v63 =	vld [tilespmem:$0x1B450];
	_ =	sdelay $0x4  }
0x478: {  	[tilespmem:$0xF300] =	vst v63;
	v63 =	vld [tilespmem:$0x1B460];
	_ =	sdelay $0x4  }
0x479: {  	[tilespmem:$0xF310] =	vst v63;
	v63 =	vld [tilespmem:$0x1B470];
	_ =	sdelay $0x4  }
0x47a: {  	[tilespmem:$0xF320] =	vst v63;
	v63 =	vld [tilespmem:$0x1B480];
	_ =	sdelay $0x4  }
0x47b: {  	[tilespmem:$0xF330] =	vst v63;
	v63 =	vld [tilespmem:$0x1B490];
	_ =	sdelay $0x4  }
0x47c: {  	[tilespmem:$0xF380] =	vst v63;
	v63 =	vld [tilespmem:$0x1B4A0];
	_ =	sdelay $0x4  }
0x47d: {  	[tilespmem:$0xF390] =	vst v63;
	v63 =	vld [tilespmem:$0x1B4B0];
	_ =	sdelay $0x4  }
0x47e: {  	[tilespmem:$0xF3A0] =	vst v63;
	v63 =	vld [tilespmem:$0x1B4C0];
	_ =	sdelay $0x4  }
0x47f: {  	[tilespmem:$0xF3B0] =	vst v63;
	v63 =	vld [tilespmem:$0x1B4D0];
	_ =	sdelay $0x4  }
0x480: {  	[tilespmem:$0xF400] =	vst v63;
	v63 =	vld [tilespmem:$0x1B4E0];
	_ =	sdelay $0x4  }
0x481: {  	[tilespmem:$0xF410] =	vst v63;
	v63 =	vld [tilespmem:$0x1B4F0];
	_ =	sdelay $0x4  }
0x482: {  	[tilespmem:$0xF420] =	vst v63;
	v63 =	vld [tilespmem:$0x1B500];
	_ =	sdelay $0x4  }
0x483: {  	[tilespmem:$0xF430] =	vst v63;
	v63 =	vld [tilespmem:$0x1B510];
	_ =	sdelay $0x4  }
0x484: {  	[tilespmem:$0xF480] =	vst v63;
	v63 =	vld [tilespmem:$0x1B520];
	_ =	sdelay $0x4  }
0x485: {  	[tilespmem:$0xF490] =	vst v63;
	v63 =	vld [tilespmem:$0x1B530];
	_ =	sdelay $0x4  }
0x486: {  	[tilespmem:$0xF4A0] =	vst v63;
	v63 =	vld [tilespmem:$0x1B540];
	_ =	sdelay $0x4  }
0x487: {  	[tilespmem:$0xF4B0] =	vst v63;
	v63 =	vld [tilespmem:$0x1B550];
	_ =	sdelay $0x4  }
0x488: {  	[tilespmem:$0xF500] =	vst v63;
	v63 =	vld [tilespmem:$0x1B560];
	_ =	sdelay $0x4  }
0x489: {  	[tilespmem:$0xF510] =	vst v63;
	v63 =	vld [tilespmem:$0x1B570];
	_ =	sdelay $0x4  }
0x48a: {  	[tilespmem:$0xF520] =	vst v63;
	v63 =	vld [tilespmem:$0x1B580];
	_ =	sdelay $0x4  }
0x48b: {  	[tilespmem:$0xF530] =	vst v63;
	v63 =	vld [tilespmem:$0x1B590];
	_ =	sdelay $0x4  }
0x48c: {  	[tilespmem:$0xF580] =	vst v63;
	v63 =	vld [tilespmem:$0x1B5A0];
	_ =	sdelay $0x4  }
0x48d: {  	[tilespmem:$0xF590] =	vst v63;
	v63 =	vld [tilespmem:$0x1B5B0];
	_ =	sdelay $0x4  }
0x48e: {  	[tilespmem:$0xF5A0] =	vst v63;
	v63 =	vld [tilespmem:$0x1B5C0];
	_ =	sdelay $0x4  }
0x48f: {  	[tilespmem:$0xF5B0] =	vst v63;
	v63 =	vld [tilespmem:$0x1B5D0];
	_ =	sdelay $0x4  }
0x490: {  	[tilespmem:$0xF600] =	vst v63;
	v63 =	vld [tilespmem:$0x1B5E0];
	_ =	sdelay $0x4  }
0x491: {  	[tilespmem:$0xF610] =	vst v63;
	v63 =	vld [tilespmem:$0x1B5F0];
	_ =	sdelay $0x4  }
0x492: {  	[tilespmem:$0xF620] =	vst v63;
	v63 =	vld [tilespmem:$0x1B600];
	_ =	sdelay $0x4  }
0x493: {  	[tilespmem:$0xF630] =	vst v63;
	v63 =	vld [tilespmem:$0x1B610];
	_ =	sdelay $0x4  }
0x494: {  	[tilespmem:$0xF680] =	vst v63;
	v63 =	vld [tilespmem:$0x1B620]  }
0x495: {  	[tilespmem:$0x11710] =	vst v1  }
0x496: {  	[tilespmem:$0x11700] =	vst v3  }
0x497: {  	[tilespmem:$0x116B0] =	vst v4  }
0x498: {  	[tilespmem:$0x116A0] =	vst v6  }
0x499: {  	[tilespmem:$0xF690] =	vst v63;
	v63 =	vld [tilespmem:$0x1B630]  }
0x49a: {  	[tilespmem:$0x11690] =	vst v7  }
0x49b: {  	[tilespmem:$0x11680] =	vst v9  }
0x49c: {  	[tilespmem:$0x11630] =	vst v10  }
0x49d: {  	[tilespmem:$0x11620] =	vst v12  }
0x49e: {  	[tilespmem:$0xF6A0] =	vst v63;
	v63 =	vld [tilespmem:$0x1B640]  }
0x49f: {  	[tilespmem:$0x11610] =	vst v13  }
0x4a0: {  	[tilespmem:$0x11600] =	vst v15  }
0x4a1: {  	[tilespmem:$0x115B0] =	vst v16  }
0x4a2: {  	[tilespmem:$0x115A0] =	vst v18  }
0x4a3: {  	[tilespmem:$0xF6B0] =	vst v63;
	v63 =	vld [tilespmem:$0x1B650]  }
0x4a4: {  	[tilespmem:$0x11590] =	vst v19  }
0x4a5: {  	[tilespmem:$0x11580] =	vst v21  }
0x4a6: {  	[tilespmem:$0x11530] =	vst v22  }
0x4a7: {  	[tilespmem:$0x11520] =	vst v24  }
0x4a8: {  	[tilespmem:$0xF700] =	vst v63;
	v63 =	vld [tilespmem:$0x1B660]  }
0x4a9: {  	[tilespmem:$0x11510] =	vst v25  }
0x4aa: {  	[tilespmem:$0x11500] =	vst v27  }
0x4ab: {  	[tilespmem:$0x114B0] =	vst v28  }
0x4ac: {  	[tilespmem:$0x114A0] =	vst v30  }
0x4ad: {  	[tilespmem:$0xF710] =	vst v63;
	v63 =	vld [tilespmem:$0x1B670]  }
0x4ae: {  	[tilespmem:$0x11490] =	vst v31  }
0x4af: {  	[tilespmem:$0x11480] =	vst v33  }
0x4b0: {  	[tilespmem:$0x11430] =	vst v34  }
0x4b1: {  	[tilespmem:$0x11420] =	vst v36  }
0x4b2: {  	[tilespmem:$0xF720] =	vst v63;
	v63 =	vld [tilespmem:$0x1B680]  }
0x4b3: {  	[tilespmem:$0x11410] =	vst v37  }
0x4b4: {  	[tilespmem:$0x11400] =	vst v39  }
0x4b5: {  	[tilespmem:$0x113B0] =	vst v40  }
0x4b6: {  	[tilespmem:$0x113A0] =	vst v42  }
0x4b7: {  	[tilespmem:$0xF730] =	vst v63;
	v63 =	vld [tilespmem:$0x1B690]  }
0x4b8: {  	[tilespmem:$0x11390] =	vst v43  }
0x4b9: {  	[tilespmem:$0x11380] =	vst v45  }
0x4ba: {  	[tilespmem:$0x11330] =	vst v46  }
0x4bb: {  	[tilespmem:$0x11320] =	vst v48  }
0x4bc: {  	[tilespmem:$0xF780] =	vst v63;
	v63 =	vld [tilespmem:$0x1B6A0]  }
0x4bd: {  	[tilespmem:$0x11310] =	vst v49  }
0x4be: {  	[tilespmem:$0x11300] =	vst v51  }
0x4bf: {  	[tilespmem:$0x112B0] =	vst v52  }
0x4c0: {  	[tilespmem:$0x112A0] =	vst v54  }
0x4c1: {  	[tilespmem:$0xF790] =	vst v63;
	v63 =	vld [tilespmem:$0x1B6B0]  }
0x4c2: {  	[tilespmem:$0x11290] =	vst v55  }
0x4c3: {  	[tilespmem:$0x11210] =	vst v61;
	v61 =	vld [tilespmem:$0x1B740]  }
0x4c4: {  	[tilespmem:$0x11280] =	vst v57;
	v4 =	vld [tilespmem:$0x1B760]  }
0x4c5: {  	[tilespmem:$0x11230] =	vst v58;
	v6 =	vld [tilespmem:$0x1B770]  }
0x4c6: {  	[tilespmem:$0xF7A0] =	vst v63;
	v63 =	vld [tilespmem:$0x1B6C0]  }
0x4c7: {  	[tilespmem:$0x11220] =	vst v60;
	v7 =	vld [tilespmem:$0x1B780]  }
0x4c8: {  	v9 =	vld [tilespmem:$0x1B790];
	[tilespmem:$0x11200] =	vst v61  }
0x4c9: {  	v10 =	vld [tilespmem:$0x1B7A0];
	[tilespmem:$0x111A0] =	vst v4  }
0x4ca: {  	v12 =	vld [tilespmem:$0x1B7B0];
	[tilespmem:$0x11190] =	vst v6  }
0x4cb: {  	[tilespmem:$0xF7B0] =	vst v63;
	v63 =	vld [tilespmem:$0x1B6D0]  }
0x4cc: {  	v13 =	vld [tilespmem:$0x1B7C0];
	[tilespmem:$0x11180] =	vst v7  }
0x4cd: {  	v15 =	vld [tilespmem:$0x1B7D0];
	[tilespmem:$0x11130] =	vst v9  }
0x4ce: {  	v16 =	vld [tilespmem:$0x1B7E0];
	[tilespmem:$0x11120] =	vst v10  }
0x4cf: {  	v18 =	vld [tilespmem:$0x1B7F0];
	[tilespmem:$0x11110] =	vst v12  }
0x4d0: {  	[tilespmem:$0xF800] =	vst v63;
	v63 =	vld [tilespmem:$0x1B6E0]  }
0x4d1: {  	v19 =	vld [tilespmem:$0x1B800];
	[tilespmem:$0x11100] =	vst v13  }
0x4d2: {  	v21 =	vld [tilespmem:$0x1B810];
	[tilespmem:$0x110B0] =	vst v15  }
0x4d3: {  	v22 =	vld [tilespmem:$0x1B820];
	[tilespmem:$0x110A0] =	vst v16  }
0x4d4: {  	v24 =	vld [tilespmem:$0x1B830];
	[tilespmem:$0x11090] =	vst v18  }
0x4d5: {  	[tilespmem:$0xF810] =	vst v63;
	v63 =	vld [tilespmem:$0x1B6F0]  }
0x4d6: {  	v25 =	vld [tilespmem:$0x1B840];
	[tilespmem:$0x11080] =	vst v19  }
0x4d7: {  	v27 =	vld [tilespmem:$0x1B850];
	[tilespmem:$0x11030] =	vst v21  }
0x4d8: {  	v28 =	vld [tilespmem:$0x1B860];
	[tilespmem:$0x11020] =	vst v22  }
0x4d9: {  	v30 =	vld [tilespmem:$0x1B870];
	[tilespmem:$0x11010] =	vst v24  }
0x4da: {  	[tilespmem:$0xF820] =	vst v63;
	v63 =	vld [tilespmem:$0x1B700]  }
0x4db: {  	v31 =	vld [tilespmem:$0x1B880];
	[tilespmem:$0x11000] =	vst v25  }
0x4dc: {  	v33 =	vld [tilespmem:$0x1B890];
	[tilespmem:$0x10FB0] =	vst v27  }
0x4dd: {  	v34 =	vld [tilespmem:$0x1B8A0];
	[tilespmem:$0x10FA0] =	vst v28  }
0x4de: {  	v36 =	vld [tilespmem:$0x1B8B0];
	[tilespmem:$0x10F90] =	vst v30  }
0x4df: {  	[tilespmem:$0xF830] =	vst v63;
	v63 =	vld [tilespmem:$0x1B710]  }
0x4e0: {  	v37 =	vld [tilespmem:$0x1B8C0];
	[tilespmem:$0x10F80] =	vst v31  }
0x4e1: {  	v39 =	vld [tilespmem:$0x1B8D0];
	[tilespmem:$0x10F30] =	vst v33  }
0x4e2: {  	v40 =	vld [tilespmem:$0x1B8E0];
	[tilespmem:$0x10F20] =	vst v34  }
0x4e3: {  	v42 =	vld [tilespmem:$0x1B8F0];
	[tilespmem:$0x10F10] =	vst v36  }
0x4e4: {  	[tilespmem:$0xF880] =	vst v63;
	v63 =	vld [tilespmem:$0x1B720]  }
0x4e5: {  	v43 =	vld [tilespmem:$0x1B900];
	[tilespmem:$0x10F00] =	vst v37  }
0x4e6: {  	v45 =	vld [tilespmem:$0x1B910];
	[tilespmem:$0x10EB0] =	vst v39  }
0x4e7: {  	v46 =	vld [tilespmem:$0x1B920];
	[tilespmem:$0x10EA0] =	vst v40  }
0x4e8: {  	v48 =	vld [tilespmem:$0x1B930];
	[tilespmem:$0x10E90] =	vst v42  }
0x4e9: {  	[tilespmem:$0xF890] =	vst v63;
	v63 =	vld [tilespmem:$0x1B730]  }
0x4ea: {  	v49 =	vld [tilespmem:$0x1B940];
	[tilespmem:$0x10E80] =	vst v43  }
0x4eb: {  	v51 =	vld [tilespmem:$0x1B950];
	[tilespmem:$0x10E30] =	vst v45  }
0x4ec: {  	v52 =	vld [tilespmem:$0x1B960];
	[tilespmem:$0x10E20] =	vst v46  }
0x4ed: {  	v54 =	vld [tilespmem:$0x1B970];
	[tilespmem:$0x10E10] =	vst v48  }
0x4ee: {  	[tilespmem:$0xF8A0] =	vst v63;
	v63 =	vld [tilespmem:$0x1B750]  }
0x4ef: {  	v55 =	vld [tilespmem:$0x1B980];
	[tilespmem:$0x10E00] =	vst v49  }
0x4f0: {  	[tilespmem:$0x10DB0] =	vst v51  }
0x4f1: {  	[tilespmem:$0x10DA0] =	vst v52  }
0x4f2: {  	[tilespmem:$0x10D90] =	vst v54  }
0x4f3: {  	[tilespmem:$0x111B0] =	vst v63  }
0x4f4: {  	[tilespmem:$0x10D80] =	vst v55  }
0x4f5: {  	v1 =	vld [tilespmem:$0x1B990]  }
0x4f6: {  	v57 =	vld [tilespmem:$0x1B9A0]  }
0x4f7: {  	v58 =	vld [tilespmem:$0x1B9B0]  }
0x4f8: {  	v60 =	vld [tilespmem:$0x1B9C0]  }
0x4f9: {  	v61 =	vld [tilespmem:$0x1B9D0]  }
0x4fa: {  	v63 =	vld [tilespmem:$0x1B9E0];
	[tilespmem:$0x10D30] =	vst v1  }
0x4fb: {  	v4 =	vld [tilespmem:$0x1B9F0];
	[tilespmem:$0x10D20] =	vst v57  }
0x4fc: {  	v6 =	vld [tilespmem:$0x1BA00];
	[tilespmem:$0x10D10] =	vst v58  }
0x4fd: {  	v7 =	vld [tilespmem:$0x1BA10];
	[tilespmem:$0x10D00] =	vst v60  }
0x4fe: {  	v9 =	vld [tilespmem:$0x1BA20];
	[tilespmem:$0x10CB0] =	vst v61  }
0x4ff: {  	v10 =	vld [tilespmem:$0x1BA30];
	[tilespmem:$0x10CA0] =	vst v63  }
0x500: {  	v12 =	vld [tilespmem:$0x1BA40];
	[tilespmem:$0x10C90] =	vst v4  }
0x501: {  	v13 =	vld [tilespmem:$0x1BA50];
	[tilespmem:$0x10C80] =	vst v6  }
0x502: {  	v15 =	vld [tilespmem:$0x1BA60];
	[tilespmem:$0x10C30] =	vst v7  }
0x503: {  	v16 =	vld [tilespmem:$0x1BA70];
	[tilespmem:$0x10C20] =	vst v9  }
0x504: {  	v18 =	vld [tilespmem:$0x1BA80];
	[tilespmem:$0x10C10] =	vst v10  }
0x505: {  	v19 =	vld [tilespmem:$0x1BA90];
	[tilespmem:$0x10C00] =	vst v12  }
0x506: {  	v21 =	vld [tilespmem:$0x1BAA0];
	[tilespmem:$0x10BB0] =	vst v13  }
0x507: {  	v22 =	vld [tilespmem:$0x1BAB0];
	[tilespmem:$0x10BA0] =	vst v15  }
0x508: {  	v24 =	vld [tilespmem:$0x1BAC0];
	[tilespmem:$0x10B90] =	vst v16  }
0x509: {  	v25 =	vld [tilespmem:$0x1BAD0];
	[tilespmem:$0x10B80] =	vst v18  }
0x50a: {  	v27 =	vld [tilespmem:$0x1BAE0];
	[tilespmem:$0x10B30] =	vst v19  }
0x50b: {  	v28 =	vld [tilespmem:$0x1BAF0];
	[tilespmem:$0x10B20] =	vst v21  }
0x50c: {  	v30 =	vld [tilespmem:$0x1BB00];
	[tilespmem:$0x10B10] =	vst v22  }
0x50d: {  	v31 =	vld [tilespmem:$0x1BB10];
	[tilespmem:$0x10B00] =	vst v24  }
0x50e: {  	v33 =	vld [tilespmem:$0x1BB20];
	[tilespmem:$0x10AB0] =	vst v25  }
0x50f: {  	v34 =	vld [tilespmem:$0x1BB30];
	[tilespmem:$0x10AA0] =	vst v27  }
0x510: {  	v36 =	vld [tilespmem:$0x1BB40];
	[tilespmem:$0x10A90] =	vst v28  }
0x511: {  	v37 =	vld [tilespmem:$0x1BB50];
	[tilespmem:$0x10A80] =	vst v30  }
0x512: {  	v39 =	vld [tilespmem:$0x1BB60];
	[tilespmem:$0x10A30] =	vst v31  }
0x513: {  	v40 =	vld [tilespmem:$0x1BB70];
	[tilespmem:$0x10A20] =	vst v33  }
0x514: {  	v42 =	vld [tilespmem:$0x1BB80];
	[tilespmem:$0x10A10] =	vst v34  }
0x515: {  	v43 =	vld [tilespmem:$0x1BB90];
	[tilespmem:$0x10A00] =	vst v36  }
0x516: {  	v45 =	vld [tilespmem:$0x1BBA0];
	[tilespmem:$0x109B0] =	vst v37  }
0x517: {  	v46 =	vld [tilespmem:$0x1BBB0];
	[tilespmem:$0x109A0] =	vst v39  }
0x518: {  	v48 =	vld [tilespmem:$0x1BBC0];
	[tilespmem:$0x10990] =	vst v40  }
0x519: {  	v49 =	vld [tilespmem:$0x1BBD0];
	[tilespmem:$0x10980] =	vst v42  }
0x51a: {  	v51 =	vld [tilespmem:$0x1BBE0];
	[tilespmem:$0x10930] =	vst v43  }
0x51b: {  	v52 =	vld [tilespmem:$0x1BBF0];
	[tilespmem:$0x10920] =	vst v45  }
0x51c: {  	v54 =	vld [tilespmem:$0x1BC00];
	[tilespmem:$0x10910] =	vst v46  }
0x51d: {  	v55 =	vld [tilespmem:$0x1BC10];
	[tilespmem:$0x10900] =	vst v48  }
0x51e: {  	[tilespmem:$0x108B0] =	vst v49;
	v57 =	vld [tilespmem:$0x1BC20]  }
0x51f: {  	[tilespmem:$0x108A0] =	vst v51;
	v58 =	vld [tilespmem:$0x1BC30]  }
0x520: {  	[tilespmem:$0x10890] =	vst v52;
	v60 =	vld [tilespmem:$0x1BC40]  }
0x521: {  	[tilespmem:$0x10880] =	vst v54;
	v61 =	vld [tilespmem:$0x1BC50]  }
0x522: {  	[tilespmem:$0x10830] =	vst v55;
	v63 =	vld [tilespmem:$0x1BC60]  }
0x523: {  	v4 =	vld [tilespmem:$0x1BC70];
	[tilespmem:$0x10820] =	vst v57  }
0x524: {  	v6 =	vld [tilespmem:$0x1BC80];
	[tilespmem:$0x10810] =	vst v58  }
0x525: {  	v7 =	vld [tilespmem:$0x1BC90];
	[tilespmem:$0x10800] =	vst v60  }
0x526: {  	v9 =	vld [tilespmem:$0x1BCA0];
	[tilespmem:$0x107B0] =	vst v61  }
0x527: {  	v10 =	vld [tilespmem:$0x1BCB0];
	[tilespmem:$0x107A0] =	vst v63  }
0x528: {  	v12 =	vld [tilespmem:$0x1BCC0];
	[tilespmem:$0x10790] =	vst v4  }
0x529: {  	v13 =	vld [tilespmem:$0x1BCD0];
	[tilespmem:$0x10780] =	vst v6  }
0x52a: {  	v15 =	vld [tilespmem:$0x1BCE0];
	[tilespmem:$0x10730] =	vst v7  }
0x52b: {  	v16 =	vld [tilespmem:$0x1BCF0];
	[tilespmem:$0x10720] =	vst v9  }
0x52c: {  	v18 =	vld [tilespmem:$0x1BD00];
	[tilespmem:$0x10710] =	vst v10  }
0x52d: {  	v19 =	vld [tilespmem:$0x1BD10];
	[tilespmem:$0x10700] =	vst v12  }
0x52e: {  	v21 =	vld [tilespmem:$0x1BD20];
	[tilespmem:$0x106B0] =	vst v13  }
0x52f: {  	v22 =	vld [tilespmem:$0x1BD30];
	[tilespmem:$0x106A0] =	vst v15  }
0x530: {  	v24 =	vld [tilespmem:$0x1BD40];
	[tilespmem:$0x10690] =	vst v16  }
0x531: {  	v25 =	vld [tilespmem:$0x1BD50];
	[tilespmem:$0x10680] =	vst v18  }
0x532: {  	v27 =	vld [tilespmem:$0x1BD60];
	[tilespmem:$0x10630] =	vst v19  }
0x533: {  	v28 =	vld [tilespmem:$0x1BD70];
	[tilespmem:$0x10620] =	vst v21  }
0x534: {  	v30 =	vld [tilespmem:$0x1BD80];
	[tilespmem:$0x10610] =	vst v22  }
0x535: {  	v31 =	vld [tilespmem:$0x1BD90];
	[tilespmem:$0x10600] =	vst v24  }
0x536: {  	v33 =	vld [tilespmem:$0x1BDA0];
	[tilespmem:$0x105B0] =	vst v25  }
0x537: {  	v34 =	vld [tilespmem:$0x1BDB0];
	[tilespmem:$0x105A0] =	vst v27  }
0x538: {  	v36 =	vld [tilespmem:$0x1BDC0];
	[tilespmem:$0x10590] =	vst v28  }
0x539: {  	v37 =	vld [tilespmem:$0x1BDD0];
	[tilespmem:$0x10580] =	vst v30  }
0x53a: {  	v39 =	vld [tilespmem:$0x1BDE0];
	[tilespmem:$0x10530] =	vst v31  }
0x53b: {  	v40 =	vld [tilespmem:$0x1BDF0];
	[tilespmem:$0x10520] =	vst v33  }
0x53c: {  	v42 =	vld [tilespmem:$0x1BE00];
	[tilespmem:$0x10510] =	vst v34  }
0x53d: {  	v43 =	vld [tilespmem:$0x1BE10];
	[tilespmem:$0x10500] =	vst v36  }
0x53e: {  	v45 =	vld [tilespmem:$0x1BE20];
	[tilespmem:$0x104B0] =	vst v37  }
0x53f: {  	v46 =	vld [tilespmem:$0x1BE30];
	[tilespmem:$0x104A0] =	vst v39  }
0x540: {  	v48 =	vld [tilespmem:$0x1BE40];
	[tilespmem:$0x10490] =	vst v40  }
0x541: {  	v49 =	vld [tilespmem:$0x1BE50];
	[tilespmem:$0x10480] =	vst v42  }
0x542: {  	v51 =	vld [tilespmem:$0x1BE60];
	[tilespmem:$0x10430] =	vst v43  }
0x543: {  	v52 =	vld [tilespmem:$0x1BE70];
	[tilespmem:$0x10420] =	vst v45  }
0x544: {  	v54 =	vld [tilespmem:$0x1BE80];
	[tilespmem:$0x10410] =	vst v46  }
0x545: {  	v55 =	vld [tilespmem:$0x1BE90];
	[tilespmem:$0x10400] =	vst v48  }
0x546: {  	[tilespmem:$0x103B0] =	vst v49;
	v57 =	vld [tilespmem:$0x1BEA0]  }
0x547: {  	[tilespmem:$0x103A0] =	vst v51;
	v58 =	vld [tilespmem:$0x1BEB0]  }
0x548: {  	[tilespmem:$0x10390] =	vst v52;
	v60 =	vld [tilespmem:$0x1BEC0]  }
0x549: {  	[tilespmem:$0x10380] =	vst v54;
	v61 =	vld [tilespmem:$0x1BED0]  }
0x54a: {  	[tilespmem:$0x10330] =	vst v55;
	v63 =	vld [tilespmem:$0x1BEE0]  }
0x54b: {  	v4 =	vld [tilespmem:$0x1BEF0];
	[tilespmem:$0x10320] =	vst v57  }
0x54c: {  	v6 =	vld [tilespmem:$0x1BF00];
	[tilespmem:$0x10310] =	vst v58  }
0x54d: {  	v7 =	vld [tilespmem:$0x1BF10];
	[tilespmem:$0x10300] =	vst v60  }
0x54e: {  	v9 =	vld [tilespmem:$0x1BF20];
	[tilespmem:$0x102B0] =	vst v61  }
0x54f: {  	v10 =	vld [tilespmem:$0x1BF30];
	[tilespmem:$0x102A0] =	vst v63  }
0x550: {  	v12 =	vld [tilespmem:$0x1BF40];
	[tilespmem:$0x10290] =	vst v4  }
0x551: {  	v13 =	vld [tilespmem:$0x1BF50];
	[tilespmem:$0x10280] =	vst v6  }
0x552: {  	v15 =	vld [tilespmem:$0x1BF60];
	[tilespmem:$0x10230] =	vst v7  }
0x553: {  	v16 =	vld [tilespmem:$0x1BF70];
	[tilespmem:$0x10220] =	vst v9  }
0x554: {  	v18 =	vld [tilespmem:$0x1BF80];
	[tilespmem:$0x10210] =	vst v10  }
0x555: {  	v19 =	vld [tilespmem:$0x1BF90];
	[tilespmem:$0x10200] =	vst v12  }
0x556: {  	v21 =	vld [tilespmem:$0x1BFA0];
	[tilespmem:$0x101B0] =	vst v13  }
0x557: {  	v22 =	vld [tilespmem:$0x1BFB0];
	[tilespmem:$0x101A0] =	vst v15  }
0x558: {  	v24 =	vld [tilespmem:$0x1BFC0];
	[tilespmem:$0x10190] =	vst v16  }
0x559: {  	v25 =	vld [tilespmem:$0x1BFD0];
	[tilespmem:$0x10180] =	vst v18  }
0x55a: {  	v27 =	vld [tilespmem:$0x1BFE0];
	[tilespmem:$0x10130] =	vst v19  }
0x55b: {  	v28 =	vld [tilespmem:$0x1BFF0];
	[tilespmem:$0x10120] =	vst v21  }
0x55c: {  	v30 =	vld [tilespmem:$0x1C000];
	[tilespmem:$0x10110] =	vst v22  }
0x55d: {  	v31 =	vld [tilespmem:$0x1C010];
	[tilespmem:$0x10100] =	vst v24  }
0x55e: {  	v33 =	vld [tilespmem:$0x1C020];
	[tilespmem:$0x100B0] =	vst v25  }
0x55f: {  	v34 =	vld [tilespmem:$0x1C030];
	[tilespmem:$0x100A0] =	vst v27  }
0x560: {  	v36 =	vld [tilespmem:$0x1C040];
	[tilespmem:$0x10090] =	vst v28  }
0x561: {  	v37 =	vld [tilespmem:$0x1C050];
	[tilespmem:$0x10080] =	vst v30  }
0x562: {  	v39 =	vld [tilespmem:$0x1C060];
	[tilespmem:$0x10030] =	vst v31  }
0x563: {  	v40 =	vld [tilespmem:$0x1C070];
	[tilespmem:$0x10020] =	vst v33  }
0x564: {  	v42 =	vld [tilespmem:$0x1C080];
	[tilespmem:$0x10010] =	vst v34  }
0x565: {  	v43 =	vld [tilespmem:$0x1C090];
	[tilespmem:$0x10000] =	vst v36  }
0x566: {  	v45 =	vld [tilespmem:$0x1C0A0];
	[tilespmem:$0xFFB0] =	vst v37  }
0x567: {  	v46 =	vld [tilespmem:$0x1C0B0];
	[tilespmem:$0xFFA0] =	vst v39  }
0x568: {  	v48 =	vld [tilespmem:$0x1C0C0];
	[tilespmem:$0xFF90] =	vst v40  }
0x569: {  	v49 =	vld [tilespmem:$0x1C0D0];
	[tilespmem:$0xFF80] =	vst v42  }
0x56a: {  	v51 =	vld [tilespmem:$0x1C0E0];
	[tilespmem:$0xFF30] =	vst v43  }
0x56b: {  	v52 =	vld [tilespmem:$0x1C0F0];
	[tilespmem:$0xFF20] =	vst v45  }
0x56c: {  	v54 =	vld [tilespmem:$0x1C100];
	[tilespmem:$0xFF10] =	vst v46  }
0x56d: {  	v55 =	vld [tilespmem:$0x1C110];
	[tilespmem:$0xFF00] =	vst v48  }
0x56e: {  	[tilespmem:$0xFEB0] =	vst v49;
	v57 =	vld [tilespmem:$0x1C120]  }
0x56f: {  	[tilespmem:$0xFEA0] =	vst v51;
	v58 =	vld [tilespmem:$0x1C130]  }
0x570: {  	[tilespmem:$0xFE90] =	vst v52;
	v60 =	vld [tilespmem:$0x1C140]  }
0x571: {  	[tilespmem:$0xFE80] =	vst v54;
	v61 =	vld [tilespmem:$0x1C150]  }
0x572: {  	[tilespmem:$0xFE30] =	vst v55;
	v63 =	vld [tilespmem:$0x1C160]  }
0x573: {  	v4 =	vld [tilespmem:$0x1C170];
	[tilespmem:$0xFE20] =	vst v57  }
0x574: {  	v6 =	vld [tilespmem:$0x1C180];
	[tilespmem:$0xFE10] =	vst v58  }
0x575: {  	v7 =	vld [tilespmem:$0x1C190];
	[tilespmem:$0xFE00] =	vst v60  }
0x576: {  	v9 =	vld [tilespmem:$0x1C1A0];
	[tilespmem:$0xFDB0] =	vst v61  }
0x577: {  	v10 =	vld [tilespmem:$0x1C1B0];
	[tilespmem:$0xFDA0] =	vst v63  }
0x578: {  	v12 =	vld [tilespmem:$0x1C1C0];
	[tilespmem:$0xFD90] =	vst v4  }
0x579: {  	v13 =	vld [tilespmem:$0x1C1D0];
	[tilespmem:$0xFD80] =	vst v6  }
0x57a: {  	v15 =	vld [tilespmem:$0x1C1E0];
	[tilespmem:$0xFD30] =	vst v7  }
0x57b: {  	v16 =	vld [tilespmem:$0x1C1F0];
	[tilespmem:$0xFD20] =	vst v9  }
0x57c: {  	v18 =	vld [tilespmem:$0x1C200];
	[tilespmem:$0xFD10] =	vst v10  }
0x57d: {  	v19 =	vld [tilespmem:$0x1C210];
	[tilespmem:$0xFD00] =	vst v12  }
0x57e: {  	v21 =	vld [tilespmem:$0x1C220];
	[tilespmem:$0xFCB0] =	vst v13  }
0x57f: {  	v22 =	vld [tilespmem:$0x1C230];
	[tilespmem:$0xFCA0] =	vst v15  }
0x580: {  	v24 =	vld [tilespmem:$0x1C240];
	[tilespmem:$0xFC90] =	vst v16  }
0x581: {  	v25 =	vld [tilespmem:$0x1C250];
	[tilespmem:$0xFC80] =	vst v18  }
0x582: {  	v27 =	vld [tilespmem:$0x1C260];
	[tilespmem:$0xFC30] =	vst v19  }
0x583: {  	v28 =	vld [tilespmem:$0x1C270];
	[tilespmem:$0xFC20] =	vst v21  }
0x584: {  	v30 =	vld [tilespmem:$0x1C280];
	[tilespmem:$0xFC10] =	vst v22  }
0x585: {  	v31 =	vld [tilespmem:$0x1C290];
	[tilespmem:$0xFC00] =	vst v24  }
0x586: {  	v33 =	vld [tilespmem:$0x1C2A0];
	[tilespmem:$0xFBB0] =	vst v25  }
0x587: {  	v34 =	vld [tilespmem:$0x1C2B0];
	[tilespmem:$0xFBA0] =	vst v27  }
0x588: {  	v36 =	vld [tilespmem:$0x1C2C0];
	[tilespmem:$0xFB90] =	vst v28  }
0x589: {  	v37 =	vld [tilespmem:$0x1C2D0];
	[tilespmem:$0xFB80] =	vst v30  }
0x58a: {  	v39 =	vld [tilespmem:$0x1C2E0];
	[tilespmem:$0xFB30] =	vst v31  }
0x58b: {  	v40 =	vld [tilespmem:$0x1C2F0];
	[tilespmem:$0xFB20] =	vst v33  }
0x58c: {  	v42 =	vld [tilespmem:$0x1C300];
	[tilespmem:$0xFB10] =	vst v34  }
0x58d: {  	v43 =	vld [tilespmem:$0x1C310];
	[tilespmem:$0xFB00] =	vst v36  }
0x58e: {  	v45 =	vld [tilespmem:$0x1C320];
	[tilespmem:$0xFAB0] =	vst v37  }
0x58f: {  	v46 =	vld [tilespmem:$0x1C330];
	[tilespmem:$0xFAA0] =	vst v39  }
0x590: {  	v48 =	vld [tilespmem:$0x1C340];
	[tilespmem:$0xFA90] =	vst v40  }
0x591: {  	v49 =	vld [tilespmem:$0x1C350];
	[tilespmem:$0xFA80] =	vst v42  }
0x592: {  	v51 =	vld [tilespmem:$0x1C360];
	[tilespmem:$0xFA30] =	vst v43  }
0x593: {  	v52 =	vld [tilespmem:$0x1C370];
	[tilespmem:$0xFA20] =	vst v45  }
0x594: {  	v54 =	vld [tilespmem:$0x1C380];
	[tilespmem:$0xFA10] =	vst v46  }
0x595: {  	v55 =	vld [tilespmem:$0x1C390];
	[tilespmem:$0xFA00] =	vst v48  }
0x596: {  	[tilespmem:$0xF9B0] =	vst v49;
	v57 =	vld [tilespmem:$0x1C3A0]  }
0x597: {  	[tilespmem:$0xF9A0] =	vst v51;
	v58 =	vld [tilespmem:$0x1C3B0]  }
0x598: {  	[tilespmem:$0xF990] =	vst v52;
	v60 =	vld [tilespmem:$0x1C3C0]  }
0x599: {  	[tilespmem:$0xF980] =	vst v54;
	v61 =	vld [tilespmem:$0x1C3D0]  }
0x59a: {  	[tilespmem:$0xF930] =	vst v55;
	v63 =	vld [tilespmem:$0x1C3E0]  }
0x59b: {  	v4 =	vld [tilespmem:$0x1C3F0];
	[tilespmem:$0xF920] =	vst v57  }
0x59c: {  	v6 =	vld [tilespmem:$0x1C400];
	[tilespmem:$0xF910] =	vst v58  }
0x59d: {  	v7 =	vld [tilespmem:$0x1C410];
	[tilespmem:$0xF900] =	vst v60  }
0x59e: {  	v9 =	vld [tilespmem:$0x1C420];
	[tilespmem:$0xF8B0] =	vst v61  }
0x59f: {  	v10 =	vld [tilespmem:$0x1C430];
	[tilespmem:$0x11720] =	vst v63  }
0x5a0: {  	v12 =	vld [tilespmem:$0x1C440];
	[tilespmem:$0x11730] =	vst v4  }
0x5a1: {  	v13 =	vld [tilespmem:$0x1C450];
	[tilespmem:$0x11780] =	vst v6  }
0x5a2: {  	v15 =	vld [tilespmem:$0x1C460];
	[tilespmem:$0x11790] =	vst v7  }
0x5a3: {  	v16 =	vld [tilespmem:$0x1C470];
	[tilespmem:$0x117A0] =	vst v9  }
0x5a4: {  	v18 =	vld [tilespmem:$0x1C480];
	[tilespmem:$0x117B0] =	vst v10  }
0x5a5: {  	v19 =	vld [tilespmem:$0x1C490];
	[tilespmem:$0x11800] =	vst v12  }
0x5a6: {  	v21 =	vld [tilespmem:$0x1C4A0];
	[tilespmem:$0x11810] =	vst v13  }
0x5a7: {  	v22 =	vld [tilespmem:$0x1C4B0];
	[tilespmem:$0x11820] =	vst v15  }
0x5a8: {  	v24 =	vld [tilespmem:$0x1C4C0];
	[tilespmem:$0x11830] =	vst v16  }
0x5a9: {  	v25 =	vld [tilespmem:$0x1C4D0];
	[tilespmem:$0x11880] =	vst v18  }
0x5aa: {  	v27 =	vld [tilespmem:$0x1C4E0];
	[tilespmem:$0x11890] =	vst v19  }
0x5ab: {  	v28 =	vld [tilespmem:$0x1C4F0];
	[tilespmem:$0x118A0] =	vst v21  }
0x5ac: {  	v30 =	vld [tilespmem:$0x1C500];
	[tilespmem:$0x118B0] =	vst v22  }
0x5ad: {  	v31 =	vld [tilespmem:$0x1C510];
	[tilespmem:$0x11900] =	vst v24  }
0x5ae: {  	v33 =	vld [tilespmem:$0x1C520];
	[tilespmem:$0x11910] =	vst v25  }
0x5af: {  	v34 =	vld [tilespmem:$0x1C530];
	[tilespmem:$0x11920] =	vst v27  }
0x5b0: {  	v36 =	vld [tilespmem:$0x1C540];
	[tilespmem:$0x11930] =	vst v28  }
0x5b1: {  	v37 =	vld [tilespmem:$0x1C550];
	[tilespmem:$0x11980] =	vst v30  }
0x5b2: {  	v39 =	vld [tilespmem:$0x1C560];
	[tilespmem:$0x11990] =	vst v31  }
0x5b3: {  	v40 =	vld [tilespmem:$0x1C570];
	[tilespmem:$0x119A0] =	vst v33  }
0x5b4: {  	v42 =	vld [tilespmem:$0x1C580];
	[tilespmem:$0x119B0] =	vst v34  }
0x5b5: {  	v43 =	vld [tilespmem:$0x1C590];
	[tilespmem:$0x11A00] =	vst v36  }
0x5b6: {  	v45 =	vld [tilespmem:$0x1C5A0];
	[tilespmem:$0x11A10] =	vst v37  }
0x5b7: {  	v46 =	vld [tilespmem:$0x1C5B0];
	[tilespmem:$0x11A20] =	vst v39  }
0x5b8: {  	v48 =	vld [tilespmem:$0x1C5C0];
	[tilespmem:$0x11A30] =	vst v40  }
0x5b9: {  	v49 =	vld [tilespmem:$0x1C5D0];
	[tilespmem:$0x11A80] =	vst v42  }
0x5ba: {  	v51 =	vld [tilespmem:$0x1C5E0];
	[tilespmem:$0x11A90] =	vst v43  }
0x5bb: {  	v52 =	vld [tilespmem:$0x1C5F0];
	[tilespmem:$0x11AA0] =	vst v45  }
0x5bc: {  	v54 =	vld [tilespmem:$0x1C600];
	[tilespmem:$0x11AB0] =	vst v46  }
0x5bd: {  	v55 =	vld [tilespmem:$0x1C610];
	[tilespmem:$0x11B00] =	vst v48  }
0x5be: {  	[tilespmem:$0x11B10] =	vst v49;
	v57 =	vld [tilespmem:$0x1C620]  }
0x5bf: {  	[tilespmem:$0x11B20] =	vst v51;
	v58 =	vld [tilespmem:$0x1C630]  }
0x5c0: {  	[tilespmem:$0x11B30] =	vst v52;
	v60 =	vld [tilespmem:$0x1C640]  }
0x5c1: {  	[tilespmem:$0x11B80] =	vst v54;
	v61 =	vld [tilespmem:$0x1C650]  }
0x5c2: {  	[tilespmem:$0x11B90] =	vst v55;
	v63 =	vld [tilespmem:$0x1C660]  }
0x5c3: {  	v4 =	vld [tilespmem:$0x1C670];
	[tilespmem:$0x11BA0] =	vst v57  }
0x5c4: {  	v6 =	vld [tilespmem:$0x1C680];
	[tilespmem:$0x11BB0] =	vst v58  }
0x5c5: {  	v7 =	vld [tilespmem:$0x1C690];
	[tilespmem:$0x11C00] =	vst v60  }
0x5c6: {  	v9 =	vld [tilespmem:$0x1C6A0];
	[tilespmem:$0x11C10] =	vst v61  }
0x5c7: {  	v10 =	vld [tilespmem:$0x1C6B0];
	[tilespmem:$0x11C20] =	vst v63  }
0x5c8: {  	v12 =	vld [tilespmem:$0x1C6C0];
	[tilespmem:$0x11C30] =	vst v4  }
0x5c9: {  	v13 =	vld [tilespmem:$0x1C6D0];
	[tilespmem:$0x11C80] =	vst v6  }
0x5ca: {  	v15 =	vld [tilespmem:$0x1C6E0];
	[tilespmem:$0x11C90] =	vst v7  }
0x5cb: {  	v16 =	vld [tilespmem:$0x1C6F0];
	[tilespmem:$0x11CA0] =	vst v9  }
0x5cc: {  	v18 =	vld [tilespmem:$0x1C700];
	[tilespmem:$0x11CB0] =	vst v10  }
0x5cd: {  	v19 =	vld [tilespmem:$0x1C710];
	[tilespmem:$0x11D00] =	vst v12  }
0x5ce: {  	v21 =	vld [tilespmem:$0x1C720];
	[tilespmem:$0x11D10] =	vst v13  }
0x5cf: {  	v22 =	vld [tilespmem:$0x1C730];
	[tilespmem:$0x11D20] =	vst v15  }
0x5d0: {  	v24 =	vld [tilespmem:$0x1C740];
	[tilespmem:$0x11D30] =	vst v16  }
0x5d1: {  	v25 =	vld [tilespmem:$0x1C750];
	[tilespmem:$0x11D80] =	vst v18  }
0x5d2: {  	v27 =	vld [tilespmem:$0x1C760];
	[tilespmem:$0x11D90] =	vst v19  }
0x5d3: {  	v28 =	vld [tilespmem:$0x1C770];
	[tilespmem:$0x11DA0] =	vst v21  }
0x5d4: {  	v30 =	vld [tilespmem:$0x1C780];
	[tilespmem:$0x11DB0] =	vst v22  }
0x5d5: {  	v31 =	vld [tilespmem:$0x1C790];
	[tilespmem:$0x11E00] =	vst v24  }
0x5d6: {  	v33 =	vld [tilespmem:$0x1C7A0];
	[tilespmem:$0x11E10] =	vst v25  }
0x5d7: {  	v34 =	vld [tilespmem:$0x1C7B0];
	[tilespmem:$0x11E20] =	vst v27  }
0x5d8: {  	v36 =	vld [tilespmem:$0x1C7C0];
	[tilespmem:$0x11E30] =	vst v28  }
0x5d9: {  	v37 =	vld [tilespmem:$0x1C7D0];
	[tilespmem:$0x11E80] =	vst v30  }
0x5da: {  	v39 =	vld [tilespmem:$0x1C7E0];
	[tilespmem:$0x11E90] =	vst v31  }
0x5db: {  	v40 =	vld [tilespmem:$0x1C7F0];
	[tilespmem:$0x11EA0] =	vst v33  }
0x5dc: {  	v42 =	vld [tilespmem:$0x1C800];
	[tilespmem:$0x11EB0] =	vst v34  }
0x5dd: {  	v43 =	vld [tilespmem:$0x1C810];
	[tilespmem:$0x11F00] =	vst v36  }
0x5de: {  	v45 =	vld [tilespmem:$0x1C820];
	[tilespmem:$0x11F10] =	vst v37  }
0x5df: {  	v46 =	vld [tilespmem:$0x1C830];
	[tilespmem:$0x11F20] =	vst v39  }
0x5e0: {  	v48 =	vld [tilespmem:$0x1C840];
	[tilespmem:$0x11F30] =	vst v40  }
0x5e1: {  	v49 =	vld [tilespmem:$0x1C850];
	[tilespmem:$0x11F80] =	vst v42  }
0x5e2: {  	v51 =	vld [tilespmem:$0x1C860];
	[tilespmem:$0x11F90] =	vst v43  }
0x5e3: {  	v52 =	vld [tilespmem:$0x1C870];
	[tilespmem:$0x11FA0] =	vst v45  }
0x5e4: {  	v54 =	vld [tilespmem:$0x1C880];
	[tilespmem:$0x11FB0] =	vst v46  }
0x5e5: {  	v55 =	vld [tilespmem:$0x1C890];
	[tilespmem:$0x12000] =	vst v48  }
0x5e6: {  	[tilespmem:$0x12010] =	vst v49;
	v57 =	vld [tilespmem:$0x1C8A0]  }
0x5e7: {  	[tilespmem:$0x12020] =	vst v51;
	v58 =	vld [tilespmem:$0x1C8B0]  }
0x5e8: {  	[tilespmem:$0x12030] =	vst v52;
	v60 =	vld [tilespmem:$0x1C8C0]  }
0x5e9: {  	[tilespmem:$0x12080] =	vst v54;
	v61 =	vld [tilespmem:$0x1C8D0]  }
0x5ea: {  	[tilespmem:$0x12090] =	vst v55;
	v63 =	vld [tilespmem:$0x1C8E0]  }
0x5eb: {  	v4 =	vld [tilespmem:$0x1C8F0];
	[tilespmem:$0x120A0] =	vst v57  }
0x5ec: {  	v6 =	vld [tilespmem:$0x1C900];
	[tilespmem:$0x120B0] =	vst v58  }
0x5ed: {  	v7 =	vld [tilespmem:$0x1C910];
	[tilespmem:$0x12100] =	vst v60  }
0x5ee: {  	v9 =	vld [tilespmem:$0x1C920];
	[tilespmem:$0x12110] =	vst v61  }
0x5ef: {  	[tilespmem:$0x12120] =	vst v63  }
0x5f0: {  	[tilespmem:$0x12130] =	vst v4  }
0x5f1: {  	[tilespmem:$0x12180] =	vst v6  }
0x5f2: {  	[tilespmem:$0x12190] =	vst v7  }
0x5f3: {  	[tilespmem:$0x121A0] =	vst v9  }
0x5f4: {  	[tilespmem:$0x12220] =	vst v0  }
0x5f5: {  	[tilespmem:$0x12230] =	vst v2  }
0x5f6: {  	[tilespmem:$0x12290] =	vst v5  }
0x5f7: {  	[tilespmem:$0x122B0] =	vst v8  }
0x5f8: {  	[tilespmem:$0x12310] =	vst v11  }
0x5f9: {  	[tilespmem:$0x12330] =	vst v14  }
0x5fa: {  	[tilespmem:$0x12390] =	vst v17  }
0x5fb: {  	[tilespmem:$0x123B0] =	vst v20  }
0x5fc: {  	[tilespmem:$0x12410] =	vst v23  }
0x5fd: {  	[tilespmem:$0x12430] =	vst v26  }
0x5fe: {  	[tilespmem:$0x12490] =	vst v29  }
0x5ff: {  	[tilespmem:$0x124B0] =	vst v32  }
0x600: {  	[tilespmem:$0x12510] =	vst v35  }
0x601: {  	[tilespmem:$0x12530] =	vst v38  }
0x602: {  	[tilespmem:$0x12590] =	vst v41  }
0x603: {  	[tilespmem:$0x125B0] =	vst v44  }
0x604: {  	[tilespmem:$0x12610] =	vst v47  }
0x605: {  	[tilespmem:$0x12630] =	vst v50;
	v1 =	vld [tilespmem:$0x1C930]  }
0x606: {  	[tilespmem:$0x12690] =	vst v53;
	v10 =	vld [tilespmem:$0x1C940]  }
0x607: {  	[tilespmem:$0x126B0] =	vst v56;
	v12 =	vld [tilespmem:$0x1C950]  }
0x608: {  	[tilespmem:$0x12710] =	vst v59;
	v13 =	vld [tilespmem:$0x1C960]  }
0x609: {  	[tilespmem:$0x12730] =	vst v62;
	v15 =	vld [tilespmem:$0x1C970]  }
0x60a: {  	v16 =	vld [tilespmem:$0x1C980];
	[tilespmem:$0x121B0] =	vst v1  }
0x60b: {  	v18 =	vld [tilespmem:$0x1C990];
	[tilespmem:$0x12200] =	vst v10  }
0x60c: {  	v19 =	vld [tilespmem:$0x1C9A0];
	[tilespmem:$0x12210] =	vst v12  }
0x60d: {  	v21 =	vld [tilespmem:$0x1C9B0];
	[tilespmem:$0x12280] =	vst v13  }
0x60e: {  	v22 =	vld [tilespmem:$0x1C9C0];
	[tilespmem:$0x122A0] =	vst v15  }
0x60f: {  	v24 =	vld [tilespmem:$0x1C9D0];
	[tilespmem:$0x12300] =	vst v16  }
0x610: {  	v25 =	vld [tilespmem:$0x1C9E0];
	[tilespmem:$0x12320] =	vst v18  }
0x611: {  	v26 =	vld [tilespmem:$0x1C9F0];
	[tilespmem:$0x12380] =	vst v19  }
0x612: {  	v27 =	vld [tilespmem:$0x1CA00];
	[tilespmem:$0x123A0] =	vst v21  }
0x613: {  	v28 =	vld [tilespmem:$0x1CA10];
	[tilespmem:$0x12400] =	vst v22  }
0x614: {  	v29 =	vld [tilespmem:$0x1CA20];
	[tilespmem:$0x12420] =	vst v24  }
0x615: {  	v30 =	vld [tilespmem:$0x1CA30];
	[tilespmem:$0x12480] =	vst v25  }
0x616: {  	v31 =	vld [tilespmem:$0x1CA40];
	[tilespmem:$0x124A0] =	vst v26  }
0x617: {  	v32 =	vld [tilespmem:$0x1CA50];
	[tilespmem:$0x12500] =	vst v27  }
0x618: {  	v33 =	vld [tilespmem:$0x1CA60];
	[tilespmem:$0x12520] =	vst v28  }
0x619: {  	v34 =	vld [tilespmem:$0x1CA70];
	[tilespmem:$0x12580] =	vst v29  }
0x61a: {  	v35 =	vld [tilespmem:$0x1CA80];
	[tilespmem:$0x125A0] =	vst v30  }
0x61b: {  	v36 =	vld [tilespmem:$0x1CA90];
	[tilespmem:$0x12600] =	vst v31  }
0x61c: {  	v37 =	vld [tilespmem:$0x1CAA0];
	[tilespmem:$0x12620] =	vst v32  }
0x61d: {  	v38 =	vld [tilespmem:$0x1CAB0];
	[tilespmem:$0x12680] =	vst v33  }
0x61e: {  	v39 =	vld [tilespmem:$0x1CAC0];
	[tilespmem:$0x126A0] =	vst v34  }
0x61f: {  	v40 =	vld [tilespmem:$0x1CAD0];
	[tilespmem:$0x12700] =	vst v35  }
0x620: {  	v41 =	vld [tilespmem:$0x1CAE0];
	[tilespmem:$0x12720] =	vst v36  }
0x621: {  	v42 =	vld [tilespmem:$0x1CAF0];
	[tilespmem:$0x12780] =	vst v37  }
0x622: {  	v43 =	vld [tilespmem:$0x1CB00];
	[tilespmem:$0x12790] =	vst v38  }
0x623: {  	v44 =	vld [tilespmem:$0x1CB10];
	[tilespmem:$0x127A0] =	vst v39  }
0x624: {  	v45 =	vld [tilespmem:$0x1CB20];
	[tilespmem:$0x127B0] =	vst v40  }
0x625: {  	v46 =	vld [tilespmem:$0x1CB30];
	[tilespmem:$0x12800] =	vst v41  }
0x626: {  	v47 =	vld [tilespmem:$0x1CB40];
	[tilespmem:$0x12810] =	vst v42  }
0x627: {  	v48 =	vld [tilespmem:$0x1CB50];
	[tilespmem:$0x12820] =	vst v43  }
0x628: {  	v49 =	vld [tilespmem:$0x1CB60];
	[tilespmem:$0x12830] =	vst v44  }
0x629: {  	v50 =	vld [tilespmem:$0x1CB70];
	[tilespmem:$0x12880] =	vst v45  }
0x62a: {  	v51 =	vld [tilespmem:$0x1CB80];
	[tilespmem:$0x12890] =	vst v46  }
0x62b: {  	v52 =	vld [tilespmem:$0x1CB90];
	[tilespmem:$0x128A0] =	vst v47  }
0x62c: {  	v53 =	vld [tilespmem:$0x1CBA0];
	[tilespmem:$0x128B0] =	vst v48  }
0x62d: {  	v54 =	vld [tilespmem:$0x1CBB0];
	[tilespmem:$0x12900] =	vst v49  }
0x62e: {  	v55 =	vld [tilespmem:$0x1CBC0];
	[tilespmem:$0x12910] =	vst v50  }
0x62f: {  	v56 =	vld [tilespmem:$0x1CBD0];
	[tilespmem:$0x12920] =	vst v51  }
0x630: {  	v57 =	vld [tilespmem:$0x1CBE0];
	[tilespmem:$0x12930] =	vst v52  }
0x631: {  	v58 =	vld [tilespmem:$0x1CBF0];
	[tilespmem:$0x12980] =	vst v53  }
0x632: {  	v59 =	vld [tilespmem:$0x1CC00];
	[tilespmem:$0x12990] =	vst v54  }
0x633: {  	v60 =	vld [tilespmem:$0x1CC10];
	[tilespmem:$0x129A0] =	vst v55  }
0x634: {  	v61 =	vld [tilespmem:$0x1CC20];
	[tilespmem:$0x129B0] =	vst v56  }
0x635: {  	v62 =	vld [tilespmem:$0x1CC30];
	[tilespmem:$0x12A00] =	vst v57  }
0x636: {  	v63 =	vld [tilespmem:$0x1CC40];
	[tilespmem:$0x12A10] =	vst v58  }
0x637: {  	v4 =	vld [tilespmem:$0x1CC50];
	[tilespmem:$0x12A20] =	vst v59  }
0x638: {  	v5 =	vld [tilespmem:$0x1CC60];
	[tilespmem:$0x12A30] =	vst v60  }
0x639: {  	v6 =	vld [tilespmem:$0x1CC70];
	[tilespmem:$0x12A80] =	vst v61  }
0x63a: {  	v7 =	vld [tilespmem:$0x1CC80];
	[tilespmem:$0x12A90] =	vst v62  }
0x63b: {  	v8 =	vld [tilespmem:$0x1CC90];
	[tilespmem:$0x12AA0] =	vst v63  }
0x63c: {  	v9 =	vld [tilespmem:$0x1CCA0];
	[tilespmem:$0x12AB0] =	vst v4  }
0x63d: {  	v11 =	vld [tilespmem:$0x1CCC0];
	[tilespmem:$0x12B00] =	vst v5  }
0x63e: {  	v14 =	vld [tilespmem:$0x1CCF0];
	[tilespmem:$0x12B10] =	vst v6  }
0x63f: {  	v17 =	vld [tilespmem:$0x1CD20];
	[tilespmem:$0x12B20] =	vst v7  }
0x640: {  	v20 =	vld [tilespmem:$0x1CD50];
	[tilespmem:$0x12B30] =	vst v8  }
0x641: {  	v23 =	vld [tilespmem:$0x1CD80];
	[tilespmem:$0x12B80] =	vst v9  }
0x642: {  	v10 =	vld [tilespmem:$0x1CCB0];
	[tilespmem:$0x12BA0] =	vst v11  }
0x643: {  	v12 =	vld [tilespmem:$0x1CCD0];
	[tilespmem:$0x12C10] =	vst v14  }
0x644: {  	v13 =	vld [tilespmem:$0x1CCE0];
	[tilespmem:$0x12C80] =	vst v17  }
0x645: {  	v15 =	vld [tilespmem:$0x1CD00];
	[tilespmem:$0x12CB0] =	vst v20  }
0x646: {  	v16 =	vld [tilespmem:$0x1CD10];
	[tilespmem:$0x12D20] =	vst v23  }
0x647: {  	v18 =	vld [tilespmem:$0x1CD30];
	[tilespmem:$0x12B90] =	vst v10  }
0x648: {  	v19 =	vld [tilespmem:$0x1CD40];
	[tilespmem:$0x12BB0] =	vst v12  }
0x649: {  	v21 =	vld [tilespmem:$0x1CD60];
	[tilespmem:$0x12C00] =	vst v13  }
0x64a: {  	v22 =	vld [tilespmem:$0x1CD70];
	[tilespmem:$0x12C20] =	vst v15  }
0x64b: {  	v24 =	vld [tilespmem:$0x1CD90];
	[tilespmem:$0x12C30] =	vst v16  }
0x64c: {  	v25 =	vld [tilespmem:$0x1CDA0];
	[tilespmem:$0x12C90] =	vst v18  }
0x64d: {  	v26 =	vld [tilespmem:$0x1CDB0];
	[tilespmem:$0x12CA0] =	vst v19  }
0x64e: {  	v27 =	vld [tilespmem:$0x1CDC0];
	[tilespmem:$0x12D00] =	vst v21  }
0x64f: {  	v28 =	vld [tilespmem:$0x1CDD0];
	[tilespmem:$0x12D10] =	vst v22  }
0x650: {  	v29 =	vld [tilespmem:$0x1CDE0];
	[tilespmem:$0x12D30] =	vst v24  }
0x651: {  	v30 =	vld [tilespmem:$0x1CDF0];
	[tilespmem:$0x12D80] =	vst v25  }
0x652: {  	v31 =	vld [tilespmem:$0x1CE00];
	[tilespmem:$0x12D90] =	vst v26  }
0x653: {  	v32 =	vld [tilespmem:$0x1CE10];
	[tilespmem:$0x12DA0] =	vst v27  }
0x654: {  	v33 =	vld [tilespmem:$0x1CE20];
	[tilespmem:$0x12DB0] =	vst v28  }
0x655: {  	v34 =	vld [tilespmem:$0x1CE30];
	[tilespmem:$0x12E00] =	vst v29  }
0x656: {  	v35 =	vld [tilespmem:$0x1CE40];
	[tilespmem:$0x12E10] =	vst v30  }
0x657: {  	v36 =	vld [tilespmem:$0x1CE50];
	[tilespmem:$0x12E20] =	vst v31  }
0x658: {  	v37 =	vld [tilespmem:$0x1CE60];
	[tilespmem:$0x12E30] =	vst v32  }
0x659: {  	v38 =	vld [tilespmem:$0x1CE70];
	[tilespmem:$0x12E80] =	vst v33  }
0x65a: {  	v39 =	vld [tilespmem:$0x1CE80];
	[tilespmem:$0x12E90] =	vst v34  }
0x65b: {  	v40 =	vld [tilespmem:$0x1CE90];
	[tilespmem:$0x12EA0] =	vst v35  }
0x65c: {  	v41 =	vld [tilespmem:$0x1CEA0];
	[tilespmem:$0x12EB0] =	vst v36  }
0x65d: {  	v42 =	vld [tilespmem:$0x1CEB0];
	[tilespmem:$0x12F00] =	vst v37  }
0x65e: {  	v43 =	vld [tilespmem:$0x1CEC0];
	[tilespmem:$0x12F10] =	vst v38  }
0x65f: {  	v44 =	vld [tilespmem:$0x1CED0];
	[tilespmem:$0x12F20] =	vst v39  }
0x660: {  	v45 =	vld [tilespmem:$0x1CEE0];
	[tilespmem:$0x12F30] =	vst v40  }
0x661: {  	v46 =	vld [tilespmem:$0x1CEF0];
	[tilespmem:$0x12F80] =	vst v41  }
0x662: {  	v47 =	vld [tilespmem:$0x1CF00];
	[tilespmem:$0x12F90] =	vst v42  }
0x663: {  	v48 =	vld [tilespmem:$0x1CF10];
	[tilespmem:$0x12FA0] =	vst v43  }
0x664: {  	v49 =	vld [tilespmem:$0x1CF20];
	[tilespmem:$0x12FB0] =	vst v44  }
0x665: {  	v50 =	vld [tilespmem:$0x1CF30];
	[tilespmem:$0x13000] =	vst v45  }
0x666: {  	v51 =	vld [tilespmem:$0x1CF40];
	[tilespmem:$0x13010] =	vst v46  }
0x667: {  	v52 =	vld [tilespmem:$0x1CF50];
	[tilespmem:$0x13020] =	vst v47  }
0x668: {  	v53 =	vld [tilespmem:$0x1CF60];
	[tilespmem:$0x13030] =	vst v48  }
0x669: {  	v54 =	vld [tilespmem:$0x1CF70];
	[tilespmem:$0x13080] =	vst v49  }
0x66a: {  	v55 =	vld [tilespmem:$0x1CF80];
	[tilespmem:$0x13090] =	vst v50  }
0x66b: {  	v56 =	vld [tilespmem:$0x1CF90];
	[tilespmem:$0x130A0] =	vst v51  }
0x66c: {  	v57 =	vld [tilespmem:$0x1CFA0];
	[tilespmem:$0x130B0] =	vst v52  }
0x66d: {  	v58 =	vld [tilespmem:$0x1CFB0];
	[tilespmem:$0x13100] =	vst v53  }
0x66e: {  	v59 =	vld [tilespmem:$0x1CFC0];
	[tilespmem:$0x13110] =	vst v54  }
0x66f: {  	v60 =	vld [tilespmem:$0x1CFD0];
	[tilespmem:$0x13120] =	vst v55  }
0x670: {  	v61 =	vld [tilespmem:$0x1CFE0];
	[tilespmem:$0x13130] =	vst v56  }
0x671: {  	v62 =	vld [tilespmem:$0x1CFF0];
	[tilespmem:$0x13180] =	vst v57  }
0x672: {  	v63 =	vld [tilespmem:$0x1D000];
	[tilespmem:$0x13190] =	vst v58  }
0x673: {  	v4 =	vld [tilespmem:$0x1D010];
	[tilespmem:$0x131A0] =	vst v59  }
0x674: {  	v5 =	vld [tilespmem:$0x1D020];
	[tilespmem:$0x131B0] =	vst v60  }
0x675: {  	v6 =	vld [tilespmem:$0x1D030];
	[tilespmem:$0x13200] =	vst v61  }
0x676: {  	v7 =	vld [tilespmem:$0x1D040];
	[tilespmem:$0x13210] =	vst v62  }
0x677: {  	v8 =	vld [tilespmem:$0x1D050];
	[tilespmem:$0x13220] =	vst v63  }
0x678: {  	v9 =	vld [tilespmem:$0x1D060];
	[tilespmem:$0x13230] =	vst v4  }
0x679: {  	v11 =	vld [tilespmem:$0x1D080];
	[tilespmem:$0x13280] =	vst v5  }
0x67a: {  	v14 =	vld [tilespmem:$0x1D0B0];
	[tilespmem:$0x13290] =	vst v6  }
0x67b: {  	v17 =	vld [tilespmem:$0x1D0E0];
	[tilespmem:$0x132A0] =	vst v7  }
0x67c: {  	v20 =	vld [tilespmem:$0x1D110];
	[tilespmem:$0x132B0] =	vst v8  }
0x67d: {  	v23 =	vld [tilespmem:$0x1D140];
	[tilespmem:$0x13300] =	vst v9  }
0x67e: {  	v10 =	vld [tilespmem:$0x1D070];
	[tilespmem:$0x13320] =	vst v11  }
0x67f: {  	v12 =	vld [tilespmem:$0x1D090];
	[tilespmem:$0x13390] =	vst v14  }
0x680: {  	v13 =	vld [tilespmem:$0x1D0A0];
	[tilespmem:$0x13400] =	vst v17  }
0x681: {  	v15 =	vld [tilespmem:$0x1D0C0];
	[tilespmem:$0x13430] =	vst v20  }
0x682: {  	v16 =	vld [tilespmem:$0x1D0D0];
	[tilespmem:$0x134A0] =	vst v23  }
0x683: {  	v18 =	vld [tilespmem:$0x1D0F0];
	[tilespmem:$0x13310] =	vst v10  }
0x684: {  	v19 =	vld [tilespmem:$0x1D100];
	[tilespmem:$0x13330] =	vst v12  }
0x685: {  	v21 =	vld [tilespmem:$0x1D120];
	[tilespmem:$0x13380] =	vst v13  }
0x686: {  	v22 =	vld [tilespmem:$0x1D130];
	[tilespmem:$0x133A0] =	vst v15  }
0x687: {  	v24 =	vld [tilespmem:$0x1D150];
	[tilespmem:$0x133B0] =	vst v16  }
0x688: {  	v25 =	vld [tilespmem:$0x1D160];
	[tilespmem:$0x13410] =	vst v18  }
0x689: {  	v26 =	vld [tilespmem:$0x1D170];
	[tilespmem:$0x13420] =	vst v19  }
0x68a: {  	v27 =	vld [tilespmem:$0x1D180];
	[tilespmem:$0x13480] =	vst v21  }
0x68b: {  	v28 =	vld [tilespmem:$0x1D190];
	[tilespmem:$0x13490] =	vst v22  }
0x68c: {  	v29 =	vld [tilespmem:$0x1D1A0];
	[tilespmem:$0x134B0] =	vst v24  }
0x68d: {  	v30 =	vld [tilespmem:$0x1D1B0];
	[tilespmem:$0x13500] =	vst v25  }
0x68e: {  	v31 =	vld [tilespmem:$0x1D1C0];
	[tilespmem:$0x13510] =	vst v26  }
0x68f: {  	v32 =	vld [tilespmem:$0x1D1D0];
	[tilespmem:$0x13520] =	vst v27  }
0x690: {  	v33 =	vld [tilespmem:$0x1D1E0];
	[tilespmem:$0x13530] =	vst v28  }
0x691: {  	v34 =	vld [tilespmem:$0x1D1F0];
	[tilespmem:$0x13580] =	vst v29  }
0x692: {  	v35 =	vld [tilespmem:$0x1D200];
	[tilespmem:$0x13590] =	vst v30  }
0x693: {  	v36 =	vld [tilespmem:$0x1D210];
	[tilespmem:$0x135A0] =	vst v31  }
0x694: {  	v37 =	vld [tilespmem:$0x1D220];
	[tilespmem:$0x135B0] =	vst v32  }
0x695: {  	v38 =	vld [tilespmem:$0x1D230];
	[tilespmem:$0x13600] =	vst v33  }
0x696: {  	v39 =	vld [tilespmem:$0x1D240];
	[tilespmem:$0x13610] =	vst v34  }
0x697: {  	v40 =	vld [tilespmem:$0x1D250];
	[tilespmem:$0x13620] =	vst v35  }
0x698: {  	v41 =	vld [tilespmem:$0x1D260];
	[tilespmem:$0x13630] =	vst v36  }
0x699: {  	v42 =	vld [tilespmem:$0x1D270];
	[tilespmem:$0x13680] =	vst v37  }
0x69a: {  	v43 =	vld [tilespmem:$0x1D280];
	[tilespmem:$0x13690] =	vst v38  }
0x69b: {  	v44 =	vld [tilespmem:$0x1D290];
	[tilespmem:$0x136A0] =	vst v39  }
0x69c: {  	v45 =	vld [tilespmem:$0x1D2A0];
	[tilespmem:$0x136B0] =	vst v40  }
0x69d: {  	v46 =	vld [tilespmem:$0x1D2B0];
	[tilespmem:$0x13700] =	vst v41  }
0x69e: {  	v47 =	vld [tilespmem:$0x1D2C0];
	[tilespmem:$0x13710] =	vst v42  }
0x69f: {  	v48 =	vld [tilespmem:$0x1D2D0];
	[tilespmem:$0x13720] =	vst v43  }
0x6a0: {  	v49 =	vld [tilespmem:$0x1D2E0];
	[tilespmem:$0x13800] =	vst v44  }
0x6a1: {  	v50 =	vld [tilespmem:$0x1D2F0];
	[tilespmem:$0x13780] =	vst v45  }
0x6a2: {  	v51 =	vld [tilespmem:$0x1D300];
	[tilespmem:$0x13790] =	vst v46  }
0x6a3: {  	v52 =	vld [tilespmem:$0x1D310];
	[tilespmem:$0x139B0] =	vst v47  }
0x6a4: {  	v53 =	vld [tilespmem:$0x1D320];
	[tilespmem:$0x139A0] =	vst v48  }
0x6a5: {  	v54 =	vld [tilespmem:$0x1D330];
	[tilespmem:$0x13990] =	vst v49  }
0x6a6: {  	v55 =	vld [tilespmem:$0x1D340];
	[tilespmem:$0x13980] =	vst v50  }
0x6a7: {  	v56 =	vld [tilespmem:$0x1D350];
	[tilespmem:$0x13930] =	vst v51  }
0x6a8: {  	v57 =	vld [tilespmem:$0x1D360];
	[tilespmem:$0x13920] =	vst v52  }
0x6a9: {  	v58 =	vld [tilespmem:$0x1D370];
	[tilespmem:$0x13910] =	vst v53  }
0x6aa: {  	v59 =	vld [tilespmem:$0x1D380];
	[tilespmem:$0x13900] =	vst v54  }
0x6ab: {  	v60 =	vld [tilespmem:$0x1D390];
	[tilespmem:$0x138B0] =	vst v55  }
0x6ac: {  	v61 =	vld [tilespmem:$0x1D3A0];
	[tilespmem:$0x138A0] =	vst v56  }
0x6ad: {  	v62 =	vld [tilespmem:$0x1D3B0];
	[tilespmem:$0x13890] =	vst v57  }
0x6ae: {  	v63 =	vld [tilespmem:$0x1D3C0];
	[tilespmem:$0x13880] =	vst v58  }
0x6af: {  	v4 =	vld [tilespmem:$0x1D3D0];
	[tilespmem:$0x13830] =	vst v59  }
0x6b0: {  	p1 =	seq.s32 s23, $0x3E000;
	[tilespmem:$0x13820] =	vst v60  }
0x6b1: {  	s24 =	sadd.s32 @!p1 $0xFFFFFFF0, s21;
	[tilespmem:$0x13810] =	vst v61  }
0x6b2: {  	s25 =	sadd.s32 @!p1 $0x40, s22;
	s30 =	simm.s32 @!p1 $0x0;
	s24 =	sand.u32 @!p1 $0x60, s24;
	[tilespmem:$0x137B0] =	vst v62  }
0x6b3: {  	s26 =	simm.s32 @!p1 $0x400;
	s28 =	sand.u32 @!p1 $0x1FF00, s25;
	s24 =	sadd.s32 @!p1 s1, s24;
	[tilespmem:$0x137A0] =	vst v63  }
0x6b4: {  	s25 =	simm.s32 @!p1 $0x80;
	s24 =	sadd.s32 @!p1 s28, s24;
	s28 =	simm.s32 @!p1 $0x5;
	[tilespmem:$0x13730] =	vst v4  }
0x6b5: {  	[tilespmem:s30], [sflag:$0x5] =	stream.strided.gather @!p1 [hbm4b:s24+s25], $0x100, s26, s25, $0x38;
	[tilespmem:$0x1A200] =	vst v63  }
0x6b6: {  	_ =	swait.ge @!p1 [sflag:s28], $0x100  }
0x6b7: {  	s29 =	simm.s32 @!p1 $0xD0;
	[sflag:s28] =	ssyncset.done @!p1 $0x0  }
0x6b8: {  	s31 =	simm.s32 @!p1 $0x200;
	s24 =	rddreg [dreg:$0x3];
	[sflag:s28] =	ssyncadd.s32 @!p1 $0xFFFFFF00  }
0x6b9: {  	[tilespmem:s31], [sflag:$0x1] =	stream.indirect.gather @!p1 [hbm4b:s4+s29], $0x80, s30, s29, $0xb8;
	[tilespmem:$0x1A200] =	vst v63  }
0x6ba: {  	s0 =	rddreg [dreg:$0x4];
	s24 =	sadd.s32 s23, s24  }
0x6bb: {  	[hbm4b:s24+s3] =	stream.linear.scatter [tilespmem:s0], [sflag:$0x3], $0xD00, $0x38;
	[tilespmem:$0x1A200] =	vst v63  }
0x6bc: {  	s30 =	rddreg [dreg:$0x5];
	s0 =	sadd.s32 $0x200, s24  }
0x6bd: {  	[hbm4b:s0+s3] =	stream.linear.scatter [tilespmem:s30], [sflag:$0x3], $0xD00, $0x38;
	[tilespmem:$0x1A200] =	vst v63  }
0x6be: {  	s31 =	rddreg [dreg:$0x6];
	s0 =	sadd.s32 $0x400, s24  }
0x6bf: {  	[hbm4b:s0+s3] =	stream.linear.scatter [tilespmem:s31], [sflag:$0x3], $0xD00, $0x38;
	[tilespmem:$0x1A200] =	vst v63  }
0x6c0: {  	s30 =	rddreg [dreg:$0x7];
	s0 =	sadd.s32 $0x600, s24  }
0x6c1: {  	[hbm4b:s0+s3] =	stream.linear.scatter [tilespmem:s30], [sflag:$0x3], $0xD00, $0x38;
	[tilespmem:$0x1A200] =	vst v63  }
0x6c2: {  	s31 =	rddreg [dreg:$0x8];
	s0 =	sadd.s32 $0x800, s24  }
0x6c3: {  	[hbm4b:s0+s3] =	stream.linear.scatter [tilespmem:s31], [sflag:$0x3], $0xD00, $0x38;
	[tilespmem:$0x1A200] =	vst v63  }
0x6c4: {  	s30 =	rddreg [dreg:$0x9];
	s0 =	sadd.s32 $0xA00, s24  }
0x6c5: {  	[hbm4b:s0+s3] =	stream.linear.scatter [tilespmem:s30], [sflag:$0x3], $0xD00, $0x38;
	[tilespmem:$0x1A200] =	vst v63  }
0x6c6: {  	s31 =	rddreg [dreg:$0xa];
	s0 =	sadd.s32 $0xC00, s24  }
0x6c7: {  	[hbm4b:s0+s3] =	stream.linear.scatter [tilespmem:s31], [sflag:$0x3], $0xD00, $0x38;
	[tilespmem:$0x1A200] =	vst v63  }
0x6c8: {  	s30 =	rddreg [dreg:$0xb];
	s31 =	sadd.s32 $0xE00, s24  }
0x6c9: {  	[hbm4b:s31+s3] =	stream.linear.scatter [tilespmem:s30], [sflag:$0x3], $0xD00, $0x38;
	[tilespmem:$0x1A200] =	vst v63  }
0x6ca: {  	_ =	swait.ge [sflag:s17], $0x6800  }
0x6cb: {  	[sflag:s17] =	ssyncset.done $0x0  }
0x6cc: {  	s0 =	simm.s32 @!p0 $0x4;
	[sflag:s17] =	ssyncadd.s32 $0xFFFF9800  }
0x6cd: {  	_ =	swait.ge @!p0 [sflag:s0], $0xD00  }
0x6ce: {  	[sflag:s0] =	ssyncset.done @!p0 $0x0  }
0x6cf: {  	[sflag:s0] =	ssyncadd.s32 @!p0 $0xFFFFF300  }
0x6d0: {  	_ =	swait.ge @!p0 [sflag:s0], $0xD00  }
0x6d1: {  	[sflag:s0] =	ssyncset.done @!p0 $0x0  }
0x6d2: {  	[sflag:s0] =	ssyncadd.s32 @!p0 $0xFFFFF300  }
0x6d3: {  	_ =	swait.ge @!p0 [sflag:s0], $0xD00  }
0x6d4: {  	[sflag:s0] =	ssyncset.done @!p0 $0x0  }
0x6d5: {  	[sflag:s0] =	ssyncadd.s32 @!p0 $0xFFFFF300  }
0x6d6: {  	_ =	swait.ge @!p0 [sflag:s0], $0xD00  }
0x6d7: {  	[sflag:s0] =	ssyncset.done @!p0 $0x0  }
0x6d8: {  	[sflag:s0] =	ssyncadd.s32 @!p0 $0xFFFFF300  }
0x6d9: {  	_ =	swait.ge @!p0 [sflag:s0], $0xD00  }
0x6da: {  	[sflag:s0] =	ssyncset.done @!p0 $0x0  }
0x6db: {  	[sflag:s0] =	ssyncadd.s32 @!p0 $0xFFFFF300  }
0x6dc: {  	_ =	swait.ge @!p0 [sflag:s0], $0xD00  }
0x6dd: {  	[sflag:s0] =	ssyncset.done @!p0 $0x0  }
0x6de: {  	[sflag:s0] =	ssyncadd.s32 @!p0 $0xFFFFF300  }
0x6df: {  	_ =	swait.ge @!p0 [sflag:s0], $0xD00  }
0x6e0: {  	[sflag:s0] =	ssyncset.done @!p0 $0x0  }
0x6e1: {  	[sflag:s0] =	ssyncadd.s32 @!p0 $0xFFFFF300  }
0x6e2: {  	_ =	swait.ge @!p0 [sflag:s0], $0xD00  }
0x6e3: {  	[sflag:s0] =	ssyncset.done @!p0 $0x0  }
0x6e4: {  	[sflag:s0] =	ssyncadd.s32 @!p0 $0xFFFFF300  }
0x6e5: {  	v5 =	vld [tilespmem:$0x6A00]  }
0x6e6: {  	v6 =	vld [tilespmem:$0x6A10]  }
0x6e7: {  	v7 =	vld [tilespmem:$0x6A20]  }
0x6e8: {  	v8 =	vld [tilespmem:$0x6A30]  }
0x6e9: {  	v9 =	vld [tilespmem:$0x6A80]  }
0x6ea: {  	v10 =	vld [tilespmem:$0x6A90];
	[tilespmem:$0x1D3E0] =	vst v5  }
0x6eb: {  	v11 =	vld [tilespmem:$0x6AA0];
	[tilespmem:$0x1D3F0] =	vst v6  }
0x6ec: {  	v12 =	vld [tilespmem:$0x6AB0];
	[tilespmem:$0x1D400] =	vst v7  }
0x6ed: {  	v13 =	vld [tilespmem:$0x6B00];
	[tilespmem:$0x1D410] =	vst v8  }
0x6ee: {  	v14 =	vld [tilespmem:$0x6B10];
	[tilespmem:$0x1D420] =	vst v9  }
0x6ef: {  	v15 =	vld [tilespmem:$0x6B20];
	[tilespmem:$0x1D430] =	vst v10  }
0x6f0: {  	v16 =	vld [tilespmem:$0x6B30];
	[tilespmem:$0x1D440] =	vst v11  }
0x6f1: {  	v17 =	vld [tilespmem:$0x6B80];
	[tilespmem:$0x1D450] =	vst v12  }
0x6f2: {  	v18 =	vld [tilespmem:$0x6B90];
	[tilespmem:$0x1D460] =	vst v13  }
0x6f3: {  	v19 =	vld [tilespmem:$0x6BA0];
	[tilespmem:$0x1D470] =	vst v14  }
0x6f4: {  	v20 =	vld [tilespmem:$0x6BB0];
	[tilespmem:$0x1D480] =	vst v15  }
0x6f5: {  	v21 =	vld [tilespmem:$0x6C00];
	[tilespmem:$0x1D490] =	vst v16  }
0x6f6: {  	v22 =	vld [tilespmem:$0x6C10];
	[tilespmem:$0x1D4A0] =	vst v17  }
0x6f7: {  	v23 =	vld [tilespmem:$0x6C20];
	[tilespmem:$0x1D4B0] =	vst v18  }
0x6f8: {  	v24 =	vld [tilespmem:$0x6C30];
	[tilespmem:$0x1D4C0] =	vst v19  }
0x6f9: {  	v25 =	vld [tilespmem:$0x6C80];
	[tilespmem:$0x1D4D0] =	vst v20  }
0x6fa: {  	v26 =	vld [tilespmem:$0x6C90];
	[tilespmem:$0x1D4E0] =	vst v21  }
0x6fb: {  	v27 =	vld [tilespmem:$0x6CA0];
	[tilespmem:$0x1D4F0] =	vst v22  }
0x6fc: {  	v28 =	vld [tilespmem:$0x6CB0];
	[tilespmem:$0x1D500] =	vst v23  }
0x6fd: {  	v29 =	vld [tilespmem:$0x6D00];
	[tilespmem:$0x1D510] =	vst v24  }
0x6fe: {  	v30 =	vld [tilespmem:$0x6D10];
	[tilespmem:$0x1D520] =	vst v25  }
0x6ff: {  	v31 =	vld [tilespmem:$0x6D20];
	[tilespmem:$0x1D530] =	vst v26  }
0x700: {  	v32 =	vld [tilespmem:$0x6D30];
	[tilespmem:$0x1D540] =	vst v27  }
0x701: {  	v33 =	vld [tilespmem:$0x6D80];
	[tilespmem:$0x1D550] =	vst v28  }
0x702: {  	v34 =	vld [tilespmem:$0x6D90];
	[tilespmem:$0x1D560] =	vst v29  }
0x703: {  	v35 =	vld [tilespmem:$0x6DA0];
	[tilespmem:$0x1D570] =	vst v30  }
0x704: {  	v36 =	vld [tilespmem:$0x6DB0];
	[tilespmem:$0x1D580] =	vst v31  }
0x705: {  	v37 =	vld [tilespmem:$0x6E00];
	[tilespmem:$0x1D590] =	vst v32  }
0x706: {  	v38 =	vld [tilespmem:$0x6E10];
	[tilespmem:$0x1D5A0] =	vst v33  }
0x707: {  	v39 =	vld [tilespmem:$0x6E20];
	[tilespmem:$0x1D5B0] =	vst v34  }
0x708: {  	v40 =	vld [tilespmem:$0x6E30];
	[tilespmem:$0x1D5C0] =	vst v35  }
0x709: {  	v41 =	vld [tilespmem:$0x6E80];
	[tilespmem:$0x1D5D0] =	vst v36  }
0x70a: {  	v42 =	vld [tilespmem:$0x6E90];
	[tilespmem:$0x1D5E0] =	vst v37  }
0x70b: {  	v43 =	vld [tilespmem:$0x6EA0];
	[tilespmem:$0x1D5F0] =	vst v38  }
0x70c: {  	v44 =	vld [tilespmem:$0x6EB0];
	[tilespmem:$0x1D600] =	vst v39  }
0x70d: {  	v45 =	vld [tilespmem:$0x6F00];
	[tilespmem:$0x1D610] =	vst v40  }
0x70e: {  	v46 =	vld [tilespmem:$0x6F10];
	[tilespmem:$0x1D620] =	vst v41  }
0x70f: {  	v47 =	vld [tilespmem:$0x6F20];
	[tilespmem:$0x1D630] =	vst v42  }
0x710: {  	v48 =	vld [tilespmem:$0x6F30];
	[tilespmem:$0x1D640] =	vst v43  }
0x711: {  	v49 =	vld [tilespmem:$0x6F80];
	[tilespmem:$0x1D650] =	vst v44  }
0x712: {  	v50 =	vld [tilespmem:$0x6F90];
	[tilespmem:$0x1D660] =	vst v45  }
0x713: {  	v51 =	vld [tilespmem:$0x6FA0];
	[tilespmem:$0x1D670] =	vst v46  }
0x714: {  	v52 =	vld [tilespmem:$0x6FB0];
	[tilespmem:$0x1D680] =	vst v47  }
0x715: {  	[tilespmem:$0x1D690] =	vst v48  }
0x716: {  	[tilespmem:$0x1D6A0] =	vst v49  }
0x717: {  	[tilespmem:$0x1D6B0] =	vst v50  }
0x718: {  	[tilespmem:$0x1D6C0] =	vst v51  }
0x719: {  	[tilespmem:$0x1D6D0] =	vst v52  }
0x71a: {  	v0 =	vld [tilespmem:$0x7000]  }
0x71b: {  	v53 =	vld [tilespmem:$0x7010]  }
0x71c: {  	v54 =	vld [tilespmem:$0x7020]  }
0x71d: {  	v55 =	vld [tilespmem:$0x7030]  }
0x71e: {  	v56 =	vld [tilespmem:$0x7080]  }
0x71f: {  	v57 =	vld [tilespmem:$0x7090]  }
0x720: {  	v58 =	vld [tilespmem:$0x70A0]  }
0x721: {  	v59 =	vld [tilespmem:$0x70B0]  }
0x722: {  	v60 =	vld [tilespmem:$0x7100]  }
0x723: {  	v61 =	vld [tilespmem:$0x7110]  }
0x724: {  	v62 =	vld [tilespmem:$0x7120]  }
0x725: {  	v63 =	vld [tilespmem:$0x7130]  }
0x726: {  	v4 =	vld [tilespmem:$0x7180]  }
0x727: {  	v5 =	vld [tilespmem:$0x7190]  }
0x728: {  	v6 =	vld [tilespmem:$0x71A0]  }
0x729: {  	v7 =	vld [tilespmem:$0x71B0]  }
0x72a: {  	v8 =	vld [tilespmem:$0x7200]  }
0x72b: {  	v9 =	vld [tilespmem:$0x7210]  }
0x72c: {  	v10 =	vld [tilespmem:$0x7220]  }
0x72d: {  	v11 =	vld [tilespmem:$0x7230]  }
0x72e: {  	v12 =	vld [tilespmem:$0x7280]  }
0x72f: {  	v13 =	vld [tilespmem:$0x7290]  }
0x730: {  	v14 =	vld [tilespmem:$0x72A0]  }
0x731: {  	v15 =	vld [tilespmem:$0x72B0]  }
0x732: {  	v16 =	vld [tilespmem:$0x7300]  }
0x733: {  	v17 =	vld [tilespmem:$0x7310]  }
0x734: {  	v18 =	vld [tilespmem:$0x7320]  }
0x735: {  	v19 =	vld [tilespmem:$0x7330]  }
0x736: {  	v20 =	vld [tilespmem:$0x7380]  }
0x737: {  	v21 =	vld [tilespmem:$0x7390]  }
0x738: {  	v22 =	vld [tilespmem:$0x73A0]  }
0x739: {  	v23 =	vld [tilespmem:$0x73B0]  }
0x73a: {  	v24 =	vld [tilespmem:$0x7400]  }
0x73b: {  	v25 =	vld [tilespmem:$0x7410]  }
0x73c: {  	v26 =	vld [tilespmem:$0x7420]  }
0x73d: {  	v27 =	vld [tilespmem:$0x7430]  }
0x73e: {  	v28 =	vld [tilespmem:$0x7480]  }
0x73f: {  	v29 =	vld [tilespmem:$0x7490]  }
0x740: {  	v30 =	vld [tilespmem:$0x74A0]  }
0x741: {  	v31 =	vld [tilespmem:$0x74B0]  }
0x742: {  	v32 =	vld [tilespmem:$0x7500]  }
0x743: {  	v33 =	vld [tilespmem:$0x7510];
	[tilespmem:$0x1D6E0] =	vst v0  }
0x744: {  	v34 =	vld [tilespmem:$0x7520];
	[tilespmem:$0x1D6F0] =	vst v53  }
0x745: {  	v35 =	vld [tilespmem:$0x7530];
	[tilespmem:$0x1D700] =	vst v54  }
0x746: {  	v36 =	vld [tilespmem:$0x7580];
	[tilespmem:$0x1D710] =	vst v55  }
0x747: {  	v37 =	vld [tilespmem:$0x7590];
	[tilespmem:$0x1D720] =	vst v56  }
0x748: {  	v38 =	vld [tilespmem:$0x75A0];
	[tilespmem:$0x1D730] =	vst v57  }
0x749: {  	v39 =	vld [tilespmem:$0x75B0];
	[tilespmem:$0x1D740] =	vst v58  }
0x74a: {  	v40 =	vld [tilespmem:$0x7600];
	[tilespmem:$0x1D750] =	vst v59  }
0x74b: {  	v41 =	vld [tilespmem:$0x7610];
	[tilespmem:$0x1D760] =	vst v60  }
0x74c: {  	v42 =	vld [tilespmem:$0x7620];
	[tilespmem:$0x1D770] =	vst v61  }
0x74d: {  	v43 =	vld [tilespmem:$0x7630];
	[tilespmem:$0x1D780] =	vst v62  }
0x74e: {  	v44 =	vld [tilespmem:$0x7680];
	[tilespmem:$0x1D790] =	vst v63  }
0x74f: {  	v45 =	vld [tilespmem:$0x7690];
	[tilespmem:$0x1D7A0] =	vst v4  }
0x750: {  	v46 =	vld [tilespmem:$0x76A0];
	[tilespmem:$0x1D7B0] =	vst v5  }
0x751: {  	v47 =	vld [tilespmem:$0x76B0];
	[tilespmem:$0x1D7C0] =	vst v6  }
0x752: {  	v48 =	vld [tilespmem:$0x7700];
	[tilespmem:$0x1D7D0] =	vst v7  }
0x753: {  	v49 =	vld [tilespmem:$0x7710];
	[tilespmem:$0x1D7E0] =	vst v8  }
0x754: {  	v50 =	vld [tilespmem:$0x7720];
	[tilespmem:$0x1D7F0] =	vst v9  }
0x755: {  	v51 =	vld [tilespmem:$0x7730];
	[tilespmem:$0x1D800] =	vst v10  }
0x756: {  	v52 =	vld [tilespmem:$0x7780];
	[tilespmem:$0x1D810] =	vst v11  }
0x757: {  	v1 =	vld [tilespmem:$0x8FB0];
	[tilespmem:$0x1D820] =	vst v12  }
0x758: {  	v2 =	vld [tilespmem:$0x9010];
	[tilespmem:$0x1D830] =	vst v13  }
0x759: {  	v3 =	vld [tilespmem:$0x9030];
	[tilespmem:$0x1D840] =	vst v14  }
0x75a: {  	[tilespmem:$0x1D850] =	vst v15;
	v53 =	vld [tilespmem:$0x7790]  }
0x75b: {  	[tilespmem:$0x1D860] =	vst v16;
	v54 =	vld [tilespmem:$0x77A0]  }
0x75c: {  	[tilespmem:$0x1D870] =	vst v17;
	v55 =	vld [tilespmem:$0x77B0]  }
0x75d: {  	[tilespmem:$0x1D880] =	vst v18;
	v56 =	vld [tilespmem:$0x7800]  }
0x75e: {  	[tilespmem:$0x1D890] =	vst v19;
	v57 =	vld [tilespmem:$0x7810]  }
0x75f: {  	[tilespmem:$0x1D8A0] =	vst v20;
	v58 =	vld [tilespmem:$0x7820]  }
0x760: {  	[tilespmem:$0x1D8B0] =	vst v21;
	v59 =	vld [tilespmem:$0x7830]  }
0x761: {  	[tilespmem:$0x1D8C0] =	vst v22;
	v60 =	vld [tilespmem:$0x7880]  }
0x762: {  	[tilespmem:$0x1D8D0] =	vst v23;
	v61 =	vld [tilespmem:$0x7890]  }
0x763: {  	[tilespmem:$0x1D8E0] =	vst v24;
	v62 =	vld [tilespmem:$0x78A0]  }
0x764: {  	[tilespmem:$0x1D8F0] =	vst v25;
	v63 =	vld [tilespmem:$0x78B0]  }
0x765: {  	[tilespmem:$0x1D900] =	vst v26;
	v4 =	vld [tilespmem:$0x7900]  }
0x766: {  	[tilespmem:$0x1D910] =	vst v27;
	v5 =	vld [tilespmem:$0x7910]  }
0x767: {  	[tilespmem:$0x1D920] =	vst v28;
	v6 =	vld [tilespmem:$0x7920]  }
0x768: {  	[tilespmem:$0x1D930] =	vst v29;
	v7 =	vld [tilespmem:$0x7930]  }
0x769: {  	[tilespmem:$0x1D940] =	vst v30;
	v8 =	vld [tilespmem:$0x7980]  }
0x76a: {  	[tilespmem:$0x1D950] =	vst v31;
	v9 =	vld [tilespmem:$0x7990]  }
0x76b: {  	[tilespmem:$0x1D960] =	vst v32;
	v10 =	vld [tilespmem:$0x79A0]  }
0x76c: {  	[tilespmem:$0x1D970] =	vst v33;
	v11 =	vld [tilespmem:$0x79B0]  }
0x76d: {  	[tilespmem:$0x1D980] =	vst v34;
	v12 =	vld [tilespmem:$0x7A00]  }
0x76e: {  	[tilespmem:$0x1D990] =	vst v35;
	v13 =	vld [tilespmem:$0x7A10]  }
0x76f: {  	[tilespmem:$0x1D9A0] =	vst v36;
	v14 =	vld [tilespmem:$0x7A20]  }
0x770: {  	[tilespmem:$0x1D9B0] =	vst v37;
	v15 =	vld [tilespmem:$0x7A30]  }
0x771: {  	[tilespmem:$0x1D9C0] =	vst v38;
	v16 =	vld [tilespmem:$0x7A80]  }
0x772: {  	[tilespmem:$0x1D9D0] =	vst v39;
	v17 =	vld [tilespmem:$0x7A90]  }
0x773: {  	[tilespmem:$0x1D9E0] =	vst v40;
	v18 =	vld [tilespmem:$0x7AA0]  }
0x774: {  	[tilespmem:$0x1D9F0] =	vst v41;
	v19 =	vld [tilespmem:$0x7AB0]  }
0x775: {  	[tilespmem:$0x1DA00] =	vst v42;
	v20 =	vld [tilespmem:$0x7B00]  }
0x776: {  	[tilespmem:$0x1DA10] =	vst v43;
	v21 =	vld [tilespmem:$0x7B10]  }
0x777: {  	[tilespmem:$0x1DA20] =	vst v44;
	v22 =	vld [tilespmem:$0x7B20]  }
0x778: {  	[tilespmem:$0x1DA30] =	vst v45;
	v23 =	vld [tilespmem:$0x7B30]  }
0x779: {  	[tilespmem:$0x1DA40] =	vst v46;
	v24 =	vld [tilespmem:$0x7B80]  }
0x77a: {  	[tilespmem:$0x1DA50] =	vst v47;
	v25 =	vld [tilespmem:$0x7B90]  }
0x77b: {  	[tilespmem:$0x1DA60] =	vst v48;
	v26 =	vld [tilespmem:$0x7BA0]  }
0x77c: {  	[tilespmem:$0x1DA70] =	vst v49;
	v27 =	vld [tilespmem:$0x7BB0]  }
0x77d: {  	[tilespmem:$0x1DA80] =	vst v50;
	v28 =	vld [tilespmem:$0x7C00]  }
0x77e: {  	[tilespmem:$0x1DA90] =	vst v51;
	v29 =	vld [tilespmem:$0x7C10]  }
0x77f: {  	[tilespmem:$0x1DAA0] =	vst v52;
	v30 =	vld [tilespmem:$0x7C20]  }
0x780: {  	v31 =	vld [tilespmem:$0x7C30];
	[tilespmem:$0x1DAB0] =	vst v53  }
0x781: {  	v32 =	vld [tilespmem:$0x7C80];
	[tilespmem:$0x1E5D0] =	vst v54  }
0x782: {  	v33 =	vld [tilespmem:$0x7C90];
	[tilespmem:$0x1DAC0] =	vst v55  }
0x783: {  	v34 =	vld [tilespmem:$0x7CA0];
	[tilespmem:$0x1E5C0] =	vst v56  }
0x784: {  	v35 =	vld [tilespmem:$0x7CB0];
	[tilespmem:$0x1DAD0] =	vst v57  }
0x785: {  	v36 =	vld [tilespmem:$0x7D00];
	[tilespmem:$0x1E5B0] =	vst v58  }
0x786: {  	v37 =	vld [tilespmem:$0x7D10];
	[tilespmem:$0x1DAE0] =	vst v59  }
0x787: {  	v38 =	vld [tilespmem:$0x7D20];
	[tilespmem:$0x1E5A0] =	vst v60  }
0x788: {  	v39 =	vld [tilespmem:$0x7D30];
	[tilespmem:$0x1DAF0] =	vst v61  }
0x789: {  	v40 =	vld [tilespmem:$0x7D80];
	[tilespmem:$0x1E590] =	vst v62  }
0x78a: {  	v41 =	vld [tilespmem:$0x7D90];
	[tilespmem:$0x1DB00] =	vst v63  }
0x78b: {  	v42 =	vld [tilespmem:$0x7DA0];
	[tilespmem:$0x1E580] =	vst v4  }
0x78c: {  	v43 =	vld [tilespmem:$0x7DB0];
	[tilespmem:$0x1DB10] =	vst v5  }
0x78d: {  	v44 =	vld [tilespmem:$0x7E00];
	[tilespmem:$0x1E570] =	vst v6  }
0x78e: {  	v45 =	vld [tilespmem:$0x7E10];
	[tilespmem:$0x1DB20] =	vst v7  }
0x78f: {  	v46 =	vld [tilespmem:$0x7E20];
	[tilespmem:$0x1E560] =	vst v8  }
0x790: {  	v47 =	vld [tilespmem:$0x7E30];
	[tilespmem:$0x1DB30] =	vst v9  }
0x791: {  	v48 =	vld [tilespmem:$0x7E80];
	[tilespmem:$0x1E550] =	vst v10  }
0x792: {  	v49 =	vld [tilespmem:$0x7E90];
	[tilespmem:$0x1DB40] =	vst v11  }
0x793: {  	v50 =	vld [tilespmem:$0x7EA0];
	[tilespmem:$0x1E540] =	vst v12  }
0x794: {  	v51 =	vld [tilespmem:$0x7EB0];
	[tilespmem:$0x1DB50] =	vst v13  }
0x795: {  	v52 =	vld [tilespmem:$0x7F00];
	[tilespmem:$0x1E530] =	vst v14  }
0x796: {  	v0 =	vld [tilespmem:$0x8F90];
	[tilespmem:$0x1DB60] =	vst v15  }
0x797: {  	[tilespmem:$0x1E520] =	vst v16;
	v53 =	vld [tilespmem:$0x7F10]  }
0x798: {  	[tilespmem:$0x1DB70] =	vst v17;
	v54 =	vld [tilespmem:$0x7F20]  }
0x799: {  	[tilespmem:$0x1E510] =	vst v18;
	v55 =	vld [tilespmem:$0x7F30]  }
0x79a: {  	[tilespmem:$0x1DB80] =	vst v19;
	v56 =	vld [tilespmem:$0x7F80]  }
0x79b: {  	[tilespmem:$0x1E500] =	vst v20;
	v57 =	vld [tilespmem:$0x7F90]  }
0x79c: {  	[tilespmem:$0x1DB90] =	vst v21;
	v58 =	vld [tilespmem:$0x7FA0]  }
0x79d: {  	[tilespmem:$0x1E4F0] =	vst v22;
	v59 =	vld [tilespmem:$0x7FB0]  }
0x79e: {  	[tilespmem:$0x1DBA0] =	vst v23;
	v60 =	vld [tilespmem:$0x8000]  }
0x79f: {  	[tilespmem:$0x1E4E0] =	vst v24;
	v61 =	vld [tilespmem:$0x8010]  }
0x7a0: {  	[tilespmem:$0x1DBB0] =	vst v25;
	v62 =	vld [tilespmem:$0x8020]  }
0x7a1: {  	[tilespmem:$0x1E4D0] =	vst v26;
	v63 =	vld [tilespmem:$0x8030]  }
0x7a2: {  	[tilespmem:$0x1DBC0] =	vst v27;
	v4 =	vld [tilespmem:$0x8080]  }
0x7a3: {  	[tilespmem:$0x1E4C0] =	vst v28;
	v5 =	vld [tilespmem:$0x8090]  }
0x7a4: {  	[tilespmem:$0x1DBD0] =	vst v29;
	v6 =	vld [tilespmem:$0x80A0]  }
0x7a5: {  	[tilespmem:$0x1E4B0] =	vst v30;
	v7 =	vld [tilespmem:$0x80B0]  }
0x7a6: {  	[tilespmem:$0x1DBE0] =	vst v31;
	v8 =	vld [tilespmem:$0x8100]  }
0x7a7: {  	[tilespmem:$0x1E4A0] =	vst v32;
	v9 =	vld [tilespmem:$0x8110]  }
0x7a8: {  	[tilespmem:$0x1DBF0] =	vst v33;
	v10 =	vld [tilespmem:$0x8120]  }
0x7a9: {  	[tilespmem:$0x1E490] =	vst v34;
	v11 =	vld [tilespmem:$0x8130]  }
0x7aa: {  	[tilespmem:$0x1DC00] =	vst v35;
	v12 =	vld [tilespmem:$0x8180]  }
0x7ab: {  	[tilespmem:$0x1E480] =	vst v36;
	v13 =	vld [tilespmem:$0x8190]  }
0x7ac: {  	[tilespmem:$0x1DC10] =	vst v37;
	v14 =	vld [tilespmem:$0x81A0]  }
0x7ad: {  	[tilespmem:$0x1E470] =	vst v38;
	v15 =	vld [tilespmem:$0x81B0]  }
0x7ae: {  	[tilespmem:$0x1E450] =	vst v42;
	v42 =	vld [tilespmem:$0x8200]  }
0x7af: {  	[tilespmem:$0x1DC20] =	vst v39;
	v16 =	vld [tilespmem:$0x8210]  }
0x7b0: {  	[tilespmem:$0x1DC40] =	vst v43;
	v43 =	vld [tilespmem:$0x8220]  }
0x7b1: {  	[tilespmem:$0x1E460] =	vst v40;
	v17 =	vld [tilespmem:$0x8230]  }
0x7b2: {  	[tilespmem:$0x1E440] =	vst v44;
	v44 =	vld [tilespmem:$0x8280]  }
0x7b3: {  	[tilespmem:$0x1DC30] =	vst v41;
	v18 =	vld [tilespmem:$0x8290]  }
0x7b4: {  	[tilespmem:$0x1DC50] =	vst v45;
	v19 =	vld [tilespmem:$0x82A0]  }
0x7b5: {  	[tilespmem:$0x1E430] =	vst v46;
	v20 =	vld [tilespmem:$0x82B0]  }
0x7b6: {  	[tilespmem:$0x1DC60] =	vst v47;
	v46 =	vld [tilespmem:$0x8300]  }
0x7b7: {  	[tilespmem:$0x1E420] =	vst v48;
	v21 =	vld [tilespmem:$0x8310]  }
0x7b8: {  	[tilespmem:$0x1DC70] =	vst v49;
	v47 =	vld [tilespmem:$0x8320]  }
0x7b9: {  	[tilespmem:$0x1E410] =	vst v50;
	v22 =	vld [tilespmem:$0x8330]  }
0x7ba: {  	[tilespmem:$0x1DC80] =	vst v51;
	v48 =	vld [tilespmem:$0x8380]  }
0x7bb: {  	[tilespmem:$0x1E400] =	vst v52;
	v23 =	vld [tilespmem:$0x8390]  }
0x7bc: {  	v24 =	vld [tilespmem:$0x83A0];
	[tilespmem:$0x1DC90] =	vst v53  }
0x7bd: {  	v25 =	vld [tilespmem:$0x83B0];
	[tilespmem:$0x1E3F0] =	vst v54  }
0x7be: {  	v50 =	vld [tilespmem:$0x8400];
	[tilespmem:$0x1DCA0] =	vst v55  }
0x7bf: {  	v26 =	vld [tilespmem:$0x8410];
	[tilespmem:$0x1E3E0] =	vst v56  }
0x7c0: {  	v27 =	vld [tilespmem:$0x8420];
	[tilespmem:$0x1DCB0] =	vst v57  }
0x7c1: {  	v28 =	vld [tilespmem:$0x8430];
	[tilespmem:$0x1E3D0] =	vst v58  }
0x7c2: {  	v29 =	vld [tilespmem:$0x8480];
	[tilespmem:$0x1DCC0] =	vst v59  }
0x7c3: {  	v30 =	vld [tilespmem:$0x8490];
	[tilespmem:$0x1E3C0] =	vst v60  }
0x7c4: {  	v31 =	vld [tilespmem:$0x84A0];
	[tilespmem:$0x1DCD0] =	vst v61  }
0x7c5: {  	v32 =	vld [tilespmem:$0x84B0];
	[tilespmem:$0x1E3B0] =	vst v62  }
0x7c6: {  	v33 =	vld [tilespmem:$0x8500];
	[tilespmem:$0x1DCE0] =	vst v63  }
0x7c7: {  	v34 =	vld [tilespmem:$0x8510];
	[tilespmem:$0x1E3A0] =	vst v4  }
0x7c8: {  	v35 =	vld [tilespmem:$0x8530];
	[tilespmem:$0x1DCF0] =	vst v5  }
0x7c9: {  	v36 =	vld [tilespmem:$0x8580];
	[tilespmem:$0x1E390] =	vst v6  }
0x7ca: {  	v37 =	vld [tilespmem:$0x8590];
	[tilespmem:$0x1DD00] =	vst v7  }
0x7cb: {  	v38 =	vld [tilespmem:$0x85A0];
	[tilespmem:$0x1E380] =	vst v8  }
0x7cc: {  	v39 =	vld [tilespmem:$0x85B0];
	[tilespmem:$0x1DD10] =	vst v9  }
0x7cd: {  	v40 =	vld [tilespmem:$0x8610];
	[tilespmem:$0x1E370] =	vst v10  }
0x7ce: {  	v41 =	vld [tilespmem:$0x8620];
	[tilespmem:$0x1DD20] =	vst v11  }
0x7cf: {  	v45 =	vld [tilespmem:$0x8630];
	[tilespmem:$0x1E360] =	vst v12  }
0x7d0: {  	v49 =	vld [tilespmem:$0x8690];
	[tilespmem:$0x1DD30] =	vst v13  }
0x7d1: {  	v51 =	vld [tilespmem:$0x86A0];
	[tilespmem:$0x1E350] =	vst v14  }
0x7d2: {  	v52 =	vld [tilespmem:$0x86B0];
	[tilespmem:$0x1DD40] =	vst v15  }
0x7d3: {  	[tilespmem:$0x1DD50] =	vst v16;
	v55 =	vld [tilespmem:$0x8520]  }
0x7d4: {  	[tilespmem:$0x1DD60] =	vst v17;
	v58 =	vld [tilespmem:$0x8600]  }
0x7d5: {  	[tilespmem:$0x1DD70] =	vst v18;
	v60 =	vld [tilespmem:$0x8680]  }
0x7d6: {  	[tilespmem:$0x1E340] =	vst v19;
	v53 =	vld [tilespmem:$0x8700]  }
0x7d7: {  	[tilespmem:$0x1DD80] =	vst v20;
	v54 =	vld [tilespmem:$0x8710]  }
0x7d8: {  	[tilespmem:$0x1DD90] =	vst v21;
	v56 =	vld [tilespmem:$0x8720]  }
0x7d9: {  	[tilespmem:$0x1DDA0] =	vst v22;
	v57 =	vld [tilespmem:$0x8730]  }
0x7da: {  	[tilespmem:$0x1DDB0] =	vst v23;
	v59 =	vld [tilespmem:$0x8780]  }
0x7db: {  	[tilespmem:$0x1E330] =	vst v24;
	v61 =	vld [tilespmem:$0x8790]  }
0x7dc: {  	[tilespmem:$0x1DDC0] =	vst v25;
	v62 =	vld [tilespmem:$0x87A0]  }
0x7dd: {  	[tilespmem:$0x1DDD0] =	vst v26;
	v63 =	vld [tilespmem:$0x87B0]  }
0x7de: {  	[tilespmem:$0x1E320] =	vst v27;
	v4 =	vld [tilespmem:$0x8800]  }
0x7df: {  	[tilespmem:$0x1DDE0] =	vst v28;
	v5 =	vld [tilespmem:$0x8810]  }
0x7e0: {  	[tilespmem:$0x1E310] =	vst v29;
	v6 =	vld [tilespmem:$0x8820]  }
0x7e1: {  	[tilespmem:$0x1DDF0] =	vst v30;
	v7 =	vld [tilespmem:$0x8830]  }
0x7e2: {  	[tilespmem:$0x1E300] =	vst v31;
	v8 =	vld [tilespmem:$0x8880]  }
0x7e3: {  	[tilespmem:$0x1DE00] =	vst v32;
	v9 =	vld [tilespmem:$0x8890]  }
0x7e4: {  	[tilespmem:$0x1E2F0] =	vst v33;
	v10 =	vld [tilespmem:$0x88A0]  }
0x7e5: {  	[tilespmem:$0x1DE10] =	vst v34;
	v11 =	vld [tilespmem:$0x88B0]  }
0x7e6: {  	[tilespmem:$0x1DE20] =	vst v35;
	v12 =	vld [tilespmem:$0x8900]  }
0x7e7: {  	[tilespmem:$0x1E2E0] =	vst v36;
	v13 =	vld [tilespmem:$0x8910]  }
0x7e8: {  	[tilespmem:$0x1DE30] =	vst v37;
	v14 =	vld [tilespmem:$0x8920]  }
0x7e9: {  	[tilespmem:$0x1E2D0] =	vst v38;
	v15 =	vld [tilespmem:$0x8930]  }
0x7ea: {  	[tilespmem:$0x1DE40] =	vst v39;
	v16 =	vld [tilespmem:$0x8980]  }
0x7eb: {  	[tilespmem:$0x1DE50] =	vst v40;
	v17 =	vld [tilespmem:$0x8990]  }
0x7ec: {  	[tilespmem:$0x1E2C0] =	vst v41;
	v18 =	vld [tilespmem:$0x89A0]  }
0x7ed: {  	[tilespmem:$0x1DE60] =	vst v45;
	v19 =	vld [tilespmem:$0x89B0]  }
0x7ee: {  	[tilespmem:$0x1DE70] =	vst v49;
	v20 =	vld [tilespmem:$0x8A00]  }
0x7ef: {  	[tilespmem:$0x1E2B0] =	vst v51;
	v21 =	vld [tilespmem:$0x8A20]  }
0x7f0: {  	[tilespmem:$0x1DE80] =	vst v52;
	v22 =	vld [tilespmem:$0x8A80]  }
0x7f1: {  	v23 =	vld [tilespmem:$0x8AA0];
	[tilespmem:$0x1E2A0] =	vst v53  }
0x7f2: {  	v24 =	vld [tilespmem:$0x8B00];
	[tilespmem:$0x1DE90] =	vst v54  }
0x7f3: {  	v25 =	vld [tilespmem:$0x8B20];
	[tilespmem:$0x1E290] =	vst v56  }
0x7f4: {  	v26 =	vld [tilespmem:$0x8B80];
	[tilespmem:$0x1DEA0] =	vst v57  }
0x7f5: {  	v52 =	vld [tilespmem:$0x8B90];
	[tilespmem:$0x1E280] =	vst v59  }
0x7f6: {  	v27 =	vld [tilespmem:$0x8BA0];
	[tilespmem:$0x1DEB0] =	vst v61  }
0x7f7: {  	v51 =	vld [tilespmem:$0x8BB0];
	[tilespmem:$0x1E270] =	vst v62  }
0x7f8: {  	v28 =	vld [tilespmem:$0x8C00];
	[tilespmem:$0x1DEC0] =	vst v63  }
0x7f9: {  	v37 =	vld [tilespmem:$0x8C10];
	[tilespmem:$0x1E260] =	vst v4  }
0x7fa: {  	v29 =	vld [tilespmem:$0x8C20];
	[tilespmem:$0x1DED0] =	vst v5  }
0x7fb: {  	v39 =	vld [tilespmem:$0x8C30];
	[tilespmem:$0x1E250] =	vst v6  }
0x7fc: {  	v30 =	vld [tilespmem:$0x8C80];
	[tilespmem:$0x1DEE0] =	vst v7  }
0x7fd: {  	v45 =	vld [tilespmem:$0x8C90];
	[tilespmem:$0x1E240] =	vst v8  }
0x7fe: {  	v31 =	vld [tilespmem:$0x8CA0];
	[tilespmem:$0x1DEF0] =	vst v9  }
0x7ff: {  	v38 =	vld [tilespmem:$0x8CB0];
	[tilespmem:$0x1E230] =	vst v10  }
0x800: {  	v32 =	vld [tilespmem:$0x8D00];
	[tilespmem:$0x1DF00] =	vst v11  }
0x801: {  	v35 =	vld [tilespmem:$0x8D10];
	[tilespmem:$0x1E220] =	vst v12  }
0x802: {  	v33 =	vld [tilespmem:$0x8D20];
	[tilespmem:$0x1DF10] =	vst v13  }
0x803: {  	v36 =	vld [tilespmem:$0x8D30];
	[tilespmem:$0x1E210] =	vst v14  }
0x804: {  	v34 =	vld [tilespmem:$0x8D80];
	[tilespmem:$0x1DF20] =	vst v15  }
0x805: {  	v40 =	vld [tilespmem:$0x8DA0];
	[tilespmem:$0x1E200] =	vst v16  }
0x806: {  	v41 =	vld [tilespmem:$0x8E00];
	[tilespmem:$0x1DF30] =	vst v17  }
0x807: {  	v49 =	vld [tilespmem:$0x8E20];
	[tilespmem:$0x1E1F0] =	vst v18  }
0x808: {  	[tilespmem:$0x1DF40] =	vst v19;
	v63 =	vld [tilespmem:$0x8A10]  }
0x809: {  	[tilespmem:$0x1E1E0] =	vst v20;
	v61 =	vld [tilespmem:$0x8A30]  }
0x80a: {  	[tilespmem:$0x1E1D0] =	vst v21;
	v59 =	vld [tilespmem:$0x8A90]  }
0x80b: {  	[tilespmem:$0x1E1C0] =	vst v22;
	v57 =	vld [tilespmem:$0x8AB0]  }
0x80c: {  	[tilespmem:$0x1E1B0] =	vst v23;
	v56 =	vld [tilespmem:$0x8B10]  }
0x80d: {  	[tilespmem:$0x1E1A0] =	vst v24;
	v54 =	vld [tilespmem:$0x8B30]  }
0x80e: {  	[tilespmem:$0x1E110] =	vst v33;
	v33 =	vld [tilespmem:$0x8D90]  }
0x80f: {  	[tilespmem:$0x1E100] =	vst v34;
	v34 =	vld [tilespmem:$0x8DB0]  }
0x810: {  	[tilespmem:$0x1E140] =	vst v30;
	v30 =	vld [tilespmem:$0x8E10]  }
0x811: {  	[tilespmem:$0x1E130] =	vst v31;
	v31 =	vld [tilespmem:$0x8E30]  }
0x812: {  	[tilespmem:$0x1E190] =	vst v25;
	v53 =	vld [tilespmem:$0x8E80]  }
0x813: {  	[tilespmem:$0x1E150] =	vst v29;
	v29 =	vld [tilespmem:$0x8E90]  }
0x814: {  	[tilespmem:$0x1E180] =	vst v26;
	v62 =	vld [tilespmem:$0x8EA0]  }
0x815: {  	[tilespmem:$0x1E160] =	vst v28;
	v28 =	vld [tilespmem:$0x8EB0]  }
0x816: {  	[tilespmem:$0x1E170] =	vst v27;
	v4 =	vld [tilespmem:$0x8F00]  }
0x817: {  	[tilespmem:$0x1E120] =	vst v32;
	v26 =	vld [tilespmem:$0x8F10]  }
0x818: {  	[tilespmem:$0x1E0F0] =	vst v40;
	v5 =	vld [tilespmem:$0x8F20]  }
0x819: {  	[tilespmem:$0x1E0E0] =	vst v41;
	v27 =	vld [tilespmem:$0x8F30]  }
0x81a: {  	[tilespmem:$0x1E0D0] =	vst v49;
	v6 =	vld [tilespmem:$0x8F80]  }
0x81b: {  	v7 =	vld [tilespmem:$0x8FA0];
	[tilespmem:$0x1E0C0] =	vst v53  }
0x81c: {  	v8 =	vld [tilespmem:$0x9000];
	[tilespmem:$0x1E0B0] =	vst v62  }
0x81d: {  	v9 =	vld [tilespmem:$0x9020];
	[tilespmem:$0x1E0A0] =	vst v4  }
0x81e: {  	v10 =	vld [tilespmem:$0x9080];
	[tilespmem:$0x1E090] =	vst v5  }
0x81f: {  	v11 =	vld [tilespmem:$0x90A0];
	[tilespmem:$0x1E080] =	vst v6  }
0x820: {  	v12 =	vld [tilespmem:$0x9100];
	[tilespmem:$0x1E070] =	vst v7  }
0x821: {  	v13 =	vld [tilespmem:$0x9120];
	[tilespmem:$0x1E060] =	vst v8  }
0x822: {  	v14 =	vld [tilespmem:$0x9180];
	[tilespmem:$0x1E050] =	vst v9  }
0x823: {  	v15 =	vld [tilespmem:$0x91A0];
	[tilespmem:$0x1E040] =	vst v10  }
0x824: {  	v4 =	vld [tilespmem:$0x9090];
	[tilespmem:$0x1E030] =	vst v11  }
0x825: {  	v5 =	vld [tilespmem:$0x90B0];
	[tilespmem:$0x1E020] =	vst v12  }
0x826: {  	v6 =	vld [tilespmem:$0x9110];
	[tilespmem:$0x1E010] =	vst v13  }
0x827: {  	v7 =	vld [tilespmem:$0x9130];
	[tilespmem:$0x1E000] =	vst v14  }
0x828: {  	v8 =	vld [tilespmem:$0x9190];
	[tilespmem:$0x1DFF0] =	vst v15  }
0x829: {  	v41 =	vld [tilespmem:$0x95B0];
	_ =	sdelay $0x4  }
0x82a: {  	[tilespmem:$0x1E5E0] =	vst v41;
	v41 =	vld [tilespmem:$0x9600];
	_ =	sdelay $0x4  }
0x82b: {  	[tilespmem:$0x1E5F0] =	vst v41;
	v41 =	vld [tilespmem:$0x9610];
	_ =	sdelay $0x4  }
0x82c: {  	[tilespmem:$0x1E600] =	vst v41;
	v41 =	vld [tilespmem:$0x9620];
	_ =	sdelay $0x4  }
0x82d: {  	[tilespmem:$0x1E610] =	vst v41;
	v41 =	vld [tilespmem:$0x9630];
	_ =	sdelay $0x4  }
0x82e: {  	[tilespmem:$0x1E620] =	vst v41;
	v41 =	vld [tilespmem:$0x9680];
	_ =	sdelay $0x4  }
0x82f: {  	[tilespmem:$0x1E630] =	vst v41;
	v41 =	vld [tilespmem:$0x9690];
	_ =	sdelay $0x4  }
0x830: {  	[tilespmem:$0x1E640] =	vst v41;
	v41 =	vld [tilespmem:$0x96A0];
	_ =	sdelay $0x4  }
0x831: {  	[tilespmem:$0x1E650] =	vst v41;
	v41 =	vld [tilespmem:$0x96B0];
	_ =	sdelay $0x4  }
0x832: {  	[tilespmem:$0x1E660] =	vst v41;
	v41 =	vld [tilespmem:$0x9700];
	_ =	sdelay $0x4  }
0x833: {  	[tilespmem:$0x1E670] =	vst v41;
	v41 =	vld [tilespmem:$0x9710];
	_ =	sdelay $0x4  }
0x834: {  	[tilespmem:$0x1E680] =	vst v41;
	v41 =	vld [tilespmem:$0x9720];
	_ =	sdelay $0x4  }
0x835: {  	[tilespmem:$0x1E690] =	vst v41;
	v41 =	vld [tilespmem:$0x9730];
	_ =	sdelay $0x4  }
0x836: {  	[tilespmem:$0x1E6A0] =	vst v41;
	v41 =	vld [tilespmem:$0x9780];
	_ =	sdelay $0x4  }
0x837: {  	[tilespmem:$0x1E6B0] =	vst v41;
	v41 =	vld [tilespmem:$0x9790];
	_ =	sdelay $0x4  }
0x838: {  	[tilespmem:$0x1E6C0] =	vst v41;
	v41 =	vld [tilespmem:$0x97A0];
	_ =	sdelay $0x4  }
0x839: {  	[tilespmem:$0x1E6D0] =	vst v41;
	v41 =	vld [tilespmem:$0x97B0];
	_ =	sdelay $0x4  }
0x83a: {  	[tilespmem:$0x1E6E0] =	vst v41;
	v41 =	vld [tilespmem:$0x9800];
	_ =	sdelay $0x4  }
0x83b: {  	[tilespmem:$0x1E6F0] =	vst v41;
	v41 =	vld [tilespmem:$0x9810];
	_ =	sdelay $0x4  }
0x83c: {  	[tilespmem:$0x1E700] =	vst v41;
	v41 =	vld [tilespmem:$0x9820];
	_ =	sdelay $0x4  }
0x83d: {  	[tilespmem:$0x1E710] =	vst v41;
	v41 =	vld [tilespmem:$0x9830];
	_ =	sdelay $0x4  }
0x83e: {  	[tilespmem:$0x1E720] =	vst v41;
	v41 =	vld [tilespmem:$0x9880];
	_ =	sdelay $0x4  }
0x83f: {  	[tilespmem:$0x1E730] =	vst v41;
	v41 =	vld [tilespmem:$0x9890];
	_ =	sdelay $0x4  }
0x840: {  	[tilespmem:$0x1E740] =	vst v41;
	v41 =	vld [tilespmem:$0x98A0];
	_ =	sdelay $0x4  }
0x841: {  	[tilespmem:$0x1E750] =	vst v41;
	v41 =	vld [tilespmem:$0x98B0];
	_ =	sdelay $0x4  }
0x842: {  	[tilespmem:$0x1E760] =	vst v41;
	v41 =	vld [tilespmem:$0x9900];
	_ =	sdelay $0x4  }
0x843: {  	[tilespmem:$0x1E770] =	vst v41;
	v41 =	vld [tilespmem:$0x9910];
	_ =	sdelay $0x4  }
0x844: {  	[tilespmem:$0x1E780] =	vst v41;
	v41 =	vld [tilespmem:$0x9920];
	_ =	sdelay $0x4  }
0x845: {  	[tilespmem:$0x1E790] =	vst v41;
	v41 =	vld [tilespmem:$0x9930];
	_ =	sdelay $0x4  }
0x846: {  	[tilespmem:$0x1E7A0] =	vst v41;
	v41 =	vld [tilespmem:$0x9980];
	_ =	sdelay $0x4  }
0x847: {  	[tilespmem:$0x1E7B0] =	vst v41;
	v41 =	vld [tilespmem:$0x9990];
	_ =	sdelay $0x4  }
0x848: {  	[tilespmem:$0x1E7C0] =	vst v41;
	v41 =	vld [tilespmem:$0x99A0];
	_ =	sdelay $0x4  }
0x849: {  	[tilespmem:$0x1E7D0] =	vst v41;
	v41 =	vld [tilespmem:$0x99B0];
	_ =	sdelay $0x4  }
0x84a: {  	[tilespmem:$0x1E7E0] =	vst v41;
	v41 =	vld [tilespmem:$0x9A00];
	_ =	sdelay $0x4  }
0x84b: {  	[tilespmem:$0x1E7F0] =	vst v41;
	v41 =	vld [tilespmem:$0x9A10];
	_ =	sdelay $0x4  }
0x84c: {  	[tilespmem:$0x1E800] =	vst v41;
	v41 =	vld [tilespmem:$0x9A20];
	_ =	sdelay $0x4  }
0x84d: {  	[tilespmem:$0x1E810] =	vst v41;
	v41 =	vld [tilespmem:$0x9A30];
	_ =	sdelay $0x4  }
0x84e: {  	[tilespmem:$0x1E820] =	vst v41;
	v41 =	vld [tilespmem:$0x9A80];
	_ =	sdelay $0x4  }
0x84f: {  	[tilespmem:$0x1E830] =	vst v41;
	v41 =	vld [tilespmem:$0x9A90];
	_ =	sdelay $0x4  }
0x850: {  	[tilespmem:$0x1E840] =	vst v41;
	v41 =	vld [tilespmem:$0x9AA0];
	_ =	sdelay $0x4  }
0x851: {  	[tilespmem:$0x1E850] =	vst v41;
	v41 =	vld [tilespmem:$0x9AB0];
	_ =	sdelay $0x4  }
0x852: {  	[tilespmem:$0x1E860] =	vst v41;
	v41 =	vld [tilespmem:$0x9B00];
	_ =	sdelay $0x4  }
0x853: {  	[tilespmem:$0x1E870] =	vst v41;
	v41 =	vld [tilespmem:$0x9B10];
	_ =	sdelay $0x4  }
0x854: {  	[tilespmem:$0x1E880] =	vst v41;
	v41 =	vld [tilespmem:$0x9B20];
	_ =	sdelay $0x4  }
0x855: {  	[tilespmem:$0x1E890] =	vst v41;
	v41 =	vld [tilespmem:$0x9B30];
	_ =	sdelay $0x4  }
0x856: {  	[tilespmem:$0x1E8A0] =	vst v41;
	v41 =	vld [tilespmem:$0x9B80];
	_ =	sdelay $0x4  }
0x857: {  	[tilespmem:$0x1E8B0] =	vst v41;
	v41 =	vld [tilespmem:$0x9B90];
	_ =	sdelay $0x4  }
0x858: {  	[tilespmem:$0x1E8C0] =	vst v41;
	v41 =	vld [tilespmem:$0x9BA0];
	_ =	sdelay $0x4  }
0x859: {  	[tilespmem:$0x1E8D0] =	vst v41;
	v41 =	vld [tilespmem:$0x9BB0];
	_ =	sdelay $0x4  }
0x85a: {  	[tilespmem:$0x1E8E0] =	vst v41;
	v41 =	vld [tilespmem:$0x9C00];
	_ =	sdelay $0x4  }
0x85b: {  	[tilespmem:$0x1E8F0] =	vst v41;
	v41 =	vld [tilespmem:$0x9C10];
	_ =	sdelay $0x4  }
0x85c: {  	[tilespmem:$0x1E900] =	vst v41;
	v41 =	vld [tilespmem:$0x9C20];
	_ =	sdelay $0x4  }
0x85d: {  	[tilespmem:$0x1E910] =	vst v41;
	v41 =	vld [tilespmem:$0x9C30];
	_ =	sdelay $0x4  }
0x85e: {  	[tilespmem:$0x1E920] =	vst v41;
	v41 =	vld [tilespmem:$0x9C80];
	_ =	sdelay $0x4  }
0x85f: {  	[tilespmem:$0x1E930] =	vst v41;
	v41 =	vld [tilespmem:$0x9C90];
	_ =	sdelay $0x4  }
0x860: {  	[tilespmem:$0x1E940] =	vst v41;
	v41 =	vld [tilespmem:$0x9CA0];
	_ =	sdelay $0x4  }
0x861: {  	[tilespmem:$0x1E950] =	vst v41;
	v41 =	vld [tilespmem:$0x9CB0];
	_ =	sdelay $0x4  }
0x862: {  	[tilespmem:$0x1E960] =	vst v41;
	v41 =	vld [tilespmem:$0x9D00];
	_ =	sdelay $0x4  }
0x863: {  	[tilespmem:$0x1E970] =	vst v41;
	v41 =	vld [tilespmem:$0x9D10];
	_ =	sdelay $0x4  }
0x864: {  	[tilespmem:$0x1E980] =	vst v41;
	v41 =	vld [tilespmem:$0x9D20];
	_ =	sdelay $0x4  }
0x865: {  	[tilespmem:$0x1E990] =	vst v41;
	v41 =	vld [tilespmem:$0x9D30];
	_ =	sdelay $0x4  }
0x866: {  	[tilespmem:$0x1E9A0] =	vst v41;
	v41 =	vld [tilespmem:$0x9D80];
	_ =	sdelay $0x4  }
0x867: {  	[tilespmem:$0x1E9B0] =	vst v41;
	v41 =	vld [tilespmem:$0x9D90];
	_ =	sdelay $0x4  }
0x868: {  	[tilespmem:$0x1E9C0] =	vst v41;
	v41 =	vld [tilespmem:$0x9DA0];
	_ =	sdelay $0x4  }
0x869: {  	[tilespmem:$0x1E9D0] =	vst v41;
	v41 =	vld [tilespmem:$0x9DB0];
	_ =	sdelay $0x4  }
0x86a: {  	[tilespmem:$0x1E9E0] =	vst v41;
	v41 =	vld [tilespmem:$0x9E00];
	_ =	sdelay $0x4  }
0x86b: {  	[tilespmem:$0x1E9F0] =	vst v41;
	v41 =	vld [tilespmem:$0x9E10];
	_ =	sdelay $0x4  }
0x86c: {  	[tilespmem:$0x1EA00] =	vst v41;
	v41 =	vld [tilespmem:$0x9E20];
	_ =	sdelay $0x4  }
0x86d: {  	[tilespmem:$0x1EA10] =	vst v41;
	v41 =	vld [tilespmem:$0x9E30];
	_ =	sdelay $0x4  }
0x86e: {  	[tilespmem:$0x1EA20] =	vst v41;
	v41 =	vld [tilespmem:$0x9E80];
	_ =	sdelay $0x4  }
0x86f: {  	[tilespmem:$0x1EA30] =	vst v41;
	v41 =	vld [tilespmem:$0x9E90];
	_ =	sdelay $0x4  }
0x870: {  	[tilespmem:$0x1EA40] =	vst v41;
	v41 =	vld [tilespmem:$0x9EA0];
	_ =	sdelay $0x4  }
0x871: {  	[tilespmem:$0x1EA50] =	vst v41;
	v41 =	vld [tilespmem:$0x9EB0];
	_ =	sdelay $0x4  }
0x872: {  	[tilespmem:$0x1EA60] =	vst v41;
	v41 =	vld [tilespmem:$0x9F00];
	_ =	sdelay $0x4  }
0x873: {  	[tilespmem:$0x1EA70] =	vst v41;
	v41 =	vld [tilespmem:$0x9F10];
	_ =	sdelay $0x4  }
0x874: {  	[tilespmem:$0x1EA80] =	vst v41;
	v41 =	vld [tilespmem:$0x9F20];
	_ =	sdelay $0x4  }
0x875: {  	[tilespmem:$0x1EA90] =	vst v41;
	v41 =	vld [tilespmem:$0x9F30];
	_ =	sdelay $0x4  }
0x876: {  	[tilespmem:$0x1EAA0] =	vst v41;
	v41 =	vld [tilespmem:$0x9F80];
	_ =	sdelay $0x4  }
0x877: {  	[tilespmem:$0x1EAB0] =	vst v41;
	v41 =	vld [tilespmem:$0x9F90];
	_ =	sdelay $0x4  }
0x878: {  	[tilespmem:$0x1EAC0] =	vst v41;
	v41 =	vld [tilespmem:$0x9FA0];
	_ =	sdelay $0x4  }
0x879: {  	[tilespmem:$0x1EAD0] =	vst v41;
	v41 =	vld [tilespmem:$0x9FB0];
	_ =	sdelay $0x4  }
0x87a: {  	[tilespmem:$0x1EAE0] =	vst v41;
	v41 =	vld [tilespmem:$0xA000];
	_ =	sdelay $0x4  }
0x87b: {  	[tilespmem:$0x1EAF0] =	vst v41;
	v41 =	vld [tilespmem:$0xA010];
	_ =	sdelay $0x4  }
0x87c: {  	[tilespmem:$0x1EB00] =	vst v41;
	v41 =	vld [tilespmem:$0xA020];
	_ =	sdelay $0x4  }
0x87d: {  	[tilespmem:$0x1EB10] =	vst v41;
	v41 =	vld [tilespmem:$0xA030];
	_ =	sdelay $0x4  }
0x87e: {  	[tilespmem:$0x1EB20] =	vst v41;
	v41 =	vld [tilespmem:$0xA080];
	_ =	sdelay $0x4  }
0x87f: {  	[tilespmem:$0x1EB30] =	vst v41;
	v41 =	vld [tilespmem:$0xA090];
	_ =	sdelay $0x4  }
0x880: {  	[tilespmem:$0x1EB40] =	vst v41;
	v41 =	vld [tilespmem:$0xA0A0];
	_ =	sdelay $0x4  }
0x881: {  	[tilespmem:$0x1EB50] =	vst v41;
	v41 =	vld [tilespmem:$0xA0B0];
	_ =	sdelay $0x4  }
0x882: {  	[tilespmem:$0x1EB60] =	vst v41;
	v41 =	vld [tilespmem:$0xBF20];
	_ =	sdelay $0x4  }
0x883: {  	[tilespmem:$0x1FB60] =	vst v41;
	v41 =	vld [tilespmem:$0xBF10];
	_ =	sdelay $0x4  }
0x884: {  	[tilespmem:$0x1FB70] =	vst v41;
	v41 =	vld [tilespmem:$0xBF00];
	_ =	sdelay $0x4  }
0x885: {  	[tilespmem:$0x1FB80] =	vst v41;
	v41 =	vld [tilespmem:$0xBEB0];
	_ =	sdelay $0x4  }
0x886: {  	[tilespmem:$0x1FB90] =	vst v41;
	v41 =	vld [tilespmem:$0xBEA0];
	_ =	sdelay $0x4  }
0x887: {  	[tilespmem:$0x1FBA0] =	vst v41;
	v41 =	vld [tilespmem:$0xBE90];
	_ =	sdelay $0x4  }
0x888: {  	[tilespmem:$0x1FBB0] =	vst v41;
	v41 =	vld [tilespmem:$0xBE80];
	_ =	sdelay $0x4  }
0x889: {  	[tilespmem:$0x1FBC0] =	vst v41;
	v41 =	vld [tilespmem:$0xBE30];
	_ =	sdelay $0x4  }
0x88a: {  	[tilespmem:$0x1FBD0] =	vst v41;
	v41 =	vld [tilespmem:$0xBE20];
	_ =	sdelay $0x4  }
0x88b: {  	[tilespmem:$0x1FBE0] =	vst v41;
	v41 =	vld [tilespmem:$0xBE10];
	_ =	sdelay $0x4  }
0x88c: {  	[tilespmem:$0x1FBF0] =	vst v41;
	v41 =	vld [tilespmem:$0xBE00];
	_ =	sdelay $0x4  }
0x88d: {  	[tilespmem:$0x1FC00] =	vst v41;
	v41 =	vld [tilespmem:$0xBDB0];
	_ =	sdelay $0x4  }
0x88e: {  	[tilespmem:$0x1FC10] =	vst v41;
	v41 =	vld [tilespmem:$0xBDA0];
	_ =	sdelay $0x4  }
0x88f: {  	[tilespmem:$0x1FC20] =	vst v41;
	v41 =	vld [tilespmem:$0xBD90];
	_ =	sdelay $0x4  }
0x890: {  	[tilespmem:$0x1FC30] =	vst v41;
	v41 =	vld [tilespmem:$0xBD80];
	_ =	sdelay $0x4  }
0x891: {  	[tilespmem:$0x1FC40] =	vst v41;
	v41 =	vld [tilespmem:$0xBD30];
	_ =	sdelay $0x4  }
0x892: {  	[tilespmem:$0x1FC50] =	vst v41;
	v41 =	vld [tilespmem:$0xBD20];
	_ =	sdelay $0x4  }
0x893: {  	[tilespmem:$0x1FC60] =	vst v41;
	v41 =	vld [tilespmem:$0xBD10];
	_ =	sdelay $0x4  }
0x894: {  	[tilespmem:$0x1FC70] =	vst v41;
	v41 =	vld [tilespmem:$0xBD00];
	_ =	sdelay $0x4  }
0x895: {  	[tilespmem:$0x1FC80] =	vst v41;
	v41 =	vld [tilespmem:$0xBCB0];
	_ =	sdelay $0x4  }
0x896: {  	[tilespmem:$0x1FC90] =	vst v41;
	v41 =	vld [tilespmem:$0xBCA0];
	_ =	sdelay $0x4  }
0x897: {  	[tilespmem:$0x1FCA0] =	vst v41;
	v41 =	vld [tilespmem:$0xBC90];
	_ =	sdelay $0x4  }
0x898: {  	[tilespmem:$0x1FCB0] =	vst v41;
	v41 =	vld [tilespmem:$0xBC80];
	_ =	sdelay $0x4  }
0x899: {  	[tilespmem:$0x1FCC0] =	vst v41;
	v41 =	vld [tilespmem:$0xBC30];
	_ =	sdelay $0x4  }
0x89a: {  	[tilespmem:$0x1FCD0] =	vst v41;
	v41 =	vld [tilespmem:$0xBC20];
	_ =	sdelay $0x4  }
0x89b: {  	[tilespmem:$0x1FCE0] =	vst v41;
	v41 =	vld [tilespmem:$0xBC10];
	_ =	sdelay $0x4  }
0x89c: {  	[tilespmem:$0x1FCF0] =	vst v41;
	v41 =	vld [tilespmem:$0xBC00];
	_ =	sdelay $0x4  }
0x89d: {  	[tilespmem:$0x1FD00] =	vst v41;
	v41 =	vld [tilespmem:$0xBBB0];
	_ =	sdelay $0x4  }
0x89e: {  	[tilespmem:$0x1FD10] =	vst v41;
	v41 =	vld [tilespmem:$0xBBA0];
	_ =	sdelay $0x4  }
0x89f: {  	[tilespmem:$0x1FD20] =	vst v41;
	v41 =	vld [tilespmem:$0xBB90];
	_ =	sdelay $0x4  }
0x8a0: {  	[tilespmem:$0x1FD30] =	vst v41;
	v41 =	vld [tilespmem:$0xBB80];
	_ =	sdelay $0x4  }
0x8a1: {  	[tilespmem:$0x1FD40] =	vst v41;
	v41 =	vld [tilespmem:$0xBB30];
	_ =	sdelay $0x4  }
0x8a2: {  	[tilespmem:$0x1FD50] =	vst v41;
	v41 =	vld [tilespmem:$0xBB20];
	_ =	sdelay $0x4  }
0x8a3: {  	[tilespmem:$0x1FD60] =	vst v41;
	v41 =	vld [tilespmem:$0xBB10];
	_ =	sdelay $0x4  }
0x8a4: {  	[tilespmem:$0x1FD70] =	vst v41;
	v41 =	vld [tilespmem:$0xBB00];
	_ =	sdelay $0x4  }
0x8a5: {  	[tilespmem:$0x1FD80] =	vst v41;
	v41 =	vld [tilespmem:$0xBAB0];
	_ =	sdelay $0x4  }
0x8a6: {  	[tilespmem:$0x1FD90] =	vst v41;
	v41 =	vld [tilespmem:$0xBAA0];
	_ =	sdelay $0x4  }
0x8a7: {  	[tilespmem:$0x1FDA0] =	vst v41;
	v41 =	vld [tilespmem:$0xBA90];
	_ =	sdelay $0x4  }
0x8a8: {  	[tilespmem:$0x1FDB0] =	vst v41;
	v41 =	vld [tilespmem:$0xBA80];
	_ =	sdelay $0x4  }
0x8a9: {  	[tilespmem:$0x1FDC0] =	vst v41;
	v41 =	vld [tilespmem:$0xBA30];
	_ =	sdelay $0x4  }
0x8aa: {  	[tilespmem:$0x1FDD0] =	vst v41;
	v41 =	vld [tilespmem:$0xBA20];
	_ =	sdelay $0x4  }
0x8ab: {  	[tilespmem:$0x1FDE0] =	vst v41;
	v41 =	vld [tilespmem:$0xBA10];
	_ =	sdelay $0x4  }
0x8ac: {  	[tilespmem:$0x1FDF0] =	vst v41;
	v41 =	vld [tilespmem:$0xBA00];
	_ =	sdelay $0x4  }
0x8ad: {  	[tilespmem:$0x1FE00] =	vst v41;
	v41 =	vld [tilespmem:$0xB9B0];
	_ =	sdelay $0x4  }
0x8ae: {  	[tilespmem:$0x1FE10] =	vst v41;
	v41 =	vld [tilespmem:$0xB9A0];
	_ =	sdelay $0x4  }
0x8af: {  	[tilespmem:$0x1FE20] =	vst v41;
	v41 =	vld [tilespmem:$0xB990];
	_ =	sdelay $0x4  }
0x8b0: {  	[tilespmem:$0x1FE30] =	vst v41;
	v41 =	vld [tilespmem:$0xB980];
	_ =	sdelay $0x4  }
0x8b1: {  	[tilespmem:$0x1FE40] =	vst v41;
	v41 =	vld [tilespmem:$0xB930];
	_ =	sdelay $0x4  }
0x8b2: {  	[tilespmem:$0x1FE50] =	vst v41;
	v41 =	vld [tilespmem:$0xB920];
	_ =	sdelay $0x4  }
0x8b3: {  	[tilespmem:$0x1FE60] =	vst v41;
	v41 =	vld [tilespmem:$0xB910];
	_ =	sdelay $0x4  }
0x8b4: {  	[tilespmem:$0x1FE70] =	vst v41;
	v41 =	vld [tilespmem:$0xB900];
	_ =	sdelay $0x4  }
0x8b5: {  	[tilespmem:$0x1FE80] =	vst v41;
	v41 =	vld [tilespmem:$0xB8B0];
	_ =	sdelay $0x4  }
0x8b6: {  	[tilespmem:$0x1FE90] =	vst v41;
	v41 =	vld [tilespmem:$0xB8A0];
	_ =	sdelay $0x4  }
0x8b7: {  	[tilespmem:$0x1FEA0] =	vst v41;
	v41 =	vld [tilespmem:$0xB890];
	_ =	sdelay $0x4  }
0x8b8: {  	[tilespmem:$0x1FEB0] =	vst v41;
	v41 =	vld [tilespmem:$0xB880];
	_ =	sdelay $0x4  }
0x8b9: {  	[tilespmem:$0x1FEC0] =	vst v41;
	v41 =	vld [tilespmem:$0xB830];
	_ =	sdelay $0x4  }
0x8ba: {  	[tilespmem:$0x1FED0] =	vst v41;
	v41 =	vld [tilespmem:$0xB820];
	_ =	sdelay $0x4  }
0x8bb: {  	[tilespmem:$0x1FEE0] =	vst v41;
	v41 =	vld [tilespmem:$0xB810];
	_ =	sdelay $0x4  }
0x8bc: {  	[tilespmem:$0x1FEF0] =	vst v41;
	v41 =	vld [tilespmem:$0xB800];
	_ =	sdelay $0x4  }
0x8bd: {  	[tilespmem:$0x1FF00] =	vst v41;
	v41 =	vld [tilespmem:$0xB7B0];
	_ =	sdelay $0x4  }
0x8be: {  	[tilespmem:$0x1FF10] =	vst v41;
	v41 =	vld [tilespmem:$0xB7A0];
	_ =	sdelay $0x4  }
0x8bf: {  	[tilespmem:$0x1FF20] =	vst v41;
	v41 =	vld [tilespmem:$0xB790];
	_ =	sdelay $0x4  }
0x8c0: {  	[tilespmem:$0x1FF30] =	vst v41;
	v41 =	vld [tilespmem:$0xB780];
	_ =	sdelay $0x4  }
0x8c1: {  	[tilespmem:$0x1FF40] =	vst v41;
	v41 =	vld [tilespmem:$0xB730];
	_ =	sdelay $0x4  }
0x8c2: {  	[tilespmem:$0x1FF50] =	vst v41;
	v41 =	vld [tilespmem:$0xB720];
	_ =	sdelay $0x4  }
0x8c3: {  	[tilespmem:$0x1FF60] =	vst v41;
	v41 =	vld [tilespmem:$0xB710];
	_ =	sdelay $0x4  }
0x8c4: {  	[tilespmem:$0x1FF70] =	vst v41;
	v41 =	vld [tilespmem:$0xB700];
	_ =	sdelay $0x4  }
0x8c5: {  	[tilespmem:$0x1FF80] =	vst v41;
	v41 =	vld [tilespmem:$0xB6B0];
	_ =	sdelay $0x4  }
0x8c6: {  	[tilespmem:$0x1FF90] =	vst v41;
	v41 =	vld [tilespmem:$0xB6A0];
	_ =	sdelay $0x4  }
0x8c7: {  	[tilespmem:$0x1FFA0] =	vst v41;
	v41 =	vld [tilespmem:$0xB690];
	_ =	sdelay $0x4  }
0x8c8: {  	[tilespmem:$0x1FFB0] =	vst v41;
	v41 =	vld [tilespmem:$0xB680];
	_ =	sdelay $0x4  }
0x8c9: {  	[tilespmem:$0x1FFC0] =	vst v41;
	v41 =	vld [tilespmem:$0xB630];
	_ =	sdelay $0x4  }
0x8ca: {  	[tilespmem:$0x1FFD0] =	vst v41;
	v41 =	vld [tilespmem:$0xB620];
	_ =	sdelay $0x4  }
0x8cb: {  	[tilespmem:$0x1F5F0] =	vst v41;
	v41 =	vld [tilespmem:$0xB610];
	_ =	sdelay $0x4  }
0x8cc: {  	[tilespmem:$0x1FFE0] =	vst v41;
	v41 =	vld [tilespmem:$0xB600];
	_ =	sdelay $0x4  }
0x8cd: {  	[tilespmem:$0x1FFF0] =	vst v41;
	v41 =	vld [tilespmem:$0xB5B0];
	_ =	sdelay $0x4  }
0x8ce: {  	[tilespmem:$0x1F5E0] =	vst v41;
	v41 =	vld [tilespmem:$0xB5A0];
	_ =	sdelay $0x4  }
0x8cf: {  	[tilespmem:$0x1F5D0] =	vst v41;
	v41 =	vld [tilespmem:$0xB590];
	_ =	sdelay $0x4  }
0x8d0: {  	[tilespmem:$0x1F5C0] =	vst v41;
	v41 =	vld [tilespmem:$0xB580];
	_ =	sdelay $0x4  }
0x8d1: {  	[tilespmem:$0x1F5B0] =	vst v41;
	v41 =	vld [tilespmem:$0xB530];
	_ =	sdelay $0x4  }
0x8d2: {  	[tilespmem:$0x1F5A0] =	vst v41;
	v41 =	vld [tilespmem:$0xB520];
	_ =	sdelay $0x4  }
0x8d3: {  	[tilespmem:$0x1F590] =	vst v41;
	v41 =	vld [tilespmem:$0xB510];
	_ =	sdelay $0x4  }
0x8d4: {  	[tilespmem:$0x1F580] =	vst v41;
	v41 =	vld [tilespmem:$0xB500];
	_ =	sdelay $0x4  }
0x8d5: {  	[tilespmem:$0x1F570] =	vst v41;
	v41 =	vld [tilespmem:$0xB4B0];
	_ =	sdelay $0x4  }
0x8d6: {  	[tilespmem:$0x1F560] =	vst v41;
	v41 =	vld [tilespmem:$0xB4A0];
	_ =	sdelay $0x4  }
0x8d7: {  	[tilespmem:$0x1F550] =	vst v41;
	v41 =	vld [tilespmem:$0xB490];
	_ =	sdelay $0x4  }
0x8d8: {  	[tilespmem:$0x1F540] =	vst v41;
	v41 =	vld [tilespmem:$0xB480];
	_ =	sdelay $0x4  }
0x8d9: {  	[tilespmem:$0x1F530] =	vst v41;
	v41 =	vld [tilespmem:$0xB430];
	_ =	sdelay $0x4  }
0x8da: {  	[tilespmem:$0x1F520] =	vst v41;
	v41 =	vld [tilespmem:$0xB420];
	_ =	sdelay $0x4  }
0x8db: {  	[tilespmem:$0x1F510] =	vst v41;
	v41 =	vld [tilespmem:$0xB410];
	_ =	sdelay $0x4  }
0x8dc: {  	[tilespmem:$0x1F500] =	vst v41;
	v41 =	vld [tilespmem:$0xB400];
	_ =	sdelay $0x4  }
0x8dd: {  	[tilespmem:$0x1F4F0] =	vst v41;
	v41 =	vld [tilespmem:$0xB3B0];
	_ =	sdelay $0x4  }
0x8de: {  	[tilespmem:$0x1F4E0] =	vst v41;
	v41 =	vld [tilespmem:$0xB3A0];
	_ =	sdelay $0x4  }
0x8df: {  	[tilespmem:$0x1F4D0] =	vst v41;
	v41 =	vld [tilespmem:$0xB390];
	_ =	sdelay $0x4  }
0x8e0: {  	[tilespmem:$0x1F4C0] =	vst v41;
	v41 =	vld [tilespmem:$0xB380];
	_ =	sdelay $0x4  }
0x8e1: {  	[tilespmem:$0x1F4B0] =	vst v41;
	v41 =	vld [tilespmem:$0xB330];
	_ =	sdelay $0x4  }
0x8e2: {  	[tilespmem:$0x1F4A0] =	vst v41;
	v41 =	vld [tilespmem:$0xB320];
	_ =	sdelay $0x4  }
0x8e3: {  	[tilespmem:$0x1F490] =	vst v41;
	v41 =	vld [tilespmem:$0xB310];
	_ =	sdelay $0x4  }
0x8e4: {  	[tilespmem:$0x1F480] =	vst v41;
	v41 =	vld [tilespmem:$0xB300];
	_ =	sdelay $0x4  }
0x8e5: {  	[tilespmem:$0x1F470] =	vst v41;
	v41 =	vld [tilespmem:$0xB2B0];
	_ =	sdelay $0x4  }
0x8e6: {  	[tilespmem:$0x1F460] =	vst v41;
	v41 =	vld [tilespmem:$0xB2A0];
	_ =	sdelay $0x4  }
0x8e7: {  	[tilespmem:$0x1F450] =	vst v41;
	v41 =	vld [tilespmem:$0xB290];
	_ =	sdelay $0x4  }
0x8e8: {  	[tilespmem:$0x1F440] =	vst v41;
	v41 =	vld [tilespmem:$0xB280];
	_ =	sdelay $0x4  }
0x8e9: {  	[tilespmem:$0x1F430] =	vst v41;
	v41 =	vld [tilespmem:$0xB230];
	_ =	sdelay $0x4  }
0x8ea: {  	[tilespmem:$0x1F420] =	vst v41;
	v41 =	vld [tilespmem:$0xB220];
	_ =	sdelay $0x4  }
0x8eb: {  	[tilespmem:$0x1F410] =	vst v41;
	v41 =	vld [tilespmem:$0xB210];
	_ =	sdelay $0x4  }
0x8ec: {  	[tilespmem:$0x1F400] =	vst v41;
	v41 =	vld [tilespmem:$0xB200];
	_ =	sdelay $0x4  }
0x8ed: {  	[tilespmem:$0x1F3F0] =	vst v41;
	v41 =	vld [tilespmem:$0xB1B0];
	_ =	sdelay $0x4  }
0x8ee: {  	[tilespmem:$0x1F3E0] =	vst v41;
	v41 =	vld [tilespmem:$0xB1A0];
	_ =	sdelay $0x4  }
0x8ef: {  	[tilespmem:$0x1F3D0] =	vst v41;
	v41 =	vld [tilespmem:$0xB190];
	_ =	sdelay $0x4  }
0x8f0: {  	[tilespmem:$0x1F3C0] =	vst v41;
	v41 =	vld [tilespmem:$0xB180];
	_ =	sdelay $0x4  }
0x8f1: {  	[tilespmem:$0x1F3B0] =	vst v41;
	v41 =	vld [tilespmem:$0xB130];
	_ =	sdelay $0x4  }
0x8f2: {  	[tilespmem:$0x1F3A0] =	vst v41;
	v41 =	vld [tilespmem:$0xB120];
	_ =	sdelay $0x4  }
0x8f3: {  	[tilespmem:$0x1F390] =	vst v41;
	v41 =	vld [tilespmem:$0xB110];
	_ =	sdelay $0x4  }
0x8f4: {  	[tilespmem:$0x1F380] =	vst v41;
	v41 =	vld [tilespmem:$0xB100];
	_ =	sdelay $0x4  }
0x8f5: {  	[tilespmem:$0x1F370] =	vst v41;
	v41 =	vld [tilespmem:$0xB0B0];
	_ =	sdelay $0x4  }
0x8f6: {  	[tilespmem:$0x1F360] =	vst v41;
	v41 =	vld [tilespmem:$0xB0A0];
	_ =	sdelay $0x4  }
0x8f7: {  	[tilespmem:$0x1F350] =	vst v41;
	v41 =	vld [tilespmem:$0xB090];
	_ =	sdelay $0x4  }
0x8f8: {  	[tilespmem:$0x1F340] =	vst v41;
	v41 =	vld [tilespmem:$0xB080];
	_ =	sdelay $0x4  }
0x8f9: {  	[tilespmem:$0x1F330] =	vst v41;
	v41 =	vld [tilespmem:$0xB030];
	_ =	sdelay $0x4  }
0x8fa: {  	[tilespmem:$0x1F320] =	vst v41;
	v41 =	vld [tilespmem:$0xB020];
	_ =	sdelay $0x4  }
0x8fb: {  	[tilespmem:$0x1F310] =	vst v41;
	v41 =	vld [tilespmem:$0xB010];
	_ =	sdelay $0x4  }
0x8fc: {  	[tilespmem:$0x1F300] =	vst v41;
	v41 =	vld [tilespmem:$0xB000];
	_ =	sdelay $0x4  }
0x8fd: {  	[tilespmem:$0x1F2F0] =	vst v41;
	v41 =	vld [tilespmem:$0xAFB0];
	_ =	sdelay $0x4  }
0x8fe: {  	[tilespmem:$0x1F2E0] =	vst v41;
	v41 =	vld [tilespmem:$0xAFA0];
	_ =	sdelay $0x4  }
0x8ff: {  	[tilespmem:$0x1F2D0] =	vst v41;
	v41 =	vld [tilespmem:$0xAF90];
	_ =	sdelay $0x4  }
0x900: {  	[tilespmem:$0x1F2C0] =	vst v41;
	v41 =	vld [tilespmem:$0xAF80];
	_ =	sdelay $0x4  }
0x901: {  	[tilespmem:$0x1F2B0] =	vst v41;
	v41 =	vld [tilespmem:$0xAF30];
	_ =	sdelay $0x4  }
0x902: {  	[tilespmem:$0x1F2A0] =	vst v41;
	v41 =	vld [tilespmem:$0xAF20];
	_ =	sdelay $0x4  }
0x903: {  	[tilespmem:$0x1F290] =	vst v41;
	v41 =	vld [tilespmem:$0xAF10];
	_ =	sdelay $0x4  }
0x904: {  	[tilespmem:$0x1F280] =	vst v41;
	v41 =	vld [tilespmem:$0xAF00];
	_ =	sdelay $0x4  }
0x905: {  	[tilespmem:$0x1F270] =	vst v41;
	v41 =	vld [tilespmem:$0xAEB0];
	_ =	sdelay $0x4  }
0x906: {  	[tilespmem:$0x1F260] =	vst v41;
	v41 =	vld [tilespmem:$0xAEA0];
	_ =	sdelay $0x1  }
0x907: {  	v9 =	vld [tilespmem:$0x91B0]  }
0x908: {  	v16 =	vld [tilespmem:$0x9200]  }
0x909: {  	v10 =	vld [tilespmem:$0x9210]  }
0x90a: {  	[tilespmem:$0x1F250] =	vst v41;
	v41 =	vld [tilespmem:$0xAE90]  }
0x90b: {  	v17 =	vld [tilespmem:$0x9220]  }
0x90c: {  	v11 =	vld [tilespmem:$0x9230]  }
0x90d: {  	v18 =	vld [tilespmem:$0x9280]  }
0x90e: {  	v12 =	vld [tilespmem:$0x9290]  }
0x90f: {  	[tilespmem:$0x1F240] =	vst v41;
	v41 =	vld [tilespmem:$0xAE80]  }
0x910: {  	v19 =	vld [tilespmem:$0x92A0]  }
0x911: {  	v13 =	vld [tilespmem:$0x92B0]  }
0x912: {  	v20 =	vld [tilespmem:$0x9300]  }
0x913: {  	v14 =	vld [tilespmem:$0x9310]  }
0x914: {  	[tilespmem:$0x1F230] =	vst v41;
	v41 =	vld [tilespmem:$0xAE30]  }
0x915: {  	v21 =	vld [tilespmem:$0x9320]  }
0x916: {  	v15 =	vld [tilespmem:$0x9330]  }
0x917: {  	v22 =	vld [tilespmem:$0x9380]  }
0x918: {  	v23 =	vld [tilespmem:$0x93A0]  }
0x919: {  	[tilespmem:$0x1F220] =	vst v41;
	v41 =	vld [tilespmem:$0xAE20]  }
0x91a: {  	v24 =	vld [tilespmem:$0x9400]  }
0x91b: {  	v25 =	vld [tilespmem:$0x9420]  }
0x91c: {  	v62 =	vld [tilespmem:$0x9480]  }
0x91d: {  	v53 =	vld [tilespmem:$0x94A0]  }
0x91e: {  	[tilespmem:$0x1F210] =	vst v41;
	v41 =	vld [tilespmem:$0xAE10]  }
0x91f: {  	v49 =	vld [tilespmem:$0x9500]  }
0x920: {  	v40 =	vld [tilespmem:$0x9520]  }
0x921: {  	v32 =	vld [tilespmem:$0x9580];
	[tilespmem:$0x1DFE0] =	vst v16  }
0x922: {  	[tilespmem:$0x1DFD0] =	vst v17;
	v16 =	vld [tilespmem:$0x9390]  }
0x923: {  	[tilespmem:$0x1F200] =	vst v41;
	v41 =	vld [tilespmem:$0xAE00]  }
0x924: {  	[tilespmem:$0x1DFC0] =	vst v18;
	v17 =	vld [tilespmem:$0x93B0]  }
0x925: {  	[tilespmem:$0x1DFB0] =	vst v19;
	v18 =	vld [tilespmem:$0x9410]  }
0x926: {  	[tilespmem:$0x1DFA0] =	vst v20;
	v19 =	vld [tilespmem:$0x9430]  }
0x927: {  	[tilespmem:$0x1DF90] =	vst v21;
	v20 =	vld [tilespmem:$0x9490]  }
0x928: {  	[tilespmem:$0x1F1F0] =	vst v41;
	v41 =	vld [tilespmem:$0xADB0]  }
0x929: {  	[tilespmem:$0x1DF80] =	vst v22;
	v21 =	vld [tilespmem:$0x94B0]  }
0x92a: {  	[tilespmem:$0x1DF70] =	vst v23;
	v22 =	vld [tilespmem:$0x9510]  }
0x92b: {  	[tilespmem:$0x1DF60] =	vst v24;
	v23 =	vld [tilespmem:$0x9530]  }
0x92c: {  	[tilespmem:$0x1DF50] =	vst v25;
	v24 =	vld [tilespmem:$0x9590]  }
0x92d: {  	v25 =	vld [tilespmem:$0x95A0];
	[tilespmem:$0x1F1E0] =	vst v41  }
0x92e: {  	v41 =	vld [tilespmem:$0xADA0];
	_ =	sdelay $0x4  }
0x92f: {  	[tilespmem:$0x1F1D0] =	vst v41;
	v41 =	vld [tilespmem:$0xAD90];
	_ =	sdelay $0x4  }
0x930: {  	[tilespmem:$0x1F1C0] =	vst v41;
	v41 =	vld [tilespmem:$0xAD80];
	_ =	sdelay $0x4  }
0x931: {  	[tilespmem:$0x1F1B0] =	vst v41;
	v41 =	vld [tilespmem:$0xAD30];
	_ =	sdelay $0x4  }
0x932: {  	[tilespmem:$0x1F1A0] =	vst v41;
	v41 =	vld [tilespmem:$0xAD20];
	_ =	sdelay $0x4  }
0x933: {  	[tilespmem:$0x1F190] =	vst v41;
	v41 =	vld [tilespmem:$0xAD10];
	_ =	sdelay $0x4  }
0x934: {  	[tilespmem:$0x1F180] =	vst v41;
	v41 =	vld [tilespmem:$0xAD00];
	_ =	sdelay $0x4  }
0x935: {  	[tilespmem:$0x1F170] =	vst v41;
	v41 =	vld [tilespmem:$0xACB0];
	_ =	sdelay $0x4  }
0x936: {  	[tilespmem:$0x1F160] =	vst v41;
	v41 =	vld [tilespmem:$0xACA0];
	_ =	sdelay $0x4  }
0x937: {  	[tilespmem:$0x1F150] =	vst v41;
	v41 =	vld [tilespmem:$0xAC90];
	_ =	sdelay $0x4  }
0x938: {  	[tilespmem:$0x1F140] =	vst v41;
	v41 =	vld [tilespmem:$0xAC80];
	_ =	sdelay $0x4  }
0x939: {  	[tilespmem:$0x1F130] =	vst v41;
	v41 =	vld [tilespmem:$0xAC30];
	_ =	sdelay $0x4  }
0x93a: {  	[tilespmem:$0x1F120] =	vst v41;
	v41 =	vld [tilespmem:$0xAC20];
	_ =	sdelay $0x4  }
0x93b: {  	[tilespmem:$0x1F110] =	vst v41;
	v41 =	vld [tilespmem:$0xAC10];
	_ =	sdelay $0x4  }
0x93c: {  	[tilespmem:$0x1F100] =	vst v41;
	v41 =	vld [tilespmem:$0xAC00];
	_ =	sdelay $0x4  }
0x93d: {  	[tilespmem:$0x1F0F0] =	vst v41;
	v41 =	vld [tilespmem:$0xABB0];
	_ =	sdelay $0x4  }
0x93e: {  	[tilespmem:$0x1F0E0] =	vst v41;
	v41 =	vld [tilespmem:$0xABA0];
	_ =	sdelay $0x4  }
0x93f: {  	[tilespmem:$0x1F0D0] =	vst v41;
	v41 =	vld [tilespmem:$0xAB90];
	_ =	sdelay $0x4  }
0x940: {  	[tilespmem:$0x1F0C0] =	vst v41;
	v41 =	vld [tilespmem:$0xAB80];
	_ =	sdelay $0x4  }
0x941: {  	[tilespmem:$0x1F0B0] =	vst v41;
	v41 =	vld [tilespmem:$0xAB30];
	_ =	sdelay $0x4  }
0x942: {  	[tilespmem:$0x1F0A0] =	vst v41;
	v41 =	vld [tilespmem:$0xAB20];
	_ =	sdelay $0x4  }
0x943: {  	[tilespmem:$0x1F090] =	vst v41;
	v41 =	vld [tilespmem:$0xAB10];
	_ =	sdelay $0x4  }
0x944: {  	[tilespmem:$0x1F080] =	vst v41;
	v41 =	vld [tilespmem:$0xAB00];
	_ =	sdelay $0x4  }
0x945: {  	[tilespmem:$0x1F070] =	vst v41;
	v41 =	vld [tilespmem:$0xAAB0];
	_ =	sdelay $0x4  }
0x946: {  	[tilespmem:$0x1F060] =	vst v41;
	v41 =	vld [tilespmem:$0xAAA0];
	_ =	sdelay $0x4  }
0x947: {  	[tilespmem:$0x1F050] =	vst v41;
	v41 =	vld [tilespmem:$0xAA90];
	_ =	sdelay $0x4  }
0x948: {  	[tilespmem:$0x1F040] =	vst v41;
	v41 =	vld [tilespmem:$0xAA80];
	_ =	sdelay $0x4  }
0x949: {  	[tilespmem:$0x1F030] =	vst v41;
	v41 =	vld [tilespmem:$0xAA30];
	_ =	sdelay $0x4  }
0x94a: {  	[tilespmem:$0x1F020] =	vst v41;
	v41 =	vld [tilespmem:$0xAA20];
	_ =	sdelay $0x4  }
0x94b: {  	[tilespmem:$0x1F010] =	vst v41;
	v41 =	vld [tilespmem:$0xAA10];
	_ =	sdelay $0x4  }
0x94c: {  	[tilespmem:$0x1F000] =	vst v41;
	v41 =	vld [tilespmem:$0xAA00];
	_ =	sdelay $0x4  }
0x94d: {  	[tilespmem:$0x1EFF0] =	vst v41;
	v41 =	vld [tilespmem:$0xA9B0];
	_ =	sdelay $0x4  }
0x94e: {  	[tilespmem:$0x1EFE0] =	vst v41;
	v41 =	vld [tilespmem:$0xA9A0];
	_ =	sdelay $0x4  }
0x94f: {  	[tilespmem:$0x1EFD0] =	vst v41;
	v41 =	vld [tilespmem:$0xA990];
	_ =	sdelay $0x4  }
0x950: {  	[tilespmem:$0x1EFC0] =	vst v41;
	v41 =	vld [tilespmem:$0xA980];
	_ =	sdelay $0x4  }
0x951: {  	[tilespmem:$0x1EFB0] =	vst v41;
	v41 =	vld [tilespmem:$0xA930];
	_ =	sdelay $0x4  }
0x952: {  	[tilespmem:$0x1EFA0] =	vst v41;
	v41 =	vld [tilespmem:$0xA920];
	_ =	sdelay $0x4  }
0x953: {  	[tilespmem:$0x1EF90] =	vst v41;
	v41 =	vld [tilespmem:$0xA910];
	_ =	sdelay $0x4  }
0x954: {  	[tilespmem:$0x1EF80] =	vst v41;
	v41 =	vld [tilespmem:$0xA900];
	_ =	sdelay $0x4  }
0x955: {  	[tilespmem:$0x1EF70] =	vst v41;
	v41 =	vld [tilespmem:$0xA8B0];
	_ =	sdelay $0x4  }
0x956: {  	[tilespmem:$0x1EF60] =	vst v41;
	v41 =	vld [tilespmem:$0xA8A0];
	_ =	sdelay $0x4  }
0x957: {  	[tilespmem:$0x1EF50] =	vst v41;
	v41 =	vld [tilespmem:$0xA890];
	_ =	sdelay $0x4  }
0x958: {  	[tilespmem:$0x1EF40] =	vst v41;
	v41 =	vld [tilespmem:$0xA880];
	_ =	sdelay $0x4  }
0x959: {  	[tilespmem:$0x1EF30] =	vst v41;
	v41 =	vld [tilespmem:$0xA830];
	_ =	sdelay $0x4  }
0x95a: {  	[tilespmem:$0x1EF20] =	vst v41;
	v41 =	vld [tilespmem:$0xA820];
	_ =	sdelay $0x4  }
0x95b: {  	[tilespmem:$0x1EF10] =	vst v41;
	v41 =	vld [tilespmem:$0xA810];
	_ =	sdelay $0x4  }
0x95c: {  	[tilespmem:$0x1EF00] =	vst v41;
	v41 =	vld [tilespmem:$0xA800];
	_ =	sdelay $0x4  }
0x95d: {  	[tilespmem:$0x1EEF0] =	vst v41;
	v41 =	vld [tilespmem:$0xA7B0];
	_ =	sdelay $0x4  }
0x95e: {  	[tilespmem:$0x1EEE0] =	vst v41;
	v41 =	vld [tilespmem:$0xA7A0];
	_ =	sdelay $0x4  }
0x95f: {  	[tilespmem:$0x1EED0] =	vst v41;
	v41 =	vld [tilespmem:$0xA790];
	_ =	sdelay $0x4  }
0x960: {  	[tilespmem:$0x1EEC0] =	vst v41;
	v41 =	vld [tilespmem:$0xA780];
	_ =	sdelay $0x4  }
0x961: {  	[tilespmem:$0x1EEB0] =	vst v41;
	v41 =	vld [tilespmem:$0xA730];
	_ =	sdelay $0x4  }
0x962: {  	[tilespmem:$0x1EEA0] =	vst v41;
	v41 =	vld [tilespmem:$0xA720];
	_ =	sdelay $0x4  }
0x963: {  	[tilespmem:$0x1EE90] =	vst v41;
	v41 =	vld [tilespmem:$0xA710];
	_ =	sdelay $0x4  }
0x964: {  	[tilespmem:$0x1EE80] =	vst v41;
	v41 =	vld [tilespmem:$0xA700];
	_ =	sdelay $0x4  }
0x965: {  	[tilespmem:$0x1EE70] =	vst v41;
	v41 =	vld [tilespmem:$0xA6B0];
	_ =	sdelay $0x4  }
0x966: {  	[tilespmem:$0x1EE60] =	vst v41;
	v41 =	vld [tilespmem:$0xA6A0];
	_ =	sdelay $0x4  }
0x967: {  	[tilespmem:$0x1EE50] =	vst v41;
	v41 =	vld [tilespmem:$0xA690];
	_ =	sdelay $0x4  }
0x968: {  	[tilespmem:$0x1EE40] =	vst v41;
	v41 =	vld [tilespmem:$0xA680];
	_ =	sdelay $0x4  }
0x969: {  	[tilespmem:$0x1EE30] =	vst v41;
	v41 =	vld [tilespmem:$0xA630];
	_ =	sdelay $0x4  }
0x96a: {  	[tilespmem:$0x1EE20] =	vst v41;
	v41 =	vld [tilespmem:$0xA620];
	_ =	sdelay $0x4  }
0x96b: {  	[tilespmem:$0x1EE10] =	vst v41;
	v41 =	vld [tilespmem:$0xA610];
	_ =	sdelay $0x4  }
0x96c: {  	[tilespmem:$0x1EE00] =	vst v41;
	v41 =	vld [tilespmem:$0xA600];
	_ =	sdelay $0x4  }
0x96d: {  	[tilespmem:$0x1EDF0] =	vst v41;
	v41 =	vld [tilespmem:$0xA5B0];
	_ =	sdelay $0x4  }
0x96e: {  	[tilespmem:$0x1EDE0] =	vst v41;
	v41 =	vld [tilespmem:$0xA5A0];
	_ =	sdelay $0x4  }
0x96f: {  	[tilespmem:$0x1EDD0] =	vst v41;
	v41 =	vld [tilespmem:$0xA590];
	_ =	sdelay $0x4  }
0x970: {  	[tilespmem:$0x1EDC0] =	vst v41;
	v41 =	vld [tilespmem:$0xA580];
	_ =	sdelay $0x4  }
0x971: {  	[tilespmem:$0x1EDB0] =	vst v41;
	v41 =	vld [tilespmem:$0xA530];
	_ =	sdelay $0x4  }
0x972: {  	[tilespmem:$0x1EDA0] =	vst v41;
	v41 =	vld [tilespmem:$0xA520];
	_ =	sdelay $0x4  }
0x973: {  	[tilespmem:$0x1ED90] =	vst v41;
	v41 =	vld [tilespmem:$0xA510];
	_ =	sdelay $0x4  }
0x974: {  	[tilespmem:$0x1ED80] =	vst v41;
	v41 =	vld [tilespmem:$0xA500];
	_ =	sdelay $0x4  }
0x975: {  	[tilespmem:$0x1ED70] =	vst v41;
	v41 =	vld [tilespmem:$0xA4B0];
	_ =	sdelay $0x4  }
0x976: {  	[tilespmem:$0x1ED60] =	vst v41;
	v41 =	vld [tilespmem:$0xA4A0];
	_ =	sdelay $0x4  }
0x977: {  	[tilespmem:$0x1ED50] =	vst v41;
	v41 =	vld [tilespmem:$0xA490];
	_ =	sdelay $0x4  }
0x978: {  	[tilespmem:$0x1ED40] =	vst v41;
	v41 =	vld [tilespmem:$0xA480];
	_ =	sdelay $0x4  }
0x979: {  	[tilespmem:$0x1ED30] =	vst v41;
	v41 =	vld [tilespmem:$0xA430];
	_ =	sdelay $0x4  }
0x97a: {  	[tilespmem:$0x1ED20] =	vst v41;
	v41 =	vld [tilespmem:$0xA420];
	_ =	sdelay $0x4  }
0x97b: {  	[tilespmem:$0x1ED10] =	vst v41;
	v41 =	vld [tilespmem:$0xA410];
	_ =	sdelay $0x4  }
0x97c: {  	[tilespmem:$0x1ED00] =	vst v41;
	v41 =	vld [tilespmem:$0xA400];
	_ =	sdelay $0x4  }
0x97d: {  	[tilespmem:$0x1ECF0] =	vst v41;
	v41 =	vld [tilespmem:$0xA3B0];
	_ =	sdelay $0x4  }
0x97e: {  	[tilespmem:$0x1ECE0] =	vst v41;
	v41 =	vld [tilespmem:$0xA3A0];
	_ =	sdelay $0x4  }
0x97f: {  	[tilespmem:$0x1ECD0] =	vst v41;
	v41 =	vld [tilespmem:$0xA390];
	_ =	sdelay $0x4  }
0x980: {  	[tilespmem:$0x1ECC0] =	vst v41;
	v41 =	vld [tilespmem:$0xA380];
	_ =	sdelay $0x4  }
0x981: {  	[tilespmem:$0x1ECB0] =	vst v41;
	v41 =	vld [tilespmem:$0xA330];
	_ =	sdelay $0x4  }
0x982: {  	[tilespmem:$0x1ECA0] =	vst v41;
	v41 =	vld [tilespmem:$0xA320];
	_ =	sdelay $0x4  }
0x983: {  	[tilespmem:$0x1EC90] =	vst v41;
	v41 =	vld [tilespmem:$0xA310];
	_ =	sdelay $0x4  }
0x984: {  	[tilespmem:$0x1EC80] =	vst v41;
	v41 =	vld [tilespmem:$0xA300];
	_ =	sdelay $0x4  }
0x985: {  	[tilespmem:$0x1EC70] =	vst v41;
	v41 =	vld [tilespmem:$0xA2B0];
	_ =	sdelay $0x4  }
0x986: {  	[tilespmem:$0x1EC60] =	vst v41;
	v41 =	vld [tilespmem:$0xA2A0];
	_ =	sdelay $0x4  }
0x987: {  	[tilespmem:$0x1EC50] =	vst v41;
	v41 =	vld [tilespmem:$0xA290];
	_ =	sdelay $0x4  }
0x988: {  	[tilespmem:$0x1EC40] =	vst v41;
	v41 =	vld [tilespmem:$0xA280];
	_ =	sdelay $0x4  }
0x989: {  	[tilespmem:$0x1EC30] =	vst v41;
	v41 =	vld [tilespmem:$0xA230];
	_ =	sdelay $0x4  }
0x98a: {  	[tilespmem:$0x1EC20] =	vst v41;
	v41 =	vld [tilespmem:$0xA220];
	_ =	sdelay $0x4  }
0x98b: {  	[tilespmem:$0x1EC10] =	vst v41;
	v41 =	vld [tilespmem:$0xA210];
	_ =	sdelay $0x4  }
0x98c: {  	[tilespmem:$0x1EC00] =	vst v41;
	v41 =	vld [tilespmem:$0xA200];
	_ =	sdelay $0x4  }
0x98d: {  	[tilespmem:$0x1EBF0] =	vst v41;
	v41 =	vld [tilespmem:$0xA1B0];
	_ =	sdelay $0x4  }
0x98e: {  	[tilespmem:$0x1EBE0] =	vst v41;
	v41 =	vld [tilespmem:$0xA1A0];
	_ =	sdelay $0x4  }
0x98f: {  	[tilespmem:$0x1EBD0] =	vst v41;
	v41 =	vld [tilespmem:$0xA190];
	_ =	sdelay $0x4  }
0x990: {  	[tilespmem:$0x1EBC0] =	vst v41;
	v41 =	vld [tilespmem:$0xA180];
	_ =	sdelay $0x4  }
0x991: {  	[tilespmem:$0x1EBB0] =	vst v41;
	v41 =	vld [tilespmem:$0xA130];
	_ =	sdelay $0x4  }
0x992: {  	[tilespmem:$0x1EBA0] =	vst v41;
	v41 =	vld [tilespmem:$0xA120];
	_ =	sdelay $0x4  }
0x993: {  	[tilespmem:$0x1EB90] =	vst v41;
	v41 =	vld [tilespmem:$0xA110];
	_ =	sdelay $0x4  }
0x994: {  	[tilespmem:$0x1EB80] =	vst v41;
	v41 =	vld [tilespmem:$0xA100];
	_ =	sdelay $0x4  }
0x995: {  	[tilespmem:$0x1EB70] =	vst v41;
	v41 =	vld [tilespmem:$0xBF30];
	_ =	sdelay $0x4  }
0x996: {  	[tilespmem:$0x1FB50] =	vst v41;
	v41 =	vld [tilespmem:$0xBF80];
	_ =	sdelay $0x4  }
0x997: {  	[tilespmem:$0x1FB40] =	vst v41;
	v41 =	vld [tilespmem:$0x1D3E0];
	_ =	sdelay $0x4  }
0x998: {  	[tilespmem:$0x13A00] =	vst v41;
	v41 =	vld [tilespmem:$0x1D3F0];
	_ =	sdelay $0x4  }
0x999: {  	[tilespmem:$0x13A10] =	vst v41;
	v41 =	vld [tilespmem:$0x1D400];
	_ =	sdelay $0x4  }
0x99a: {  	[tilespmem:$0x13A20] =	vst v41;
	v41 =	vld [tilespmem:$0x1D410];
	_ =	sdelay $0x4  }
0x99b: {  	[tilespmem:$0x13A30] =	vst v41;
	v41 =	vld [tilespmem:$0x1D420];
	_ =	sdelay $0x4  }
0x99c: {  	[tilespmem:$0x13A80] =	vst v41;
	v41 =	vld [tilespmem:$0x1D430];
	_ =	sdelay $0x4  }
0x99d: {  	[tilespmem:$0x13A90] =	vst v41;
	v41 =	vld [tilespmem:$0x1D440];
	_ =	sdelay $0x4  }
0x99e: {  	[tilespmem:$0x13AA0] =	vst v41;
	v41 =	vld [tilespmem:$0x1D450];
	_ =	sdelay $0x4  }
0x99f: {  	[tilespmem:$0x13AB0] =	vst v41;
	v41 =	vld [tilespmem:$0x1D460];
	_ =	sdelay $0x4  }
0x9a0: {  	[tilespmem:$0x13B00] =	vst v41;
	v41 =	vld [tilespmem:$0x1D470];
	_ =	sdelay $0x4  }
0x9a1: {  	[tilespmem:$0x13B10] =	vst v41;
	v41 =	vld [tilespmem:$0x1D480];
	_ =	sdelay $0x4  }
0x9a2: {  	[tilespmem:$0x13B20] =	vst v41;
	v41 =	vld [tilespmem:$0x1D490];
	_ =	sdelay $0x4  }
0x9a3: {  	[tilespmem:$0x13B30] =	vst v41;
	v41 =	vld [tilespmem:$0x1D4A0];
	_ =	sdelay $0x4  }
0x9a4: {  	[tilespmem:$0x13B80] =	vst v41;
	v41 =	vld [tilespmem:$0x1D4B0];
	_ =	sdelay $0x4  }
0x9a5: {  	[tilespmem:$0x13B90] =	vst v41;
	v41 =	vld [tilespmem:$0x1D4C0];
	_ =	sdelay $0x4  }
0x9a6: {  	[tilespmem:$0x13BA0] =	vst v41;
	v41 =	vld [tilespmem:$0x1D4D0];
	_ =	sdelay $0x4  }
0x9a7: {  	[tilespmem:$0x13BB0] =	vst v41;
	v41 =	vld [tilespmem:$0x1D4E0];
	_ =	sdelay $0x4  }
0x9a8: {  	[tilespmem:$0x13C00] =	vst v41;
	v41 =	vld [tilespmem:$0x1D4F0];
	_ =	sdelay $0x4  }
0x9a9: {  	[tilespmem:$0x13C10] =	vst v41;
	v41 =	vld [tilespmem:$0x1D500];
	_ =	sdelay $0x4  }
0x9aa: {  	[tilespmem:$0x13C20] =	vst v41;
	v41 =	vld [tilespmem:$0x1D510];
	_ =	sdelay $0x4  }
0x9ab: {  	[tilespmem:$0x13C30] =	vst v41;
	v41 =	vld [tilespmem:$0x1D520];
	_ =	sdelay $0x4  }
0x9ac: {  	[tilespmem:$0x13C80] =	vst v41;
	v41 =	vld [tilespmem:$0x1D530];
	_ =	sdelay $0x4  }
0x9ad: {  	[tilespmem:$0x13C90] =	vst v41;
	v41 =	vld [tilespmem:$0x1D540];
	_ =	sdelay $0x4  }
0x9ae: {  	[tilespmem:$0x13CA0] =	vst v41;
	v41 =	vld [tilespmem:$0x1D550];
	_ =	sdelay $0x4  }
0x9af: {  	[tilespmem:$0x13CB0] =	vst v41;
	v41 =	vld [tilespmem:$0x1D560];
	_ =	sdelay $0x4  }
0x9b0: {  	[tilespmem:$0x13D00] =	vst v41;
	v41 =	vld [tilespmem:$0x1D570];
	_ =	sdelay $0x4  }
0x9b1: {  	[tilespmem:$0x13D10] =	vst v41;
	v41 =	vld [tilespmem:$0x1D580];
	_ =	sdelay $0x4  }
0x9b2: {  	[tilespmem:$0x13D20] =	vst v41;
	v41 =	vld [tilespmem:$0x1D590];
	_ =	sdelay $0x4  }
0x9b3: {  	[tilespmem:$0x13D30] =	vst v41;
	v41 =	vld [tilespmem:$0x1D5A0];
	_ =	sdelay $0x4  }
0x9b4: {  	[tilespmem:$0x13D80] =	vst v41;
	v41 =	vld [tilespmem:$0x1D5B0];
	_ =	sdelay $0x4  }
0x9b5: {  	[tilespmem:$0x13D90] =	vst v41;
	v41 =	vld [tilespmem:$0x1D5C0];
	_ =	sdelay $0x4  }
0x9b6: {  	[tilespmem:$0x13DA0] =	vst v41;
	v41 =	vld [tilespmem:$0x1D5D0];
	_ =	sdelay $0x4  }
0x9b7: {  	[tilespmem:$0x13DB0] =	vst v41;
	v41 =	vld [tilespmem:$0x1D5E0];
	_ =	sdelay $0x4  }
0x9b8: {  	[tilespmem:$0x13E00] =	vst v41;
	v41 =	vld [tilespmem:$0x1D5F0];
	_ =	sdelay $0x4  }
0x9b9: {  	[tilespmem:$0x13E10] =	vst v41;
	v41 =	vld [tilespmem:$0x1D600];
	_ =	sdelay $0x4  }
0x9ba: {  	[tilespmem:$0x13E20] =	vst v41;
	v41 =	vld [tilespmem:$0x1D610];
	_ =	sdelay $0x4  }
0x9bb: {  	[tilespmem:$0x13E30] =	vst v41;
	v41 =	vld [tilespmem:$0x1D620];
	_ =	sdelay $0x4  }
0x9bc: {  	[tilespmem:$0x13E80] =	vst v41;
	v41 =	vld [tilespmem:$0x1D630];
	_ =	sdelay $0x4  }
0x9bd: {  	[tilespmem:$0x13E90] =	vst v41;
	v41 =	vld [tilespmem:$0x1D640];
	_ =	sdelay $0x4  }
0x9be: {  	[tilespmem:$0x13EA0] =	vst v41;
	v41 =	vld [tilespmem:$0x1D650];
	_ =	sdelay $0x4  }
0x9bf: {  	[tilespmem:$0x13EB0] =	vst v41;
	v41 =	vld [tilespmem:$0x1D660];
	_ =	sdelay $0x4  }
0x9c0: {  	[tilespmem:$0x13F00] =	vst v41;
	v41 =	vld [tilespmem:$0x1D670];
	_ =	sdelay $0x4  }
0x9c1: {  	[tilespmem:$0x13F10] =	vst v41;
	v41 =	vld [tilespmem:$0x1D680];
	_ =	sdelay $0x4  }
0x9c2: {  	[tilespmem:$0x13F20] =	vst v41;
	v41 =	vld [tilespmem:$0x1D690];
	_ =	sdelay $0x4  }
0x9c3: {  	[tilespmem:$0x13F30] =	vst v41;
	v41 =	vld [tilespmem:$0x1D6A0];
	_ =	sdelay $0x4  }
0x9c4: {  	[tilespmem:$0x13F80] =	vst v41;
	v41 =	vld [tilespmem:$0x1D6B0];
	_ =	sdelay $0x4  }
0x9c5: {  	[tilespmem:$0x13F90] =	vst v41;
	v41 =	vld [tilespmem:$0x1D6C0];
	_ =	sdelay $0x4  }
0x9c6: {  	[tilespmem:$0x13FA0] =	vst v41;
	v41 =	vld [tilespmem:$0x1D6D0];
	_ =	sdelay $0x4  }
0x9c7: {  	[tilespmem:$0x13FB0] =	vst v41;
	v41 =	vld [tilespmem:$0x1D6E0];
	_ =	sdelay $0x4  }
0x9c8: {  	[tilespmem:$0x14000] =	vst v41;
	v41 =	vld [tilespmem:$0x1D6F0];
	_ =	sdelay $0x4  }
0x9c9: {  	[tilespmem:$0x14010] =	vst v41;
	v41 =	vld [tilespmem:$0x1D700];
	_ =	sdelay $0x4  }
0x9ca: {  	[tilespmem:$0x14020] =	vst v41;
	v41 =	vld [tilespmem:$0x1D710];
	_ =	sdelay $0x4  }
0x9cb: {  	[tilespmem:$0x14030] =	vst v41;
	v41 =	vld [tilespmem:$0x1D720];
	_ =	sdelay $0x4  }
0x9cc: {  	[tilespmem:$0x14080] =	vst v41;
	v41 =	vld [tilespmem:$0x1D730];
	_ =	sdelay $0x4  }
0x9cd: {  	[tilespmem:$0x14090] =	vst v41;
	v41 =	vld [tilespmem:$0x1D740];
	_ =	sdelay $0x4  }
0x9ce: {  	[tilespmem:$0x140A0] =	vst v41;
	v41 =	vld [tilespmem:$0x1D750];
	_ =	sdelay $0x4  }
0x9cf: {  	[tilespmem:$0x140B0] =	vst v41;
	v41 =	vld [tilespmem:$0x1D760];
	_ =	sdelay $0x4  }
0x9d0: {  	[tilespmem:$0x14100] =	vst v41;
	v41 =	vld [tilespmem:$0x1D770];
	_ =	sdelay $0x4  }
0x9d1: {  	[tilespmem:$0x14110] =	vst v41;
	v41 =	vld [tilespmem:$0x1D780];
	_ =	sdelay $0x4  }
0x9d2: {  	[tilespmem:$0x14120] =	vst v41;
	v41 =	vld [tilespmem:$0x1D790];
	_ =	sdelay $0x4  }
0x9d3: {  	[tilespmem:$0x14130] =	vst v41;
	v41 =	vld [tilespmem:$0x1D7A0];
	_ =	sdelay $0x4  }
0x9d4: {  	[tilespmem:$0x14180] =	vst v41;
	v41 =	vld [tilespmem:$0x1D7B0];
	_ =	sdelay $0x4  }
0x9d5: {  	[tilespmem:$0x14190] =	vst v41;
	v41 =	vld [tilespmem:$0x1D7C0];
	_ =	sdelay $0x4  }
0x9d6: {  	[tilespmem:$0x141A0] =	vst v41;
	v41 =	vld [tilespmem:$0x1D7D0];
	_ =	sdelay $0x4  }
0x9d7: {  	[tilespmem:$0x141B0] =	vst v41;
	v41 =	vld [tilespmem:$0x1D7E0];
	_ =	sdelay $0x4  }
0x9d8: {  	[tilespmem:$0x14200] =	vst v41;
	v41 =	vld [tilespmem:$0x1D7F0];
	_ =	sdelay $0x4  }
0x9d9: {  	[tilespmem:$0x14210] =	vst v41;
	v41 =	vld [tilespmem:$0x1D800];
	_ =	sdelay $0x4  }
0x9da: {  	[tilespmem:$0x14220] =	vst v41;
	v41 =	vld [tilespmem:$0x1D810];
	_ =	sdelay $0x4  }
0x9db: {  	[tilespmem:$0x14230] =	vst v41;
	v41 =	vld [tilespmem:$0x1D820];
	_ =	sdelay $0x4  }
0x9dc: {  	[tilespmem:$0x14280] =	vst v41;
	v41 =	vld [tilespmem:$0x1D830];
	_ =	sdelay $0x4  }
0x9dd: {  	[tilespmem:$0x14290] =	vst v41;
	v41 =	vld [tilespmem:$0x1D840];
	_ =	sdelay $0x4  }
0x9de: {  	[tilespmem:$0x142A0] =	vst v41;
	v41 =	vld [tilespmem:$0x1D850];
	_ =	sdelay $0x4  }
0x9df: {  	[tilespmem:$0x142B0] =	vst v41;
	v41 =	vld [tilespmem:$0x1D860];
	_ =	sdelay $0x4  }
0x9e0: {  	[tilespmem:$0x14300] =	vst v41;
	v41 =	vld [tilespmem:$0x1D870];
	_ =	sdelay $0x4  }
0x9e1: {  	[tilespmem:$0x14310] =	vst v41;
	v41 =	vld [tilespmem:$0x1D880];
	_ =	sdelay $0x4  }
0x9e2: {  	[tilespmem:$0x14320] =	vst v41;
	v41 =	vld [tilespmem:$0x1D890];
	_ =	sdelay $0x4  }
0x9e3: {  	[tilespmem:$0x14330] =	vst v41;
	v41 =	vld [tilespmem:$0x1D8A0];
	_ =	sdelay $0x4  }
0x9e4: {  	[tilespmem:$0x14380] =	vst v41;
	v41 =	vld [tilespmem:$0x1D8B0];
	_ =	sdelay $0x4  }
0x9e5: {  	[tilespmem:$0x14390] =	vst v41;
	v41 =	vld [tilespmem:$0x1D8C0];
	_ =	sdelay $0x4  }
0x9e6: {  	[tilespmem:$0x143A0] =	vst v41;
	v41 =	vld [tilespmem:$0x1D8D0];
	_ =	sdelay $0x4  }
0x9e7: {  	[tilespmem:$0x143B0] =	vst v41;
	v41 =	vld [tilespmem:$0x1D8E0];
	_ =	sdelay $0x4  }
0x9e8: {  	[tilespmem:$0x14400] =	vst v41;
	v41 =	vld [tilespmem:$0x1D8F0];
	_ =	sdelay $0x4  }
0x9e9: {  	[tilespmem:$0x14410] =	vst v41;
	v41 =	vld [tilespmem:$0x1D900];
	_ =	sdelay $0x4  }
0x9ea: {  	[tilespmem:$0x14420] =	vst v41;
	v41 =	vld [tilespmem:$0x1D910];
	_ =	sdelay $0x4  }
0x9eb: {  	[tilespmem:$0x14430] =	vst v41;
	v41 =	vld [tilespmem:$0x1D920];
	_ =	sdelay $0x4  }
0x9ec: {  	[tilespmem:$0x14480] =	vst v41;
	v41 =	vld [tilespmem:$0x1D930];
	_ =	sdelay $0x4  }
0x9ed: {  	[tilespmem:$0x14490] =	vst v41;
	v41 =	vld [tilespmem:$0x1D940];
	_ =	sdelay $0x4  }
0x9ee: {  	[tilespmem:$0x144A0] =	vst v41;
	v41 =	vld [tilespmem:$0x1D950];
	_ =	sdelay $0x4  }
0x9ef: {  	[tilespmem:$0x144B0] =	vst v41;
	v41 =	vld [tilespmem:$0x1D960];
	_ =	sdelay $0x4  }
0x9f0: {  	[tilespmem:$0x14500] =	vst v41;
	v41 =	vld [tilespmem:$0x1D970];
	_ =	sdelay $0x4  }
0x9f1: {  	[tilespmem:$0x14510] =	vst v41;
	v41 =	vld [tilespmem:$0x1D980];
	_ =	sdelay $0x4  }
0x9f2: {  	[tilespmem:$0x14520] =	vst v41;
	v41 =	vld [tilespmem:$0x1D990];
	_ =	sdelay $0x4  }
0x9f3: {  	[tilespmem:$0x14530] =	vst v41;
	v41 =	vld [tilespmem:$0x1D9A0];
	_ =	sdelay $0x4  }
0x9f4: {  	[tilespmem:$0x14580] =	vst v41;
	v41 =	vld [tilespmem:$0x1D9B0];
	_ =	sdelay $0x4  }
0x9f5: {  	[tilespmem:$0x14590] =	vst v41;
	v41 =	vld [tilespmem:$0x1D9C0];
	_ =	sdelay $0x4  }
0x9f6: {  	[tilespmem:$0x145A0] =	vst v41;
	v41 =	vld [tilespmem:$0x1D9D0];
	_ =	sdelay $0x4  }
0x9f7: {  	[tilespmem:$0x145B0] =	vst v41;
	v41 =	vld [tilespmem:$0x1D9E0];
	_ =	sdelay $0x4  }
0x9f8: {  	[tilespmem:$0x14600] =	vst v41;
	v41 =	vld [tilespmem:$0x1D9F0];
	_ =	sdelay $0x4  }
0x9f9: {  	[tilespmem:$0x14610] =	vst v41;
	v41 =	vld [tilespmem:$0x1DA00];
	_ =	sdelay $0x4  }
0x9fa: {  	[tilespmem:$0x14620] =	vst v41;
	v41 =	vld [tilespmem:$0x1DA10];
	_ =	sdelay $0x4  }
0x9fb: {  	[tilespmem:$0x14630] =	vst v41;
	v41 =	vld [tilespmem:$0x1DA20];
	_ =	sdelay $0x4  }
0x9fc: {  	[tilespmem:$0x14680] =	vst v41;
	v41 =	vld [tilespmem:$0x1DA30];
	_ =	sdelay $0x4  }
0x9fd: {  	[tilespmem:$0x14690] =	vst v41;
	v41 =	vld [tilespmem:$0x1DA40];
	_ =	sdelay $0x4  }
0x9fe: {  	[tilespmem:$0x146A0] =	vst v41;
	v41 =	vld [tilespmem:$0x1DA50];
	_ =	sdelay $0x4  }
0x9ff: {  	[tilespmem:$0x146B0] =	vst v41;
	v41 =	vld [tilespmem:$0x1DA60];
	_ =	sdelay $0x4  }
0xa00: {  	[tilespmem:$0x14700] =	vst v41;
	v41 =	vld [tilespmem:$0x1DA70];
	_ =	sdelay $0x4  }
0xa01: {  	[tilespmem:$0x14710] =	vst v41;
	v41 =	vld [tilespmem:$0x1DA80];
	_ =	sdelay $0x4  }
0xa02: {  	[tilespmem:$0x14720] =	vst v41;
	v41 =	vld [tilespmem:$0x1DA90];
	_ =	sdelay $0x4  }
0xa03: {  	[tilespmem:$0x14730] =	vst v41;
	v41 =	vld [tilespmem:$0x1DAA0];
	_ =	sdelay $0x4  }
0xa04: {  	[tilespmem:$0x14780] =	vst v41;
	v41 =	vld [tilespmem:$0x1DAB0];
	_ =	sdelay $0x4  }
0xa05: {  	[tilespmem:$0x14790] =	vst v41;
	v41 =	vld [tilespmem:$0x1DAC0];
	_ =	sdelay $0x4  }
0xa06: {  	[tilespmem:$0x147B0] =	vst v41;
	v41 =	vld [tilespmem:$0x1DAD0];
	_ =	sdelay $0x4  }
0xa07: {  	[tilespmem:$0x14810] =	vst v41;
	v41 =	vld [tilespmem:$0x1DAE0];
	_ =	sdelay $0x4  }
0xa08: {  	[tilespmem:$0x14830] =	vst v41;
	v41 =	vld [tilespmem:$0x1DAF0];
	_ =	sdelay $0x4  }
0xa09: {  	[tilespmem:$0x14890] =	vst v41;
	v41 =	vld [tilespmem:$0x1DB00];
	_ =	sdelay $0x4  }
0xa0a: {  	[tilespmem:$0x148B0] =	vst v41;
	v41 =	vld [tilespmem:$0x1DB10];
	_ =	sdelay $0x4  }
0xa0b: {  	[tilespmem:$0x14910] =	vst v41;
	v41 =	vld [tilespmem:$0x1DB20];
	_ =	sdelay $0x4  }
0xa0c: {  	[tilespmem:$0x14930] =	vst v41;
	v41 =	vld [tilespmem:$0x1DB30];
	_ =	sdelay $0x4  }
0xa0d: {  	[tilespmem:$0x14990] =	vst v41;
	v41 =	vld [tilespmem:$0x1DB40];
	_ =	sdelay $0x4  }
0xa0e: {  	[tilespmem:$0x149B0] =	vst v41;
	v41 =	vld [tilespmem:$0x1DB50];
	_ =	sdelay $0x4  }
0xa0f: {  	[tilespmem:$0x14A10] =	vst v41;
	v41 =	vld [tilespmem:$0x1DB60];
	_ =	sdelay $0x4  }
0xa10: {  	[tilespmem:$0x14A30] =	vst v41;
	v41 =	vld [tilespmem:$0x1DB70];
	_ =	sdelay $0x4  }
0xa11: {  	[tilespmem:$0x14A90] =	vst v41;
	v41 =	vld [tilespmem:$0x1DB80];
	_ =	sdelay $0x4  }
0xa12: {  	[tilespmem:$0x14AB0] =	vst v41;
	v41 =	vld [tilespmem:$0x1DB90];
	_ =	sdelay $0x4  }
0xa13: {  	[tilespmem:$0x14B10] =	vst v41;
	v41 =	vld [tilespmem:$0x1DBA0];
	_ =	sdelay $0x4  }
0xa14: {  	[tilespmem:$0x14B30] =	vst v41;
	v41 =	vld [tilespmem:$0x1DBB0];
	_ =	sdelay $0x4  }
0xa15: {  	[tilespmem:$0x14B90] =	vst v41;
	v41 =	vld [tilespmem:$0x1DBC0];
	_ =	sdelay $0x4  }
0xa16: {  	[tilespmem:$0x14BB0] =	vst v41;
	v41 =	vld [tilespmem:$0x1DBD0];
	_ =	sdelay $0x4  }
0xa17: {  	[tilespmem:$0x14C10] =	vst v41;
	v41 =	vld [tilespmem:$0x1DBE0];
	_ =	sdelay $0x4  }
0xa18: {  	[tilespmem:$0x14C30] =	vst v41;
	v41 =	vld [tilespmem:$0x1DBF0];
	_ =	sdelay $0x4  }
0xa19: {  	[tilespmem:$0x14C90] =	vst v41;
	v41 =	vld [tilespmem:$0x1DC00];
	_ =	sdelay $0x4  }
0xa1a: {  	[tilespmem:$0x14CB0] =	vst v41;
	v41 =	vld [tilespmem:$0x1DC10];
	_ =	sdelay $0x4  }
0xa1b: {  	[tilespmem:$0x14D10] =	vst v41;
	v41 =	vld [tilespmem:$0x1DC20];
	_ =	sdelay $0x4  }
0xa1c: {  	[tilespmem:$0x14D30] =	vst v41;
	v41 =	vld [tilespmem:$0x1DC30];
	_ =	sdelay $0x4  }
0xa1d: {  	[tilespmem:$0x14D90] =	vst v41;
	v41 =	vld [tilespmem:$0x1DC40];
	_ =	sdelay $0x4  }
0xa1e: {  	[tilespmem:$0x14DB0] =	vst v41;
	v41 =	vld [tilespmem:$0x1DC50];
	_ =	sdelay $0x4  }
0xa1f: {  	[tilespmem:$0x14E10] =	vst v41;
	v41 =	vld [tilespmem:$0x1DC60];
	_ =	sdelay $0x4  }
0xa20: {  	[tilespmem:$0x14E30] =	vst v41;
	v41 =	vld [tilespmem:$0x1DC70];
	_ =	sdelay $0x4  }
0xa21: {  	[tilespmem:$0x14E90] =	vst v41;
	v41 =	vld [tilespmem:$0x1DC80];
	_ =	sdelay $0x4  }
0xa22: {  	[tilespmem:$0x14EB0] =	vst v41;
	v41 =	vld [tilespmem:$0x1DC90];
	_ =	sdelay $0x4  }
0xa23: {  	[tilespmem:$0x14F10] =	vst v41;
	v41 =	vld [tilespmem:$0x1DCA0];
	_ =	sdelay $0x4  }
0xa24: {  	[tilespmem:$0x14F30] =	vst v41;
	v41 =	vld [tilespmem:$0x1DCB0];
	_ =	sdelay $0x4  }
0xa25: {  	[tilespmem:$0x14F90] =	vst v41;
	v41 =	vld [tilespmem:$0x1DCC0];
	_ =	sdelay $0x4  }
0xa26: {  	[tilespmem:$0x14FB0] =	vst v41;
	v41 =	vld [tilespmem:$0x1DCD0];
	_ =	sdelay $0x4  }
0xa27: {  	[tilespmem:$0x15010] =	vst v41;
	v41 =	vld [tilespmem:$0x1DCE0];
	_ =	sdelay $0x4  }
0xa28: {  	[tilespmem:$0x15030] =	vst v41  }
0xa29: {  	[tilespmem:$0x15A10] =	vst v63  }
0xa2a: {  	[tilespmem:$0x15A30] =	vst v61  }
0xa2b: {  	[tilespmem:$0x15A90] =	vst v59  }
0xa2c: {  	[tilespmem:$0x15AB0] =	vst v57  }
0xa2d: {  	[tilespmem:$0x15B10] =	vst v56  }
0xa2e: {  	[tilespmem:$0x15B30] =	vst v54  }
0xa2f: {  	[tilespmem:$0x15B90] =	vst v52  }
0xa30: {  	[tilespmem:$0x15BB0] =	vst v51  }
0xa31: {  	[tilespmem:$0x15C10] =	vst v37  }
0xa32: {  	[tilespmem:$0x15C30] =	vst v39  }
0xa33: {  	[tilespmem:$0x15C90] =	vst v45  }
0xa34: {  	[tilespmem:$0x15CB0] =	vst v38  }
0xa35: {  	[tilespmem:$0x15D10] =	vst v35  }
0xa36: {  	[tilespmem:$0x15D30] =	vst v36  }
0xa37: {  	[tilespmem:$0x15D90] =	vst v33  }
0xa38: {  	[tilespmem:$0x15DB0] =	vst v34  }
0xa39: {  	[tilespmem:$0x15E10] =	vst v30  }
0xa3a: {  	[tilespmem:$0x15E30] =	vst v31  }
0xa3b: {  	[tilespmem:$0x15E90] =	vst v29  }
0xa3c: {  	[tilespmem:$0x15EB0] =	vst v28  }
0xa3d: {  	[tilespmem:$0x15F10] =	vst v26  }
0xa3e: {  	[tilespmem:$0x15F30] =	vst v27  }
0xa3f: {  	[tilespmem:$0x15F90] =	vst v0  }
0xa40: {  	[tilespmem:$0x15FB0] =	vst v1  }
0xa41: {  	[tilespmem:$0x16010] =	vst v2  }
0xa42: {  	[tilespmem:$0x16030] =	vst v3  }
0xa43: {  	[tilespmem:$0x16090] =	vst v4  }
0xa44: {  	[tilespmem:$0x160B0] =	vst v5  }
0xa45: {  	[tilespmem:$0x16110] =	vst v6;
	v41 =	vld [tilespmem:$0x1DCF0]  }
0xa46: {  	[tilespmem:$0x16130] =	vst v7;
	v26 =	vld [tilespmem:$0xBF90]  }
0xa47: {  	[tilespmem:$0x16190] =	vst v8;
	v27 =	vld [tilespmem:$0xBFA0]  }
0xa48: {  	[tilespmem:$0x161B0] =	vst v9;
	v28 =	vld [tilespmem:$0xBFB0]  }
0xa49: {  	[tilespmem:$0x16210] =	vst v10;
	v29 =	vld [tilespmem:$0xC000]  }
0xa4a: {  	[tilespmem:$0x16230] =	vst v11;
	v30 =	vld [tilespmem:$0xC010]  }
0xa4b: {  	[tilespmem:$0x16290] =	vst v12;
	v31 =	vld [tilespmem:$0xC020]  }
0xa4c: {  	[tilespmem:$0x162B0] =	vst v13;
	v33 =	vld [tilespmem:$0xC030]  }
0xa4d: {  	[tilespmem:$0x16310] =	vst v14;
	v34 =	vld [tilespmem:$0xC080]  }
0xa4e: {  	[tilespmem:$0x16330] =	vst v15;
	v35 =	vld [tilespmem:$0xC090]  }
0xa4f: {  	[tilespmem:$0x16390] =	vst v16;
	v36 =	vld [tilespmem:$0xC0A0]  }
0xa50: {  	[tilespmem:$0x163B0] =	vst v17;
	v37 =	vld [tilespmem:$0xC0B0]  }
0xa51: {  	[tilespmem:$0x16410] =	vst v18;
	v38 =	vld [tilespmem:$0xC100]  }
0xa52: {  	[tilespmem:$0x16430] =	vst v19;
	v39 =	vld [tilespmem:$0xC110]  }
0xa53: {  	[tilespmem:$0x16490] =	vst v20;
	v45 =	vld [tilespmem:$0xC130]  }
0xa54: {  	[tilespmem:$0x164B0] =	vst v21;
	v51 =	vld [tilespmem:$0xC180]  }
0xa55: {  	[tilespmem:$0x16510] =	vst v22;
	v52 =	vld [tilespmem:$0xC190]  }
0xa56: {  	[tilespmem:$0x16530] =	vst v23;
	v54 =	vld [tilespmem:$0xC1A0]  }
0xa57: {  	[tilespmem:$0x16590] =	vst v24;
	v56 =	vld [tilespmem:$0xC1B0]  }
0xa58: {  	[tilespmem:$0x165A0] =	vst v25;
	v57 =	vld [tilespmem:$0xC200]  }
0xa59: {  	[tilespmem:$0x16580] =	vst v32;
	v59 =	vld [tilespmem:$0xC210]  }
0xa5a: {  	[tilespmem:$0x16520] =	vst v40;
	v61 =	vld [tilespmem:$0xC220]  }
0xa5b: {  	[tilespmem:$0x16500] =	vst v49;
	v63 =	vld [tilespmem:$0xC230]  }
0xa5c: {  	[tilespmem:$0x164A0] =	vst v53;
	v4 =	vld [tilespmem:$0xC280]  }
0xa5d: {  	[tilespmem:$0x16480] =	vst v62;
	v5 =	vld [tilespmem:$0xC290]  }
0xa5e: {  	[tilespmem:$0x15680] =	vst v60;
	v6 =	vld [tilespmem:$0xC2A0]  }
0xa5f: {  	[tilespmem:$0x15600] =	vst v58;
	v7 =	vld [tilespmem:$0xC2B0]  }
0xa60: {  	[tilespmem:$0x15520] =	vst v55;
	v8 =	vld [tilespmem:$0xC300]  }
0xa61: {  	[tilespmem:$0x15400] =	vst v50;
	v9 =	vld [tilespmem:$0xC310]  }
0xa62: {  	[tilespmem:$0x15380] =	vst v48;
	v10 =	vld [tilespmem:$0xC320]  }
0xa63: {  	[tilespmem:$0x15320] =	vst v47;
	v11 =	vld [tilespmem:$0xC330]  }
0xa64: {  	[tilespmem:$0x15300] =	vst v46;
	v12 =	vld [tilespmem:$0x1DF50]  }
0xa65: {  	[tilespmem:$0x15280] =	vst v44;
	v13 =	vld [tilespmem:$0xC380]  }
0xa66: {  	[tilespmem:$0x15220] =	vst v43;
	v14 =	vld [tilespmem:$0x1DF60]  }
0xa67: {  	[tilespmem:$0x15090] =	vst v41;
	v41 =	vld [tilespmem:$0x1DD00]  }
0xa68: {  	[tilespmem:$0x15200] =	vst v42;
	v15 =	vld [tilespmem:$0xC390]  }
0xa69: {  	v16 =	vld [tilespmem:$0x1DF70];
	[tilespmem:$0x1FB30] =	vst v26  }
0xa6a: {  	v17 =	vld [tilespmem:$0xC3A0];
	[tilespmem:$0x1FB20] =	vst v27  }
0xa6b: {  	v18 =	vld [tilespmem:$0x1DF80];
	[tilespmem:$0x1FB10] =	vst v28  }
0xa6c: {  	[tilespmem:$0x150B0] =	vst v41;
	v41 =	vld [tilespmem:$0x1DD10]  }
0xa6d: {  	v19 =	vld [tilespmem:$0xC3B0];
	[tilespmem:$0x1FB00] =	vst v29  }
0xa6e: {  	v20 =	vld [tilespmem:$0x1DF90];
	[tilespmem:$0x1FAF0] =	vst v30  }
0xa6f: {  	v21 =	vld [tilespmem:$0xC400];
	[tilespmem:$0x1FAE0] =	vst v31  }
0xa70: {  	v22 =	vld [tilespmem:$0x1DFA0];
	[tilespmem:$0x1FAD0] =	vst v33  }
0xa71: {  	[tilespmem:$0x15110] =	vst v41;
	v41 =	vld [tilespmem:$0x1DD20]  }
0xa72: {  	v23 =	vld [tilespmem:$0xC410];
	[tilespmem:$0x1FAC0] =	vst v34  }
0xa73: {  	v24 =	vld [tilespmem:$0x1DFB0];
	[tilespmem:$0x1FAB0] =	vst v35  }
0xa74: {  	v25 =	vld [tilespmem:$0xC420];
	[tilespmem:$0x1FAA0] =	vst v36  }
0xa75: {  	v32 =	vld [tilespmem:$0x1DFF0];
	[tilespmem:$0x1FA90] =	vst v37  }
0xa76: {  	[tilespmem:$0x15130] =	vst v41;
	v41 =	vld [tilespmem:$0x1DD30]  }
0xa77: {  	v40 =	vld [tilespmem:$0x1E030];
	[tilespmem:$0x1FA80] =	vst v38  }
0xa78: {  	v49 =	vld [tilespmem:$0xC530];
	[tilespmem:$0x1FA70] =	vst v39  }
0xa79: {  	v53 =	vld [tilespmem:$0x1E060];
	[tilespmem:$0x1FA50] =	vst v45  }
0xa7a: {  	v62 =	vld [tilespmem:$0x1E090];
	[tilespmem:$0x1FA40] =	vst v51  }
0xa7b: {  	[tilespmem:$0x15190] =	vst v41;
	v41 =	vld [tilespmem:$0x1DD40]  }
0xa7c: {  	v60 =	vld [tilespmem:$0xCA30];
	[tilespmem:$0x1FA30] =	vst v52  }
0xa7d: {  	v58 =	vld [tilespmem:$0xCA90];
	[tilespmem:$0x1FA20] =	vst v54  }
0xa7e: {  	v55 =	vld [tilespmem:$0xCB00];
	[tilespmem:$0x1FA10] =	vst v56  }
0xa7f: {  	v50 =	vld [tilespmem:$0xCB90];
	[tilespmem:$0x1FA00] =	vst v57  }
0xa80: {  	[tilespmem:$0x151B0] =	vst v41;
	v41 =	vld [tilespmem:$0x1DD50]  }
0xa81: {  	v48 =	vld [tilespmem:$0xCBB0];
	[tilespmem:$0x1F9F0] =	vst v59  }
0xa82: {  	v47 =	vld [tilespmem:$0xCC00];
	[tilespmem:$0x1F9E0] =	vst v61  }
0xa83: {  	v46 =	vld [tilespmem:$0xCC10];
	[tilespmem:$0x1F9D0] =	vst v63  }
0xa84: {  	v44 =	vld [tilespmem:$0xCC30];
	[tilespmem:$0x1F9C0] =	vst v4  }
0xa85: {  	[tilespmem:$0x15210] =	vst v41;
	v41 =	vld [tilespmem:$0x1DD60]  }
0xa86: {  	v43 =	vld [tilespmem:$0xCC80];
	[tilespmem:$0x1F9B0] =	vst v5  }
0xa87: {  	v42 =	vld [tilespmem:$0xCC90];
	[tilespmem:$0x1F9A0] =	vst v6  }
0xa88: {  	[tilespmem:$0x1F990] =	vst v7;
	v26 =	vld [tilespmem:$0x1DFC0]  }
0xa89: {  	[tilespmem:$0x1F980] =	vst v8;
	v27 =	vld [tilespmem:$0xC430]  }
0xa8a: {  	[tilespmem:$0x15230] =	vst v41;
	v41 =	vld [tilespmem:$0x1DD70]  }
0xa8b: {  	[tilespmem:$0x1F970] =	vst v9;
	v28 =	vld [tilespmem:$0x1DFD0]  }
0xa8c: {  	[tilespmem:$0x1F960] =	vst v10;
	v29 =	vld [tilespmem:$0xC480]  }
0xa8d: {  	[tilespmem:$0x1F950] =	vst v11;
	v30 =	vld [tilespmem:$0x1DFE0]  }
0xa8e: {  	[tilespmem:$0x16420] =	vst v12;
	v31 =	vld [tilespmem:$0xC490]  }
0xa8f: {  	[tilespmem:$0x15290] =	vst v41;
	v41 =	vld [tilespmem:$0x1DD80]  }
0xa90: {  	[tilespmem:$0x1F940] =	vst v13;
	v33 =	vld [tilespmem:$0xC4A0]  }
0xa91: {  	[tilespmem:$0x16400] =	vst v14;
	v34 =	vld [tilespmem:$0x1E000]  }
0xa92: {  	[tilespmem:$0x1F930] =	vst v15;
	v35 =	vld [tilespmem:$0xC4B0]  }
0xa93: {  	[tilespmem:$0x163A0] =	vst v16;
	v36 =	vld [tilespmem:$0x1E010]  }
0xa94: {  	[tilespmem:$0x152B0] =	vst v41;
	v41 =	vld [tilespmem:$0x1DD90]  }
0xa95: {  	[tilespmem:$0x1F920] =	vst v17;
	v37 =	vld [tilespmem:$0xC500]  }
0xa96: {  	[tilespmem:$0x16380] =	vst v18;
	v38 =	vld [tilespmem:$0x1E020]  }
0xa97: {  	[tilespmem:$0x1F910] =	vst v19;
	v39 =	vld [tilespmem:$0xC510]  }
0xa98: {  	[tilespmem:$0x16320] =	vst v20;
	v45 =	vld [tilespmem:$0x1E040]  }
0xa99: {  	[tilespmem:$0x15310] =	vst v41;
	v41 =	vld [tilespmem:$0x1DDA0]  }
0xa9a: {  	[tilespmem:$0x1F900] =	vst v21;
	v51 =	vld [tilespmem:$0x1E050]  }
0xa9b: {  	[tilespmem:$0x16300] =	vst v22;
	v52 =	vld [tilespmem:$0xC580]  }
0xa9c: {  	[tilespmem:$0x1F8F0] =	vst v23;
	v54 =	vld [tilespmem:$0xC590]  }
0xa9d: {  	[tilespmem:$0x162A0] =	vst v24;
	v56 =	vld [tilespmem:$0x1E070]  }
0xa9e: {  	[tilespmem:$0x15330] =	vst v41;
	v41 =	vld [tilespmem:$0x1DDB0]  }
0xa9f: {  	[tilespmem:$0x1F8E0] =	vst v25;
	v57 =	vld [tilespmem:$0xC5A0]  }
0xaa0: {  	[tilespmem:$0x161A0] =	vst v32;
	v59 =	vld [tilespmem:$0x1E080]  }
0xaa1: {  	[tilespmem:$0x160A0] =	vst v40;
	v61 =	vld [tilespmem:$0xC5B0]  }
0xaa2: {  	[tilespmem:$0x1F850] =	vst v49;
	v63 =	vld [tilespmem:$0xC600]  }
0xaa3: {  	[tilespmem:$0x15390] =	vst v41;
	v41 =	vld [tilespmem:$0x1DDC0]  }
0xaa4: {  	[tilespmem:$0x16000] =	vst v53;
	v4 =	vld [tilespmem:$0x1E0A0]  }
0xaa5: {  	[tilespmem:$0x15F20] =	vst v62;
	v5 =	vld [tilespmem:$0xC610]  }
0xaa6: {  	v6 =	vld [tilespmem:$0x1E0B0];
	[tilespmem:$0x16280] =	vst v26  }
0xaa7: {  	v7 =	vld [tilespmem:$0xC620];
	[tilespmem:$0x1F8D0] =	vst v27  }
0xaa8: {  	[tilespmem:$0x153B0] =	vst v41;
	v41 =	vld [tilespmem:$0x1DDD0]  }
0xaa9: {  	v8 =	vld [tilespmem:$0x1E0C0];
	[tilespmem:$0x16220] =	vst v28  }
0xaaa: {  	v9 =	vld [tilespmem:$0xC630];
	[tilespmem:$0x1F8C0] =	vst v29  }
0xaab: {  	v10 =	vld [tilespmem:$0x1E0D0];
	[tilespmem:$0x16200] =	vst v30  }
0xaac: {  	v11 =	vld [tilespmem:$0xC680];
	[tilespmem:$0x1F8B0] =	vst v31  }
0xaad: {  	[tilespmem:$0x15410] =	vst v41;
	v41 =	vld [tilespmem:$0x1DDE0]  }
0xaae: {  	v12 =	vld [tilespmem:$0x1E0E0];
	[tilespmem:$0x1F8A0] =	vst v33  }
0xaaf: {  	v13 =	vld [tilespmem:$0xC690];
	[tilespmem:$0x16180] =	vst v34  }
0xab0: {  	v14 =	vld [tilespmem:$0x1E0F0];
	[tilespmem:$0x1F890] =	vst v35  }
0xab1: {  	v15 =	vld [tilespmem:$0xC6A0];
	[tilespmem:$0x16120] =	vst v36  }
0xab2: {  	[tilespmem:$0x15430] =	vst v41;
	v41 =	vld [tilespmem:$0x1DDF0]  }
0xab3: {  	v16 =	vld [tilespmem:$0x1E100];
	[tilespmem:$0x1F880] =	vst v37  }
0xab4: {  	v17 =	vld [tilespmem:$0xC6B0];
	[tilespmem:$0x16100] =	vst v38  }
0xab5: {  	v18 =	vld [tilespmem:$0x1E110];
	[tilespmem:$0x1F870] =	vst v39  }
0xab6: {  	v19 =	vld [tilespmem:$0xC700];
	[tilespmem:$0x16080] =	vst v45  }
0xab7: {  	[tilespmem:$0x15490] =	vst v41;
	v41 =	vld [tilespmem:$0x1DE00]  }
0xab8: {  	v20 =	vld [tilespmem:$0x1E120];
	[tilespmem:$0x16020] =	vst v51  }
0xab9: {  	v21 =	vld [tilespmem:$0xC710];
	[tilespmem:$0x1F840] =	vst v52  }
0xaba: {  	v22 =	vld [tilespmem:$0x1E130];
	[tilespmem:$0x1F830] =	vst v54  }
0xabb: {  	v23 =	vld [tilespmem:$0xC720];
	[tilespmem:$0x15FA0] =	vst v56  }
0xabc: {  	[tilespmem:$0x154B0] =	vst v41;
	v41 =	vld [tilespmem:$0x1DE10]  }
0xabd: {  	v24 =	vld [tilespmem:$0x1E140];
	[tilespmem:$0x1F820] =	vst v57  }
0xabe: {  	v25 =	vld [tilespmem:$0xC730];
	[tilespmem:$0x15F80] =	vst v59  }
0xabf: {  	v32 =	vld [tilespmem:$0x1E180];
	[tilespmem:$0x1F810] =	vst v61  }
0xac0: {  	v40 =	vld [tilespmem:$0x1E1C0];
	[tilespmem:$0x1F800] =	vst v63  }
0xac1: {  	[tilespmem:$0x15510] =	vst v41;
	v41 =	vld [tilespmem:$0x1DE20]  }
0xac2: {  	v49 =	vld [tilespmem:$0xC880];
	[tilespmem:$0x15F00] =	vst v4  }
0xac3: {  	v53 =	vld [tilespmem:$0x1E1F0];
	[tilespmem:$0x1F7F0] =	vst v5  }
0xac4: {  	v62 =	vld [tilespmem:$0x1E220];
	[tilespmem:$0x15EA0] =	vst v6  }
0xac5: {  	[tilespmem:$0x1F7E0] =	vst v7;
	v26 =	vld [tilespmem:$0x1E150]  }
0xac6: {  	[tilespmem:$0x15530] =	vst v41;
	v41 =	vld [tilespmem:$0x1DE30]  }
0xac7: {  	[tilespmem:$0x15E80] =	vst v8;
	v27 =	vld [tilespmem:$0xC780]  }
0xac8: {  	[tilespmem:$0x1F7D0] =	vst v9;
	v28 =	vld [tilespmem:$0x1E160]  }
0xac9: {  	[tilespmem:$0x15E20] =	vst v10;
	v29 =	vld [tilespmem:$0xC790]  }
0xaca: {  	[tilespmem:$0x1F7C0] =	vst v11;
	v30 =	vld [tilespmem:$0x1E170]  }
0xacb: {  	[tilespmem:$0x15590] =	vst v41;
	v41 =	vld [tilespmem:$0x1DE40]  }
0xacc: {  	[tilespmem:$0x15E00] =	vst v12;
	v31 =	vld [tilespmem:$0xC7A0]  }
0xacd: {  	[tilespmem:$0x1F7B0] =	vst v13;
	v33 =	vld [tilespmem:$0xC7B0]  }
0xace: {  	[tilespmem:$0x15DA0] =	vst v14;
	v34 =	vld [tilespmem:$0x1E190]  }
0xacf: {  	[tilespmem:$0x1F7A0] =	vst v15;
	v35 =	vld [tilespmem:$0xC800]  }
0xad0: {  	[tilespmem:$0x155B0] =	vst v41;
	v41 =	vld [tilespmem:$0x1DE50]  }
0xad1: {  	[tilespmem:$0x15D80] =	vst v16;
	v36 =	vld [tilespmem:$0x1E1A0]  }
0xad2: {  	[tilespmem:$0x1F790] =	vst v17;
	v37 =	vld [tilespmem:$0xC810]  }
0xad3: {  	[tilespmem:$0x15D20] =	vst v18;
	v38 =	vld [tilespmem:$0x1E1B0]  }
0xad4: {  	[tilespmem:$0x1F780] =	vst v19;
	v39 =	vld [tilespmem:$0xC820]  }
0xad5: {  	[tilespmem:$0x15610] =	vst v41;
	v41 =	vld [tilespmem:$0x1DE60]  }
0xad6: {  	[tilespmem:$0x15D00] =	vst v20;
	v45 =	vld [tilespmem:$0x1E1D0]  }
0xad7: {  	[tilespmem:$0x1F770] =	vst v21;
	v51 =	vld [tilespmem:$0x1E1E0]  }
0xad8: {  	[tilespmem:$0x15CA0] =	vst v22;
	v52 =	vld [tilespmem:$0xC890]  }
0xad9: {  	[tilespmem:$0x1F760] =	vst v23;
	v54 =	vld [tilespmem:$0xC8A0]  }
0xada: {  	[tilespmem:$0x15630] =	vst v41;
	v41 =	vld [tilespmem:$0x1DE70]  }
0xadb: {  	[tilespmem:$0x15C80] =	vst v24;
	v56 =	vld [tilespmem:$0x1E200]  }
0xadc: {  	[tilespmem:$0x1F750] =	vst v25;
	v57 =	vld [tilespmem:$0xC8B0]  }
0xadd: {  	[tilespmem:$0x15B80] =	vst v32;
	v59 =	vld [tilespmem:$0x1E210]  }
0xade: {  	[tilespmem:$0x15A80] =	vst v40;
	v61 =	vld [tilespmem:$0xC900]  }
0xadf: {  	[tilespmem:$0x15690] =	vst v41;
	v41 =	vld [tilespmem:$0x1DE80]  }
0xae0: {  	[tilespmem:$0x1F6C0] =	vst v49;
	v63 =	vld [tilespmem:$0xC910]  }
0xae1: {  	[tilespmem:$0x159A0] =	vst v53;
	v4 =	vld [tilespmem:$0x1E230]  }
0xae2: {  	[tilespmem:$0x15900] =	vst v62;
	v5 =	vld [tilespmem:$0xC920]  }
0xae3: {  	v6 =	vld [tilespmem:$0x1E240];
	[tilespmem:$0x15C20] =	vst v26  }
0xae4: {  	[tilespmem:$0x156B0] =	vst v41;
	v41 =	vld [tilespmem:$0x1DE90]  }
0xae5: {  	v7 =	vld [tilespmem:$0xC930];
	[tilespmem:$0x1F740] =	vst v27  }
0xae6: {  	v8 =	vld [tilespmem:$0x1E250];
	[tilespmem:$0x15C00] =	vst v28  }
0xae7: {  	v9 =	vld [tilespmem:$0xC980];
	[tilespmem:$0x1F730] =	vst v29  }
0xae8: {  	v10 =	vld [tilespmem:$0x1E260];
	[tilespmem:$0x15BA0] =	vst v30  }
0xae9: {  	[tilespmem:$0x15710] =	vst v41;
	v41 =	vld [tilespmem:$0x1DEA0]  }
0xaea: {  	v11 =	vld [tilespmem:$0xC990];
	[tilespmem:$0x1F720] =	vst v31  }
0xaeb: {  	v12 =	vld [tilespmem:$0x1E270];
	[tilespmem:$0x1F710] =	vst v33  }
0xaec: {  	v13 =	vld [tilespmem:$0xC9A0];
	[tilespmem:$0x15B20] =	vst v34  }
0xaed: {  	v14 =	vld [tilespmem:$0x1E280];
	[tilespmem:$0x1F700] =	vst v35  }
0xaee: {  	[tilespmem:$0x15730] =	vst v41;
	v41 =	vld [tilespmem:$0x1DEB0]  }
0xaef: {  	v15 =	vld [tilespmem:$0xC9B0];
	[tilespmem:$0x15B00] =	vst v36  }
0xaf0: {  	v16 =	vld [tilespmem:$0x1E290];
	[tilespmem:$0x1F6F0] =	vst v37  }
0xaf1: {  	v17 =	vld [tilespmem:$0xCA00];
	[tilespmem:$0x15AA0] =	vst v38  }
0xaf2: {  	v18 =	vld [tilespmem:$0x1E2A0];
	[tilespmem:$0x1F6E0] =	vst v39  }
0xaf3: {  	[tilespmem:$0x15790] =	vst v41;
	v41 =	vld [tilespmem:$0x1DEC0]  }
0xaf4: {  	v62 =	vld [tilespmem:$0xCA10];
	[tilespmem:$0x15A20] =	vst v45  }
0xaf5: {  	v19 =	vld [tilespmem:$0x1E2B0];
	[tilespmem:$0x15A00] =	vst v51  }
0xaf6: {  	v20 =	vld [tilespmem:$0x1E2C0];
	[tilespmem:$0x1F6B0] =	vst v52  }
0xaf7: {  	v21 =	vld [tilespmem:$0x1E2D0];
	[tilespmem:$0x1F6A0] =	vst v54  }
0xaf8: {  	[tilespmem:$0x157B0] =	vst v41;
	v41 =	vld [tilespmem:$0x1DED0]  }
0xaf9: {  	v22 =	vld [tilespmem:$0x1E2E0];
	[tilespmem:$0x15980] =	vst v56  }
0xafa: {  	v23 =	vld [tilespmem:$0x1E2F0];
	[tilespmem:$0x1F690] =	vst v57  }
0xafb: {  	v24 =	vld [tilespmem:$0x1E300];
	[tilespmem:$0x15920] =	vst v59  }
0xafc: {  	v53 =	vld [tilespmem:$0xCB20];
	[tilespmem:$0x1F680] =	vst v61  }
0xafd: {  	[tilespmem:$0x15810] =	vst v41;
	v41 =	vld [tilespmem:$0x1DEE0]  }
0xafe: {  	v25 =	vld [tilespmem:$0x1E310];
	[tilespmem:$0x1F670] =	vst v63  }
0xaff: {  	v49 =	vld [tilespmem:$0xCBA0];
	[tilespmem:$0x158A0] =	vst v4  }
0xb00: {  	v40 =	vld [tilespmem:$0xCCB0];
	[tilespmem:$0x1F660] =	vst v5  }
0xb01: {  	v32 =	vld [tilespmem:$0x1E380];
	[tilespmem:$0x15880] =	vst v6  }
0xb02: {  	[tilespmem:$0x15830] =	vst v41;
	v41 =	vld [tilespmem:$0x1DEF0]  }
0xb03: {  	[tilespmem:$0x1F650] =	vst v7;
	v61 =	vld [tilespmem:$0xCA20]  }
0xb04: {  	[tilespmem:$0x15820] =	vst v8;
	v59 =	vld [tilespmem:$0xCA80]  }
0xb05: {  	[tilespmem:$0x1F640] =	vst v9;
	v57 =	vld [tilespmem:$0xCAA0]  }
0xb06: {  	[tilespmem:$0x15800] =	vst v10;
	v56 =	vld [tilespmem:$0xCAB0]  }
0xb07: {  	[tilespmem:$0x15890] =	vst v41;
	v41 =	vld [tilespmem:$0x1DF00]  }
0xb08: {  	[tilespmem:$0x1F630] =	vst v11;
	v54 =	vld [tilespmem:$0xCB10]  }
0xb09: {  	[tilespmem:$0x157A0] =	vst v12;
	v52 =	vld [tilespmem:$0xCB30]  }
0xb0a: {  	[tilespmem:$0x1F620] =	vst v13;
	v26 =	vld [tilespmem:$0x1E320]  }
0xb0b: {  	[tilespmem:$0x15780] =	vst v14;
	v51 =	vld [tilespmem:$0xCB80]  }
0xb0c: {  	[tilespmem:$0x158B0] =	vst v41;
	v41 =	vld [tilespmem:$0x1DF10]  }
0xb0d: {  	[tilespmem:$0x1F610] =	vst v15;
	v27 =	vld [tilespmem:$0x1E330]  }
0xb0e: {  	[tilespmem:$0x15720] =	vst v16;
	v28 =	vld [tilespmem:$0x1E340]  }
0xb0f: {  	[tilespmem:$0x1F600] =	vst v17;
	v45 =	vld [tilespmem:$0xCC20]  }
0xb10: {  	[tilespmem:$0x15700] =	vst v18;
	v29 =	vld [tilespmem:$0x1E350]  }
0xb11: {  	[tilespmem:$0x15910] =	vst v41;
	v41 =	vld [tilespmem:$0x1DF20]  }
0xb12: {  	[tilespmem:$0x156A0] =	vst v19;
	v30 =	vld [tilespmem:$0x1E360]  }
0xb13: {  	[tilespmem:$0x15620] =	vst v20;
	v31 =	vld [tilespmem:$0x1E370]  }
0xb14: {  	[tilespmem:$0x155A0] =	vst v21;
	v39 =	vld [tilespmem:$0xCD00]  }
0xb15: {  	[tilespmem:$0x15580] =	vst v22;
	v38 =	vld [tilespmem:$0xCD10]  }
0xb16: {  	[tilespmem:$0x15930] =	vst v41;
	v41 =	vld [tilespmem:$0x1DF30]  }
0xb17: {  	[tilespmem:$0x15500] =	vst v23;
	v33 =	vld [tilespmem:$0x1E390]  }
0xb18: {  	[tilespmem:$0x154A0] =	vst v24;
	v37 =	vld [tilespmem:$0xCD20]  }
0xb19: {  	[tilespmem:$0x15480] =	vst v25;
	v34 =	vld [tilespmem:$0x1E3A0]  }
0xb1a: {  	[tilespmem:$0x15100] =	vst v32;
	v36 =	vld [tilespmem:$0xCD30]  }
0xb1b: {  	[tilespmem:$0x15990] =	vst v41;
	v41 =	vld [tilespmem:$0x1DF40]  }
0xb1c: {  	v35 =	vld [tilespmem:$0x1E3B0];
	[tilespmem:$0x15420] =	vst v26  }
0xb1d: {  	v63 =	vld [tilespmem:$0x1E3C0];
	[tilespmem:$0x153A0] =	vst v27  }
0xb1e: {  	v4 =	vld [tilespmem:$0x1E3D0];
	[tilespmem:$0x152A0] =	vst v28  }
0xb1f: {  	v5 =	vld [tilespmem:$0x1E3E0];
	[tilespmem:$0x151A0] =	vst v29  }
0xb20: {  	[tilespmem:$0x159B0] =	vst v41;
	v41 =	vld [tilespmem:$0xC120]  }
0xb21: {  	v32 =	vld [tilespmem:$0xCDB0];
	[tilespmem:$0x15180] =	vst v30  }
0xb22: {  	v6 =	vld [tilespmem:$0x1E3F0];
	[tilespmem:$0x15120] =	vst v31  }
0xb23: {  	v7 =	vld [tilespmem:$0x1E400];
	[tilespmem:$0x150A0] =	vst v33  }
0xb24: {  	v8 =	vld [tilespmem:$0x1E410];
	[tilespmem:$0x15080] =	vst v34  }
0xb25: {  	[tilespmem:$0x1FA60] =	vst v41;
	v41 =	vld [tilespmem:$0xC520]  }
0xb26: {  	v9 =	vld [tilespmem:$0x1E420];
	[tilespmem:$0x15020] =	vst v35  }
0xb27: {  	v10 =	vld [tilespmem:$0x1E430];
	[tilespmem:$0x15000] =	vst v63  }
0xb28: {  	v35 =	vld [tilespmem:$0xCD80];
	[tilespmem:$0x14FA0] =	vst v4  }
0xb29: {  	v34 =	vld [tilespmem:$0xCD90];
	[tilespmem:$0x14F80] =	vst v5  }
0xb2a: {  	[tilespmem:$0x1F860] =	vst v41;
	v41 =	vld [tilespmem:$0xC830]  }
0xb2b: {  	v33 =	vld [tilespmem:$0xCDA0];
	[tilespmem:$0x14F20] =	vst v6  }
0xb2c: {  	v31 =	vld [tilespmem:$0xCE00];
	[tilespmem:$0x14F00] =	vst v7  }
0xb2d: {  	v30 =	vld [tilespmem:$0xCE10];
	[tilespmem:$0x14EA0] =	vst v8  }
0xb2e: {  	v29 =	vld [tilespmem:$0xCE20];
	[tilespmem:$0x14E80] =	vst v9  }
0xb2f: {  	v28 =	vld [tilespmem:$0xCE30];
	[tilespmem:$0x1F6D0] =	vst v41  }
0xb30: {  	v41 =	vld [tilespmem:$0xCCA0];
	[tilespmem:$0x14E20] =	vst v10  }
0xb31: {  	v63 =	vld [tilespmem:$0x1E4D0];
	_ =	sdelay $0x4  }
0xb32: {  	[tilespmem:$0x14BA0] =	vst v63;
	v63 =	vld [tilespmem:$0x1E550];
	_ =	sdelay $0x4  }
0xb33: {  	[tilespmem:$0x149A0] =	vst v63;
	v63 =	vld [tilespmem:$0x1E590];
	_ =	sdelay $0x4  }
0xb34: {  	[tilespmem:$0x148A0] =	vst v63;
	v63 =	vld [tilespmem:$0x1E5B0];
	_ =	sdelay $0x4  }
0xb35: {  	[tilespmem:$0x14820] =	vst v63;
	v63 =	vld [tilespmem:$0x1E5C0];
	_ =	sdelay $0x4  }
0xb36: {  	[tilespmem:$0x14800] =	vst v63;
	v63 =	vld [tilespmem:$0x1E5D0];
	_ =	sdelay $0x4  }
0xb37: {  	[tilespmem:$0x147A0] =	vst v63;
	v63 =	vld [tilespmem:$0x1E5E0];
	_ =	sdelay $0x4  }
0xb38: {  	[tilespmem:$0x165B0] =	vst v63;
	v63 =	vld [tilespmem:$0x1E5F0];
	_ =	sdelay $0x4  }
0xb39: {  	[tilespmem:$0x16600] =	vst v63;
	v63 =	vld [tilespmem:$0x1E600];
	_ =	sdelay $0x4  }
0xb3a: {  	[tilespmem:$0x16610] =	vst v63;
	v63 =	vld [tilespmem:$0x1E610];
	_ =	sdelay $0x4  }
0xb3b: {  	[tilespmem:$0x16620] =	vst v63;
	v63 =	vld [tilespmem:$0x1E620];
	_ =	sdelay $0x4  }
0xb3c: {  	[tilespmem:$0x16630] =	vst v63;
	v63 =	vld [tilespmem:$0x1E630];
	_ =	sdelay $0x4  }
0xb3d: {  	[tilespmem:$0x16680] =	vst v63;
	v63 =	vld [tilespmem:$0x1E640];
	_ =	sdelay $0x4  }
0xb3e: {  	[tilespmem:$0x16690] =	vst v63;
	v63 =	vld [tilespmem:$0x1E650];
	_ =	sdelay $0x4  }
0xb3f: {  	[tilespmem:$0x166A0] =	vst v63;
	v63 =	vld [tilespmem:$0x1E660];
	_ =	sdelay $0x4  }
0xb40: {  	[tilespmem:$0x166B0] =	vst v63;
	v63 =	vld [tilespmem:$0x1E670];
	_ =	sdelay $0x4  }
0xb41: {  	[tilespmem:$0x16700] =	vst v63;
	v63 =	vld [tilespmem:$0x1E680];
	_ =	sdelay $0x4  }
0xb42: {  	[tilespmem:$0x16710] =	vst v63;
	v63 =	vld [tilespmem:$0x1E690];
	_ =	sdelay $0x4  }
0xb43: {  	[tilespmem:$0x16720] =	vst v63;
	v63 =	vld [tilespmem:$0x1E6A0];
	_ =	sdelay $0x4  }
0xb44: {  	[tilespmem:$0x16730] =	vst v63;
	v63 =	vld [tilespmem:$0x1E6B0];
	_ =	sdelay $0x4  }
0xb45: {  	[tilespmem:$0x16780] =	vst v63;
	v63 =	vld [tilespmem:$0x1E6C0];
	_ =	sdelay $0x4  }
0xb46: {  	[tilespmem:$0x16790] =	vst v63;
	v63 =	vld [tilespmem:$0x1E6D0];
	_ =	sdelay $0x4  }
0xb47: {  	[tilespmem:$0x167A0] =	vst v63;
	v63 =	vld [tilespmem:$0x1E6E0];
	_ =	sdelay $0x4  }
0xb48: {  	[tilespmem:$0x167B0] =	vst v63;
	v63 =	vld [tilespmem:$0x1E6F0];
	_ =	sdelay $0x4  }
0xb49: {  	[tilespmem:$0x16800] =	vst v63;
	v63 =	vld [tilespmem:$0x1E700];
	_ =	sdelay $0x4  }
0xb4a: {  	[tilespmem:$0x16810] =	vst v63;
	v63 =	vld [tilespmem:$0x1E710];
	_ =	sdelay $0x4  }
0xb4b: {  	[tilespmem:$0x16820] =	vst v63;
	v63 =	vld [tilespmem:$0x1E720];
	_ =	sdelay $0x4  }
0xb4c: {  	[tilespmem:$0x16830] =	vst v63;
	v63 =	vld [tilespmem:$0x1E730];
	_ =	sdelay $0x4  }
0xb4d: {  	[tilespmem:$0x16880] =	vst v63;
	v63 =	vld [tilespmem:$0x1E740];
	_ =	sdelay $0x4  }
0xb4e: {  	[tilespmem:$0x16890] =	vst v63;
	v63 =	vld [tilespmem:$0x1E750];
	_ =	sdelay $0x4  }
0xb4f: {  	[tilespmem:$0x168A0] =	vst v63;
	v63 =	vld [tilespmem:$0x1E760];
	_ =	sdelay $0x4  }
0xb50: {  	[tilespmem:$0x168B0] =	vst v63;
	v63 =	vld [tilespmem:$0x1E770];
	_ =	sdelay $0x4  }
0xb51: {  	[tilespmem:$0x16900] =	vst v63;
	v63 =	vld [tilespmem:$0x1E780];
	_ =	sdelay $0x4  }
0xb52: {  	[tilespmem:$0x16910] =	vst v63;
	v63 =	vld [tilespmem:$0x1E790];
	_ =	sdelay $0x4  }
0xb53: {  	[tilespmem:$0x16920] =	vst v63;
	v63 =	vld [tilespmem:$0x1E7A0];
	_ =	sdelay $0x4  }
0xb54: {  	[tilespmem:$0x16930] =	vst v63;
	v63 =	vld [tilespmem:$0x1E7B0];
	_ =	sdelay $0x4  }
0xb55: {  	[tilespmem:$0x16980] =	vst v63;
	v63 =	vld [tilespmem:$0x1E7C0];
	_ =	sdelay $0x4  }
0xb56: {  	[tilespmem:$0x16990] =	vst v63;
	v63 =	vld [tilespmem:$0x1E7D0];
	_ =	sdelay $0x4  }
0xb57: {  	[tilespmem:$0x169A0] =	vst v63;
	v63 =	vld [tilespmem:$0x1E7E0];
	_ =	sdelay $0x4  }
0xb58: {  	[tilespmem:$0x169B0] =	vst v63;
	v63 =	vld [tilespmem:$0x1E7F0];
	_ =	sdelay $0x4  }
0xb59: {  	[tilespmem:$0x16A00] =	vst v63;
	v63 =	vld [tilespmem:$0x1E800];
	_ =	sdelay $0x4  }
0xb5a: {  	[tilespmem:$0x16A10] =	vst v63;
	v63 =	vld [tilespmem:$0x1E810];
	_ =	sdelay $0x4  }
0xb5b: {  	[tilespmem:$0x16A20] =	vst v63;
	v63 =	vld [tilespmem:$0x1E820];
	_ =	sdelay $0x4  }
0xb5c: {  	[tilespmem:$0x16A30] =	vst v63;
	v63 =	vld [tilespmem:$0x1E830];
	_ =	sdelay $0x4  }
0xb5d: {  	[tilespmem:$0x16A80] =	vst v63;
	v63 =	vld [tilespmem:$0x1E840];
	_ =	sdelay $0x4  }
0xb5e: {  	[tilespmem:$0x16A90] =	vst v63;
	v63 =	vld [tilespmem:$0x1E850];
	_ =	sdelay $0x4  }
0xb5f: {  	[tilespmem:$0x16AA0] =	vst v63;
	v63 =	vld [tilespmem:$0x1E860];
	_ =	sdelay $0x4  }
0xb60: {  	[tilespmem:$0x16AB0] =	vst v63;
	v63 =	vld [tilespmem:$0x1E870];
	_ =	sdelay $0x4  }
0xb61: {  	[tilespmem:$0x16B00] =	vst v63;
	v63 =	vld [tilespmem:$0x1E880];
	_ =	sdelay $0x4  }
0xb62: {  	[tilespmem:$0x16B10] =	vst v63;
	v63 =	vld [tilespmem:$0x1E890];
	_ =	sdelay $0x4  }
0xb63: {  	[tilespmem:$0x16B20] =	vst v63;
	v63 =	vld [tilespmem:$0x1E8A0];
	_ =	sdelay $0x4  }
0xb64: {  	[tilespmem:$0x16B30] =	vst v63;
	v63 =	vld [tilespmem:$0x1E8B0];
	_ =	sdelay $0x4  }
0xb65: {  	[tilespmem:$0x16B80] =	vst v63;
	v63 =	vld [tilespmem:$0x1E8C0];
	_ =	sdelay $0x4  }
0xb66: {  	[tilespmem:$0x16B90] =	vst v63;
	v63 =	vld [tilespmem:$0x1E8D0];
	_ =	sdelay $0x4  }
0xb67: {  	[tilespmem:$0x16BA0] =	vst v63;
	v63 =	vld [tilespmem:$0x1E8E0];
	_ =	sdelay $0x4  }
0xb68: {  	[tilespmem:$0x16BB0] =	vst v63;
	v63 =	vld [tilespmem:$0x1E8F0];
	_ =	sdelay $0x4  }
0xb69: {  	[tilespmem:$0x16C00] =	vst v63;
	v63 =	vld [tilespmem:$0x1E900];
	_ =	sdelay $0x4  }
0xb6a: {  	[tilespmem:$0x16C10] =	vst v63;
	v63 =	vld [tilespmem:$0x1E910];
	_ =	sdelay $0x4  }
0xb6b: {  	[tilespmem:$0x16C20] =	vst v63;
	v63 =	vld [tilespmem:$0x1E920];
	_ =	sdelay $0x4  }
0xb6c: {  	[tilespmem:$0x16C30] =	vst v63;
	v63 =	vld [tilespmem:$0x1E930];
	_ =	sdelay $0x4  }
0xb6d: {  	[tilespmem:$0x16C80] =	vst v63;
	v63 =	vld [tilespmem:$0x1E940];
	_ =	sdelay $0x4  }
0xb6e: {  	[tilespmem:$0x16C90] =	vst v63;
	v63 =	vld [tilespmem:$0x1E950];
	_ =	sdelay $0x4  }
0xb6f: {  	[tilespmem:$0x16CA0] =	vst v63;
	v63 =	vld [tilespmem:$0x1E960];
	_ =	sdelay $0x4  }
0xb70: {  	[tilespmem:$0x16CB0] =	vst v63;
	v63 =	vld [tilespmem:$0x1E970];
	_ =	sdelay $0x4  }
0xb71: {  	[tilespmem:$0x16D00] =	vst v63;
	v63 =	vld [tilespmem:$0x1E980];
	_ =	sdelay $0x4  }
0xb72: {  	[tilespmem:$0x16D10] =	vst v63;
	v63 =	vld [tilespmem:$0x1E990];
	_ =	sdelay $0x4  }
0xb73: {  	[tilespmem:$0x16D20] =	vst v63;
	v63 =	vld [tilespmem:$0x1E9A0];
	_ =	sdelay $0x4  }
0xb74: {  	[tilespmem:$0x16D30] =	vst v63;
	v63 =	vld [tilespmem:$0x1E9B0];
	_ =	sdelay $0x4  }
0xb75: {  	[tilespmem:$0x16D80] =	vst v63;
	v63 =	vld [tilespmem:$0x1E9C0];
	_ =	sdelay $0x4  }
0xb76: {  	[tilespmem:$0x16D90] =	vst v63;
	v63 =	vld [tilespmem:$0x1E9D0];
	_ =	sdelay $0x4  }
0xb77: {  	[tilespmem:$0x16DA0] =	vst v63;
	v63 =	vld [tilespmem:$0x1E9E0];
	_ =	sdelay $0x4  }
0xb78: {  	[tilespmem:$0x16DB0] =	vst v63;
	v63 =	vld [tilespmem:$0x1E9F0];
	_ =	sdelay $0x4  }
0xb79: {  	[tilespmem:$0x16E00] =	vst v63;
	v63 =	vld [tilespmem:$0x1EA00];
	_ =	sdelay $0x4  }
0xb7a: {  	[tilespmem:$0x16E10] =	vst v63;
	v63 =	vld [tilespmem:$0x1EA10];
	_ =	sdelay $0x4  }
0xb7b: {  	[tilespmem:$0x16E20] =	vst v63;
	v63 =	vld [tilespmem:$0x1EA20];
	_ =	sdelay $0x4  }
0xb7c: {  	[tilespmem:$0x16E30] =	vst v63;
	v63 =	vld [tilespmem:$0x1EA30];
	_ =	sdelay $0x4  }
0xb7d: {  	[tilespmem:$0x16E80] =	vst v63;
	v63 =	vld [tilespmem:$0x1EA40];
	_ =	sdelay $0x4  }
0xb7e: {  	[tilespmem:$0x16E90] =	vst v63;
	v63 =	vld [tilespmem:$0x1EA50];
	_ =	sdelay $0x4  }
0xb7f: {  	[tilespmem:$0x16EA0] =	vst v63;
	v63 =	vld [tilespmem:$0x1EA60];
	_ =	sdelay $0x4  }
0xb80: {  	[tilespmem:$0x16EB0] =	vst v63;
	v63 =	vld [tilespmem:$0x1EA70];
	_ =	sdelay $0x4  }
0xb81: {  	[tilespmem:$0x16F00] =	vst v63;
	v63 =	vld [tilespmem:$0x1EA80];
	_ =	sdelay $0x4  }
0xb82: {  	[tilespmem:$0x16F10] =	vst v63;
	v63 =	vld [tilespmem:$0x1EA90];
	_ =	sdelay $0x4  }
0xb83: {  	[tilespmem:$0x16F20] =	vst v63;
	v63 =	vld [tilespmem:$0x1EAA0];
	_ =	sdelay $0x4  }
0xb84: {  	[tilespmem:$0x16F30] =	vst v63;
	v63 =	vld [tilespmem:$0x1EAB0];
	_ =	sdelay $0x4  }
0xb85: {  	[tilespmem:$0x16F80] =	vst v63;
	v63 =	vld [tilespmem:$0x1EAC0];
	_ =	sdelay $0x4  }
0xb86: {  	[tilespmem:$0x16F90] =	vst v63;
	v63 =	vld [tilespmem:$0x1EAD0];
	_ =	sdelay $0x4  }
0xb87: {  	[tilespmem:$0x16FA0] =	vst v63;
	v63 =	vld [tilespmem:$0x1EAE0];
	_ =	sdelay $0x4  }
0xb88: {  	[tilespmem:$0x16FB0] =	vst v63;
	v63 =	vld [tilespmem:$0x1EAF0];
	_ =	sdelay $0x4  }
0xb89: {  	[tilespmem:$0x17000] =	vst v63;
	v63 =	vld [tilespmem:$0x1EB00];
	_ =	sdelay $0x4  }
0xb8a: {  	[tilespmem:$0x17010] =	vst v63;
	v63 =	vld [tilespmem:$0x1EB10];
	_ =	sdelay $0x4  }
0xb8b: {  	[tilespmem:$0x17020] =	vst v63;
	v63 =	vld [tilespmem:$0x1EB20];
	_ =	sdelay $0x4  }
0xb8c: {  	[tilespmem:$0x17030] =	vst v63;
	v63 =	vld [tilespmem:$0x1EB30];
	_ =	sdelay $0x4  }
0xb8d: {  	[tilespmem:$0x17080] =	vst v63;
	v63 =	vld [tilespmem:$0x1EB40];
	_ =	sdelay $0x4  }
0xb8e: {  	[tilespmem:$0x17090] =	vst v63;
	v63 =	vld [tilespmem:$0x1EB50];
	_ =	sdelay $0x4  }
0xb8f: {  	[tilespmem:$0x170A0] =	vst v63;
	v63 =	vld [tilespmem:$0x1EB60];
	_ =	sdelay $0x4  }
0xb90: {  	[tilespmem:$0x170B0] =	vst v63;
	v63 =	vld [tilespmem:$0x1EB70];
	_ =	sdelay $0x4  }
0xb91: {  	[tilespmem:$0x17100] =	vst v63;
	v63 =	vld [tilespmem:$0x1EB80];
	_ =	sdelay $0x4  }
0xb92: {  	[tilespmem:$0x17110] =	vst v63;
	v63 =	vld [tilespmem:$0x1EB90];
	_ =	sdelay $0x4  }
0xb93: {  	[tilespmem:$0x17120] =	vst v63;
	v63 =	vld [tilespmem:$0x1EBA0];
	_ =	sdelay $0x4  }
0xb94: {  	[tilespmem:$0x17130] =	vst v63;
	v63 =	vld [tilespmem:$0x1EBB0];
	_ =	sdelay $0x4  }
0xb95: {  	[tilespmem:$0x17180] =	vst v63;
	v63 =	vld [tilespmem:$0x1EBC0];
	_ =	sdelay $0x4  }
0xb96: {  	[tilespmem:$0x17190] =	vst v63;
	v63 =	vld [tilespmem:$0x1EBD0];
	_ =	sdelay $0x4  }
0xb97: {  	[tilespmem:$0x171A0] =	vst v63;
	v63 =	vld [tilespmem:$0x1EBE0];
	_ =	sdelay $0x4  }
0xb98: {  	[tilespmem:$0x171B0] =	vst v63;
	v63 =	vld [tilespmem:$0x1EBF0];
	_ =	sdelay $0x4  }
0xb99: {  	[tilespmem:$0x17200] =	vst v63;
	v63 =	vld [tilespmem:$0x1EC00];
	_ =	sdelay $0x4  }
0xb9a: {  	[tilespmem:$0x17210] =	vst v63;
	v63 =	vld [tilespmem:$0x1EC10];
	_ =	sdelay $0x4  }
0xb9b: {  	[tilespmem:$0x17220] =	vst v63;
	v63 =	vld [tilespmem:$0x1EC20];
	_ =	sdelay $0x4  }
0xb9c: {  	[tilespmem:$0x17230] =	vst v63;
	v63 =	vld [tilespmem:$0x1EC30];
	_ =	sdelay $0x4  }
0xb9d: {  	[tilespmem:$0x17280] =	vst v63;
	v63 =	vld [tilespmem:$0x1EC40];
	_ =	sdelay $0x4  }
0xb9e: {  	[tilespmem:$0x17290] =	vst v63;
	v63 =	vld [tilespmem:$0x1EC50];
	_ =	sdelay $0x4  }
0xb9f: {  	[tilespmem:$0x172A0] =	vst v63;
	v63 =	vld [tilespmem:$0x1EC60];
	_ =	sdelay $0x4  }
0xba0: {  	[tilespmem:$0x172B0] =	vst v63;
	v63 =	vld [tilespmem:$0x1EC70];
	_ =	sdelay $0x4  }
0xba1: {  	[tilespmem:$0x17300] =	vst v63;
	v63 =	vld [tilespmem:$0x1EC80];
	_ =	sdelay $0x4  }
0xba2: {  	[tilespmem:$0x17310] =	vst v63;
	v63 =	vld [tilespmem:$0x1EC90];
	_ =	sdelay $0x4  }
0xba3: {  	[tilespmem:$0x17320] =	vst v63;
	v63 =	vld [tilespmem:$0x1ECA0];
	_ =	sdelay $0x4  }
0xba4: {  	[tilespmem:$0x17330] =	vst v63;
	v63 =	vld [tilespmem:$0x1ECB0];
	_ =	sdelay $0x4  }
0xba5: {  	[tilespmem:$0x17380] =	vst v63;
	v63 =	vld [tilespmem:$0x1ECC0];
	_ =	sdelay $0x4  }
0xba6: {  	[tilespmem:$0x17390] =	vst v63;
	v63 =	vld [tilespmem:$0x1ECD0];
	_ =	sdelay $0x4  }
0xba7: {  	[tilespmem:$0x173A0] =	vst v63;
	v63 =	vld [tilespmem:$0x1ECE0];
	_ =	sdelay $0x4  }
0xba8: {  	[tilespmem:$0x173B0] =	vst v63;
	v63 =	vld [tilespmem:$0x1ECF0];
	_ =	sdelay $0x4  }
0xba9: {  	[tilespmem:$0x17400] =	vst v63;
	v63 =	vld [tilespmem:$0x1ED00];
	_ =	sdelay $0x4  }
0xbaa: {  	[tilespmem:$0x17410] =	vst v63;
	v63 =	vld [tilespmem:$0x1ED10];
	_ =	sdelay $0x4  }
0xbab: {  	[tilespmem:$0x17420] =	vst v63;
	v63 =	vld [tilespmem:$0x1ED20];
	_ =	sdelay $0x4  }
0xbac: {  	[tilespmem:$0x17430] =	vst v63;
	v63 =	vld [tilespmem:$0x1ED30];
	_ =	sdelay $0x4  }
0xbad: {  	[tilespmem:$0x17480] =	vst v63;
	v63 =	vld [tilespmem:$0x1ED40];
	_ =	sdelay $0x4  }
0xbae: {  	[tilespmem:$0x17490] =	vst v63;
	v63 =	vld [tilespmem:$0x1ED50];
	_ =	sdelay $0x4  }
0xbaf: {  	[tilespmem:$0x174A0] =	vst v63;
	v63 =	vld [tilespmem:$0x1ED60];
	_ =	sdelay $0x4  }
0xbb0: {  	[tilespmem:$0x174B0] =	vst v63;
	v63 =	vld [tilespmem:$0x1ED70];
	_ =	sdelay $0x4  }
0xbb1: {  	[tilespmem:$0x17500] =	vst v63;
	v63 =	vld [tilespmem:$0x1ED80];
	_ =	sdelay $0x4  }
0xbb2: {  	[tilespmem:$0x17510] =	vst v63;
	v63 =	vld [tilespmem:$0x1ED90];
	_ =	sdelay $0x4  }
0xbb3: {  	[tilespmem:$0x17520] =	vst v63;
	v63 =	vld [tilespmem:$0x1EDA0];
	_ =	sdelay $0x4  }
0xbb4: {  	[tilespmem:$0x17530] =	vst v63;
	v63 =	vld [tilespmem:$0x1EDB0];
	_ =	sdelay $0x4  }
0xbb5: {  	[tilespmem:$0x17580] =	vst v63;
	v63 =	vld [tilespmem:$0x1EDC0];
	_ =	sdelay $0x4  }
0xbb6: {  	[tilespmem:$0x17590] =	vst v63;
	v63 =	vld [tilespmem:$0x1EDD0];
	_ =	sdelay $0x4  }
0xbb7: {  	[tilespmem:$0x175A0] =	vst v63;
	v63 =	vld [tilespmem:$0x1EDE0];
	_ =	sdelay $0x4  }
0xbb8: {  	[tilespmem:$0x175B0] =	vst v63;
	v63 =	vld [tilespmem:$0x1EDF0];
	_ =	sdelay $0x4  }
0xbb9: {  	[tilespmem:$0x17600] =	vst v63;
	v63 =	vld [tilespmem:$0x1EE00];
	_ =	sdelay $0x4  }
0xbba: {  	[tilespmem:$0x17610] =	vst v63;
	v63 =	vld [tilespmem:$0x1EE10];
	_ =	sdelay $0x4  }
0xbbb: {  	[tilespmem:$0x17620] =	vst v63;
	v63 =	vld [tilespmem:$0x1EE20];
	_ =	sdelay $0x4  }
0xbbc: {  	[tilespmem:$0x17630] =	vst v63;
	v63 =	vld [tilespmem:$0x1EE30];
	_ =	sdelay $0x4  }
0xbbd: {  	[tilespmem:$0x17680] =	vst v63;
	v63 =	vld [tilespmem:$0x1EE40];
	_ =	sdelay $0x4  }
0xbbe: {  	[tilespmem:$0x17690] =	vst v63;
	v63 =	vld [tilespmem:$0x1EE50];
	_ =	sdelay $0x4  }
0xbbf: {  	[tilespmem:$0x176A0] =	vst v63;
	v63 =	vld [tilespmem:$0x1EE60];
	_ =	sdelay $0x4  }
0xbc0: {  	[tilespmem:$0x176B0] =	vst v63;
	v63 =	vld [tilespmem:$0x1EE70];
	_ =	sdelay $0x4  }
0xbc1: {  	[tilespmem:$0x17700] =	vst v63;
	v63 =	vld [tilespmem:$0x1EE80];
	_ =	sdelay $0x4  }
0xbc2: {  	[tilespmem:$0x17710] =	vst v63;
	v63 =	vld [tilespmem:$0x1EE90];
	_ =	sdelay $0x4  }
0xbc3: {  	[tilespmem:$0x17720] =	vst v63;
	v63 =	vld [tilespmem:$0x1EEA0];
	_ =	sdelay $0x4  }
0xbc4: {  	[tilespmem:$0x17730] =	vst v63;
	v63 =	vld [tilespmem:$0x1EEB0];
	_ =	sdelay $0x4  }
0xbc5: {  	[tilespmem:$0x17780] =	vst v63;
	v63 =	vld [tilespmem:$0x1EEC0];
	_ =	sdelay $0x4  }
0xbc6: {  	[tilespmem:$0x17790] =	vst v63;
	v63 =	vld [tilespmem:$0x1EED0];
	_ =	sdelay $0x4  }
0xbc7: {  	[tilespmem:$0x177A0] =	vst v63;
	v63 =	vld [tilespmem:$0x1EEE0];
	_ =	sdelay $0x4  }
0xbc8: {  	[tilespmem:$0x177B0] =	vst v63;
	v63 =	vld [tilespmem:$0x1EEF0];
	_ =	sdelay $0x4  }
0xbc9: {  	[tilespmem:$0x17800] =	vst v63;
	v63 =	vld [tilespmem:$0x1EF00];
	_ =	sdelay $0x4  }
0xbca: {  	[tilespmem:$0x17810] =	vst v63;
	v63 =	vld [tilespmem:$0x1EF10];
	_ =	sdelay $0x4  }
0xbcb: {  	[tilespmem:$0x17820] =	vst v63;
	v63 =	vld [tilespmem:$0x1EF20];
	_ =	sdelay $0x4  }
0xbcc: {  	[tilespmem:$0x17830] =	vst v63;
	v63 =	vld [tilespmem:$0x1EF30];
	_ =	sdelay $0x4  }
0xbcd: {  	[tilespmem:$0x17880] =	vst v63;
	v63 =	vld [tilespmem:$0x1EF40];
	_ =	sdelay $0x4  }
0xbce: {  	[tilespmem:$0x17890] =	vst v63;
	v63 =	vld [tilespmem:$0x1EF50];
	_ =	sdelay $0x4  }
0xbcf: {  	[tilespmem:$0x178A0] =	vst v63;
	v63 =	vld [tilespmem:$0x1EF60];
	_ =	sdelay $0x4  }
0xbd0: {  	[tilespmem:$0x178B0] =	vst v63;
	v63 =	vld [tilespmem:$0x1EF70];
	_ =	sdelay $0x4  }
0xbd1: {  	[tilespmem:$0x17900] =	vst v63;
	v63 =	vld [tilespmem:$0x1EF80];
	_ =	sdelay $0x4  }
0xbd2: {  	[tilespmem:$0x17910] =	vst v63;
	v63 =	vld [tilespmem:$0x1EF90];
	_ =	sdelay $0x4  }
0xbd3: {  	[tilespmem:$0x17920] =	vst v63;
	v63 =	vld [tilespmem:$0x1EFA0];
	_ =	sdelay $0x4  }
0xbd4: {  	[tilespmem:$0x17930] =	vst v63;
	v63 =	vld [tilespmem:$0x1EFB0];
	_ =	sdelay $0x4  }
0xbd5: {  	[tilespmem:$0x17980] =	vst v63;
	v63 =	vld [tilespmem:$0x1EFC0];
	_ =	sdelay $0x4  }
0xbd6: {  	[tilespmem:$0x17990] =	vst v63;
	v63 =	vld [tilespmem:$0x1EFD0];
	_ =	sdelay $0x4  }
0xbd7: {  	[tilespmem:$0x179A0] =	vst v63;
	v63 =	vld [tilespmem:$0x1EFE0];
	_ =	sdelay $0x4  }
0xbd8: {  	[tilespmem:$0x179B0] =	vst v63;
	v63 =	vld [tilespmem:$0x1EFF0];
	_ =	sdelay $0x4  }
0xbd9: {  	[tilespmem:$0x17A00] =	vst v63;
	v63 =	vld [tilespmem:$0x1F000];
	_ =	sdelay $0x4  }
0xbda: {  	[tilespmem:$0x17A10] =	vst v63;
	v63 =	vld [tilespmem:$0x1F010];
	_ =	sdelay $0x4  }
0xbdb: {  	[tilespmem:$0x17A20] =	vst v63;
	v63 =	vld [tilespmem:$0x1F020];
	_ =	sdelay $0x4  }
0xbdc: {  	[tilespmem:$0x17A30] =	vst v63;
	v63 =	vld [tilespmem:$0x1F030];
	_ =	sdelay $0x4  }
0xbdd: {  	[tilespmem:$0x17A80] =	vst v63;
	v63 =	vld [tilespmem:$0x1F040];
	_ =	sdelay $0x4  }
0xbde: {  	[tilespmem:$0x17A90] =	vst v63;
	v63 =	vld [tilespmem:$0x1F050];
	_ =	sdelay $0x4  }
0xbdf: {  	[tilespmem:$0x17AA0] =	vst v63;
	v63 =	vld [tilespmem:$0x1F060];
	_ =	sdelay $0x4  }
0xbe0: {  	[tilespmem:$0x17AB0] =	vst v63;
	v63 =	vld [tilespmem:$0x1F070];
	_ =	sdelay $0x4  }
0xbe1: {  	[tilespmem:$0x17B00] =	vst v63;
	v63 =	vld [tilespmem:$0x1F080];
	_ =	sdelay $0x4  }
0xbe2: {  	[tilespmem:$0x17B10] =	vst v63;
	v63 =	vld [tilespmem:$0x1F090];
	_ =	sdelay $0x4  }
0xbe3: {  	[tilespmem:$0x17B20] =	vst v63;
	v63 =	vld [tilespmem:$0x1F0A0];
	_ =	sdelay $0x4  }
0xbe4: {  	[tilespmem:$0x17B30] =	vst v63;
	v63 =	vld [tilespmem:$0x1F0B0];
	_ =	sdelay $0x4  }
0xbe5: {  	[tilespmem:$0x17B80] =	vst v63;
	v63 =	vld [tilespmem:$0x1F0C0];
	_ =	sdelay $0x4  }
0xbe6: {  	[tilespmem:$0x17B90] =	vst v63;
	v63 =	vld [tilespmem:$0x1F0D0];
	_ =	sdelay $0x4  }
0xbe7: {  	[tilespmem:$0x17BA0] =	vst v63;
	v63 =	vld [tilespmem:$0x1F0E0];
	_ =	sdelay $0x4  }
0xbe8: {  	[tilespmem:$0x17BB0] =	vst v63;
	v63 =	vld [tilespmem:$0x1F0F0];
	_ =	sdelay $0x4  }
0xbe9: {  	[tilespmem:$0x17C00] =	vst v63;
	v63 =	vld [tilespmem:$0x1F100];
	_ =	sdelay $0x4  }
0xbea: {  	[tilespmem:$0x17C10] =	vst v63;
	v63 =	vld [tilespmem:$0x1F110];
	_ =	sdelay $0x4  }
0xbeb: {  	[tilespmem:$0x17C20] =	vst v63;
	v63 =	vld [tilespmem:$0x1F120];
	_ =	sdelay $0x4  }
0xbec: {  	[tilespmem:$0x17C30] =	vst v63;
	v63 =	vld [tilespmem:$0x1F130];
	_ =	sdelay $0x4  }
0xbed: {  	[tilespmem:$0x17C80] =	vst v63;
	v63 =	vld [tilespmem:$0x1F140];
	_ =	sdelay $0x4  }
0xbee: {  	[tilespmem:$0x17C90] =	vst v63;
	v63 =	vld [tilespmem:$0x1F150];
	_ =	sdelay $0x4  }
0xbef: {  	[tilespmem:$0x17CA0] =	vst v63;
	v63 =	vld [tilespmem:$0x1F160];
	_ =	sdelay $0x4  }
0xbf0: {  	[tilespmem:$0x17CB0] =	vst v63;
	v63 =	vld [tilespmem:$0x1F170];
	_ =	sdelay $0x4  }
0xbf1: {  	[tilespmem:$0x17D00] =	vst v63;
	v63 =	vld [tilespmem:$0x1F180];
	_ =	sdelay $0x4  }
0xbf2: {  	[tilespmem:$0x17D10] =	vst v63;
	v63 =	vld [tilespmem:$0x1F190];
	_ =	sdelay $0x4  }
0xbf3: {  	[tilespmem:$0x17D20] =	vst v63;
	v63 =	vld [tilespmem:$0x1F1A0];
	_ =	sdelay $0x4  }
0xbf4: {  	[tilespmem:$0x17D30] =	vst v63;
	v63 =	vld [tilespmem:$0x1F1B0];
	_ =	sdelay $0x4  }
0xbf5: {  	[tilespmem:$0x17D80] =	vst v63;
	v63 =	vld [tilespmem:$0x1F1C0];
	_ =	sdelay $0x4  }
0xbf6: {  	[tilespmem:$0x17D90] =	vst v63;
	v63 =	vld [tilespmem:$0x1F1D0];
	_ =	sdelay $0x4  }
0xbf7: {  	[tilespmem:$0x17DA0] =	vst v63;
	v63 =	vld [tilespmem:$0x1F1E0];
	_ =	sdelay $0x4  }
0xbf8: {  	[tilespmem:$0x17DB0] =	vst v63;
	v63 =	vld [tilespmem:$0x1F1F0];
	_ =	sdelay $0x4  }
0xbf9: {  	[tilespmem:$0x17E00] =	vst v63;
	v63 =	vld [tilespmem:$0x1F200];
	_ =	sdelay $0x4  }
0xbfa: {  	[tilespmem:$0x17E10] =	vst v63;
	v63 =	vld [tilespmem:$0x1F210];
	_ =	sdelay $0x4  }
0xbfb: {  	[tilespmem:$0x17E20] =	vst v63;
	v63 =	vld [tilespmem:$0x1F220];
	_ =	sdelay $0x4  }
0xbfc: {  	[tilespmem:$0x17E30] =	vst v63;
	v63 =	vld [tilespmem:$0x1F230];
	_ =	sdelay $0x4  }
0xbfd: {  	[tilespmem:$0x17E80] =	vst v63;
	v63 =	vld [tilespmem:$0x1F240];
	_ =	sdelay $0x1  }
0xbfe: {  	v27 =	vld [tilespmem:$0xCE80]  }
0xbff: {  	v0 =	vld [tilespmem:$0x1E440]  }
0xc00: {  	v26 =	vld [tilespmem:$0xCE90]  }
0xc01: {  	[tilespmem:$0x17E90] =	vst v63;
	v63 =	vld [tilespmem:$0x1F250]  }
0xc02: {  	v11 =	vld [tilespmem:$0x1E450]  }
0xc03: {  	v25 =	vld [tilespmem:$0xCEA0]  }
0xc04: {  	v12 =	vld [tilespmem:$0x1E460]  }
0xc05: {  	v24 =	vld [tilespmem:$0xCEB0]  }
0xc06: {  	[tilespmem:$0x17EA0] =	vst v63;
	v63 =	vld [tilespmem:$0x1F260]  }
0xc07: {  	v13 =	vld [tilespmem:$0x1E470]  }
0xc08: {  	v23 =	vld [tilespmem:$0xCF00]  }
0xc09: {  	v14 =	vld [tilespmem:$0x1E480]  }
0xc0a: {  	v22 =	vld [tilespmem:$0xCF10]  }
0xc0b: {  	[tilespmem:$0x17EB0] =	vst v63;
	v63 =	vld [tilespmem:$0x1F270]  }
0xc0c: {  	v15 =	vld [tilespmem:$0x1E490]  }
0xc0d: {  	v21 =	vld [tilespmem:$0xCF20]  }
0xc0e: {  	v16 =	vld [tilespmem:$0x1E4A0]  }
0xc0f: {  	v20 =	vld [tilespmem:$0xCF30]  }
0xc10: {  	[tilespmem:$0x17F00] =	vst v63;
	v63 =	vld [tilespmem:$0x1F280]  }
0xc11: {  	v17 =	vld [tilespmem:$0x1E4B0]  }
0xc12: {  	v19 =	vld [tilespmem:$0xCF80]  }
0xc13: {  	v18 =	vld [tilespmem:$0x1E4C0]  }
0xc14: {  	v4 =	vld [tilespmem:$0x1E4E0]  }
0xc15: {  	[tilespmem:$0x17F10] =	vst v63;
	v63 =	vld [tilespmem:$0x1F290]  }
0xc16: {  	v5 =	vld [tilespmem:$0x1E4F0]  }
0xc17: {  	v6 =	vld [tilespmem:$0x1E500]  }
0xc18: {  	v7 =	vld [tilespmem:$0x1E510]  }
0xc19: {  	v8 =	vld [tilespmem:$0x1E520]  }
0xc1a: {  	[tilespmem:$0x17F20] =	vst v63;
	v63 =	vld [tilespmem:$0x1F2A0]  }
0xc1b: {  	v9 =	vld [tilespmem:$0x1E530]  }
0xc1c: {  	v10 =	vld [tilespmem:$0x1E540]  }
0xc1d: {  	v3 =	vld [tilespmem:$0xD180]  }
0xc1e: {  	v2 =	vld [tilespmem:$0xD190]  }
0xc1f: {  	[tilespmem:$0x17F30] =	vst v63;
	v63 =	vld [tilespmem:$0x1F2B0]  }
0xc20: {  	v1 =	vld [tilespmem:$0xD1A0];
	[tilespmem:$0x14E00] =	vst v0  }
0xc21: {  	[tilespmem:$0x14C00] =	vst v18;
	v18 =	vld [tilespmem:$0xCF90]  }
0xc22: {  	[tilespmem:$0x14C20] =	vst v17;
	v17 =	vld [tilespmem:$0xCFA0]  }
0xc23: {  	[tilespmem:$0x14C80] =	vst v16;
	v16 =	vld [tilespmem:$0xCFB0]  }
0xc24: {  	[tilespmem:$0x17F80] =	vst v63;
	v63 =	vld [tilespmem:$0x1F2C0]  }
0xc25: {  	[tilespmem:$0x14CA0] =	vst v15;
	v15 =	vld [tilespmem:$0xD000]  }
0xc26: {  	[tilespmem:$0x14D00] =	vst v14;
	v14 =	vld [tilespmem:$0xD010]  }
0xc27: {  	[tilespmem:$0x14D20] =	vst v13;
	v13 =	vld [tilespmem:$0xD020]  }
0xc28: {  	[tilespmem:$0x14D80] =	vst v12;
	v12 =	vld [tilespmem:$0xD030]  }
0xc29: {  	[tilespmem:$0x17F90] =	vst v63;
	v63 =	vld [tilespmem:$0x1F2D0]  }
0xc2a: {  	[tilespmem:$0x14DA0] =	vst v11;
	v11 =	vld [tilespmem:$0xD080]  }
0xc2b: {  	[tilespmem:$0x14A00] =	vst v10;
	v10 =	vld [tilespmem:$0xD090]  }
0xc2c: {  	[tilespmem:$0x14A20] =	vst v9;
	v9 =	vld [tilespmem:$0xD0A0]  }
0xc2d: {  	[tilespmem:$0x14B80] =	vst v4;
	v4 =	vld [tilespmem:$0x1E560]  }
0xc2e: {  	[tilespmem:$0x17FA0] =	vst v63;
	v63 =	vld [tilespmem:$0x1F2E0]  }
0xc2f: {  	[tilespmem:$0x14A80] =	vst v8;
	v8 =	vld [tilespmem:$0xD0B0]  }
0xc30: {  	[tilespmem:$0x14B20] =	vst v5;
	v5 =	vld [tilespmem:$0x1E570]  }
0xc31: {  	[tilespmem:$0x14B00] =	vst v6;
	v6 =	vld [tilespmem:$0x1E580]  }
0xc32: {  	[tilespmem:$0x14980] =	vst v4;
	v4 =	vld [tilespmem:$0x1E5A0]  }
0xc33: {  	[tilespmem:$0x17FB0] =	vst v63;
	v63 =	vld [tilespmem:$0x1F2F0]  }
0xc34: {  	[tilespmem:$0x14AA0] =	vst v7;
	v0 =	vld [tilespmem:$0xD1B0]  }
0xc35: {  	v7 =	vld [tilespmem:$0xD100];
	[tilespmem:$0x14920] =	vst v5  }
0xc36: {  	[tilespmem:$0x14900] =	vst v6;
	v6 =	vld [tilespmem:$0xD110]  }
0xc37: {  	v5 =	vld [tilespmem:$0xD120];
	[tilespmem:$0x14880] =	vst v4  }
0xc38: {  	v4 =	vld [tilespmem:$0xD130];
	[tilespmem:$0x18000] =	vst v63  }
0xc39: {  	[tilespmem:$0x1A1B0] =	vst v0  }
0xc3a: {  	[tilespmem:$0x1A1A0] =	vst v1  }
0xc3b: {  	[tilespmem:$0x1A190] =	vst v2  }
0xc3c: {  	[tilespmem:$0x1A180] =	vst v3  }
0xc3d: {  	[tilespmem:$0x1A130] =	vst v4  }
0xc3e: {  	[tilespmem:$0x1A120] =	vst v5  }
0xc3f: {  	[tilespmem:$0x1A110] =	vst v6  }
0xc40: {  	[tilespmem:$0x1A100] =	vst v7  }
0xc41: {  	[tilespmem:$0x1A0B0] =	vst v8  }
0xc42: {  	[tilespmem:$0x1A0A0] =	vst v9  }
0xc43: {  	[tilespmem:$0x1A090] =	vst v10  }
0xc44: {  	[tilespmem:$0x1A080] =	vst v11  }
0xc45: {  	[tilespmem:$0x1A030] =	vst v12  }
0xc46: {  	[tilespmem:$0x1A020] =	vst v13  }
0xc47: {  	[tilespmem:$0x1A010] =	vst v14  }
0xc48: {  	[tilespmem:$0x1A000] =	vst v15;
	v63 =	vld [tilespmem:$0x1F300]  }
0xc49: {  	[tilespmem:$0x19FB0] =	vst v16  }
0xc4a: {  	[tilespmem:$0x19FA0] =	vst v17  }
0xc4b: {  	[tilespmem:$0x19F90] =	vst v18  }
0xc4c: {  	[tilespmem:$0x19F80] =	vst v19  }
0xc4d: {  	[tilespmem:$0x18010] =	vst v63;
	v63 =	vld [tilespmem:$0x1F310]  }
0xc4e: {  	[tilespmem:$0x19F30] =	vst v20  }
0xc4f: {  	[tilespmem:$0x19F20] =	vst v21  }
0xc50: {  	[tilespmem:$0x19F10] =	vst v22  }
0xc51: {  	[tilespmem:$0x19F00] =	vst v23  }
0xc52: {  	[tilespmem:$0x18020] =	vst v63;
	v63 =	vld [tilespmem:$0x1F320]  }
0xc53: {  	[tilespmem:$0x19EB0] =	vst v24  }
0xc54: {  	[tilespmem:$0x19EA0] =	vst v25  }
0xc55: {  	[tilespmem:$0x19E90] =	vst v26  }
0xc56: {  	[tilespmem:$0x19E80] =	vst v27  }
0xc57: {  	[tilespmem:$0x18030] =	vst v63;
	v63 =	vld [tilespmem:$0x1F330]  }
0xc58: {  	[tilespmem:$0x19E30] =	vst v28  }
0xc59: {  	[tilespmem:$0x19E20] =	vst v29  }
0xc5a: {  	[tilespmem:$0x19E10] =	vst v30  }
0xc5b: {  	[tilespmem:$0x19E00] =	vst v31  }
0xc5c: {  	[tilespmem:$0x18080] =	vst v63;
	v63 =	vld [tilespmem:$0x1F340]  }
0xc5d: {  	[tilespmem:$0x19DB0] =	vst v32  }
0xc5e: {  	[tilespmem:$0x19DA0] =	vst v33  }
0xc5f: {  	[tilespmem:$0x19D90] =	vst v34  }
0xc60: {  	[tilespmem:$0x19D80] =	vst v35  }
0xc61: {  	[tilespmem:$0x18090] =	vst v63;
	v63 =	vld [tilespmem:$0x1F350]  }
0xc62: {  	[tilespmem:$0x19D30] =	vst v36  }
0xc63: {  	[tilespmem:$0x19D20] =	vst v37  }
0xc64: {  	[tilespmem:$0x19D10] =	vst v38  }
0xc65: {  	[tilespmem:$0x19D00] =	vst v39  }
0xc66: {  	[tilespmem:$0x180A0] =	vst v63;
	v63 =	vld [tilespmem:$0x1F360]  }
0xc67: {  	[tilespmem:$0x19CB0] =	vst v40  }
0xc68: {  	[tilespmem:$0x19CA0] =	vst v41  }
0xc69: {  	[tilespmem:$0x19C90] =	vst v42  }
0xc6a: {  	[tilespmem:$0x19C80] =	vst v43  }
0xc6b: {  	[tilespmem:$0x180B0] =	vst v63;
	v63 =	vld [tilespmem:$0x1F370]  }
0xc6c: {  	[tilespmem:$0x19C30] =	vst v44  }
0xc6d: {  	[tilespmem:$0x19C20] =	vst v45  }
0xc6e: {  	[tilespmem:$0x19C10] =	vst v46  }
0xc6f: {  	[tilespmem:$0x19C00] =	vst v47  }
0xc70: {  	[tilespmem:$0x18100] =	vst v63;
	v63 =	vld [tilespmem:$0x1F380]  }
0xc71: {  	[tilespmem:$0x19BB0] =	vst v48  }
0xc72: {  	[tilespmem:$0x19BA0] =	vst v49  }
0xc73: {  	[tilespmem:$0x19B90] =	vst v50  }
0xc74: {  	[tilespmem:$0x19B80] =	vst v51  }
0xc75: {  	[tilespmem:$0x18110] =	vst v63;
	v63 =	vld [tilespmem:$0x1F390]  }
0xc76: {  	[tilespmem:$0x19B30] =	vst v52  }
0xc77: {  	[tilespmem:$0x19B20] =	vst v53  }
0xc78: {  	[tilespmem:$0x19B10] =	vst v54  }
0xc79: {  	[tilespmem:$0x19B00] =	vst v55  }
0xc7a: {  	[tilespmem:$0x18120] =	vst v63;
	v63 =	vld [tilespmem:$0x1F3A0]  }
0xc7b: {  	[tilespmem:$0x19AB0] =	vst v56  }
0xc7c: {  	[tilespmem:$0x19AA0] =	vst v57  }
0xc7d: {  	[tilespmem:$0x19A90] =	vst v58  }
0xc7e: {  	[tilespmem:$0x19A80] =	vst v59;
	v24 =	vld [tilespmem:$0x1F600]  }
0xc7f: {  	[tilespmem:$0x18130] =	vst v63;
	v63 =	vld [tilespmem:$0x1F3B0]  }
0xc80: {  	[tilespmem:$0x19A30] =	vst v60;
	v25 =	vld [tilespmem:$0x1F610]  }
0xc81: {  	[tilespmem:$0x19A20] =	vst v61;
	v26 =	vld [tilespmem:$0x1F620]  }
0xc82: {  	[tilespmem:$0x19A10] =	vst v62;
	v27 =	vld [tilespmem:$0x1F630]  }
0xc83: {  	v28 =	vld [tilespmem:$0x1F640];
	[tilespmem:$0x19A00] =	vst v24  }
0xc84: {  	[tilespmem:$0x18180] =	vst v63;
	v63 =	vld [tilespmem:$0x1F3C0]  }
0xc85: {  	v29 =	vld [tilespmem:$0x1F650];
	[tilespmem:$0x199B0] =	vst v25  }
0xc86: {  	v30 =	vld [tilespmem:$0x1F660];
	[tilespmem:$0x199A0] =	vst v26  }
0xc87: {  	v31 =	vld [tilespmem:$0x1F670];
	[tilespmem:$0x19990] =	vst v27  }
0xc88: {  	v32 =	vld [tilespmem:$0x1F680];
	[tilespmem:$0x19980] =	vst v28  }
0xc89: {  	[tilespmem:$0x18190] =	vst v63;
	v63 =	vld [tilespmem:$0x1F3D0]  }
0xc8a: {  	v33 =	vld [tilespmem:$0x1F690];
	[tilespmem:$0x19930] =	vst v29  }
0xc8b: {  	v34 =	vld [tilespmem:$0x1F6A0];
	[tilespmem:$0x19920] =	vst v30  }
0xc8c: {  	v35 =	vld [tilespmem:$0x1F6B0];
	[tilespmem:$0x19910] =	vst v31  }
0xc8d: {  	v36 =	vld [tilespmem:$0x1F6C0];
	[tilespmem:$0x19900] =	vst v32  }
0xc8e: {  	[tilespmem:$0x181A0] =	vst v63;
	v63 =	vld [tilespmem:$0x1F3E0]  }
0xc8f: {  	v37 =	vld [tilespmem:$0x1F6D0];
	[tilespmem:$0x198B0] =	vst v33  }
0xc90: {  	v38 =	vld [tilespmem:$0x1F6E0];
	[tilespmem:$0x198A0] =	vst v34  }
0xc91: {  	v39 =	vld [tilespmem:$0x1F6F0];
	[tilespmem:$0x19890] =	vst v35  }
0xc92: {  	v40 =	vld [tilespmem:$0x1F700];
	[tilespmem:$0x19880] =	vst v36  }
0xc93: {  	[tilespmem:$0x181B0] =	vst v63;
	v63 =	vld [tilespmem:$0x1F3F0]  }
0xc94: {  	v41 =	vld [tilespmem:$0x1F710];
	[tilespmem:$0x19830] =	vst v37  }
0xc95: {  	v42 =	vld [tilespmem:$0x1F720];
	[tilespmem:$0x19820] =	vst v38  }
0xc96: {  	v43 =	vld [tilespmem:$0x1F730];
	[tilespmem:$0x19810] =	vst v39  }
0xc97: {  	v44 =	vld [tilespmem:$0x1F740];
	[tilespmem:$0x19800] =	vst v40  }
0xc98: {  	[tilespmem:$0x18200] =	vst v63;
	v63 =	vld [tilespmem:$0x1F400]  }
0xc99: {  	v45 =	vld [tilespmem:$0x1F750];
	[tilespmem:$0x197B0] =	vst v41  }
0xc9a: {  	v46 =	vld [tilespmem:$0x1F760];
	[tilespmem:$0x197A0] =	vst v42  }
0xc9b: {  	v47 =	vld [tilespmem:$0x1F770];
	[tilespmem:$0x19790] =	vst v43  }
0xc9c: {  	v48 =	vld [tilespmem:$0x1F780];
	[tilespmem:$0x19780] =	vst v44  }
0xc9d: {  	[tilespmem:$0x18210] =	vst v63;
	v63 =	vld [tilespmem:$0x1F410]  }
0xc9e: {  	v49 =	vld [tilespmem:$0x1F790];
	[tilespmem:$0x19730] =	vst v45  }
0xc9f: {  	v50 =	vld [tilespmem:$0x1F7A0];
	[tilespmem:$0x19720] =	vst v46  }
0xca0: {  	v51 =	vld [tilespmem:$0x1F7B0];
	[tilespmem:$0x19710] =	vst v47  }
0xca1: {  	v52 =	vld [tilespmem:$0x1F7C0];
	[tilespmem:$0x19700] =	vst v48  }
0xca2: {  	[tilespmem:$0x18220] =	vst v63;
	v63 =	vld [tilespmem:$0x1F420]  }
0xca3: {  	v53 =	vld [tilespmem:$0x1F7D0];
	[tilespmem:$0x196B0] =	vst v49  }
0xca4: {  	v54 =	vld [tilespmem:$0x1F7E0];
	[tilespmem:$0x196A0] =	vst v50  }
0xca5: {  	v55 =	vld [tilespmem:$0x1F7F0];
	[tilespmem:$0x19690] =	vst v51  }
0xca6: {  	v56 =	vld [tilespmem:$0x1F800];
	[tilespmem:$0x19680] =	vst v52  }
0xca7: {  	[tilespmem:$0x18230] =	vst v63;
	v63 =	vld [tilespmem:$0x1F430]  }
0xca8: {  	v57 =	vld [tilespmem:$0x1F810];
	[tilespmem:$0x19630] =	vst v53  }
0xca9: {  	v58 =	vld [tilespmem:$0x1F820];
	[tilespmem:$0x19620] =	vst v54  }
0xcaa: {  	v59 =	vld [tilespmem:$0x1F830];
	[tilespmem:$0x19610] =	vst v55  }
0xcab: {  	v60 =	vld [tilespmem:$0x1F840];
	[tilespmem:$0x19600] =	vst v56  }
0xcac: {  	[tilespmem:$0x18280] =	vst v63;
	v63 =	vld [tilespmem:$0x1F440]  }
0xcad: {  	v61 =	vld [tilespmem:$0x1F850];
	[tilespmem:$0x195B0] =	vst v57  }
0xcae: {  	v62 =	vld [tilespmem:$0x1F860];
	[tilespmem:$0x195A0] =	vst v58  }
0xcaf: {  	v4 =	vld [tilespmem:$0x1F880];
	[tilespmem:$0x19590] =	vst v59  }
0xcb0: {  	v5 =	vld [tilespmem:$0x1F890];
	[tilespmem:$0x19580] =	vst v60  }
0xcb1: {  	[tilespmem:$0x18290] =	vst v63;
	v63 =	vld [tilespmem:$0x1F450]  }
0xcb2: {  	v6 =	vld [tilespmem:$0x1F8A0];
	[tilespmem:$0x19530] =	vst v61  }
0xcb3: {  	v7 =	vld [tilespmem:$0x1F8B0];
	[tilespmem:$0x19520] =	vst v62  }
0xcb4: {  	v8 =	vld [tilespmem:$0x1F8C0];
	[tilespmem:$0x19500] =	vst v4  }
0xcb5: {  	v9 =	vld [tilespmem:$0x1F8D0];
	[tilespmem:$0x194B0] =	vst v5  }
0xcb6: {  	[tilespmem:$0x182A0] =	vst v63;
	v63 =	vld [tilespmem:$0x1F460]  }
0xcb7: {  	v10 =	vld [tilespmem:$0x1F8E0];
	[tilespmem:$0x194A0] =	vst v6  }
0xcb8: {  	v11 =	vld [tilespmem:$0x1F8F0];
	[tilespmem:$0x19490] =	vst v7  }
0xcb9: {  	v12 =	vld [tilespmem:$0x1F900];
	[tilespmem:$0x19480] =	vst v8  }
0xcba: {  	v13 =	vld [tilespmem:$0x1F910];
	[tilespmem:$0x19430] =	vst v9  }
0xcbb: {  	[tilespmem:$0x182B0] =	vst v63;
	v63 =	vld [tilespmem:$0x1F470]  }
0xcbc: {  	v14 =	vld [tilespmem:$0x1F920];
	[tilespmem:$0x19420] =	vst v10  }
0xcbd: {  	v15 =	vld [tilespmem:$0x1F930];
	[tilespmem:$0x19410] =	vst v11  }
0xcbe: {  	v16 =	vld [tilespmem:$0x1F940];
	[tilespmem:$0x19400] =	vst v12  }
0xcbf: {  	v17 =	vld [tilespmem:$0x1F950];
	[tilespmem:$0x193B0] =	vst v13  }
0xcc0: {  	[tilespmem:$0x18300] =	vst v63;
	v63 =	vld [tilespmem:$0x1F480]  }
0xcc1: {  	v18 =	vld [tilespmem:$0x1F960];
	[tilespmem:$0x193A0] =	vst v14  }
0xcc2: {  	v19 =	vld [tilespmem:$0x1F970];
	[tilespmem:$0x19390] =	vst v15  }
0xcc3: {  	v20 =	vld [tilespmem:$0x1F980];
	[tilespmem:$0x19380] =	vst v16  }
0xcc4: {  	v21 =	vld [tilespmem:$0x1F990];
	[tilespmem:$0x19330] =	vst v17  }
0xcc5: {  	[tilespmem:$0x18310] =	vst v63;
	v63 =	vld [tilespmem:$0x1F490]  }
0xcc6: {  	v22 =	vld [tilespmem:$0x1F9A0];
	[tilespmem:$0x19320] =	vst v18  }
0xcc7: {  	v23 =	vld [tilespmem:$0x1F9B0];
	[tilespmem:$0x19310] =	vst v19  }
0xcc8: {  	[tilespmem:$0x19300] =	vst v20;
	v24 =	vld [tilespmem:$0x1F9C0]  }
0xcc9: {  	[tilespmem:$0x192B0] =	vst v21;
	v25 =	vld [tilespmem:$0x1F9D0]  }
0xcca: {  	[tilespmem:$0x18320] =	vst v63;
	v63 =	vld [tilespmem:$0x1F4A0]  }
0xccb: {  	[tilespmem:$0x192A0] =	vst v22;
	v26 =	vld [tilespmem:$0x1F9E0]  }
0xccc: {  	[tilespmem:$0x19290] =	vst v23;
	v27 =	vld [tilespmem:$0x1F9F0]  }
0xccd: {  	v28 =	vld [tilespmem:$0x1FA00];
	[tilespmem:$0x19280] =	vst v24  }
0xcce: {  	v29 =	vld [tilespmem:$0x1FA10];
	[tilespmem:$0x19230] =	vst v25  }
0xccf: {  	[tilespmem:$0x18330] =	vst v63;
	v63 =	vld [tilespmem:$0x1F4B0]  }
0xcd0: {  	v30 =	vld [tilespmem:$0x1FA20];
	[tilespmem:$0x19220] =	vst v26  }
0xcd1: {  	v31 =	vld [tilespmem:$0x1FA30];
	[tilespmem:$0x19210] =	vst v27  }
0xcd2: {  	v32 =	vld [tilespmem:$0x1FA40];
	[tilespmem:$0x19200] =	vst v28  }
0xcd3: {  	v33 =	vld [tilespmem:$0x1FA50];
	[tilespmem:$0x191B0] =	vst v29  }
0xcd4: {  	[tilespmem:$0x18380] =	vst v63;
	v63 =	vld [tilespmem:$0x1F4C0]  }
0xcd5: {  	v34 =	vld [tilespmem:$0x1FA60];
	[tilespmem:$0x191A0] =	vst v30  }
0xcd6: {  	v35 =	vld [tilespmem:$0x1FA70];
	[tilespmem:$0x19190] =	vst v31  }
0xcd7: {  	v36 =	vld [tilespmem:$0x1FA80];
	[tilespmem:$0x19180] =	vst v32  }
0xcd8: {  	v37 =	vld [tilespmem:$0x1FA90];
	[tilespmem:$0x19130] =	vst v33  }
0xcd9: {  	[tilespmem:$0x18390] =	vst v63;
	v63 =	vld [tilespmem:$0x1F4D0]  }
0xcda: {  	v38 =	vld [tilespmem:$0x1FAA0];
	[tilespmem:$0x19120] =	vst v34  }
0xcdb: {  	v39 =	vld [tilespmem:$0x1FAB0];
	[tilespmem:$0x19110] =	vst v35  }
0xcdc: {  	v40 =	vld [tilespmem:$0x1FAC0];
	[tilespmem:$0x19100] =	vst v36  }
0xcdd: {  	v41 =	vld [tilespmem:$0x1FAD0];
	[tilespmem:$0x190B0] =	vst v37  }
0xcde: {  	[tilespmem:$0x183A0] =	vst v63;
	v63 =	vld [tilespmem:$0x1F4E0]  }
0xcdf: {  	v42 =	vld [tilespmem:$0x1FAE0];
	[tilespmem:$0x190A0] =	vst v38  }
0xce0: {  	v43 =	vld [tilespmem:$0x1FAF0];
	[tilespmem:$0x19090] =	vst v39  }
0xce1: {  	v44 =	vld [tilespmem:$0x1FB00];
	[tilespmem:$0x19080] =	vst v40  }
0xce2: {  	v45 =	vld [tilespmem:$0x1FB10];
	[tilespmem:$0x19030] =	vst v41  }
0xce3: {  	[tilespmem:$0x183B0] =	vst v63;
	v63 =	vld [tilespmem:$0x1F4F0]  }
0xce4: {  	v46 =	vld [tilespmem:$0x1FB20];
	[tilespmem:$0x19020] =	vst v42  }
0xce5: {  	v47 =	vld [tilespmem:$0x1FB30];
	[tilespmem:$0x19010] =	vst v43  }
0xce6: {  	v48 =	vld [tilespmem:$0x1FB40];
	[tilespmem:$0x19000] =	vst v44  }
0xce7: {  	v49 =	vld [tilespmem:$0x1FB50];
	[tilespmem:$0x18FB0] =	vst v45  }
0xce8: {  	[tilespmem:$0x18400] =	vst v63;
	v63 =	vld [tilespmem:$0x1F500]  }
0xce9: {  	v50 =	vld [tilespmem:$0x1FB60];
	[tilespmem:$0x18FA0] =	vst v46  }
0xcea: {  	v51 =	vld [tilespmem:$0x1FB70];
	[tilespmem:$0x18F90] =	vst v47  }
0xceb: {  	v52 =	vld [tilespmem:$0x1FB80];
	[tilespmem:$0x18F80] =	vst v48  }
0xcec: {  	v53 =	vld [tilespmem:$0x1FB90];
	[tilespmem:$0x18F30] =	vst v49  }
0xced: {  	[tilespmem:$0x18410] =	vst v63;
	v63 =	vld [tilespmem:$0x1F510]  }
0xcee: {  	v54 =	vld [tilespmem:$0x1FBA0];
	[tilespmem:$0x18F20] =	vst v50  }
0xcef: {  	v55 =	vld [tilespmem:$0x1FBB0];
	[tilespmem:$0x18F10] =	vst v51  }
0xcf0: {  	v56 =	vld [tilespmem:$0x1FBC0];
	[tilespmem:$0x18F00] =	vst v52  }
0xcf1: {  	v57 =	vld [tilespmem:$0x1FBD0];
	[tilespmem:$0x18EB0] =	vst v53  }
0xcf2: {  	[tilespmem:$0x18420] =	vst v63;
	v63 =	vld [tilespmem:$0x1F520]  }
0xcf3: {  	v58 =	vld [tilespmem:$0x1FBE0];
	[tilespmem:$0x18EA0] =	vst v54  }
0xcf4: {  	v59 =	vld [tilespmem:$0x1FBF0];
	[tilespmem:$0x18E90] =	vst v55  }
0xcf5: {  	v60 =	vld [tilespmem:$0x1FC00];
	[tilespmem:$0x18E80] =	vst v56  }
0xcf6: {  	v61 =	vld [tilespmem:$0x1FC10];
	[tilespmem:$0x18E30] =	vst v57  }
0xcf7: {  	[tilespmem:$0x18430] =	vst v63;
	v63 =	vld [tilespmem:$0x1F530]  }
0xcf8: {  	v62 =	vld [tilespmem:$0x1FC20];
	[tilespmem:$0x18E20] =	vst v58  }
0xcf9: {  	v4 =	vld [tilespmem:$0x1FC40];
	[tilespmem:$0x18E10] =	vst v59  }
0xcfa: {  	v5 =	vld [tilespmem:$0x1FC50];
	[tilespmem:$0x18E00] =	vst v60  }
0xcfb: {  	v6 =	vld [tilespmem:$0x1FC60];
	[tilespmem:$0x18DB0] =	vst v61  }
0xcfc: {  	[tilespmem:$0x18480] =	vst v63;
	v63 =	vld [tilespmem:$0x1F540]  }
0xcfd: {  	v7 =	vld [tilespmem:$0x1FC70];
	[tilespmem:$0x18DA0] =	vst v62  }
0xcfe: {  	v8 =	vld [tilespmem:$0x1FC80];
	[tilespmem:$0x18D80] =	vst v4  }
0xcff: {  	v9 =	vld [tilespmem:$0x1FC90];
	[tilespmem:$0x18D30] =	vst v5  }
0xd00: {  	v10 =	vld [tilespmem:$0x1FCA0];
	[tilespmem:$0x18D20] =	vst v6  }
0xd01: {  	[tilespmem:$0x18490] =	vst v63;
	v63 =	vld [tilespmem:$0x1F550]  }
0xd02: {  	v11 =	vld [tilespmem:$0x1FCB0];
	[tilespmem:$0x18D10] =	vst v7  }
0xd03: {  	v12 =	vld [tilespmem:$0x1FCC0];
	[tilespmem:$0x18D00] =	vst v8  }
0xd04: {  	v13 =	vld [tilespmem:$0x1FCD0];
	[tilespmem:$0x18CB0] =	vst v9  }
0xd05: {  	v14 =	vld [tilespmem:$0x1FCE0];
	[tilespmem:$0x18CA0] =	vst v10  }
0xd06: {  	[tilespmem:$0x184A0] =	vst v63;
	v63 =	vld [tilespmem:$0x1F560]  }
0xd07: {  	v15 =	vld [tilespmem:$0x1FCF0];
	[tilespmem:$0x18C90] =	vst v11  }
0xd08: {  	v16 =	vld [tilespmem:$0x1FD00];
	[tilespmem:$0x18C80] =	vst v12  }
0xd09: {  	v17 =	vld [tilespmem:$0x1FD10];
	[tilespmem:$0x18C30] =	vst v13  }
0xd0a: {  	v18 =	vld [tilespmem:$0x1FD20];
	[tilespmem:$0x18C20] =	vst v14  }
0xd0b: {  	[tilespmem:$0x184B0] =	vst v63;
	v63 =	vld [tilespmem:$0x1F570]  }
0xd0c: {  	v19 =	vld [tilespmem:$0x1FD30];
	[tilespmem:$0x18C10] =	vst v15  }
0xd0d: {  	v20 =	vld [tilespmem:$0x1FD40];
	[tilespmem:$0x18C00] =	vst v16  }
0xd0e: {  	v21 =	vld [tilespmem:$0x1FD50];
	[tilespmem:$0x18BB0] =	vst v17  }
0xd0f: {  	v22 =	vld [tilespmem:$0x1FD60];
	[tilespmem:$0x18BA0] =	vst v18  }
0xd10: {  	[tilespmem:$0x18500] =	vst v63;
	v63 =	vld [tilespmem:$0x1F580]  }
0xd11: {  	v23 =	vld [tilespmem:$0x1FD70];
	[tilespmem:$0x18B90] =	vst v19  }
0xd12: {  	[tilespmem:$0x18B80] =	vst v20;
	v24 =	vld [tilespmem:$0x1FD80]  }
0xd13: {  	[tilespmem:$0x18B30] =	vst v21;
	v25 =	vld [tilespmem:$0x1FD90]  }
0xd14: {  	[tilespmem:$0x18B20] =	vst v22;
	v26 =	vld [tilespmem:$0x1FDA0]  }
0xd15: {  	[tilespmem:$0x18510] =	vst v63;
	v63 =	vld [tilespmem:$0x1F590]  }
0xd16: {  	[tilespmem:$0x18B10] =	vst v23;
	v27 =	vld [tilespmem:$0x1FDB0]  }
0xd17: {  	v28 =	vld [tilespmem:$0x1FDC0];
	[tilespmem:$0x18B00] =	vst v24  }
0xd18: {  	v29 =	vld [tilespmem:$0x1FDD0];
	[tilespmem:$0x18AB0] =	vst v25  }
0xd19: {  	v30 =	vld [tilespmem:$0x1FDE0];
	[tilespmem:$0x18AA0] =	vst v26  }
0xd1a: {  	[tilespmem:$0x18520] =	vst v63;
	v63 =	vld [tilespmem:$0x1F5A0]  }
0xd1b: {  	v31 =	vld [tilespmem:$0x1FDF0];
	[tilespmem:$0x18A90] =	vst v27  }
0xd1c: {  	v32 =	vld [tilespmem:$0x1FE00];
	[tilespmem:$0x18A80] =	vst v28  }
0xd1d: {  	v33 =	vld [tilespmem:$0x1FE10];
	[tilespmem:$0x18A30] =	vst v29  }
0xd1e: {  	v34 =	vld [tilespmem:$0x1FE20];
	[tilespmem:$0x18A20] =	vst v30  }
0xd1f: {  	[tilespmem:$0x18530] =	vst v63;
	v63 =	vld [tilespmem:$0x1F5B0]  }
0xd20: {  	v35 =	vld [tilespmem:$0x1FE30];
	[tilespmem:$0x18A10] =	vst v31  }
0xd21: {  	v36 =	vld [tilespmem:$0x1FE40];
	[tilespmem:$0x18A00] =	vst v32  }
0xd22: {  	v37 =	vld [tilespmem:$0x1FE50];
	[tilespmem:$0x189B0] =	vst v33  }
0xd23: {  	v38 =	vld [tilespmem:$0x1FE60];
	[tilespmem:$0x189A0] =	vst v34  }
0xd24: {  	[tilespmem:$0x18580] =	vst v63;
	v63 =	vld [tilespmem:$0x1F5C0]  }
0xd25: {  	v39 =	vld [tilespmem:$0x1FE70];
	[tilespmem:$0x18990] =	vst v35  }
0xd26: {  	v40 =	vld [tilespmem:$0x1FE80];
	[tilespmem:$0x18980] =	vst v36  }
0xd27: {  	v41 =	vld [tilespmem:$0x1FE90];
	[tilespmem:$0x18930] =	vst v37  }
0xd28: {  	v42 =	vld [tilespmem:$0x1FEA0];
	[tilespmem:$0x18920] =	vst v38  }
0xd29: {  	[tilespmem:$0x18590] =	vst v63;
	v63 =	vld [tilespmem:$0x1F5D0]  }
0xd2a: {  	v43 =	vld [tilespmem:$0x1FEB0];
	[tilespmem:$0x18910] =	vst v39  }
0xd2b: {  	v44 =	vld [tilespmem:$0x1FEC0];
	[tilespmem:$0x18900] =	vst v40  }
0xd2c: {  	v45 =	vld [tilespmem:$0x1FED0];
	[tilespmem:$0x188B0] =	vst v41  }
0xd2d: {  	v46 =	vld [tilespmem:$0x1FEE0];
	[tilespmem:$0x188A0] =	vst v42  }
0xd2e: {  	[tilespmem:$0x185A0] =	vst v63;
	v63 =	vld [tilespmem:$0x1F5E0]  }
0xd2f: {  	v47 =	vld [tilespmem:$0x1FEF0];
	[tilespmem:$0x18890] =	vst v43  }
0xd30: {  	v48 =	vld [tilespmem:$0x1FF00];
	[tilespmem:$0x18880] =	vst v44  }
0xd31: {  	v49 =	vld [tilespmem:$0x1FF10];
	[tilespmem:$0x18830] =	vst v45  }
0xd32: {  	v50 =	vld [tilespmem:$0x1FF20];
	[tilespmem:$0x18820] =	vst v46  }
0xd33: {  	[tilespmem:$0x185B0] =	vst v63;
	v63 =	vld [tilespmem:$0x1F5F0]  }
0xd34: {  	v51 =	vld [tilespmem:$0x1FF30];
	[tilespmem:$0x18810] =	vst v47  }
0xd35: {  	v52 =	vld [tilespmem:$0x1FF40];
	[tilespmem:$0x18800] =	vst v48  }
0xd36: {  	v53 =	vld [tilespmem:$0x1FF50];
	[tilespmem:$0x187B0] =	vst v49  }
0xd37: {  	v54 =	vld [tilespmem:$0x1FF60];
	[tilespmem:$0x187A0] =	vst v50  }
0xd38: {  	[tilespmem:$0x18620] =	vst v63;
	v63 =	vld [tilespmem:$0x1F870]  }
0xd39: {  	v55 =	vld [tilespmem:$0x1FF70];
	[tilespmem:$0x18790] =	vst v51  }
0xd3a: {  	v56 =	vld [tilespmem:$0x1FF80];
	[tilespmem:$0x18780] =	vst v52  }
0xd3b: {  	v57 =	vld [tilespmem:$0x1FF90];
	[tilespmem:$0x18730] =	vst v53  }
0xd3c: {  	v58 =	vld [tilespmem:$0x1FFA0];
	[tilespmem:$0x18720] =	vst v54  }
0xd3d: {  	[tilespmem:$0x19510] =	vst v63;
	v63 =	vld [tilespmem:$0x1FC30]  }
0xd3e: {  	v59 =	vld [tilespmem:$0x1FFB0];
	[tilespmem:$0x18710] =	vst v55  }
0xd3f: {  	v60 =	vld [tilespmem:$0x1FFC0];
	[tilespmem:$0x18700] =	vst v56  }
0xd40: {  	v61 =	vld [tilespmem:$0x1FFD0];
	[tilespmem:$0x186B0] =	vst v57  }
0xd41: {  	v62 =	vld [tilespmem:$0x1FFE0];
	[tilespmem:$0x186A0] =	vst v58  }
0xd42: {  	[tilespmem:$0x18D90] =	vst v63;
	v63 =	vld [tilespmem:$0x1FFF0]  }
0xd43: {  	[tilespmem:$0x18690] =	vst v59  }
0xd44: {  	[tilespmem:$0x18680] =	vst v60  }
0xd45: {  	s30 =	sand.u32 @!p1 $0x70, s21;
	s0 =	sadd.s32 @!p1 $0x60, s22;
	[tilespmem:$0x18630] =	vst v61  }
0xd46: {  	s30 =	sadd.s32 @!p1 s1, s30;
	s0 =	sand.u32 @!p1 $0x1FF00, s0;
	[tilespmem:$0x18610] =	vst v62  }
0xd47: {  	s31 =	simm.s32 @!p1 $0x100;
	s0 =	sadd.s32 @!p1 s0, s30;
	[tilespmem:$0x18600] =	vst v63  }
0xd48: {  	[tilespmem:s31], [sflag:$0x5] =	stream.strided.gather @!p1 [hbm4b:s0+s25], $0x100, s26, s25, $0x38;
	[tilespmem:$0x1A200] =	vst v63  }
0xd49: {  	_ =	swait.ge @!p1 [sflag:s28], $0x100  }
0xd4a: {  	[sflag:s28] =	ssyncset.done @!p1 $0x0  }
0xd4b: {  	s0 =	simm.s32 @!p1 $0x6A00;
	[sflag:s28] =	ssyncadd.s32 @!p1 $0xFFFFFF00  }
0xd4c: {  	[tilespmem:s0], [sflag:$0x2] =	stream.indirect.gather @!p1 [hbm4b:s4+s29], $0x80, s31, s29, $0xb8;
	[tilespmem:$0x1A200] =	vst v63  }
0xd4d: {  	s30 =	sadd.s32 $0x1000, s24;
	s28 =	rddreg [dreg:$0xc]  }
0xd4e: {  	[hbm4b:s30+s3] =	stream.linear.scatter [tilespmem:s28], [sflag:$0x4], $0xD00, $0x38;
	[tilespmem:$0x1A200] =	vst v63  }
0xd4f: {  	s31 =	rddreg [dreg:$0xd];
	s28 =	sadd.s32 $0x1200, s24  }
0xd50: {  	[hbm4b:s28+s3] =	stream.linear.scatter [tilespmem:s31], [sflag:$0x4], $0xD00, $0x38;
	[tilespmem:$0x1A200] =	vst v63  }
0xd51: {  	s29 =	rddreg [dreg:$0xe];
	s30 =	sadd.s32 $0x1400, s24  }
0xd52: {  	[hbm4b:s30+s3] =	stream.linear.scatter [tilespmem:s29], [sflag:$0x4], $0xD00, $0x38;
	[tilespmem:$0x1A200] =	vst v63  }
0xd53: {  	s31 =	rddreg [dreg:$0xf];
	s28 =	sadd.s32 $0x1600, s24  }
0xd54: {  	[hbm4b:s28+s3] =	stream.linear.scatter [tilespmem:s31], [sflag:$0x4], $0xD00, $0x38;
	[tilespmem:$0x1A200] =	vst v63  }
0xd55: {  	s23 =	sadd.s32 $0x2000, s23;
	s29 =	rddreg [dreg:$0x10];
	s30 =	sadd.s32 $0x1800, s24  }
0xd56: {  	[hbm4b:s30+s3] =	stream.linear.scatter [tilespmem:s29], [sflag:$0x4], $0xD00, $0x38;
	[tilespmem:$0x1A200] =	vst v63  }
0xd57: {  	p0 =	sne.s32 s23, $0x40000;
	s25 =	sadd.s32 $0x1A00, s24;
	s31 =	rddreg [dreg:$0x11]  }
0xd58: {  	[hbm4b:s25+s3] =	stream.linear.scatter [tilespmem:s31], [sflag:$0x4], $0xD00, $0x38;
	[tilespmem:$0x1A200] =	vst v63  }
.Ltmp0:
0xd59: {  	_ = 	snop;
	(pc) =	sbr.rel @p0 .LBB2_2-.Ltmp0, $4  }
0xd5a: {  	s21 =	sadd.s32 $0x20, s21;
	s28 =	rddreg [dreg:$0x12];
	s29 =	sadd.s32 $0x1C00, s24  }
0xd5b: {  	[hbm4b:s29+s3] =	stream.linear.scatter [tilespmem:s28], [sflag:$0x4], $0xD00, $0x38;
	[tilespmem:$0x1A200] =	vst v63  }
0xd5c: {  	s22 =	sadd.s32 $0x40, s22;
	s30 =	rddreg [dreg:$0x13];
	s31 =	sadd.s32 $0x1E00, s24  }
0xd5d: {  	[hbm4b:s31+s3] =	stream.linear.scatter [tilespmem:s30], [sflag:$0x4], $0xD00, $0x38;
	[tilespmem:$0x1A200] =	vst v63  }
0xd5e: {  	_ =	swait.ge [sflag:s18], $0xD00  }
0xd5f: {  	[sflag:s18] =	ssyncset.done $0x0  }
0xd60: {  	[sflag:s18] =	ssyncadd.s32 $0xFFFFF300  }
0xd61: {  	_ =	swait.ge [sflag:s18], $0xD00  }
0xd62: {  	[sflag:s18] =	ssyncset.done $0x0  }
0xd63: {  	[sflag:s18] =	ssyncadd.s32 $0xFFFFF300  }
0xd64: {  	_ =	swait.ge [sflag:s18], $0xD00  }
0xd65: {  	[sflag:s18] =	ssyncset.done $0x0  }
0xd66: {  	[sflag:s18] =	ssyncadd.s32 $0xFFFFF300  }
0xd67: {  	_ =	swait.ge [sflag:s18], $0xD00  }
0xd68: {  	[sflag:s18] =	ssyncset.done $0x0  }
0xd69: {  	[sflag:s18] =	ssyncadd.s32 $0xFFFFF300  }
0xd6a: {  	_ =	swait.ge [sflag:s18], $0xD00  }
0xd6b: {  	[sflag:s18] =	ssyncset.done $0x0  }
0xd6c: {  	[sflag:s18] =	ssyncadd.s32 $0xFFFFF300  }
0xd6d: {  	_ =	swait.ge [sflag:s18], $0xD00  }
0xd6e: {  	[sflag:s18] =	ssyncset.done $0x0  }
0xd6f: {  	[sflag:s18] =	ssyncadd.s32 $0xFFFFF300  }
0xd70: {  	_ =	swait.ge [sflag:s18], $0xD00  }
0xd71: {  	[sflag:s18] =	ssyncset.done $0x0  }
0xd72: {  	[sflag:s18] =	ssyncadd.s32 $0xFFFFF300  }
0xd73: {  	_ =	swait.ge [sflag:s18], $0xD00  }
0xd74: {  	[sflag:s18] =	ssyncset.done $0x0  }
0xd75: {  	[sflag:s18] =	ssyncadd.s32 $0xFFFFF300  }
0xd76: {  	_ =	swait.ge [sflag:s19], $0xD00  }
0xd77: {  	[sflag:s19] =	ssyncset.done $0x0  }
0xd78: {  	[sflag:s19] =	ssyncadd.s32 $0xFFFFF300  }
0xd79: {  	_ =	swait.ge [sflag:s19], $0xD00  }
0xd7a: {  	[sflag:s19] =	ssyncset.done $0x0  }
0xd7b: {  	[sflag:s19] =	ssyncadd.s32 $0xFFFFF300  }
0xd7c: {  	_ =	swait.ge [sflag:s19], $0xD00  }
0xd7d: {  	[sflag:s19] =	ssyncset.done $0x0  }
0xd7e: {  	[sflag:s19] =	ssyncadd.s32 $0xFFFFF300  }
0xd7f: {  	_ =	swait.ge [sflag:s19], $0xD00  }
0xd80: {  	[sflag:s19] =	ssyncset.done $0x0  }
0xd81: {  	[sflag:s19] =	ssyncadd.s32 $0xFFFFF300  }
0xd82: {  	_ =	swait.ge [sflag:s19], $0xD00  }
0xd83: {  	[sflag:s19] =	ssyncset.done $0x0  }
0xd84: {  	[sflag:s19] =	ssyncadd.s32 $0xFFFFF300  }
0xd85: {  	_ =	swait.ge [sflag:s19], $0xD00  }
0xd86: {  	[sflag:s19] =	ssyncset.done $0x0  }
0xd87: {  	s20 =	sadd.s32 $0x1, s20;
	[sflag:s19] =	ssyncadd.s32 $0xFFFFF300  }
0xd88: {  	p0 =	sne.s32 s20, s8;
	_ =	swait.ge [sflag:s19], $0xD00  }
.Ltmp1:
0xd89: {  	[sflag:s19] =	ssyncset.done $0x0;
	(pc) =	sbr.rel @p0 .LBB2_1-.Ltmp1, $4  }
0xd8a: {  	[sflag:s19] =	ssyncadd.s32 $0xFFFFF300  }
0xd8b: {  	_ =	swait.ge [sflag:s19], $0xD00  }
0xd8c: {  	[sflag:s19] =	ssyncset.done $0x0  }
0xd8d: {  	[sflag:s19] =	ssyncadd.s32 $0xFFFFF300  }
0xd8e: {  	_ =	sfence.sel $0x180000  }
0xd8f: {  	[bflag:$0x0] =	sbarrier.arrive $0xFFFF  }
0xd90: {  	_ =	strace $0x90000047  }
0xd91: {  	[bflag:$0x2] =	sbarrier.arrive $0xFFFF  }
0xd92: {  	p0 =	sne.s32 s2, $0x0;
	s0 =	rddreg [dreg:$0x2]  }
0xd93: {  	s0 =	sadd.s32 @!p0 $0x100000, s0  }
0xd94: {  	[sflag:s0] =	ssyncadd.tile.s32 @!p0 $0x1;
	_ =	shalt  }
.Lfunc_end2:
_tile_overlayer_lowered:
.L_overlay_start_2:
0xd95: {  	(tag) =	ssettag $0x2  }
0xd96: {  	s0 =	rddreg [dreg:$0x0];
	s2 =	stileid.u32  }
0xd97: {  	s1 =	rddreg [dreg:$0x1];
	p0 =	sne.s32 s2, $0x0  }
0xd98: {  	s3 =	rddreg [dreg:$0x2];
	[bflag:$0x3] =	sbarrier.arrive $0xFFFF;
	s2 =	simm.s32 @!p0 $0x1C05  }
0xd99: {  	[timem:s3], [sflag:s2] =	dma.local @!p0 [hbm:s0], s1  }
0xd9a: {  	s0 =	simm.s32 @!p0 $0x5  }
0xd9b: {  	_ =	swait.ge @!p0 [sflag:s0], s1  }
0xd9c: {  	s1 =	ssub.s32 @!p0 $0x0, s1;
	[sflag:s0] =	ssyncset.done @!p0 $0x0  }
0xd9d: {  	[sflag:s0] =	ssyncadd.s32 @!p0 s1  }
0xd9e: {  	[bflag:$0x3] =	sbarrier.arrive $0xFFFF  }
0xd9f: {  	_ =	shalt  }

</sc_bundles>
